<compile_context>
chip_gen: v7x
topology: tpu7x:2x2x1
jax: 0.10.2.dev20260603
libtpu: 0.0.44.dev20260713+nightly
codegen_flags: <defaults>
</compile_context>

<pallas_src>
import functools

import jax
import jax.numpy as jnp
from jax import lax
from jax.experimental import pallas as pl
from jax.experimental.pallas import tpu as pltpu
from jax.experimental.pallas import tpu_sc as plsc

BATCH = 16384
FIELDS = 26
DIM = 32
TOTAL = BATCH * FIELDS

_info = plsc.get_sparse_core_info()
_NC = _info.num_cores
_NS = _info.num_subcores
_NW = _NC * _NS
_B_PER_W = TOTAL // _NW
_NCHUNK = 8
_C = _B_PER_W // _NCHUNK


NUM_EMB = 1000000
_SB = 512
_FULL_BLOCKS = NUM_EMB // _SB
_TAIL = NUM_EMB - _FULL_BLOCKS * _SB
_K_PER_W = (_FULL_BLOCKS + _NW - 1) // _NW


def _make_transpose_kernel():
    mesh = plsc.VectorSubcoreMesh(core_axis_name="c", subcore_axis_name="s")

    @functools.partial(
        pl.kernel,
        mesh=mesh,
        compiler_params=pltpu.CompilerParams(needs_layout_passes=False),
        out_type=jax.ShapeDtypeStruct((NUM_EMB * DIM,), jnp.float32),
        scratch_types=[
            pltpu.VMEM((2, DIM, _SB + 1), jnp.float32),
            pltpu.VMEM((2 * _SB * DIM,), jnp.float32),
            pltpu.SemaphoreType.DMA,
            pltpu.SemaphoreType.DMA,
            pltpu.SemaphoreType.DMA,
            pltpu.SemaphoreType.DMA,
        ],
    )
    def transpose_kernel(wt_hbm, tail_hbm, out_hbm, stage, outbuf,
                         ssem0, ssem1, osem0, osem1):
        wid = lax.axis_index("s") * _NC + lax.axis_index("c")
        iota16 = lax.iota(jnp.int32, 16)
        ssems = (ssem0, ssem1)
        osems = (osem0, osem1)

        def valid(k):
            return wid + _NW * k < _FULL_BLOCKS

        def issue_stage(k, slot):
            blk = wid + _NW * k
            pltpu.async_copy(
                wt_hbm.at[:, pl.ds(blk * _SB, _SB)],
                stage.at[slot, :, pl.ds(0, _SB)],
                ssems[slot])

        def wait_stage(slot):
            pltpu.make_async_copy(
                wt_hbm.at[:, pl.ds(0, _SB)],
                stage.at[slot, :, pl.ds(0, _SB)],
                ssems[slot]).wait()

        def issue_out(k, slot):
            blk = wid + _NW * k
            pltpu.async_copy(
                outbuf.at[pl.ds(slot * _SB * DIM, _SB * DIM)],
                out_hbm.at[pl.ds(blk * _SB * DIM, _SB * DIM)], osems[slot])

        def wait_out(slot):
            pltpu.make_async_copy(
                outbuf.at[pl.ds(slot * _SB * DIM, _SB * DIM)],
                out_hbm.at[pl.ds(0, _SB * DIM)],
                osems[slot]).wait()

        def transpose_block(slot):
            st = stage.at[slot]
            ob_base = slot * _SB * DIM

            def row_body(i0, carry):
                bvec = jnp.broadcast_to(i0 * 32, (16,)).astype(jnp.int32)
                s_base = ob_base + i0 * (32 * DIM)

                def gather4(u4):
                    vals8 = []
                    for u in range(u4 * 4, u4 * 4 + 4):
                        ivec = bvec + u
                        for h in range(2):
                            vals8.append((
                                u, h,
                                plsc.load_gather(st, [iota16 + (16 * h), ivec]),
                            ))
                    return vals8

                pending = gather4(0)
                for u4 in range(1, 8):
                    nxt = gather4(u4)
                    for u, h, vals in pending:
                        outbuf[pl.ds(s_base + u * DIM + h * 16, 16)] = vals
                    pending = nxt
                for u, h, vals in pending:
                    outbuf[pl.ds(s_base + u * DIM + h * 16, 16)] = vals
                return carry
            lax.fori_loop(0, _SB // 32, row_body, 0, unroll=False)

        def step(k, j, slot):
            @pl.when(valid(k + 1))
            def _issue():
                issue_stage(k + 1, 1 - slot)

            @pl.when((j >= 1) & valid(k - 2))
            def _drain():
                wait_out(slot)

            @pl.when(valid(k))
            def _proc():
                wait_stage(slot)
                transpose_block(slot)
                issue_out(k, slot)

        @pl.when(valid(0))
        def _prologue():
            issue_stage(0, 0)

        n_rounds = (_K_PER_W + 1) // 2
        def k_body(j, carry):
            for t in range(2):
                step(2 * j + t, j, t)
            return carry
        lax.fori_loop(0, n_rounds, k_body, 0, unroll=False)

        for k_last in range(2 * n_rounds - 2, 2 * n_rounds):
            @pl.when(valid(k_last))
            def _final_drain(k_last=k_last):
                wait_out(k_last % 2)

        @pl.when(wid == 0)
        def _tail():
            pltpu.sync_copy(tail_hbm, outbuf.at[pl.ds(0, _TAIL * DIM)])
            pltpu.sync_copy(
                outbuf.at[pl.ds(0, _TAIL * DIM)],
                out_hbm.at[pl.ds(_FULL_BLOCKS * _SB * DIM, _TAIL * DIM)],
            )

    return transpose_kernel


def _make_kernel():
    mesh = plsc.VectorSubcoreMesh(core_axis_name="c", subcore_axis_name="s")

    @functools.partial(
        pl.kernel,
        mesh=mesh,
        compiler_params=pltpu.CompilerParams(use_tc_tiling_on_sc=False),
        out_type=jax.ShapeDtypeStruct((TOTAL, DIM), jnp.float32),
        scratch_types=[
            pltpu.VMEM((_NCHUNK, _C), jnp.int32),
            pltpu.VMEM((2, _C, DIM), jnp.float32),
            pltpu.SemaphoreType.DMA,
            pltpu.SemaphoreType.DMA,
            pltpu.SemaphoreType.DMA,
            pltpu.SemaphoreType.DMA,
        ],
    )
    def gather_kernel(idx_hbm, table_hbm, out_hbm, idx_v, rows_v,
                      gsem0, gsem1, osem0, osem1):
        wid = lax.axis_index("s") * _NC + lax.axis_index("c")
        base = wid * _B_PER_W
        gsems = (gsem0, gsem1)
        osems = (osem0, osem1)

        pltpu.sync_copy(idx_hbm.at[wid], idx_v)

        g = [
            pltpu.async_copy(table_hbm.at[idx_v.at[b]], rows_v.at[b], gsems[b])
            for b in range(2)
        ]
        o = [None, None]
        for j in range(_NCHUNK):
            slot = j % 2
            g[slot].wait()
            o[slot] = pltpu.async_copy(
                rows_v.at[slot], out_hbm.at[pl.ds(base + j * _C, _C)],
                osems[slot],
            )
            if j + 2 < _NCHUNK:
                o[slot].wait()
                g[slot] = pltpu.async_copy(
                    table_hbm.at[idx_v.at[j + 2]], rows_v.at[slot],
                    gsems[slot],
                )
        o[0].wait()
        o[1].wait()

    return gather_kernel


_gather = _make_kernel()
_transpose = _make_transpose_kernel()


@jax.jit
def kernel(input, weight):
    idx_flat = input.reshape(_NW, _NCHUNK, _C).astype(jnp.int32)
    tail = lax.slice(weight, (_FULL_BLOCKS * _SB, 0), (NUM_EMB, DIM)).reshape(
        _TAIL * DIM)
    w_flat = _transpose(weight.T, tail)
    table = w_flat.reshape(NUM_EMB, DIM)
    out = _gather(idx_flat, table)
    return out.reshape(BATCH, FIELDS, DIM)

# --- scband reference (transcript-rebuilt; emitter-appended) ---
"""Pipeline reference for scband-embedding-11235634446677 (READ-ONLY COPY).

The authoritative reference and input builder live on the scoring server;
editing this copy changes nothing except your own understanding.
"""

import jax, jax.numpy as jnp
import numpy as np

NUM_EMBEDDINGS = 1000000
EMBEDDING_DIM = 32
BATCH = 16384
FIELDS = 26

def setup_inputs(seed: int = 0) -> dict:
    key = jax.random.key(seed)
    k_idx, k_w = jax.random.split(key)
    indices = jax.random.randint(k_idx, (BATCH, FIELDS), 0, NUM_EMBEDDINGS, dtype=jnp.int64 if jax.config.jax_enable_x64 else jnp.int32)
    weight = jax.random.normal(k_w, (NUM_EMBEDDINGS, EMBEDDING_DIM), dtype=jnp.float32)
    return {"input": indices, "weight": weight}

def reference(input, weight):
    # Plain embedding lookup: gather rows of weight by input indices.
    # padding_idx=-1 and max_norm=None in the original module -> no special handling.
    return jnp.take(weight, input, axis=0)

if __name__ == "__main__":
    import jax
    _d = setup_inputs()
    print(jax.jit(kernel)(*tuple(_d.values())))

</pallas_src>

<mosaic_0001>
#map = affine_map<(d0, d1) -> (0, 0)>
#map1 = affine_map<(d0, d1) -> (0)>
module attributes {stable_mosaic.version = 14 : i64} {
  func.func @transpose_kernel(%arg0: i32, %arg1: i32, %arg2: memref<32x1000000xf32, #tpu.memory_space<hbm>>, %arg3: memref<2048xf32, #tpu.memory_space<hbm>>, %arg4: memref<32000000xf32, #tpu.memory_space<hbm>>, %arg5: memref<2x32x513xf32, #tpu.memory_space<vmem>>, %arg6: memref<32768xf32, #tpu.memory_space<vmem>>, %arg7: memref<!tpu.dma_semaphore, #tpu.memory_space<semaphore_mem>>, %arg8: memref<!tpu.dma_semaphore, #tpu.memory_space<semaphore_mem>>, %arg9: memref<!tpu.dma_semaphore, #tpu.memory_space<semaphore_mem>>, %arg10: memref<!tpu.dma_semaphore, #tpu.memory_space<semaphore_mem>>) attributes {dimension_semantics = [#tpu.dimension_semantics<core_parallel>, #tpu.dimension_semantics<subcore_parallel>], iteration_bounds = array<i64: 2, 16>, scalar_prefetch = 0 : i64, scratch_operands = 6 : i64, tpu.core_type = #tpu.core_type<sc_vector_subcore>, window_params = [{transform_indices = #map}, {transform_indices = #map1}, {transform_indices = #map1}]} {
    %mul3A = arith.constant 2 : i32
    %mul3A_0 = arith.muli %arg1, %mul3A : i32
    %add3A = arith.addi %mul3A_0, %arg0 : i32
    %iota3A = tpu.iota {dimensions = array<i32: 0>} : vector<16xi32>
    %add3A_1 = arith.constant 0 : i32
    %add3A_2 = arith.addi %add3A, %add3A_1 : i32
    %lt3A = arith.constant 1953 : i32
    %lt3A_3 = arith.cmpi slt, %add3A_2, %lt3A : i32
    %convert_element_type3A = arith.extui %lt3A_3 : i1 to i32
    %cond3A = arith.constant 0 : i32
    %cond3A_4 = arith.cmpi ne, %convert_element_type3A, %cond3A : i32
    scf.if %cond3A_4 {
      %add3A_28 = arith.constant 0 : i32
      %add3A_29 = arith.addi %add3A, %add3A_28 : i32
      %mul3A_30 = arith.constant 512 : i32
      %mul3A_31 = arith.muli %add3A_29, %mul3A_30 : i32
      %dma_start3A = arith.constant 0 : i32
      %dma_start3A_32 = arith.constant 0 : i32
      %dma_start3A_33 = arith.constant 0 : i32
      %dma_start3A_34 = tpu.memref_slice %arg5[%dma_start3A, %dma_start3A_32, %dma_start3A_33] : memref<2x32x513xf32, #tpu.memory_space<vmem>> -> memref<1x32x512xf32, #tpu.memory_space<vmem>>
      %dma_start3A_35 = tpu.memref_squeeze %dma_start3A_34 : memref<1x32x512xf32, #tpu.memory_space<vmem>> -> memref<32x512xf32, #tpu.memory_space<vmem>>
      %dma_start3A_36 = arith.constant 0 : i32
      %dma_start3A_37 = tpu.memref_slice %arg2[%dma_start3A_36, %mul3A_31] : memref<32x1000000xf32, #tpu.memory_space<hbm>> -> memref<32x512xf32, #tpu.memory_space<hbm>>
      %dma_start3A_38 = arith.constant 0 : i32
      %dma_start3A_39 = arith.constant 0 : i32
      %dma_start3A_40 = tpu.memref_slice %arg5[%dma_start3A, %dma_start3A_38, %dma_start3A_39] : memref<2x32x513xf32, #tpu.memory_space<vmem>> -> memref<1x32x512xf32, #tpu.memory_space<vmem>>
      %dma_start3A_41 = tpu.memref_squeeze %dma_start3A_40 : memref<1x32x512xf32, #tpu.memory_space<vmem>> -> memref<32x512xf32, #tpu.memory_space<vmem>>
      %dma_start3A_42 = arith.constant 0 : i32
      %dma_start3A_43 = tpu.memref_slice %arg2[%dma_start3A_42, %mul3A_31] : memref<32x1000000xf32, #tpu.memory_space<hbm>> -> memref<32x512xf32, #tpu.memory_space<hbm>>
      tpu.enqueue_dma source(%dma_start3A_43 : memref<32x512xf32, #tpu.memory_space<hbm>>) target(%dma_start3A_41 : memref<32x512xf32, #tpu.memory_space<vmem>>) target_semaphore(%arg7 : memref<!tpu.dma_semaphore, #tpu.memory_space<semaphore_mem>>)
    } else {
    }
    %scan3A = arith.constant 0 : i32
    %scan3A_5 = arith.constant 0 : i32
    %scan3A_6 = arith.constant 31 : i32
    %scan3A_7 = arith.addi %scan3A_5, %scan3A_6 : i32
    %scan3A_8 = arith.constant 1 : i32
    scf.for %scan3A_28 = %scan3A_5 to %scan3A_7 step %scan3A_8  : i32 {
      %mul3A_29 = arith.constant 2 : i32
      %mul3A_30 = arith.muli %mul3A_29, %scan3A_28 : i32
      %add3A_31 = arith.constant 0 : i32
      %add3A_32 = arith.addi %mul3A_30, %add3A_31 : i32
      %add3A_33 = arith.constant 1 : i32
      %add3A_34 = arith.addi %add3A_32, %add3A_33 : i32
      %mul3A_35 = arith.constant 32 : i32
      %mul3A_36 = arith.muli %mul3A_35, %add3A_34 : i32
      %add3A_37 = arith.addi %add3A, %mul3A_36 : i32
      %lt3A_38 = arith.constant 1953 : i32
      %lt3A_39 = arith.cmpi slt, %add3A_37, %lt3A_38 : i32
      %convert_element_type3A_40 = arith.extui %lt3A_39 : i1 to i32
      %cond3A_41 = arith.constant 0 : i32
      %cond3A_42 = arith.cmpi ne, %convert_element_type3A_40, %cond3A_41 : i32
      scf.if %cond3A_42 {
        %add3A_96 = arith.constant 1 : i32
        %add3A_97 = arith.addi %add3A_32, %add3A_96 : i32
        %mul3A_98 = arith.constant 32 : i32
        %mul3A_99 = arith.muli %mul3A_98, %add3A_97 : i32
        %add3A_100 = arith.addi %add3A, %mul3A_99 : i32
        %mul3A_101 = arith.constant 512 : i32
        %mul3A_102 = arith.muli %add3A_100, %mul3A_101 : i32
        %dma_start3A = arith.constant 1 : i32
        %dma_start3A_103 = arith.constant 0 : i32
        %dma_start3A_104 = arith.constant 0 : i32
        %dma_start3A_105 = tpu.memref_slice %arg5[%dma_start3A, %dma_start3A_103, %dma_start3A_104] : memref<2x32x513xf32, #tpu.memory_space<vmem>> -> memref<1x32x512xf32, #tpu.memory_space<vmem>>
        %dma_start3A_106 = tpu.memref_squeeze %dma_start3A_105 : memref<1x32x512xf32, #tpu.memory_space<vmem>> -> memref<32x512xf32, #tpu.memory_space<vmem>>
        %dma_start3A_107 = arith.constant 0 : i32
        %dma_start3A_108 = tpu.memref_slice %arg2[%dma_start3A_107, %mul3A_102] : memref<32x1000000xf32, #tpu.memory_space<hbm>> -> memref<32x512xf32, #tpu.memory_space<hbm>>
        %dma_start3A_109 = arith.constant 0 : i32
        %dma_start3A_110 = arith.constant 0 : i32
        %dma_start3A_111 = tpu.memref_slice %arg5[%dma_start3A, %dma_start3A_109, %dma_start3A_110] : memref<2x32x513xf32, #tpu.memory_space<vmem>> -> memref<1x32x512xf32, #tpu.memory_space<vmem>>
        %dma_start3A_112 = tpu.memref_squeeze %dma_start3A_111 : memref<1x32x512xf32, #tpu.memory_space<vmem>> -> memref<32x512xf32, #tpu.memory_space<vmem>>
        %dma_start3A_113 = arith.constant 0 : i32
        %dma_start3A_114 = tpu.memref_slice %arg2[%dma_start3A_113, %mul3A_102] : memref<32x1000000xf32, #tpu.memory_space<hbm>> -> memref<32x512xf32, #tpu.memory_space<hbm>>
        tpu.enqueue_dma source(%dma_start3A_114 : memref<32x512xf32, #tpu.memory_space<hbm>>) target(%dma_start3A_112 : memref<32x512xf32, #tpu.memory_space<vmem>>) target_semaphore(%arg8 : memref<!tpu.dma_semaphore, #tpu.memory_space<semaphore_mem>>)
      } else {
      }
      %ge3A = arith.constant 1 : i32
      %ge3A_43 = arith.cmpi sge, %scan3A_28, %ge3A : i32
      %sub3A = arith.constant 2 : i32
      %sub3A_44 = arith.subi %add3A_32, %sub3A : i32
      %mul3A_45 = arith.constant 32 : i32
      %mul3A_46 = arith.muli %mul3A_45, %sub3A_44 : i32
      %add3A_47 = arith.addi %add3A, %mul3A_46 : i32
      %lt3A_48 = arith.constant 1953 : i32
      %lt3A_49 = arith.cmpi slt, %add3A_47, %lt3A_48 : i32
      %and3A = arith.andi %ge3A_43, %lt3A_49 : i1
      %convert_element_type3A_50 = arith.extui %and3A : i1 to i32
      %cond3A_51 = arith.constant 0 : i32
      %cond3A_52 = arith.cmpi ne, %convert_element_type3A_50, %cond3A_51 : i32
      scf.if %cond3A_52 {
        %dma_wait3A = arith.constant 0 : i32
        %dma_wait3A_96 = tpu.memref_slice %arg6[%dma_wait3A] : memref<32768xf32, #tpu.memory_space<vmem>> -> memref<16384xf32, #tpu.memory_space<vmem>>
        %dma_wait3A_97 = arith.constant 0 : i32
        %dma_wait3A_98 = tpu.memref_slice %arg4[%dma_wait3A_97] : memref<32000000xf32, #tpu.memory_space<hbm>> -> memref<16384xf32, #tpu.memory_space<hbm>>
        %dma_wait3A_99 = arith.constant 0 : i32
        %dma_wait3A_100 = tpu.memref_slice %arg4[%dma_wait3A_99] : memref<32000000xf32, #tpu.memory_space<hbm>> -> memref<16384xf32, #tpu.memory_space<hbm>>
        %dma_wait3A_101 = arith.constant 0 : i32
        %dma_wait3A_102 = tpu.memref_slice %arg6[%dma_wait3A_101] : memref<32768xf32, #tpu.memory_space<vmem>> -> memref<16384xf32, #tpu.memory_space<vmem>>
        tpu.wait_dma2 semaphore(%arg9 : memref<!tpu.dma_semaphore, #tpu.memory_space<semaphore_mem>>) src(%dma_wait3A_102 : memref<16384xf32, #tpu.memory_space<vmem>>) dst(%dma_wait3A_100 : memref<16384xf32, #tpu.memory_space<hbm>>)
      } else {
      }
      %mul3A_53 = arith.constant 32 : i32
      %mul3A_54 = arith.muli %mul3A_53, %add3A_32 : i32
      %add3A_55 = arith.addi %add3A, %mul3A_54 : i32
      %lt3A_56 = arith.constant 1953 : i32
      %lt3A_57 = arith.cmpi slt, %add3A_55, %lt3A_56 : i32
      %convert_element_type3A_58 = arith.extui %lt3A_57 : i1 to i32
      %cond3A_59 = arith.constant 0 : i32
      %cond3A_60 = arith.cmpi ne, %convert_element_type3A_58, %cond3A_59 : i32
      scf.if %cond3A_60 {
        %dma_wait3A = arith.constant 0 : i32
        %dma_wait3A_96 = arith.constant 0 : i32
        %dma_wait3A_97 = arith.constant 0 : i32
        %dma_wait3A_98 = tpu.memref_slice %arg5[%dma_wait3A, %dma_wait3A_96, %dma_wait3A_97] : memref<2x32x513xf32, #tpu.memory_space<vmem>> -> memref<1x32x512xf32, #tpu.memory_space<vmem>>
        %dma_wait3A_99 = tpu.memref_squeeze %dma_wait3A_98 : memref<1x32x512xf32, #tpu.memory_space<vmem>> -> memref<32x512xf32, #tpu.memory_space<vmem>>
        %dma_wait3A_100 = arith.constant 0 : i32
        %dma_wait3A_101 = arith.constant 0 : i32
        %dma_wait3A_102 = tpu.memref_slice %arg2[%dma_wait3A_100, %dma_wait3A_101] : memref<32x1000000xf32, #tpu.memory_space<hbm>> -> memref<32x512xf32, #tpu.memory_space<hbm>>
        %dma_wait3A_103 = arith.constant 0 : i32
        %dma_wait3A_104 = arith.constant 0 : i32
        %dma_wait3A_105 = tpu.memref_slice %arg5[%dma_wait3A, %dma_wait3A_103, %dma_wait3A_104] : memref<2x32x513xf32, #tpu.memory_space<vmem>> -> memref<1x32x512xf32, #tpu.memory_space<vmem>>
        %dma_wait3A_106 = tpu.memref_squeeze %dma_wait3A_105 : memref<1x32x512xf32, #tpu.memory_space<vmem>> -> memref<32x512xf32, #tpu.memory_space<vmem>>
        %dma_wait3A_107 = arith.constant 0 : i32
        %dma_wait3A_108 = arith.constant 0 : i32
        %dma_wait3A_109 = tpu.memref_slice %arg2[%dma_wait3A_107, %dma_wait3A_108] : memref<32x1000000xf32, #tpu.memory_space<hbm>> -> memref<32x512xf32, #tpu.memory_space<hbm>>
        tpu.wait_dma2 semaphore(%arg7 : memref<!tpu.dma_semaphore, #tpu.memory_space<semaphore_mem>>) src(%dma_wait3A_109 : memref<32x512xf32, #tpu.memory_space<hbm>>) dst(%dma_wait3A_106 : memref<32x512xf32, #tpu.memory_space<vmem>>)
        %scan3A_110 = arith.constant 0 : i32
        %scan3A_111 = arith.constant 0 : i32
        %scan3A_112 = arith.constant 0 : i32
        %scan3A_113 = arith.constant 16 : i32
        %scan3A_114 = arith.addi %scan3A_112, %scan3A_113 : i32
        %scan3A_115 = arith.constant 1 : i32
        scf.for %scan3A_129 = %scan3A_112 to %scan3A_114 step %scan3A_115  : i32 {
          %mul3A_130 = arith.constant 32 : i32
          %mul3A_131 = arith.muli %scan3A_129, %mul3A_130 : i32
          %broadcast_in_dim3A = vector.broadcast %mul3A_131 : i32 to vector<16xi32>
          %mul3A_132 = arith.constant 1024 : i32
          %mul3A_133 = arith.muli %scan3A_129, %mul3A_132 : i32
          %add3A_134 = arith.constant 0 : i32
          %add3A_135 = arith.addi %add3A_134, %mul3A_133 : i32
          %add3A_136 = arith.constant 0 : i32
          %add3A_137 = vector.broadcast %add3A_136 : i32 to vector<16xi32>
          %add3A_138 = arith.addi %broadcast_in_dim3A, %add3A_137 : vector<16xi32>
          %add3A_139 = arith.constant 0 : i32
          %add3A_140 = vector.broadcast %add3A_139 : i32 to vector<16xi32>
          %add3A_141 = arith.addi %iota3A, %add3A_140 : vector<16xi32>
          %gather3A = arith.constant 0 : i32
          %gather3A_142 = arith.constant 0 : i32
          %gather3A_143 = tpu.memref_slice %arg5[%scan3A_111, %gather3A, %gather3A_142] : memref<2x32x513xf32, #tpu.memory_space<vmem>> -> memref<1x32x513xf32, #tpu.memory_space<vmem>>
          %gather3A_144 = tpu.memref_squeeze %gather3A_143 : memref<1x32x513xf32, #tpu.memory_space<vmem>> -> memref<32x513xf32, #tpu.memory_space<vmem>>
          %gather3A_145 = tpu.vector_load_idx %gather3A_144[%add3A_141, %add3A_138] : memref<32x513xf32, #tpu.memory_space<vmem>>[vector<16xi32>, vector<16xi32>], vector<16xf32>,
          %add3A_146 = arith.constant 16 : i32
          %add3A_147 = vector.broadcast %add3A_146 : i32 to vector<16xi32>
          %add3A_148 = arith.addi %iota3A, %add3A_147 : vector<16xi32>
          %gather3A_149 = arith.constant 0 : i32
          %gather3A_150 = arith.constant 0 : i32
          %gather3A_151 = tpu.memref_slice %arg5[%scan3A_111, %gather3A_149, %gather3A_150] : memref<2x32x513xf32, #tpu.memory_space<vmem>> -> memref<1x32x513xf32, #tpu.memory_space<vmem>>
          %gather3A_152 = tpu.memref_squeeze %gather3A_151 : memref<1x32x513xf32, #tpu.memory_space<vmem>> -> memref<32x513xf32, #tpu.memory_space<vmem>>
          %gather3A_153 = tpu.vector_load_idx %gather3A_152[%add3A_148, %add3A_138] : memref<32x513xf32, #tpu.memory_space<vmem>>[vector<16xi32>, vector<16xi32>], vector<16xf32>,
          %add3A_154 = arith.constant 1 : i32
          %add3A_155 = vector.broadcast %add3A_154 : i32 to vector<16xi32>
          %add3A_156 = arith.addi %broadcast_in_dim3A, %add3A_155 : vector<16xi32>
          %add3A_157 = arith.constant 0 : i32
          %add3A_158 = vector.broadcast %add3A_157 : i32 to vector<16xi32>
          %add3A_159 = arith.addi %iota3A, %add3A_158 : vector<16xi32>
          %gather3A_160 = arith.constant 0 : i32
          %gather3A_161 = arith.constant 0 : i32
          %gather3A_162 = tpu.memref_slice %arg5[%scan3A_111, %gather3A_160, %gather3A_161] : memref<2x32x513xf32, #tpu.memory_space<vmem>> -> memref<1x32x513xf32, #tpu.memory_space<vmem>>
          %gather3A_163 = tpu.memref_squeeze %gather3A_162 : memref<1x32x513xf32, #tpu.memory_space<vmem>> -> memref<32x513xf32, #tpu.memory_space<vmem>>
          %gather3A_164 = tpu.vector_load_idx %gather3A_163[%add3A_159, %add3A_156] : memref<32x513xf32, #tpu.memory_space<vmem>>[vector<16xi32>, vector<16xi32>], vector<16xf32>,
          %add3A_165 = arith.constant 16 : i32
          %add3A_166 = vector.broadcast %add3A_165 : i32 to vector<16xi32>
          %add3A_167 = arith.addi %iota3A, %add3A_166 : vector<16xi32>
          %gather3A_168 = arith.constant 0 : i32
          %gather3A_169 = arith.constant 0 : i32
          %gather3A_170 = tpu.memref_slice %arg5[%scan3A_111, %gather3A_168, %gather3A_169] : memref<2x32x513xf32, #tpu.memory_space<vmem>> -> memref<1x32x513xf32, #tpu.memory_space<vmem>>
          %gather3A_171 = tpu.memref_squeeze %gather3A_170 : memref<1x32x513xf32, #tpu.memory_space<vmem>> -> memref<32x513xf32, #tpu.memory_space<vmem>>
          %gather3A_172 = tpu.vector_load_idx %gather3A_171[%add3A_167, %add3A_156] : memref<32x513xf32, #tpu.memory_space<vmem>>[vector<16xi32>, vector<16xi32>], vector<16xf32>,
          %add3A_173 = arith.constant 2 : i32
          %add3A_174 = vector.broadcast %add3A_173 : i32 to vector<16xi32>
          %add3A_175 = arith.addi %broadcast_in_dim3A, %add3A_174 : vector<16xi32>
          %add3A_176 = arith.constant 0 : i32
          %add3A_177 = vector.broadcast %add3A_176 : i32 to vector<16xi32>
          %add3A_178 = arith.addi %iota3A, %add3A_177 : vector<16xi32>
          %gather3A_179 = arith.constant 0 : i32
          %gather3A_180 = arith.constant 0 : i32
          %gather3A_181 = tpu.memref_slice %arg5[%scan3A_111, %gather3A_179, %gather3A_180] : memref<2x32x513xf32, #tpu.memory_space<vmem>> -> memref<1x32x513xf32, #tpu.memory_space<vmem>>
          %gather3A_182 = tpu.memref_squeeze %gather3A_181 : memref<1x32x513xf32, #tpu.memory_space<vmem>> -> memref<32x513xf32, #tpu.memory_space<vmem>>
          %gather3A_183 = tpu.vector_load_idx %gather3A_182[%add3A_178, %add3A_175] : memref<32x513xf32, #tpu.memory_space<vmem>>[vector<16xi32>, vector<16xi32>], vector<16xf32>,
          %add3A_184 = arith.constant 16 : i32
          %add3A_185 = vector.broadcast %add3A_184 : i32 to vector<16xi32>
          %add3A_186 = arith.addi %iota3A, %add3A_185 : vector<16xi32>
          %gather3A_187 = arith.constant 0 : i32
          %gather3A_188 = arith.constant 0 : i32
          %gather3A_189 = tpu.memref_slice %arg5[%scan3A_111, %gather3A_187, %gather3A_188] : memref<2x32x513xf32, #tpu.memory_space<vmem>> -> memref<1x32x513xf32, #tpu.memory_space<vmem>>
          %gather3A_190 = tpu.memref_squeeze %gather3A_189 : memref<1x32x513xf32, #tpu.memory_space<vmem>> -> memref<32x513xf32, #tpu.memory_space<vmem>>
          %gather3A_191 = tpu.vector_load_idx %gather3A_190[%add3A_186, %add3A_175] : memref<32x513xf32, #tpu.memory_space<vmem>>[vector<16xi32>, vector<16xi32>], vector<16xf32>,
          %add3A_192 = arith.constant 3 : i32
          %add3A_193 = vector.broadcast %add3A_192 : i32 to vector<16xi32>
          %add3A_194 = arith.addi %broadcast_in_dim3A, %add3A_193 : vector<16xi32>
          %add3A_195 = arith.constant 0 : i32
          %add3A_196 = vector.broadcast %add3A_195 : i32 to vector<16xi32>
          %add3A_197 = arith.addi %iota3A, %add3A_196 : vector<16xi32>
          %gather3A_198 = arith.constant 0 : i32
          %gather3A_199 = arith.constant 0 : i32
          %gather3A_200 = tpu.memref_slice %arg5[%scan3A_111, %gather3A_198, %gather3A_199] : memref<2x32x513xf32, #tpu.memory_space<vmem>> -> memref<1x32x513xf32, #tpu.memory_space<vmem>>
          %gather3A_201 = tpu.memref_squeeze %gather3A_200 : memref<1x32x513xf32, #tpu.memory_space<vmem>> -> memref<32x513xf32, #tpu.memory_space<vmem>>
          %gather3A_202 = tpu.vector_load_idx %gather3A_201[%add3A_197, %add3A_194] : memref<32x513xf32, #tpu.memory_space<vmem>>[vector<16xi32>, vector<16xi32>], vector<16xf32>,
          %add3A_203 = arith.constant 16 : i32
          %add3A_204 = vector.broadcast %add3A_203 : i32 to vector<16xi32>
          %add3A_205 = arith.addi %iota3A, %add3A_204 : vector<16xi32>
          %gather3A_206 = arith.constant 0 : i32
          %gather3A_207 = arith.constant 0 : i32
          %gather3A_208 = tpu.memref_slice %arg5[%scan3A_111, %gather3A_206, %gather3A_207] : memref<2x32x513xf32, #tpu.memory_space<vmem>> -> memref<1x32x513xf32, #tpu.memory_space<vmem>>
          %gather3A_209 = tpu.memref_squeeze %gather3A_208 : memref<1x32x513xf32, #tpu.memory_space<vmem>> -> memref<32x513xf32, #tpu.memory_space<vmem>>
          %gather3A_210 = tpu.vector_load_idx %gather3A_209[%add3A_205, %add3A_194] : memref<32x513xf32, #tpu.memory_space<vmem>>[vector<16xi32>, vector<16xi32>], vector<16xf32>,
          %add3A_211 = arith.constant 4 : i32
          %add3A_212 = vector.broadcast %add3A_211 : i32 to vector<16xi32>
          %add3A_213 = arith.addi %broadcast_in_dim3A, %add3A_212 : vector<16xi32>
          %add3A_214 = arith.constant 0 : i32
          %add3A_215 = vector.broadcast %add3A_214 : i32 to vector<16xi32>
          %add3A_216 = arith.addi %iota3A, %add3A_215 : vector<16xi32>
          %gather3A_217 = arith.constant 0 : i32
          %gather3A_218 = arith.constant 0 : i32
          %gather3A_219 = tpu.memref_slice %arg5[%scan3A_111, %gather3A_217, %gather3A_218] : memref<2x32x513xf32, #tpu.memory_space<vmem>> -> memref<1x32x513xf32, #tpu.memory_space<vmem>>
          %gather3A_220 = tpu.memref_squeeze %gather3A_219 : memref<1x32x513xf32, #tpu.memory_space<vmem>> -> memref<32x513xf32, #tpu.memory_space<vmem>>
          %gather3A_221 = tpu.vector_load_idx %gather3A_220[%add3A_216, %add3A_213] : memref<32x513xf32, #tpu.memory_space<vmem>>[vector<16xi32>, vector<16xi32>], vector<16xf32>,
          %add3A_222 = arith.constant 16 : i32
          %add3A_223 = vector.broadcast %add3A_222 : i32 to vector<16xi32>
          %add3A_224 = arith.addi %iota3A, %add3A_223 : vector<16xi32>
          %gather3A_225 = arith.constant 0 : i32
          %gather3A_226 = arith.constant 0 : i32
          %gather3A_227 = tpu.memref_slice %arg5[%scan3A_111, %gather3A_225, %gather3A_226] : memref<2x32x513xf32, #tpu.memory_space<vmem>> -> memref<1x32x513xf32, #tpu.memory_space<vmem>>
          %gather3A_228 = tpu.memref_squeeze %gather3A_227 : memref<1x32x513xf32, #tpu.memory_space<vmem>> -> memref<32x513xf32, #tpu.memory_space<vmem>>
          %gather3A_229 = tpu.vector_load_idx %gather3A_228[%add3A_224, %add3A_213] : memref<32x513xf32, #tpu.memory_space<vmem>>[vector<16xi32>, vector<16xi32>], vector<16xf32>,
          %add3A_230 = arith.constant 5 : i32
          %add3A_231 = vector.broadcast %add3A_230 : i32 to vector<16xi32>
          %add3A_232 = arith.addi %broadcast_in_dim3A, %add3A_231 : vector<16xi32>
          %add3A_233 = arith.constant 0 : i32
          %add3A_234 = vector.broadcast %add3A_233 : i32 to vector<16xi32>
          %add3A_235 = arith.addi %iota3A, %add3A_234 : vector<16xi32>
          %gather3A_236 = arith.constant 0 : i32
          %gather3A_237 = arith.constant 0 : i32
          %gather3A_238 = tpu.memref_slice %arg5[%scan3A_111, %gather3A_236, %gather3A_237] : memref<2x32x513xf32, #tpu.memory_space<vmem>> -> memref<1x32x513xf32, #tpu.memory_space<vmem>>
          %gather3A_239 = tpu.memref_squeeze %gather3A_238 : memref<1x32x513xf32, #tpu.memory_space<vmem>> -> memref<32x513xf32, #tpu.memory_space<vmem>>
          %gather3A_240 = tpu.vector_load_idx %gather3A_239[%add3A_235, %add3A_232] : memref<32x513xf32, #tpu.memory_space<vmem>>[vector<16xi32>, vector<16xi32>], vector<16xf32>,
          %add3A_241 = arith.constant 16 : i32
          %add3A_242 = vector.broadcast %add3A_241 : i32 to vector<16xi32>
          %add3A_243 = arith.addi %iota3A, %add3A_242 : vector<16xi32>
          %gather3A_244 = arith.constant 0 : i32
          %gather3A_245 = arith.constant 0 : i32
          %gather3A_246 = tpu.memref_slice %arg5[%scan3A_111, %gather3A_244, %gather3A_245] : memref<2x32x513xf32, #tpu.memory_space<vmem>> -> memref<1x32x513xf32, #tpu.memory_space<vmem>>
          %gather3A_247 = tpu.memref_squeeze %gather3A_246 : memref<1x32x513xf32, #tpu.memory_space<vmem>> -> memref<32x513xf32, #tpu.memory_space<vmem>>
          %gather3A_248 = tpu.vector_load_idx %gather3A_247[%add3A_243, %add3A_232] : memref<32x513xf32, #tpu.memory_space<vmem>>[vector<16xi32>, vector<16xi32>], vector<16xf32>,
          %add3A_249 = arith.constant 6 : i32
          %add3A_250 = vector.broadcast %add3A_249 : i32 to vector<16xi32>
          %add3A_251 = arith.addi %broadcast_in_dim3A, %add3A_250 : vector<16xi32>
          %add3A_252 = arith.constant 0 : i32
          %add3A_253 = vector.broadcast %add3A_252 : i32 to vector<16xi32>
          %add3A_254 = arith.addi %iota3A, %add3A_253 : vector<16xi32>
          %gather3A_255 = arith.constant 0 : i32
          %gather3A_256 = arith.constant 0 : i32
          %gather3A_257 = tpu.memref_slice %arg5[%scan3A_111, %gather3A_255, %gather3A_256] : memref<2x32x513xf32, #tpu.memory_space<vmem>> -> memref<1x32x513xf32, #tpu.memory_space<vmem>>
          %gather3A_258 = tpu.memref_squeeze %gather3A_257 : memref<1x32x513xf32, #tpu.memory_space<vmem>> -> memref<32x513xf32, #tpu.memory_space<vmem>>
          %gather3A_259 = tpu.vector_load_idx %gather3A_258[%add3A_254, %add3A_251] : memref<32x513xf32, #tpu.memory_space<vmem>>[vector<16xi32>, vector<16xi32>], vector<16xf32>,
          %add3A_260 = arith.constant 16 : i32
          %add3A_261 = vector.broadcast %add3A_260 : i32 to vector<16xi32>
          %add3A_262 = arith.addi %iota3A, %add3A_261 : vector<16xi32>
          %gather3A_263 = arith.constant 0 : i32
          %gather3A_264 = arith.constant 0 : i32
          %gather3A_265 = tpu.memref_slice %arg5[%scan3A_111, %gather3A_263, %gather3A_264] : memref<2x32x513xf32, #tpu.memory_space<vmem>> -> memref<1x32x513xf32, #tpu.memory_space<vmem>>
          %gather3A_266 = tpu.memref_squeeze %gather3A_265 : memref<1x32x513xf32, #tpu.memory_space<vmem>> -> memref<32x513xf32, #tpu.memory_space<vmem>>
          %gather3A_267 = tpu.vector_load_idx %gather3A_266[%add3A_262, %add3A_251] : memref<32x513xf32, #tpu.memory_space<vmem>>[vector<16xi32>, vector<16xi32>], vector<16xf32>,
          %add3A_268 = arith.constant 7 : i32
          %add3A_269 = vector.broadcast %add3A_268 : i32 to vector<16xi32>
          %add3A_270 = arith.addi %broadcast_in_dim3A, %add3A_269 : vector<16xi32>
          %add3A_271 = arith.constant 0 : i32
          %add3A_272 = vector.broadcast %add3A_271 : i32 to vector<16xi32>
          %add3A_273 = arith.addi %iota3A, %add3A_272 : vector<16xi32>
          %gather3A_274 = arith.constant 0 : i32
          %gather3A_275 = arith.constant 0 : i32
          %gather3A_276 = tpu.memref_slice %arg5[%scan3A_111, %gather3A_274, %gather3A_275] : memref<2x32x513xf32, #tpu.memory_space<vmem>> -> memref<1x32x513xf32, #tpu.memory_space<vmem>>
          %gather3A_277 = tpu.memref_squeeze %gather3A_276 : memref<1x32x513xf32, #tpu.memory_space<vmem>> -> memref<32x513xf32, #tpu.memory_space<vmem>>
          %gather3A_278 = tpu.vector_load_idx %gather3A_277[%add3A_273, %add3A_270] : memref<32x513xf32, #tpu.memory_space<vmem>>[vector<16xi32>, vector<16xi32>], vector<16xf32>,
          %add3A_279 = arith.constant 16 : i32
          %add3A_280 = vector.broadcast %add3A_279 : i32 to vector<16xi32>
          %add3A_281 = arith.addi %iota3A, %add3A_280 : vector<16xi32>
          %gather3A_282 = arith.constant 0 : i32
          %gather3A_283 = arith.constant 0 : i32
          %gather3A_284 = tpu.memref_slice %arg5[%scan3A_111, %gather3A_282, %gather3A_283] : memref<2x32x513xf32, #tpu.memory_space<vmem>> -> memref<1x32x513xf32, #tpu.memory_space<vmem>>
          %gather3A_285 = tpu.memref_squeeze %gather3A_284 : memref<1x32x513xf32, #tpu.memory_space<vmem>> -> memref<32x513xf32, #tpu.memory_space<vmem>>
          %gather3A_286 = tpu.vector_load_idx %gather3A_285[%add3A_281, %add3A_270] : memref<32x513xf32, #tpu.memory_space<vmem>>[vector<16xi32>, vector<16xi32>], vector<16xf32>,
          %add3A_287 = arith.constant 0 : i32
          %add3A_288 = arith.addi %add3A_135, %add3A_287 : i32
          %add3A_289 = arith.constant 0 : i32
          %add3A_290 = arith.addi %add3A_288, %add3A_289 : i32
          %swap3A = arith.index_cast %add3A_290 : i32 to index
          %swap3A_291 = tpu.vector_load %arg6[%swap3A] {strides = array<i32>} : memref<32768xf32, #tpu.memory_space<vmem>>, vector<16xf32>,
          tpu.vector_store %arg6[%swap3A], %gather3A_145 {strides = array<i32>} : memref<32768xf32, #tpu.memory_space<vmem>>, vector<16xf32>,
          %add3A_292 = arith.constant 0 : i32
          %add3A_293 = arith.addi %add3A_135, %add3A_292 : i32
          %add3A_294 = arith.constant 16 : i32
          %add3A_295 = arith.addi %add3A_293, %add3A_294 : i32
          %swap3A_296 = arith.index_cast %add3A_295 : i32 to index
          %swap3A_297 = tpu.vector_load %arg6[%swap3A_296] {strides = array<i32>} : memref<32768xf32, #tpu.memory_space<vmem>>, vector<16xf32>,
          tpu.vector_store %arg6[%swap3A_296], %gather3A_153 {strides = array<i32>} : memref<32768xf32, #tpu.memory_space<vmem>>, vector<16xf32>,
          %add3A_298 = arith.constant 32 : i32
          %add3A_299 = arith.addi %add3A_135, %add3A_298 : i32
          %add3A_300 = arith.constant 0 : i32
          %add3A_301 = arith.addi %add3A_299, %add3A_300 : i32
          %swap3A_302 = arith.index_cast %add3A_301 : i32 to index
          %swap3A_303 = tpu.vector_load %arg6[%swap3A_302] {strides = array<i32>} : memref<32768xf32, #tpu.memory_space<vmem>>, vector<16xf32>,
          tpu.vector_store %arg6[%swap3A_302], %gather3A_164 {strides = array<i32>} : memref<32768xf32, #tpu.memory_space<vmem>>, vector<16xf32>,
          %add3A_304 = arith.constant 32 : i32
          %add3A_305 = arith.addi %add3A_135, %add3A_304 : i32
          %add3A_306 = arith.constant 16 : i32
          %add3A_307 = arith.addi %add3A_305, %add3A_306 : i32
          %swap3A_308 = arith.index_cast %add3A_307 : i32 to index
          %swap3A_309 = tpu.vector_load %arg6[%swap3A_308] {strides = array<i32>} : memref<32768xf32, #tpu.memory_space<vmem>>, vector<16xf32>,
          tpu.vector_store %arg6[%swap3A_308], %gather3A_172 {strides = array<i32>} : memref<32768xf32, #tpu.memory_space<vmem>>, vector<16xf32>,
          %add3A_310 = arith.constant 64 : i32
          %add3A_311 = arith.addi %add3A_135, %add3A_310 : i32
          %add3A_312 = arith.constant 0 : i32
          %add3A_313 = arith.addi %add3A_311, %add3A_312 : i32
          %swap3A_314 = arith.index_cast %add3A_313 : i32 to index
          %swap3A_315 = tpu.vector_load %arg6[%swap3A_314] {strides = array<i32>} : memref<32768xf32, #tpu.memory_space<vmem>>, vector<16xf32>,
          tpu.vector_store %arg6[%swap3A_314], %gather3A_183 {strides = array<i32>} : memref<32768xf32, #tpu.memory_space<vmem>>, vector<16xf32>,
          %add3A_316 = arith.constant 64 : i32
          %add3A_317 = arith.addi %add3A_135, %add3A_316 : i32
          %add3A_318 = arith.constant 16 : i32
          %add3A_319 = arith.addi %add3A_317, %add3A_318 : i32
          %swap3A_320 = arith.index_cast %add3A_319 : i32 to index
          %swap3A_321 = tpu.vector_load %arg6[%swap3A_320] {strides = array<i32>} : memref<32768xf32, #tpu.memory_space<vmem>>, vector<16xf32>,
          tpu.vector_store %arg6[%swap3A_320], %gather3A_191 {strides = array<i32>} : memref<32768xf32, #tpu.memory_space<vmem>>, vector<16xf32>,
          %add3A_322 = arith.constant 96 : i32
          %add3A_323 = arith.addi %add3A_135, %add3A_322 : i32
          %add3A_324 = arith.constant 0 : i32
          %add3A_325 = arith.addi %add3A_323, %add3A_324 : i32
          %swap3A_326 = arith.index_cast %add3A_325 : i32 to index
          %swap3A_327 = tpu.vector_load %arg6[%swap3A_326] {strides = array<i32>} : memref<32768xf32, #tpu.memory_space<vmem>>, vector<16xf32>,
          tpu.vector_store %arg6[%swap3A_326], %gather3A_202 {strides = array<i32>} : memref<32768xf32, #tpu.memory_space<vmem>>, vector<16xf32>,
          %add3A_328 = arith.constant 96 : i32
          %add3A_329 = arith.addi %add3A_135, %add3A_328 : i32
          %add3A_330 = arith.constant 16 : i32
          %add3A_331 = arith.addi %add3A_329, %add3A_330 : i32
          %swap3A_332 = arith.index_cast %add3A_331 : i32 to index
          %swap3A_333 = tpu.vector_load %arg6[%swap3A_332] {strides = array<i32>} : memref<32768xf32, #tpu.memory_space<vmem>>, vector<16xf32>,
          tpu.vector_store %arg6[%swap3A_332], %gather3A_210 {strides = array<i32>} : memref<32768xf32, #tpu.memory_space<vmem>>, vector<16xf32>,
          %add3A_334 = arith.constant 8 : i32
          %add3A_335 = vector.broadcast %add3A_334 : i32 to vector<16xi32>
          %add3A_336 = arith.addi %broadcast_in_dim3A, %add3A_335 : vector<16xi32>
          %add3A_337 = arith.constant 0 : i32
          %add3A_338 = vector.broadcast %add3A_337 : i32 to vector<16xi32>
          %add3A_339 = arith.addi %iota3A, %add3A_338 : vector<16xi32>
          %gather3A_340 = arith.constant 0 : i32
          %gather3A_341 = arith.constant 0 : i32
          %gather3A_342 = tpu.memref_slice %arg5[%scan3A_111, %gather3A_340, %gather3A_341] : memref<2x32x513xf32, #tpu.memory_space<vmem>> -> memref<1x32x513xf32, #tpu.memory_space<vmem>>
          %gather3A_343 = tpu.memref_squeeze %gather3A_342 : memref<1x32x513xf32, #tpu.memory_space<vmem>> -> memref<32x513xf32, #tpu.memory_space<vmem>>
          %gather3A_344 = tpu.vector_load_idx %gather3A_343[%add3A_339, %add3A_336] : memref<32x513xf32, #tpu.memory_space<vmem>>[vector<16xi32>, vector<16xi32>], vector<16xf32>,
          %add3A_345 = arith.constant 16 : i32
          %add3A_346 = vector.broadcast %add3A_345 : i32 to vector<16xi32>
          %add3A_347 = arith.addi %iota3A, %add3A_346 : vector<16xi32>
          %gather3A_348 = arith.constant 0 : i32
          %gather3A_349 = arith.constant 0 : i32
          %gather3A_350 = tpu.memref_slice %arg5[%scan3A_111, %gather3A_348, %gather3A_349] : memref<2x32x513xf32, #tpu.memory_space<vmem>> -> memref<1x32x513xf32, #tpu.memory_space<vmem>>
          %gather3A_351 = tpu.memref_squeeze %gather3A_350 : memref<1x32x513xf32, #tpu.memory_space<vmem>> -> memref<32x513xf32, #tpu.memory_space<vmem>>
          %gather3A_352 = tpu.vector_load_idx %gather3A_351[%add3A_347, %add3A_336] : memref<32x513xf32, #tpu.memory_space<vmem>>[vector<16xi32>, vector<16xi32>], vector<16xf32>,
          %add3A_353 = arith.constant 9 : i32
          %add3A_354 = vector.broadcast %add3A_353 : i32 to vector<16xi32>
          %add3A_355 = arith.addi %broadcast_in_dim3A, %add3A_354 : vector<16xi32>
          %add3A_356 = arith.constant 0 : i32
          %add3A_357 = vector.broadcast %add3A_356 : i32 to vector<16xi32>
          %add3A_358 = arith.addi %iota3A, %add3A_357 : vector<16xi32>
          %gather3A_359 = arith.constant 0 : i32
          %gather3A_360 = arith.constant 0 : i32
          %gather3A_361 = tpu.memref_slice %arg5[%scan3A_111, %gather3A_359, %gather3A_360] : memref<2x32x513xf32, #tpu.memory_space<vmem>> -> memref<1x32x513xf32, #tpu.memory_space<vmem>>
          %gather3A_362 = tpu.memref_squeeze %gather3A_361 : memref<1x32x513xf32, #tpu.memory_space<vmem>> -> memref<32x513xf32, #tpu.memory_space<vmem>>
          %gather3A_363 = tpu.vector_load_idx %gather3A_362[%add3A_358, %add3A_355] : memref<32x513xf32, #tpu.memory_space<vmem>>[vector<16xi32>, vector<16xi32>], vector<16xf32>,
          %add3A_364 = arith.constant 16 : i32
          %add3A_365 = vector.broadcast %add3A_364 : i32 to vector<16xi32>
          %add3A_366 = arith.addi %iota3A, %add3A_365 : vector<16xi32>
          %gather3A_367 = arith.constant 0 : i32
          %gather3A_368 = arith.constant 0 : i32
          %gather3A_369 = tpu.memref_slice %arg5[%scan3A_111, %gather3A_367, %gather3A_368] : memref<2x32x513xf32, #tpu.memory_space<vmem>> -> memref<1x32x513xf32, #tpu.memory_space<vmem>>
          %gather3A_370 = tpu.memref_squeeze %gather3A_369 : memref<1x32x513xf32, #tpu.memory_space<vmem>> -> memref<32x513xf32, #tpu.memory_space<vmem>>
          %gather3A_371 = tpu.vector_load_idx %gather3A_370[%add3A_366, %add3A_355] : memref<32x513xf32, #tpu.memory_space<vmem>>[vector<16xi32>, vector<16xi32>], vector<16xf32>,
          %add3A_372 = arith.constant 10 : i32
          %add3A_373 = vector.broadcast %add3A_372 : i32 to vector<16xi32>
          %add3A_374 = arith.addi %broadcast_in_dim3A, %add3A_373 : vector<16xi32>
          %add3A_375 = arith.constant 0 : i32
          %add3A_376 = vector.broadcast %add3A_375 : i32 to vector<16xi32>
          %add3A_377 = arith.addi %iota3A, %add3A_376 : vector<16xi32>
          %gather3A_378 = arith.constant 0 : i32
          %gather3A_379 = arith.constant 0 : i32
          %gather3A_380 = tpu.memref_slice %arg5[%scan3A_111, %gather3A_378, %gather3A_379] : memref<2x32x513xf32, #tpu.memory_space<vmem>> -> memref<1x32x513xf32, #tpu.memory_space<vmem>>
          %gather3A_381 = tpu.memref_squeeze %gather3A_380 : memref<1x32x513xf32, #tpu.memory_space<vmem>> -> memref<32x513xf32, #tpu.memory_space<vmem>>
          %gather3A_382 = tpu.vector_load_idx %gather3A_381[%add3A_377, %add3A_374] : memref<32x513xf32, #tpu.memory_space<vmem>>[vector<16xi32>, vector<16xi32>], vector<16xf32>,
          %add3A_383 = arith.constant 16 : i32
          %add3A_384 = vector.broadcast %add3A_383 : i32 to vector<16xi32>
          %add3A_385 = arith.addi %iota3A, %add3A_384 : vector<16xi32>
          %gather3A_386 = arith.constant 0 : i32
          %gather3A_387 = arith.constant 0 : i32
          %gather3A_388 = tpu.memref_slice %arg5[%scan3A_111, %gather3A_386, %gather3A_387] : memref<2x32x513xf32, #tpu.memory_space<vmem>> -> memref<1x32x513xf32, #tpu.memory_space<vmem>>
          %gather3A_389 = tpu.memref_squeeze %gather3A_388 : memref<1x32x513xf32, #tpu.memory_space<vmem>> -> memref<32x513xf32, #tpu.memory_space<vmem>>
          %gather3A_390 = tpu.vector_load_idx %gather3A_389[%add3A_385, %add3A_374] : memref<32x513xf32, #tpu.memory_space<vmem>>[vector<16xi32>, vector<16xi32>], vector<16xf32>,
          %add3A_391 = arith.constant 11 : i32
          %add3A_392 = vector.broadcast %add3A_391 : i32 to vector<16xi32>
          %add3A_393 = arith.addi %broadcast_in_dim3A, %add3A_392 : vector<16xi32>
          %add3A_394 = arith.constant 0 : i32
          %add3A_395 = vector.broadcast %add3A_394 : i32 to vector<16xi32>
          %add3A_396 = arith.addi %iota3A, %add3A_395 : vector<16xi32>
          %gather3A_397 = arith.constant 0 : i32
          %gather3A_398 = arith.constant 0 : i32
          %gather3A_399 = tpu.memref_slice %arg5[%scan3A_111, %gather3A_397, %gather3A_398] : memref<2x32x513xf32, #tpu.memory_space<vmem>> -> memref<1x32x513xf32, #tpu.memory_space<vmem>>
          %gather3A_400 = tpu.memref_squeeze %gather3A_399 : memref<1x32x513xf32, #tpu.memory_space<vmem>> -> memref<32x513xf32, #tpu.memory_space<vmem>>
          %gather3A_401 = tpu.vector_load_idx %gather3A_400[%add3A_396, %add3A_393] : memref<32x513xf32, #tpu.memory_space<vmem>>[vector<16xi32>, vector<16xi32>], vector<16xf32>,
          %add3A_402 = arith.constant 16 : i32
          %add3A_403 = vector.broadcast %add3A_402 : i32 to vector<16xi32>
          %add3A_404 = arith.addi %iota3A, %add3A_403 : vector<16xi32>
          %gather3A_405 = arith.constant 0 : i32
          %gather3A_406 = arith.constant 0 : i32
          %gather3A_407 = tpu.memref_slice %arg5[%scan3A_111, %gather3A_405, %gather3A_406] : memref<2x32x513xf32, #tpu.memory_space<vmem>> -> memref<1x32x513xf32, #tpu.memory_space<vmem>>
          %gather3A_408 = tpu.memref_squeeze %gather3A_407 : memref<1x32x513xf32, #tpu.memory_space<vmem>> -> memref<32x513xf32, #tpu.memory_space<vmem>>
          %gather3A_409 = tpu.vector_load_idx %gather3A_408[%add3A_404, %add3A_393] : memref<32x513xf32, #tpu.memory_space<vmem>>[vector<16xi32>, vector<16xi32>], vector<16xf32>,
          %add3A_410 = arith.constant 128 : i32
          %add3A_411 = arith.addi %add3A_135, %add3A_410 : i32
          %add3A_412 = arith.constant 0 : i32
          %add3A_413 = arith.addi %add3A_411, %add3A_412 : i32
          %swap3A_414 = arith.index_cast %add3A_413 : i32 to index
          %swap3A_415 = tpu.vector_load %arg6[%swap3A_414] {strides = array<i32>} : memref<32768xf32, #tpu.memory_space<vmem>>, vector<16xf32>,
          tpu.vector_store %arg6[%swap3A_414], %gather3A_221 {strides = array<i32>} : memref<32768xf32, #tpu.memory_space<vmem>>, vector<16xf32>,
          %add3A_416 = arith.constant 128 : i32
          %add3A_417 = arith.addi %add3A_135, %add3A_416 : i32
          %add3A_418 = arith.constant 16 : i32
          %add3A_419 = arith.addi %add3A_417, %add3A_418 : i32
          %swap3A_420 = arith.index_cast %add3A_419 : i32 to index
          %swap3A_421 = tpu.vector_load %arg6[%swap3A_420] {strides = array<i32>} : memref<32768xf32, #tpu.memory_space<vmem>>, vector<16xf32>,
          tpu.vector_store %arg6[%swap3A_420], %gather3A_229 {strides = array<i32>} : memref<32768xf32, #tpu.memory_space<vmem>>, vector<16xf32>,
          %add3A_422 = arith.constant 160 : i32
          %add3A_423 = arith.addi %add3A_135, %add3A_422 : i32
          %add3A_424 = arith.constant 0 : i32
          %add3A_425 = arith.addi %add3A_423, %add3A_424 : i32
          %swap3A_426 = arith.index_cast %add3A_425 : i32 to index
          %swap3A_427 = tpu.vector_load %arg6[%swap3A_426] {strides = array<i32>} : memref<32768xf32, #tpu.memory_space<vmem>>, vector<16xf32>,
          tpu.vector_store %arg6[%swap3A_426], %gather3A_240 {strides = array<i32>} : memref<32768xf32, #tpu.memory_space<vmem>>, vector<16xf32>,
          %add3A_428 = arith.constant 160 : i32
          %add3A_429 = arith.addi %add3A_135, %add3A_428 : i32
          %add3A_430 = arith.constant 16 : i32
          %add3A_431 = arith.addi %add3A_429, %add3A_430 : i32
          %swap3A_432 = arith.index_cast %add3A_431 : i32 to index
          %swap3A_433 = tpu.vector_load %arg6[%swap3A_432] {strides = array<i32>} : memref<32768xf32, #tpu.memory_space<vmem>>, vector<16xf32>,
          tpu.vector_store %arg6[%swap3A_432], %gather3A_248 {strides = array<i32>} : memref<32768xf32, #tpu.memory_space<vmem>>, vector<16xf32>,
          %add3A_434 = arith.constant 192 : i32
          %add3A_435 = arith.addi %add3A_135, %add3A_434 : i32
          %add3A_436 = arith.constant 0 : i32
          %add3A_437 = arith.addi %add3A_435, %add3A_436 : i32
          %swap3A_438 = arith.index_cast %add3A_437 : i32 to index
          %swap3A_439 = tpu.vector_load %arg6[%swap3A_438] {strides = array<i32>} : memref<32768xf32, #tpu.memory_space<vmem>>, vector<16xf32>,
          tpu.vector_store %arg6[%swap3A_438], %gather3A_259 {strides = array<i32>} : memref<32768xf32, #tpu.memory_space<vmem>>, vector<16xf32>,
          %add3A_440 = arith.constant 192 : i32
          %add3A_441 = arith.addi %add3A_135, %add3A_440 : i32
          %add3A_442 = arith.constant 16 : i32
          %add3A_443 = arith.addi %add3A_441, %add3A_442 : i32
          %swap3A_444 = arith.index_cast %add3A_443 : i32 to index
          %swap3A_445 = tpu.vector_load %arg6[%swap3A_444] {strides = array<i32>} : memref<32768xf32, #tpu.memory_space<vmem>>, vector<16xf32>,
          tpu.vector_store %arg6[%swap3A_444], %gather3A_267 {strides = array<i32>} : memref<32768xf32, #tpu.memory_space<vmem>>, vector<16xf32>,
          %add3A_446 = arith.constant 224 : i32
          %add3A_447 = arith.addi %add3A_135, %add3A_446 : i32
          %add3A_448 = arith.constant 0 : i32
          %add3A_449 = arith.addi %add3A_447, %add3A_448 : i32
          %swap3A_450 = arith.index_cast %add3A_449 : i32 to index
          %swap3A_451 = tpu.vector_load %arg6[%swap3A_450] {strides = array<i32>} : memref<32768xf32, #tpu.memory_space<vmem>>, vector<16xf32>,
          tpu.vector_store %arg6[%swap3A_450], %gather3A_278 {strides = array<i32>} : memref<32768xf32, #tpu.memory_space<vmem>>, vector<16xf32>,
          %add3A_452 = arith.constant 224 : i32
          %add3A_453 = arith.addi %add3A_135, %add3A_452 : i32
          %add3A_454 = arith.constant 16 : i32
          %add3A_455 = arith.addi %add3A_453, %add3A_454 : i32
          %swap3A_456 = arith.index_cast %add3A_455 : i32 to index
          %swap3A_457 = tpu.vector_load %arg6[%swap3A_456] {strides = array<i32>} : memref<32768xf32, #tpu.memory_space<vmem>>, vector<16xf32>,
          tpu.vector_store %arg6[%swap3A_456], %gather3A_286 {strides = array<i32>} : memref<32768xf32, #tpu.memory_space<vmem>>, vector<16xf32>,
          %add3A_458 = arith.constant 12 : i32
          %add3A_459 = vector.broadcast %add3A_458 : i32 to vector<16xi32>
          %add3A_460 = arith.addi %broadcast_in_dim3A, %add3A_459 : vector<16xi32>
          %add3A_461 = arith.constant 0 : i32
          %add3A_462 = vector.broadcast %add3A_461 : i32 to vector<16xi32>
          %add3A_463 = arith.addi %iota3A, %add3A_462 : vector<16xi32>
          %gather3A_464 = arith.constant 0 : i32
          %gather3A_465 = arith.constant 0 : i32
          %gather3A_466 = tpu.memref_slice %arg5[%scan3A_111, %gather3A_464, %gather3A_465] : memref<2x32x513xf32, #tpu.memory_space<vmem>> -> memref<1x32x513xf32, #tpu.memory_space<vmem>>
          %gather3A_467 = tpu.memref_squeeze %gather3A_466 : memref<1x32x513xf32, #tpu.memory_space<vmem>> -> memref<32x513xf32, #tpu.memory_space<vmem>>
          %gather3A_468 = tpu.vector_load_idx %gather3A_467[%add3A_463, %add3A_460] : memref<32x513xf32, #tpu.memory_space<vmem>>[vector<16xi32>, vector<16xi32>], vector<16xf32>,
          %add3A_469 = arith.constant 16 : i32
          %add3A_470 = vector.broadcast %add3A_469 : i32 to vector<16xi32>
          %add3A_471 = arith.addi %iota3A, %add3A_470 : vector<16xi32>
          %gather3A_472 = arith.constant 0 : i32
          %gather3A_473 = arith.constant 0 : i32
          %gather3A_474 = tpu.memref_slice %arg5[%scan3A_111, %gather3A_472, %gather3A_473] : memref<2x32x513xf32, #tpu.memory_space<vmem>> -> memref<1x32x513xf32, #tpu.memory_space<vmem>>
          %gather3A_475 = tpu.memref_squeeze %gather3A_474 : memref<1x32x513xf32, #tpu.memory_space<vmem>> -> memref<32x513xf32, #tpu.memory_space<vmem>>
          %gather3A_476 = tpu.vector_load_idx %gather3A_475[%add3A_471, %add3A_460] : memref<32x513xf32, #tpu.memory_space<vmem>>[vector<16xi32>, vector<16xi32>], vector<16xf32>,
          %add3A_477 = arith.constant 13 : i32
          %add3A_478 = vector.broadcast %add3A_477 : i32 to vector<16xi32>
          %add3A_479 = arith.addi %broadcast_in_dim3A, %add3A_478 : vector<16xi32>
          %add3A_480 = arith.constant 0 : i32
          %add3A_481 = vector.broadcast %add3A_480 : i32 to vector<16xi32>
          %add3A_482 = arith.addi %iota3A, %add3A_481 : vector<16xi32>
          %gather3A_483 = arith.constant 0 : i32
          %gather3A_484 = arith.constant 0 : i32
          %gather3A_485 = tpu.memref_slice %arg5[%scan3A_111, %gather3A_483, %gather3A_484] : memref<2x32x513xf32, #tpu.memory_space<vmem>> -> memref<1x32x513xf32, #tpu.memory_space<vmem>>
          %gather3A_486 = tpu.memref_squeeze %gather3A_485 : memref<1x32x513xf32, #tpu.memory_space<vmem>> -> memref<32x513xf32, #tpu.memory_space<vmem>>
          %gather3A_487 = tpu.vector_load_idx %gather3A_486[%add3A_482, %add3A_479] : memref<32x513xf32, #tpu.memory_space<vmem>>[vector<16xi32>, vector<16xi32>], vector<16xf32>,
          %add3A_488 = arith.constant 16 : i32
          %add3A_489 = vector.broadcast %add3A_488 : i32 to vector<16xi32>
          %add3A_490 = arith.addi %iota3A, %add3A_489 : vector<16xi32>
          %gather3A_491 = arith.constant 0 : i32
          %gather3A_492 = arith.constant 0 : i32
          %gather3A_493 = tpu.memref_slice %arg5[%scan3A_111, %gather3A_491, %gather3A_492] : memref<2x32x513xf32, #tpu.memory_space<vmem>> -> memref<1x32x513xf32, #tpu.memory_space<vmem>>
          %gather3A_494 = tpu.memref_squeeze %gather3A_493 : memref<1x32x513xf32, #tpu.memory_space<vmem>> -> memref<32x513xf32, #tpu.memory_space<vmem>>
          %gather3A_495 = tpu.vector_load_idx %gather3A_494[%add3A_490, %add3A_479] : memref<32x513xf32, #tpu.memory_space<vmem>>[vector<16xi32>, vector<16xi32>], vector<16xf32>,
          %add3A_496 = arith.constant 14 : i32
          %add3A_497 = vector.broadcast %add3A_496 : i32 to vector<16xi32>
          %add3A_498 = arith.addi %broadcast_in_dim3A, %add3A_497 : vector<16xi32>
          %add3A_499 = arith.constant 0 : i32
          %add3A_500 = vector.broadcast %add3A_499 : i32 to vector<16xi32>
          %add3A_501 = arith.addi %iota3A, %add3A_500 : vector<16xi32>
          %gather3A_502 = arith.constant 0 : i32
          %gather3A_503 = arith.constant 0 : i32
          %gather3A_504 = tpu.memref_slice %arg5[%scan3A_111, %gather3A_502, %gather3A_503] : memref<2x32x513xf32, #tpu.memory_space<vmem>> -> memref<1x32x513xf32, #tpu.memory_space<vmem>>
          %gather3A_505 = tpu.memref_squeeze %gather3A_504 : memref<1x32x513xf32, #tpu.memory_space<vmem>> -> memref<32x513xf32, #tpu.memory_space<vmem>>
          %gather3A_506 = tpu.vector_load_idx %gather3A_505[%add3A_501, %add3A_498] : memref<32x513xf32, #tpu.memory_space<vmem>>[vector<16xi32>, vector<16xi32>], vector<16xf32>,
          %add3A_507 = arith.constant 16 : i32
          %add3A_508 = vector.broadcast %add3A_507 : i32 to vector<16xi32>
          %add3A_509 = arith.addi %iota3A, %add3A_508 : vector<16xi32>
          %gather3A_510 = arith.constant 0 : i32
          %gather3A_511 = arith.constant 0 : i32
          %gather3A_512 = tpu.memref_slice %arg5[%scan3A_111, %gather3A_510, %gather3A_511] : memref<2x32x513xf32, #tpu.memory_space<vmem>> -> memref<1x32x513xf32, #tpu.memory_space<vmem>>
          %gather3A_513 = tpu.memref_squeeze %gather3A_512 : memref<1x32x513xf32, #tpu.memory_space<vmem>> -> memref<32x513xf32, #tpu.memory_space<vmem>>
          %gather3A_514 = tpu.vector_load_idx %gather3A_513[%add3A_509, %add3A_498] : memref<32x513xf32, #tpu.memory_space<vmem>>[vector<16xi32>, vector<16xi32>], vector<16xf32>,
          %add3A_515 = arith.constant 15 : i32
          %add3A_516 = vector.broadcast %add3A_515 : i32 to vector<16xi32>
          %add3A_517 = arith.addi %broadcast_in_dim3A, %add3A_516 : vector<16xi32>
          %add3A_518 = arith.constant 0 : i32
          %add3A_519 = vector.broadcast %add3A_518 : i32 to vector<16xi32>
          %add3A_520 = arith.addi %iota3A, %add3A_519 : vector<16xi32>
          %gather3A_521 = arith.constant 0 : i32
          %gather3A_522 = arith.constant 0 : i32
          %gather3A_523 = tpu.memref_slice %arg5[%scan3A_111, %gather3A_521, %gather3A_522] : memref<2x32x513xf32, #tpu.memory_space<vmem>> -> memref<1x32x513xf32, #tpu.memory_space<vmem>>
          %gather3A_524 = tpu.memref_squeeze %gather3A_523 : memref<1x32x513xf32, #tpu.memory_space<vmem>> -> memref<32x513xf32, #tpu.memory_space<vmem>>
          %gather3A_525 = tpu.vector_load_idx %gather3A_524[%add3A_520, %add3A_517] : memref<32x513xf32, #tpu.memory_space<vmem>>[vector<16xi32>, vector<16xi32>], vector<16xf32>,
          %add3A_526 = arith.constant 16 : i32
          %add3A_527 = vector.broadcast %add3A_526 : i32 to vector<16xi32>
          %add3A_528 = arith.addi %iota3A, %add3A_527 : vector<16xi32>
          %gather3A_529 = arith.constant 0 : i32
          %gather3A_530 = arith.constant 0 : i32
          %gather3A_531 = tpu.memref_slice %arg5[%scan3A_111, %gather3A_529, %gather3A_530] : memref<2x32x513xf32, #tpu.memory_space<vmem>> -> memref<1x32x513xf32, #tpu.memory_space<vmem>>
          %gather3A_532 = tpu.memref_squeeze %gather3A_531 : memref<1x32x513xf32, #tpu.memory_space<vmem>> -> memref<32x513xf32, #tpu.memory_space<vmem>>
          %gather3A_533 = tpu.vector_load_idx %gather3A_532[%add3A_528, %add3A_517] : memref<32x513xf32, #tpu.memory_space<vmem>>[vector<16xi32>, vector<16xi32>], vector<16xf32>,
          %add3A_534 = arith.constant 256 : i32
          %add3A_535 = arith.addi %add3A_135, %add3A_534 : i32
          %add3A_536 = arith.constant 0 : i32
          %add3A_537 = arith.addi %add3A_535, %add3A_536 : i32
          %swap3A_538 = arith.index_cast %add3A_537 : i32 to index
          %swap3A_539 = tpu.vector_load %arg6[%swap3A_538] {strides = array<i32>} : memref<32768xf32, #tpu.memory_space<vmem>>, vector<16xf32>,
          tpu.vector_store %arg6[%swap3A_538], %gather3A_344 {strides = array<i32>} : memref<32768xf32, #tpu.memory_space<vmem>>, vector<16xf32>,
          %add3A_540 = arith.constant 256 : i32
          %add3A_541 = arith.addi %add3A_135, %add3A_540 : i32
          %add3A_542 = arith.constant 16 : i32
          %add3A_543 = arith.addi %add3A_541, %add3A_542 : i32
          %swap3A_544 = arith.index_cast %add3A_543 : i32 to index
          %swap3A_545 = tpu.vector_load %arg6[%swap3A_544] {strides = array<i32>} : memref<32768xf32, #tpu.memory_space<vmem>>, vector<16xf32>,
          tpu.vector_store %arg6[%swap3A_544], %gather3A_352 {strides = array<i32>} : memref<32768xf32, #tpu.memory_space<vmem>>, vector<16xf32>,
          %add3A_546 = arith.constant 288 : i32
          %add3A_547 = arith.addi %add3A_135, %add3A_546 : i32
          %add3A_548 = arith.constant 0 : i32
          %add3A_549 = arith.addi %add3A_547, %add3A_548 : i32
          %swap3A_550 = arith.index_cast %add3A_549 : i32 to index
          %swap3A_551 = tpu.vector_load %arg6[%swap3A_550] {strides = array<i32>} : memref<32768xf32, #tpu.memory_space<vmem>>, vector<16xf32>,
          tpu.vector_store %arg6[%swap3A_550], %gather3A_363 {strides = array<i32>} : memref<32768xf32, #tpu.memory_space<vmem>>, vector<16xf32>,
          %add3A_552 = arith.constant 288 : i32
          %add3A_553 = arith.addi %add3A_135, %add3A_552 : i32
          %add3A_554 = arith.constant 16 : i32
          %add3A_555 = arith.addi %add3A_553, %add3A_554 : i32
          %swap3A_556 = arith.index_cast %add3A_555 : i32 to index
          %swap3A_557 = tpu.vector_load %arg6[%swap3A_556] {strides = array<i32>} : memref<32768xf32, #tpu.memory_space<vmem>>, vector<16xf32>,
          tpu.vector_store %arg6[%swap3A_556], %gather3A_371 {strides = array<i32>} : memref<32768xf32, #tpu.memory_space<vmem>>, vector<16xf32>,
          %add3A_558 = arith.constant 320 : i32
          %add3A_559 = arith.addi %add3A_135, %add3A_558 : i32
          %add3A_560 = arith.constant 0 : i32
          %add3A_561 = arith.addi %add3A_559, %add3A_560 : i32
          %swap3A_562 = arith.index_cast %add3A_561 : i32 to index
          %swap3A_563 = tpu.vector_load %arg6[%swap3A_562] {strides = array<i32>} : memref<32768xf32, #tpu.memory_space<vmem>>, vector<16xf32>,
          tpu.vector_store %arg6[%swap3A_562], %gather3A_382 {strides = array<i32>} : memref<32768xf32, #tpu.memory_space<vmem>>, vector<16xf32>,
          %add3A_564 = arith.constant 320 : i32
          %add3A_565 = arith.addi %add3A_135, %add3A_564 : i32
          %add3A_566 = arith.constant 16 : i32
          %add3A_567 = arith.addi %add3A_565, %add3A_566 : i32
          %swap3A_568 = arith.index_cast %add3A_567 : i32 to index
          %swap3A_569 = tpu.vector_load %arg6[%swap3A_568] {strides = array<i32>} : memref<32768xf32, #tpu.memory_space<vmem>>, vector<16xf32>,
          tpu.vector_store %arg6[%swap3A_568], %gather3A_390 {strides = array<i32>} : memref<32768xf32, #tpu.memory_space<vmem>>, vector<16xf32>,
          %add3A_570 = arith.constant 352 : i32
          %add3A_571 = arith.addi %add3A_135, %add3A_570 : i32
          %add3A_572 = arith.constant 0 : i32
          %add3A_573 = arith.addi %add3A_571, %add3A_572 : i32
          %swap3A_574 = arith.index_cast %add3A_573 : i32 to index
          %swap3A_575 = tpu.vector_load %arg6[%swap3A_574] {strides = array<i32>} : memref<32768xf32, #tpu.memory_space<vmem>>, vector<16xf32>,
          tpu.vector_store %arg6[%swap3A_574], %gather3A_401 {strides = array<i32>} : memref<32768xf32, #tpu.memory_space<vmem>>, vector<16xf32>,
          %add3A_576 = arith.constant 352 : i32
          %add3A_577 = arith.addi %add3A_135, %add3A_576 : i32
          %add3A_578 = arith.constant 16 : i32
          %add3A_579 = arith.addi %add3A_577, %add3A_578 : i32
          %swap3A_580 = arith.index_cast %add3A_579 : i32 to index
          %swap3A_581 = tpu.vector_load %arg6[%swap3A_580] {strides = array<i32>} : memref<32768xf32, #tpu.memory_space<vmem>>, vector<16xf32>,
          tpu.vector_store %arg6[%swap3A_580], %gather3A_409 {strides = array<i32>} : memref<32768xf32, #tpu.memory_space<vmem>>, vector<16xf32>,
          %add3A_582 = arith.constant 16 : i32
          %add3A_583 = vector.broadcast %add3A_582 : i32 to vector<16xi32>
          %add3A_584 = arith.addi %broadcast_in_dim3A, %add3A_583 : vector<16xi32>
          %add3A_585 = arith.constant 0 : i32
          %add3A_586 = vector.broadcast %add3A_585 : i32 to vector<16xi32>
          %add3A_587 = arith.addi %iota3A, %add3A_586 : vector<16xi32>
          %gather3A_588 = arith.constant 0 : i32
          %gather3A_589 = arith.constant 0 : i32
          %gather3A_590 = tpu.memref_slice %arg5[%scan3A_111, %gather3A_588, %gather3A_589] : memref<2x32x513xf32, #tpu.memory_space<vmem>> -> memref<1x32x513xf32, #tpu.memory_space<vmem>>
          %gather3A_591 = tpu.memref_squeeze %gather3A_590 : memref<1x32x513xf32, #tpu.memory_space<vmem>> -> memref<32x513xf32, #tpu.memory_space<vmem>>
          %gather3A_592 = tpu.vector_load_idx %gather3A_591[%add3A_587, %add3A_584] : memref<32x513xf32, #tpu.memory_space<vmem>>[vector<16xi32>, vector<16xi32>], vector<16xf32>,
          %add3A_593 = arith.constant 16 : i32
          %add3A_594 = vector.broadcast %add3A_593 : i32 to vector<16xi32>
          %add3A_595 = arith.addi %iota3A, %add3A_594 : vector<16xi32>
          %gather3A_596 = arith.constant 0 : i32
          %gather3A_597 = arith.constant 0 : i32
          %gather3A_598 = tpu.memref_slice %arg5[%scan3A_111, %gather3A_596, %gather3A_597] : memref<2x32x513xf32, #tpu.memory_space<vmem>> -> memref<1x32x513xf32, #tpu.memory_space<vmem>>
          %gather3A_599 = tpu.memref_squeeze %gather3A_598 : memref<1x32x513xf32, #tpu.memory_space<vmem>> -> memref<32x513xf32, #tpu.memory_space<vmem>>
          %gather3A_600 = tpu.vector_load_idx %gather3A_599[%add3A_595, %add3A_584] : memref<32x513xf32, #tpu.memory_space<vmem>>[vector<16xi32>, vector<16xi32>], vector<16xf32>,
          %add3A_601 = arith.constant 17 : i32
          %add3A_602 = vector.broadcast %add3A_601 : i32 to vector<16xi32>
          %add3A_603 = arith.addi %broadcast_in_dim3A, %add3A_602 : vector<16xi32>
          %add3A_604 = arith.constant 0 : i32
          %add3A_605 = vector.broadcast %add3A_604 : i32 to vector<16xi32>
          %add3A_606 = arith.addi %iota3A, %add3A_605 : vector<16xi32>
          %gather3A_607 = arith.constant 0 : i32
          %gather3A_608 = arith.constant 0 : i32
          %gather3A_609 = tpu.memref_slice %arg5[%scan3A_111, %gather3A_607, %gather3A_608] : memref<2x32x513xf32, #tpu.memory_space<vmem>> -> memref<1x32x513xf32, #tpu.memory_space<vmem>>
          %gather3A_610 = tpu.memref_squeeze %gather3A_609 : memref<1x32x513xf32, #tpu.memory_space<vmem>> -> memref<32x513xf32, #tpu.memory_space<vmem>>
          %gather3A_611 = tpu.vector_load_idx %gather3A_610[%add3A_606, %add3A_603] : memref<32x513xf32, #tpu.memory_space<vmem>>[vector<16xi32>, vector<16xi32>], vector<16xf32>,
          %add3A_612 = arith.constant 16 : i32
          %add3A_613 = vector.broadcast %add3A_612 : i32 to vector<16xi32>
          %add3A_614 = arith.addi %iota3A, %add3A_613 : vector<16xi32>
          %gather3A_615 = arith.constant 0 : i32
          %gather3A_616 = arith.constant 0 : i32
          %gather3A_617 = tpu.memref_slice %arg5[%scan3A_111, %gather3A_615, %gather3A_616] : memref<2x32x513xf32, #tpu.memory_space<vmem>> -> memref<1x32x513xf32, #tpu.memory_space<vmem>>
          %gather3A_618 = tpu.memref_squeeze %gather3A_617 : memref<1x32x513xf32, #tpu.memory_space<vmem>> -> memref<32x513xf32, #tpu.memory_space<vmem>>
          %gather3A_619 = tpu.vector_load_idx %gather3A_618[%add3A_614, %add3A_603] : memref<32x513xf32, #tpu.memory_space<vmem>>[vector<16xi32>, vector<16xi32>], vector<16xf32>,
          %add3A_620 = arith.constant 18 : i32
          %add3A_621 = vector.broadcast %add3A_620 : i32 to vector<16xi32>
          %add3A_622 = arith.addi %broadcast_in_dim3A, %add3A_621 : vector<16xi32>
          %add3A_623 = arith.constant 0 : i32
          %add3A_624 = vector.broadcast %add3A_623 : i32 to vector<16xi32>
          %add3A_625 = arith.addi %iota3A, %add3A_624 : vector<16xi32>
          %gather3A_626 = arith.constant 0 : i32
          %gather3A_627 = arith.constant 0 : i32
          %gather3A_628 = tpu.memref_slice %arg5[%scan3A_111, %gather3A_626, %gather3A_627] : memref<2x32x513xf32, #tpu.memory_space<vmem>> -> memref<1x32x513xf32, #tpu.memory_space<vmem>>
          %gather3A_629 = tpu.memref_squeeze %gather3A_628 : memref<1x32x513xf32, #tpu.memory_space<vmem>> -> memref<32x513xf32, #tpu.memory_space<vmem>>
          %gather3A_630 = tpu.vector_load_idx %gather3A_629[%add3A_625, %add3A_622] : memref<32x513xf32, #tpu.memory_space<vmem>>[vector<16xi32>, vector<16xi32>], vector<16xf32>,
          %add3A_631 = arith.constant 16 : i32
          %add3A_632 = vector.broadcast %add3A_631 : i32 to vector<16xi32>
          %add3A_633 = arith.addi %iota3A, %add3A_632 : vector<16xi32>
          %gather3A_634 = arith.constant 0 : i32
          %gather3A_635 = arith.constant 0 : i32
          %gather3A_636 = tpu.memref_slice %arg5[%scan3A_111, %gather3A_634, %gather3A_635] : memref<2x32x513xf32, #tpu.memory_space<vmem>> -> memref<1x32x513xf32, #tpu.memory_space<vmem>>
          %gather3A_637 = tpu.memref_squeeze %gather3A_636 : memref<1x32x513xf32, #tpu.memory_space<vmem>> -> memref<32x513xf32, #tpu.memory_space<vmem>>
          %gather3A_638 = tpu.vector_load_idx %gather3A_637[%add3A_633, %add3A_622] : memref<32x513xf32, #tpu.memory_space<vmem>>[vector<16xi32>, vector<16xi32>], vector<16xf32>,
          %add3A_639 = arith.constant 19 : i32
          %add3A_640 = vector.broadcast %add3A_639 : i32 to vector<16xi32>
          %add3A_641 = arith.addi %broadcast_in_dim3A, %add3A_640 : vector<16xi32>
          %add3A_642 = arith.constant 0 : i32
          %add3A_643 = vector.broadcast %add3A_642 : i32 to vector<16xi32>
          %add3A_644 = arith.addi %iota3A, %add3A_643 : vector<16xi32>
          %gather3A_645 = arith.constant 0 : i32
          %gather3A_646 = arith.constant 0 : i32
          %gather3A_647 = tpu.memref_slice %arg5[%scan3A_111, %gather3A_645, %gather3A_646] : memref<2x32x513xf32, #tpu.memory_space<vmem>> -> memref<1x32x513xf32, #tpu.memory_space<vmem>>
          %gather3A_648 = tpu.memref_squeeze %gather3A_647 : memref<1x32x513xf32, #tpu.memory_space<vmem>> -> memref<32x513xf32, #tpu.memory_space<vmem>>
          %gather3A_649 = tpu.vector_load_idx %gather3A_648[%add3A_644, %add3A_641] : memref<32x513xf32, #tpu.memory_space<vmem>>[vector<16xi32>, vector<16xi32>], vector<16xf32>,
          %add3A_650 = arith.constant 16 : i32
          %add3A_651 = vector.broadcast %add3A_650 : i32 to vector<16xi32>
          %add3A_652 = arith.addi %iota3A, %add3A_651 : vector<16xi32>
          %gather3A_653 = arith.constant 0 : i32
          %gather3A_654 = arith.constant 0 : i32
          %gather3A_655 = tpu.memref_slice %arg5[%scan3A_111, %gather3A_653, %gather3A_654] : memref<2x32x513xf32, #tpu.memory_space<vmem>> -> memref<1x32x513xf32, #tpu.memory_space<vmem>>
          %gather3A_656 = tpu.memref_squeeze %gather3A_655 : memref<1x32x513xf32, #tpu.memory_space<vmem>> -> memref<32x513xf32, #tpu.memory_space<vmem>>
          %gather3A_657 = tpu.vector_load_idx %gather3A_656[%add3A_652, %add3A_641] : memref<32x513xf32, #tpu.memory_space<vmem>>[vector<16xi32>, vector<16xi32>], vector<16xf32>,
          %add3A_658 = arith.constant 384 : i32
          %add3A_659 = arith.addi %add3A_135, %add3A_658 : i32
          %add3A_660 = arith.constant 0 : i32
          %add3A_661 = arith.addi %add3A_659, %add3A_660 : i32
          %swap3A_662 = arith.index_cast %add3A_661 : i32 to index
          %swap3A_663 = tpu.vector_load %arg6[%swap3A_662] {strides = array<i32>} : memref<32768xf32, #tpu.memory_space<vmem>>, vector<16xf32>,
          tpu.vector_store %arg6[%swap3A_662], %gather3A_468 {strides = array<i32>} : memref<32768xf32, #tpu.memory_space<vmem>>, vector<16xf32>,
          %add3A_664 = arith.constant 384 : i32
          %add3A_665 = arith.addi %add3A_135, %add3A_664 : i32
          %add3A_666 = arith.constant 16 : i32
          %add3A_667 = arith.addi %add3A_665, %add3A_666 : i32
          %swap3A_668 = arith.index_cast %add3A_667 : i32 to index
          %swap3A_669 = tpu.vector_load %arg6[%swap3A_668] {strides = array<i32>} : memref<32768xf32, #tpu.memory_space<vmem>>, vector<16xf32>,
          tpu.vector_store %arg6[%swap3A_668], %gather3A_476 {strides = array<i32>} : memref<32768xf32, #tpu.memory_space<vmem>>, vector<16xf32>,
          %add3A_670 = arith.constant 416 : i32
          %add3A_671 = arith.addi %add3A_135, %add3A_670 : i32
          %add3A_672 = arith.constant 0 : i32
          %add3A_673 = arith.addi %add3A_671, %add3A_672 : i32
          %swap3A_674 = arith.index_cast %add3A_673 : i32 to index
          %swap3A_675 = tpu.vector_load %arg6[%swap3A_674] {strides = array<i32>} : memref<32768xf32, #tpu.memory_space<vmem>>, vector<16xf32>,
          tpu.vector_store %arg6[%swap3A_674], %gather3A_487 {strides = array<i32>} : memref<32768xf32, #tpu.memory_space<vmem>>, vector<16xf32>,
          %add3A_676 = arith.constant 416 : i32
          %add3A_677 = arith.addi %add3A_135, %add3A_676 : i32
          %add3A_678 = arith.constant 16 : i32
          %add3A_679 = arith.addi %add3A_677, %add3A_678 : i32
          %swap3A_680 = arith.index_cast %add3A_679 : i32 to index
          %swap3A_681 = tpu.vector_load %arg6[%swap3A_680] {strides = array<i32>} : memref<32768xf32, #tpu.memory_space<vmem>>, vector<16xf32>,
          tpu.vector_store %arg6[%swap3A_680], %gather3A_495 {strides = array<i32>} : memref<32768xf32, #tpu.memory_space<vmem>>, vector<16xf32>,
          %add3A_682 = arith.constant 448 : i32
          %add3A_683 = arith.addi %add3A_135, %add3A_682 : i32
          %add3A_684 = arith.constant 0 : i32
          %add3A_685 = arith.addi %add3A_683, %add3A_684 : i32
          %swap3A_686 = arith.index_cast %add3A_685 : i32 to index
          %swap3A_687 = tpu.vector_load %arg6[%swap3A_686] {strides = array<i32>} : memref<32768xf32, #tpu.memory_space<vmem>>, vector<16xf32>,
          tpu.vector_store %arg6[%swap3A_686], %gather3A_506 {strides = array<i32>} : memref<32768xf32, #tpu.memory_space<vmem>>, vector<16xf32>,
          %add3A_688 = arith.constant 448 : i32
          %add3A_689 = arith.addi %add3A_135, %add3A_688 : i32
          %add3A_690 = arith.constant 16 : i32
          %add3A_691 = arith.addi %add3A_689, %add3A_690 : i32
          %swap3A_692 = arith.index_cast %add3A_691 : i32 to index
          %swap3A_693 = tpu.vector_load %arg6[%swap3A_692] {strides = array<i32>} : memref<32768xf32, #tpu.memory_space<vmem>>, vector<16xf32>,
          tpu.vector_store %arg6[%swap3A_692], %gather3A_514 {strides = array<i32>} : memref<32768xf32, #tpu.memory_space<vmem>>, vector<16xf32>,
          %add3A_694 = arith.constant 480 : i32
          %add3A_695 = arith.addi %add3A_135, %add3A_694 : i32
          %add3A_696 = arith.constant 0 : i32
          %add3A_697 = arith.addi %add3A_695, %add3A_696 : i32
          %swap3A_698 = arith.index_cast %add3A_697 : i32 to index
          %swap3A_699 = tpu.vector_load %arg6[%swap3A_698] {strides = array<i32>} : memref<32768xf32, #tpu.memory_space<vmem>>, vector<16xf32>,
          tpu.vector_store %arg6[%swap3A_698], %gather3A_525 {strides = array<i32>} : memref<32768xf32, #tpu.memory_space<vmem>>, vector<16xf32>,
          %add3A_700 = arith.constant 480 : i32
          %add3A_701 = arith.addi %add3A_135, %add3A_700 : i32
          %add3A_702 = arith.constant 16 : i32
          %add3A_703 = arith.addi %add3A_701, %add3A_702 : i32
          %swap3A_704 = arith.index_cast %add3A_703 : i32 to index
          %swap3A_705 = tpu.vector_load %arg6[%swap3A_704] {strides = array<i32>} : memref<32768xf32, #tpu.memory_space<vmem>>, vector<16xf32>,
          tpu.vector_store %arg6[%swap3A_704], %gather3A_533 {strides = array<i32>} : memref<32768xf32, #tpu.memory_space<vmem>>, vector<16xf32>,
          %add3A_706 = arith.constant 20 : i32
          %add3A_707 = vector.broadcast %add3A_706 : i32 to vector<16xi32>
          %add3A_708 = arith.addi %broadcast_in_dim3A, %add3A_707 : vector<16xi32>
          %add3A_709 = arith.constant 0 : i32
          %add3A_710 = vector.broadcast %add3A_709 : i32 to vector<16xi32>
          %add3A_711 = arith.addi %iota3A, %add3A_710 : vector<16xi32>
          %gather3A_712 = arith.constant 0 : i32
          %gather3A_713 = arith.constant 0 : i32
          %gather3A_714 = tpu.memref_slice %arg5[%scan3A_111, %gather3A_712, %gather3A_713] : memref<2x32x513xf32, #tpu.memory_space<vmem>> -> memref<1x32x513xf32, #tpu.memory_space<vmem>>
          %gather3A_715 = tpu.memref_squeeze %gather3A_714 : memref<1x32x513xf32, #tpu.memory_space<vmem>> -> memref<32x513xf32, #tpu.memory_space<vmem>>
          %gather3A_716 = tpu.vector_load_idx %gather3A_715[%add3A_711, %add3A_708] : memref<32x513xf32, #tpu.memory_space<vmem>>[vector<16xi32>, vector<16xi32>], vector<16xf32>,
          %add3A_717 = arith.constant 16 : i32
          %add3A_718 = vector.broadcast %add3A_717 : i32 to vector<16xi32>
          %add3A_719 = arith.addi %iota3A, %add3A_718 : vector<16xi32>
          %gather3A_720 = arith.constant 0 : i32
          %gather3A_721 = arith.constant 0 : i32
          %gather3A_722 = tpu.memref_slice %arg5[%scan3A_111, %gather3A_720, %gather3A_721] : memref<2x32x513xf32, #tpu.memory_space<vmem>> -> memref<1x32x513xf32, #tpu.memory_space<vmem>>
          %gather3A_723 = tpu.memref_squeeze %gather3A_722 : memref<1x32x513xf32, #tpu.memory_space<vmem>> -> memref<32x513xf32, #tpu.memory_space<vmem>>
          %gather3A_724 = tpu.vector_load_idx %gather3A_723[%add3A_719, %add3A_708] : memref<32x513xf32, #tpu.memory_space<vmem>>[vector<16xi32>, vector<16xi32>], vector<16xf32>,
          %add3A_725 = arith.constant 21 : i32
          %add3A_726 = vector.broadcast %add3A_725 : i32 to vector<16xi32>
          %add3A_727 = arith.addi %broadcast_in_dim3A, %add3A_726 : vector<16xi32>
          %add3A_728 = arith.constant 0 : i32
          %add3A_729 = vector.broadcast %add3A_728 : i32 to vector<16xi32>
          %add3A_730 = arith.addi %iota3A, %add3A_729 : vector<16xi32>
          %gather3A_731 = arith.constant 0 : i32
          %gather3A_732 = arith.constant 0 : i32
          %gather3A_733 = tpu.memref_slice %arg5[%scan3A_111, %gather3A_731, %gather3A_732] : memref<2x32x513xf32, #tpu.memory_space<vmem>> -> memref<1x32x513xf32, #tpu.memory_space<vmem>>
          %gather3A_734 = tpu.memref_squeeze %gather3A_733 : memref<1x32x513xf32, #tpu.memory_space<vmem>> -> memref<32x513xf32, #tpu.memory_space<vmem>>
          %gather3A_735 = tpu.vector_load_idx %gather3A_734[%add3A_730, %add3A_727] : memref<32x513xf32, #tpu.memory_space<vmem>>[vector<16xi32>, vector<16xi32>], vector<16xf32>,
          %add3A_736 = arith.constant 16 : i32
          %add3A_737 = vector.broadcast %add3A_736 : i32 to vector<16xi32>
          %add3A_738 = arith.addi %iota3A, %add3A_737 : vector<16xi32>
          %gather3A_739 = arith.constant 0 : i32
          %gather3A_740 = arith.constant 0 : i32
          %gather3A_741 = tpu.memref_slice %arg5[%scan3A_111, %gather3A_739, %gather3A_740] : memref<2x32x513xf32, #tpu.memory_space<vmem>> -> memref<1x32x513xf32, #tpu.memory_space<vmem>>
          %gather3A_742 = tpu.memref_squeeze %gather3A_741 : memref<1x32x513xf32, #tpu.memory_space<vmem>> -> memref<32x513xf32, #tpu.memory_space<vmem>>
          %gather3A_743 = tpu.vector_load_idx %gather3A_742[%add3A_738, %add3A_727] : memref<32x513xf32, #tpu.memory_space<vmem>>[vector<16xi32>, vector<16xi32>], vector<16xf32>,
          %add3A_744 = arith.constant 22 : i32
          %add3A_745 = vector.broadcast %add3A_744 : i32 to vector<16xi32>
          %add3A_746 = arith.addi %broadcast_in_dim3A, %add3A_745 : vector<16xi32>
          %add3A_747 = arith.constant 0 : i32
          %add3A_748 = vector.broadcast %add3A_747 : i32 to vector<16xi32>
          %add3A_749 = arith.addi %iota3A, %add3A_748 : vector<16xi32>
          %gather3A_750 = arith.constant 0 : i32
          %gather3A_751 = arith.constant 0 : i32
          %gather3A_752 = tpu.memref_slice %arg5[%scan3A_111, %gather3A_750, %gather3A_751] : memref<2x32x513xf32, #tpu.memory_space<vmem>> -> memref<1x32x513xf32, #tpu.memory_space<vmem>>
          %gather3A_753 = tpu.memref_squeeze %gather3A_752 : memref<1x32x513xf32, #tpu.memory_space<vmem>> -> memref<32x513xf32, #tpu.memory_space<vmem>>
          %gather3A_754 = tpu.vector_load_idx %gather3A_753[%add3A_749, %add3A_746] : memref<32x513xf32, #tpu.memory_space<vmem>>[vector<16xi32>, vector<16xi32>], vector<16xf32>,
          %add3A_755 = arith.constant 16 : i32
          %add3A_756 = vector.broadcast %add3A_755 : i32 to vector<16xi32>
          %add3A_757 = arith.addi %iota3A, %add3A_756 : vector<16xi32>
          %gather3A_758 = arith.constant 0 : i32
          %gather3A_759 = arith.constant 0 : i32
          %gather3A_760 = tpu.memref_slice %arg5[%scan3A_111, %gather3A_758, %gather3A_759] : memref<2x32x513xf32, #tpu.memory_space<vmem>> -> memref<1x32x513xf32, #tpu.memory_space<vmem>>
          %gather3A_761 = tpu.memref_squeeze %gather3A_760 : memref<1x32x513xf32, #tpu.memory_space<vmem>> -> memref<32x513xf32, #tpu.memory_space<vmem>>
          %gather3A_762 = tpu.vector_load_idx %gather3A_761[%add3A_757, %add3A_746] : memref<32x513xf32, #tpu.memory_space<vmem>>[vector<16xi32>, vector<16xi32>], vector<16xf32>,
          %add3A_763 = arith.constant 23 : i32
          %add3A_764 = vector.broadcast %add3A_763 : i32 to vector<16xi32>
          %add3A_765 = arith.addi %broadcast_in_dim3A, %add3A_764 : vector<16xi32>
          %add3A_766 = arith.constant 0 : i32
          %add3A_767 = vector.broadcast %add3A_766 : i32 to vector<16xi32>
          %add3A_768 = arith.addi %iota3A, %add3A_767 : vector<16xi32>
          %gather3A_769 = arith.constant 0 : i32
          %gather3A_770 = arith.constant 0 : i32
          %gather3A_771 = tpu.memref_slice %arg5[%scan3A_111, %gather3A_769, %gather3A_770] : memref<2x32x513xf32, #tpu.memory_space<vmem>> -> memref<1x32x513xf32, #tpu.memory_space<vmem>>
          %gather3A_772 = tpu.memref_squeeze %gather3A_771 : memref<1x32x513xf32, #tpu.memory_space<vmem>> -> memref<32x513xf32, #tpu.memory_space<vmem>>
          %gather3A_773 = tpu.vector_load_idx %gather3A_772[%add3A_768, %add3A_765] : memref<32x513xf32, #tpu.memory_space<vmem>>[vector<16xi32>, vector<16xi32>], vector<16xf32>,
          %add3A_774 = arith.constant 16 : i32
          %add3A_775 = vector.broadcast %add3A_774 : i32 to vector<16xi32>
          %add3A_776 = arith.addi %iota3A, %add3A_775 : vector<16xi32>
          %gather3A_777 = arith.constant 0 : i32
          %gather3A_778 = arith.constant 0 : i32
          %gather3A_779 = tpu.memref_slice %arg5[%scan3A_111, %gather3A_777, %gather3A_778] : memref<2x32x513xf32, #tpu.memory_space<vmem>> -> memref<1x32x513xf32, #tpu.memory_space<vmem>>
          %gather3A_780 = tpu.memref_squeeze %gather3A_779 : memref<1x32x513xf32, #tpu.memory_space<vmem>> -> memref<32x513xf32, #tpu.memory_space<vmem>>
          %gather3A_781 = tpu.vector_load_idx %gather3A_780[%add3A_776, %add3A_765] : memref<32x513xf32, #tpu.memory_space<vmem>>[vector<16xi32>, vector<16xi32>], vector<16xf32>,
          %add3A_782 = arith.constant 512 : i32
          %add3A_783 = arith.addi %add3A_135, %add3A_782 : i32
          %add3A_784 = arith.constant 0 : i32
          %add3A_785 = arith.addi %add3A_783, %add3A_784 : i32
          %swap3A_786 = arith.index_cast %add3A_785 : i32 to index
          %swap3A_787 = tpu.vector_load %arg6[%swap3A_786] {strides = array<i32>} : memref<32768xf32, #tpu.memory_space<vmem>>, vector<16xf32>,
          tpu.vector_store %arg6[%swap3A_786], %gather3A_592 {strides = array<i32>} : memref<32768xf32, #tpu.memory_space<vmem>>, vector<16xf32>,
          %add3A_788 = arith.constant 512 : i32
          %add3A_789 = arith.addi %add3A_135, %add3A_788 : i32
          %add3A_790 = arith.constant 16 : i32
          %add3A_791 = arith.addi %add3A_789, %add3A_790 : i32
          %swap3A_792 = arith.index_cast %add3A_791 : i32 to index
          %swap3A_793 = tpu.vector_load %arg6[%swap3A_792] {strides = array<i32>} : memref<32768xf32, #tpu.memory_space<vmem>>, vector<16xf32>,
          tpu.vector_store %arg6[%swap3A_792], %gather3A_600 {strides = array<i32>} : memref<32768xf32, #tpu.memory_space<vmem>>, vector<16xf32>,
          %add3A_794 = arith.constant 544 : i32
          %add3A_795 = arith.addi %add3A_135, %add3A_794 : i32
          %add3A_796 = arith.constant 0 : i32
          %add3A_797 = arith.addi %add3A_795, %add3A_796 : i32
          %swap3A_798 = arith.index_cast %add3A_797 : i32 to index
          %swap3A_799 = tpu.vector_load %arg6[%swap3A_798] {strides = array<i32>} : memref<32768xf32, #tpu.memory_space<vmem>>, vector<16xf32>,
          tpu.vector_store %arg6[%swap3A_798], %gather3A_611 {strides = array<i32>} : memref<32768xf32, #tpu.memory_space<vmem>>, vector<16xf32>,
          %add3A_800 = arith.constant 544 : i32
          %add3A_801 = arith.addi %add3A_135, %add3A_800 : i32
          %add3A_802 = arith.constant 16 : i32
          %add3A_803 = arith.addi %add3A_801, %add3A_802 : i32
          %swap3A_804 = arith.index_cast %add3A_803 : i32 to index
          %swap3A_805 = tpu.vector_load %arg6[%swap3A_804] {strides = array<i32>} : memref<32768xf32, #tpu.memory_space<vmem>>, vector<16xf32>,
          tpu.vector_store %arg6[%swap3A_804], %gather3A_619 {strides = array<i32>} : memref<32768xf32, #tpu.memory_space<vmem>>, vector<16xf32>,
          %add3A_806 = arith.constant 576 : i32
          %add3A_807 = arith.addi %add3A_135, %add3A_806 : i32
          %add3A_808 = arith.constant 0 : i32
          %add3A_809 = arith.addi %add3A_807, %add3A_808 : i32
          %swap3A_810 = arith.index_cast %add3A_809 : i32 to index
          %swap3A_811 = tpu.vector_load %arg6[%swap3A_810] {strides = array<i32>} : memref<32768xf32, #tpu.memory_space<vmem>>, vector<16xf32>,
          tpu.vector_store %arg6[%swap3A_810], %gather3A_630 {strides = array<i32>} : memref<32768xf32, #tpu.memory_space<vmem>>, vector<16xf32>,
          %add3A_812 = arith.constant 576 : i32
          %add3A_813 = arith.addi %add3A_135, %add3A_812 : i32
          %add3A_814 = arith.constant 16 : i32
          %add3A_815 = arith.addi %add3A_813, %add3A_814 : i32
          %swap3A_816 = arith.index_cast %add3A_815 : i32 to index
          %swap3A_817 = tpu.vector_load %arg6[%swap3A_816] {strides = array<i32>} : memref<32768xf32, #tpu.memory_space<vmem>>, vector<16xf32>,
          tpu.vector_store %arg6[%swap3A_816], %gather3A_638 {strides = array<i32>} : memref<32768xf32, #tpu.memory_space<vmem>>, vector<16xf32>,
          %add3A_818 = arith.constant 608 : i32
          %add3A_819 = arith.addi %add3A_135, %add3A_818 : i32
          %add3A_820 = arith.constant 0 : i32
          %add3A_821 = arith.addi %add3A_819, %add3A_820 : i32
          %swap3A_822 = arith.index_cast %add3A_821 : i32 to index
          %swap3A_823 = tpu.vector_load %arg6[%swap3A_822] {strides = array<i32>} : memref<32768xf32, #tpu.memory_space<vmem>>, vector<16xf32>,
          tpu.vector_store %arg6[%swap3A_822], %gather3A_649 {strides = array<i32>} : memref<32768xf32, #tpu.memory_space<vmem>>, vector<16xf32>,
          %add3A_824 = arith.constant 608 : i32
          %add3A_825 = arith.addi %add3A_135, %add3A_824 : i32
          %add3A_826 = arith.constant 16 : i32
          %add3A_827 = arith.addi %add3A_825, %add3A_826 : i32
          %swap3A_828 = arith.index_cast %add3A_827 : i32 to index
          %swap3A_829 = tpu.vector_load %arg6[%swap3A_828] {strides = array<i32>} : memref<32768xf32, #tpu.memory_space<vmem>>, vector<16xf32>,
          tpu.vector_store %arg6[%swap3A_828], %gather3A_657 {strides = array<i32>} : memref<32768xf32, #tpu.memory_space<vmem>>, vector<16xf32>,
          %add3A_830 = arith.constant 24 : i32
          %add3A_831 = vector.broadcast %add3A_830 : i32 to vector<16xi32>
          %add3A_832 = arith.addi %broadcast_in_dim3A, %add3A_831 : vector<16xi32>
          %add3A_833 = arith.constant 0 : i32
          %add3A_834 = vector.broadcast %add3A_833 : i32 to vector<16xi32>
          %add3A_835 = arith.addi %iota3A, %add3A_834 : vector<16xi32>
          %gather3A_836 = arith.constant 0 : i32
          %gather3A_837 = arith.constant 0 : i32
          %gather3A_838 = tpu.memref_slice %arg5[%scan3A_111, %gather3A_836, %gather3A_837] : memref<2x32x513xf32, #tpu.memory_space<vmem>> -> memref<1x32x513xf32, #tpu.memory_space<vmem>>
          %gather3A_839 = tpu.memref_squeeze %gather3A_838 : memref<1x32x513xf32, #tpu.memory_space<vmem>> -> memref<32x513xf32, #tpu.memory_space<vmem>>
          %gather3A_840 = tpu.vector_load_idx %gather3A_839[%add3A_835, %add3A_832] : memref<32x513xf32, #tpu.memory_space<vmem>>[vector<16xi32>, vector<16xi32>], vector<16xf32>,
          %add3A_841 = arith.constant 16 : i32
          %add3A_842 = vector.broadcast %add3A_841 : i32 to vector<16xi32>
          %add3A_843 = arith.addi %iota3A, %add3A_842 : vector<16xi32>
          %gather3A_844 = arith.constant 0 : i32
          %gather3A_845 = arith.constant 0 : i32
          %gather3A_846 = tpu.memref_slice %arg5[%scan3A_111, %gather3A_844, %gather3A_845] : memref<2x32x513xf32, #tpu.memory_space<vmem>> -> memref<1x32x513xf32, #tpu.memory_space<vmem>>
          %gather3A_847 = tpu.memref_squeeze %gather3A_846 : memref<1x32x513xf32, #tpu.memory_space<vmem>> -> memref<32x513xf32, #tpu.memory_space<vmem>>
          %gather3A_848 = tpu.vector_load_idx %gather3A_847[%add3A_843, %add3A_832] : memref<32x513xf32, #tpu.memory_space<vmem>>[vector<16xi32>, vector<16xi32>], vector<16xf32>,
          %add3A_849 = arith.constant 25 : i32
          %add3A_850 = vector.broadcast %add3A_849 : i32 to vector<16xi32>
          %add3A_851 = arith.addi %broadcast_in_dim3A, %add3A_850 : vector<16xi32>
          %add3A_852 = arith.constant 0 : i32
          %add3A_853 = vector.broadcast %add3A_852 : i32 to vector<16xi32>
          %add3A_854 = arith.addi %iota3A, %add3A_853 : vector<16xi32>
          %gather3A_855 = arith.constant 0 : i32
          %gather3A_856 = arith.constant 0 : i32
          %gather3A_857 = tpu.memref_slice %arg5[%scan3A_111, %gather3A_855, %gather3A_856] : memref<2x32x513xf32, #tpu.memory_space<vmem>> -> memref<1x32x513xf32, #tpu.memory_space<vmem>>
          %gather3A_858 = tpu.memref_squeeze %gather3A_857 : memref<1x32x513xf32, #tpu.memory_space<vmem>> -> memref<32x513xf32, #tpu.memory_space<vmem>>
          %gather3A_859 = tpu.vector_load_idx %gather3A_858[%add3A_854, %add3A_851] : memref<32x513xf32, #tpu.memory_space<vmem>>[vector<16xi32>, vector<16xi32>], vector<16xf32>,
          %add3A_860 = arith.constant 16 : i32
          %add3A_861 = vector.broadcast %add3A_860 : i32 to vector<16xi32>
          %add3A_862 = arith.addi %iota3A, %add3A_861 : vector<16xi32>
          %gather3A_863 = arith.constant 0 : i32
          %gather3A_864 = arith.constant 0 : i32
          %gather3A_865 = tpu.memref_slice %arg5[%scan3A_111, %gather3A_863, %gather3A_864] : memref<2x32x513xf32, #tpu.memory_space<vmem>> -> memref<1x32x513xf32, #tpu.memory_space<vmem>>
          %gather3A_866 = tpu.memref_squeeze %gather3A_865 : memref<1x32x513xf32, #tpu.memory_space<vmem>> -> memref<32x513xf32, #tpu.memory_space<vmem>>
          %gather3A_867 = tpu.vector_load_idx %gather3A_866[%add3A_862, %add3A_851] : memref<32x513xf32, #tpu.memory_space<vmem>>[vector<16xi32>, vector<16xi32>], vector<16xf32>,
          %add3A_868 = arith.constant 26 : i32
          %add3A_869 = vector.broadcast %add3A_868 : i32 to vector<16xi32>
          %add3A_870 = arith.addi %broadcast_in_dim3A, %add3A_869 : vector<16xi32>
          %add3A_871 = arith.constant 0 : i32
          %add3A_872 = vector.broadcast %add3A_871 : i32 to vector<16xi32>
          %add3A_873 = arith.addi %iota3A, %add3A_872 : vector<16xi32>
          %gather3A_874 = arith.constant 0 : i32
          %gather3A_875 = arith.constant 0 : i32
          %gather3A_876 = tpu.memref_slice %arg5[%scan3A_111, %gather3A_874, %gather3A_875] : memref<2x32x513xf32, #tpu.memory_space<vmem>> -> memref<1x32x513xf32, #tpu.memory_space<vmem>>
          %gather3A_877 = tpu.memref_squeeze %gather3A_876 : memref<1x32x513xf32, #tpu.memory_space<vmem>> -> memref<32x513xf32, #tpu.memory_space<vmem>>
          %gather3A_878 = tpu.vector_load_idx %gather3A_877[%add3A_873, %add3A_870] : memref<32x513xf32, #tpu.memory_space<vmem>>[vector<16xi32>, vector<16xi32>], vector<16xf32>,
          %add3A_879 = arith.constant 16 : i32
          %add3A_880 = vector.broadcast %add3A_879 : i32 to vector<16xi32>
          %add3A_881 = arith.addi %iota3A, %add3A_880 : vector<16xi32>
          %gather3A_882 = arith.constant 0 : i32
          %gather3A_883 = arith.constant 0 : i32
          %gather3A_884 = tpu.memref_slice %arg5[%scan3A_111, %gather3A_882, %gather3A_883] : memref<2x32x513xf32, #tpu.memory_space<vmem>> -> memref<1x32x513xf32, #tpu.memory_space<vmem>>
          %gather3A_885 = tpu.memref_squeeze %gather3A_884 : memref<1x32x513xf32, #tpu.memory_space<vmem>> -> memref<32x513xf32, #tpu.memory_space<vmem>>
          %gather3A_886 = tpu.vector_load_idx %gather3A_885[%add3A_881, %add3A_870] : memref<32x513xf32, #tpu.memory_space<vmem>>[vector<16xi32>, vector<16xi32>], vector<16xf32>,
          %add3A_887 = arith.constant 27 : i32
          %add3A_888 = vector.broadcast %add3A_887 : i32 to vector<16xi32>
          %add3A_889 = arith.addi %broadcast_in_dim3A, %add3A_888 : vector<16xi32>
          %add3A_890 = arith.constant 0 : i32
          %add3A_891 = vector.broadcast %add3A_890 : i32 to vector<16xi32>
          %add3A_892 = arith.addi %iota3A, %add3A_891 : vector<16xi32>
          %gather3A_893 = arith.constant 0 : i32
          %gather3A_894 = arith.constant 0 : i32
          %gather3A_895 = tpu.memref_slice %arg5[%scan3A_111, %gather3A_893, %gather3A_894] : memref<2x32x513xf32, #tpu.memory_space<vmem>> -> memref<1x32x513xf32, #tpu.memory_space<vmem>>
          %gather3A_896 = tpu.memref_squeeze %gather3A_895 : memref<1x32x513xf32, #tpu.memory_space<vmem>> -> memref<32x513xf32, #tpu.memory_space<vmem>>
          %gather3A_897 = tpu.vector_load_idx %gather3A_896[%add3A_892, %add3A_889] : memref<32x513xf32, #tpu.memory_space<vmem>>[vector<16xi32>, vector<16xi32>], vector<16xf32>,
          %add3A_898 = arith.constant 16 : i32
          %add3A_899 = vector.broadcast %add3A_898 : i32 to vector<16xi32>
          %add3A_900 = arith.addi %iota3A, %add3A_899 : vector<16xi32>
          %gather3A_901 = arith.constant 0 : i32
          %gather3A_902 = arith.constant 0 : i32
          %gather3A_903 = tpu.memref_slice %arg5[%scan3A_111, %gather3A_901, %gather3A_902] : memref<2x32x513xf32, #tpu.memory_space<vmem>> -> memref<1x32x513xf32, #tpu.memory_space<vmem>>
          %gather3A_904 = tpu.memref_squeeze %gather3A_903 : memref<1x32x513xf32, #tpu.memory_space<vmem>> -> memref<32x513xf32, #tpu.memory_space<vmem>>
          %gather3A_905 = tpu.vector_load_idx %gather3A_904[%add3A_900, %add3A_889] : memref<32x513xf32, #tpu.memory_space<vmem>>[vector<16xi32>, vector<16xi32>], vector<16xf32>,
          %add3A_906 = arith.constant 640 : i32
          %add3A_907 = arith.addi %add3A_135, %add3A_906 : i32
          %add3A_908 = arith.constant 0 : i32
          %add3A_909 = arith.addi %add3A_907, %add3A_908 : i32
          %swap3A_910 = arith.index_cast %add3A_909 : i32 to index
          %swap3A_911 = tpu.vector_load %arg6[%swap3A_910] {strides = array<i32>} : memref<32768xf32, #tpu.memory_space<vmem>>, vector<16xf32>,
          tpu.vector_store %arg6[%swap3A_910], %gather3A_716 {strides = array<i32>} : memref<32768xf32, #tpu.memory_space<vmem>>, vector<16xf32>,
          %add3A_912 = arith.constant 640 : i32
          %add3A_913 = arith.addi %add3A_135, %add3A_912 : i32
          %add3A_914 = arith.constant 16 : i32
          %add3A_915 = arith.addi %add3A_913, %add3A_914 : i32
          %swap3A_916 = arith.index_cast %add3A_915 : i32 to index
          %swap3A_917 = tpu.vector_load %arg6[%swap3A_916] {strides = array<i32>} : memref<32768xf32, #tpu.memory_space<vmem>>, vector<16xf32>,
          tpu.vector_store %arg6[%swap3A_916], %gather3A_724 {strides = array<i32>} : memref<32768xf32, #tpu.memory_space<vmem>>, vector<16xf32>,
          %add3A_918 = arith.constant 672 : i32
          %add3A_919 = arith.addi %add3A_135, %add3A_918 : i32
          %add3A_920 = arith.constant 0 : i32
          %add3A_921 = arith.addi %add3A_919, %add3A_920 : i32
          %swap3A_922 = arith.index_cast %add3A_921 : i32 to index
          %swap3A_923 = tpu.vector_load %arg6[%swap3A_922] {strides = array<i32>} : memref<32768xf32, #tpu.memory_space<vmem>>, vector<16xf32>,
          tpu.vector_store %arg6[%swap3A_922], %gather3A_735 {strides = array<i32>} : memref<32768xf32, #tpu.memory_space<vmem>>, vector<16xf32>,
          %add3A_924 = arith.constant 672 : i32
          %add3A_925 = arith.addi %add3A_135, %add3A_924 : i32
          %add3A_926 = arith.constant 16 : i32
          %add3A_927 = arith.addi %add3A_925, %add3A_926 : i32
          %swap3A_928 = arith.index_cast %add3A_927 : i32 to index
          %swap3A_929 = tpu.vector_load %arg6[%swap3A_928] {strides = array<i32>} : memref<32768xf32, #tpu.memory_space<vmem>>, vector<16xf32>,
          tpu.vector_store %arg6[%swap3A_928], %gather3A_743 {strides = array<i32>} : memref<32768xf32, #tpu.memory_space<vmem>>, vector<16xf32>,
          %add3A_930 = arith.constant 704 : i32
          %add3A_931 = arith.addi %add3A_135, %add3A_930 : i32
          %add3A_932 = arith.constant 0 : i32
          %add3A_933 = arith.addi %add3A_931, %add3A_932 : i32
          %swap3A_934 = arith.index_cast %add3A_933 : i32 to index
          %swap3A_935 = tpu.vector_load %arg6[%swap3A_934] {strides = array<i32>} : memref<32768xf32, #tpu.memory_space<vmem>>, vector<16xf32>,
          tpu.vector_store %arg6[%swap3A_934], %gather3A_754 {strides = array<i32>} : memref<32768xf32, #tpu.memory_space<vmem>>, vector<16xf32>,
          %add3A_936 = arith.constant 704 : i32
          %add3A_937 = arith.addi %add3A_135, %add3A_936 : i32
          %add3A_938 = arith.constant 16 : i32
          %add3A_939 = arith.addi %add3A_937, %add3A_938 : i32
          %swap3A_940 = arith.index_cast %add3A_939 : i32 to index
          %swap3A_941 = tpu.vector_load %arg6[%swap3A_940] {strides = array<i32>} : memref<32768xf32, #tpu.memory_space<vmem>>, vector<16xf32>,
          tpu.vector_store %arg6[%swap3A_940], %gather3A_762 {strides = array<i32>} : memref<32768xf32, #tpu.memory_space<vmem>>, vector<16xf32>,
          %add3A_942 = arith.constant 736 : i32
          %add3A_943 = arith.addi %add3A_135, %add3A_942 : i32
          %add3A_944 = arith.constant 0 : i32
          %add3A_945 = arith.addi %add3A_943, %add3A_944 : i32
          %swap3A_946 = arith.index_cast %add3A_945 : i32 to index
          %swap3A_947 = tpu.vector_load %arg6[%swap3A_946] {strides = array<i32>} : memref<32768xf32, #tpu.memory_space<vmem>>, vector<16xf32>,
          tpu.vector_store %arg6[%swap3A_946], %gather3A_773 {strides = array<i32>} : memref<32768xf32, #tpu.memory_space<vmem>>, vector<16xf32>,
          %add3A_948 = arith.constant 736 : i32
          %add3A_949 = arith.addi %add3A_135, %add3A_948 : i32
          %add3A_950 = arith.constant 16 : i32
          %add3A_951 = arith.addi %add3A_949, %add3A_950 : i32
          %swap3A_952 = arith.index_cast %add3A_951 : i32 to index
          %swap3A_953 = tpu.vector_load %arg6[%swap3A_952] {strides = array<i32>} : memref<32768xf32, #tpu.memory_space<vmem>>, vector<16xf32>,
          tpu.vector_store %arg6[%swap3A_952], %gather3A_781 {strides = array<i32>} : memref<32768xf32, #tpu.memory_space<vmem>>, vector<16xf32>,
          %add3A_954 = arith.constant 28 : i32
          %add3A_955 = vector.broadcast %add3A_954 : i32 to vector<16xi32>
          %add3A_956 = arith.addi %broadcast_in_dim3A, %add3A_955 : vector<16xi32>
          %add3A_957 = arith.constant 0 : i32
          %add3A_958 = vector.broadcast %add3A_957 : i32 to vector<16xi32>
          %add3A_959 = arith.addi %iota3A, %add3A_958 : vector<16xi32>
          %gather3A_960 = arith.constant 0 : i32
          %gather3A_961 = arith.constant 0 : i32
          %gather3A_962 = tpu.memref_slice %arg5[%scan3A_111, %gather3A_960, %gather3A_961] : memref<2x32x513xf32, #tpu.memory_space<vmem>> -> memref<1x32x513xf32, #tpu.memory_space<vmem>>
          %gather3A_963 = tpu.memref_squeeze %gather3A_962 : memref<1x32x513xf32, #tpu.memory_space<vmem>> -> memref<32x513xf32, #tpu.memory_space<vmem>>
          %gather3A_964 = tpu.vector_load_idx %gather3A_963[%add3A_959, %add3A_956] : memref<32x513xf32, #tpu.memory_space<vmem>>[vector<16xi32>, vector<16xi32>], vector<16xf32>,
          %add3A_965 = arith.constant 16 : i32
          %add3A_966 = vector.broadcast %add3A_965 : i32 to vector<16xi32>
          %add3A_967 = arith.addi %iota3A, %add3A_966 : vector<16xi32>
          %gather3A_968 = arith.constant 0 : i32
          %gather3A_969 = arith.constant 0 : i32
          %gather3A_970 = tpu.memref_slice %arg5[%scan3A_111, %gather3A_968, %gather3A_969] : memref<2x32x513xf32, #tpu.memory_space<vmem>> -> memref<1x32x513xf32, #tpu.memory_space<vmem>>
          %gather3A_971 = tpu.memref_squeeze %gather3A_970 : memref<1x32x513xf32, #tpu.memory_space<vmem>> -> memref<32x513xf32, #tpu.memory_space<vmem>>
          %gather3A_972 = tpu.vector_load_idx %gather3A_971[%add3A_967, %add3A_956] : memref<32x513xf32, #tpu.memory_space<vmem>>[vector<16xi32>, vector<16xi32>], vector<16xf32>,
          %add3A_973 = arith.constant 29 : i32
          %add3A_974 = vector.broadcast %add3A_973 : i32 to vector<16xi32>
          %add3A_975 = arith.addi %broadcast_in_dim3A, %add3A_974 : vector<16xi32>
          %add3A_976 = arith.constant 0 : i32
          %add3A_977 = vector.broadcast %add3A_976 : i32 to vector<16xi32>
          %add3A_978 = arith.addi %iota3A, %add3A_977 : vector<16xi32>
          %gather3A_979 = arith.constant 0 : i32
          %gather3A_980 = arith.constant 0 : i32
          %gather3A_981 = tpu.memref_slice %arg5[%scan3A_111, %gather3A_979, %gather3A_980] : memref<2x32x513xf32, #tpu.memory_space<vmem>> -> memref<1x32x513xf32, #tpu.memory_space<vmem>>
          %gather3A_982 = tpu.memref_squeeze %gather3A_981 : memref<1x32x513xf32, #tpu.memory_space<vmem>> -> memref<32x513xf32, #tpu.memory_space<vmem>>
          %gather3A_983 = tpu.vector_load_idx %gather3A_982[%add3A_978, %add3A_975] : memref<32x513xf32, #tpu.memory_space<vmem>>[vector<16xi32>, vector<16xi32>], vector<16xf32>,
          %add3A_984 = arith.constant 16 : i32
          %add3A_985 = vector.broadcast %add3A_984 : i32 to vector<16xi32>
          %add3A_986 = arith.addi %iota3A, %add3A_985 : vector<16xi32>
          %gather3A_987 = arith.constant 0 : i32
          %gather3A_988 = arith.constant 0 : i32
          %gather3A_989 = tpu.memref_slice %arg5[%scan3A_111, %gather3A_987, %gather3A_988] : memref<2x32x513xf32, #tpu.memory_space<vmem>> -> memref<1x32x513xf32, #tpu.memory_space<vmem>>
          %gather3A_990 = tpu.memref_squeeze %gather3A_989 : memref<1x32x513xf32, #tpu.memory_space<vmem>> -> memref<32x513xf32, #tpu.memory_space<vmem>>
          %gather3A_991 = tpu.vector_load_idx %gather3A_990[%add3A_986, %add3A_975] : memref<32x513xf32, #tpu.memory_space<vmem>>[vector<16xi32>, vector<16xi32>], vector<16xf32>,
          %add3A_992 = arith.constant 30 : i32
          %add3A_993 = vector.broadcast %add3A_992 : i32 to vector<16xi32>
          %add3A_994 = arith.addi %broadcast_in_dim3A, %add3A_993 : vector<16xi32>
          %add3A_995 = arith.constant 0 : i32
          %add3A_996 = vector.broadcast %add3A_995 : i32 to vector<16xi32>
          %add3A_997 = arith.addi %iota3A, %add3A_996 : vector<16xi32>
          %gather3A_998 = arith.constant 0 : i32
          %gather3A_999 = arith.constant 0 : i32
          %gather3A_1000 = tpu.memref_slice %arg5[%scan3A_111, %gather3A_998, %gather3A_999] : memref<2x32x513xf32, #tpu.memory_space<vmem>> -> memref<1x32x513xf32, #tpu.memory_space<vmem>>
          %gather3A_1001 = tpu.memref_squeeze %gather3A_1000 : memref<1x32x513xf32, #tpu.memory_space<vmem>> -> memref<32x513xf32, #tpu.memory_space<vmem>>
          %gather3A_1002 = tpu.vector_load_idx %gather3A_1001[%add3A_997, %add3A_994] : memref<32x513xf32, #tpu.memory_space<vmem>>[vector<16xi32>, vector<16xi32>], vector<16xf32>,
          %add3A_1003 = arith.constant 16 : i32
          %add3A_1004 = vector.broadcast %add3A_1003 : i32 to vector<16xi32>
          %add3A_1005 = arith.addi %iota3A, %add3A_1004 : vector<16xi32>
          %gather3A_1006 = arith.constant 0 : i32
          %gather3A_1007 = arith.constant 0 : i32
          %gather3A_1008 = tpu.memref_slice %arg5[%scan3A_111, %gather3A_1006, %gather3A_1007] : memref<2x32x513xf32, #tpu.memory_space<vmem>> -> memref<1x32x513xf32, #tpu.memory_space<vmem>>
          %gather3A_1009 = tpu.memref_squeeze %gather3A_1008 : memref<1x32x513xf32, #tpu.memory_space<vmem>> -> memref<32x513xf32, #tpu.memory_space<vmem>>
          %gather3A_1010 = tpu.vector_load_idx %gather3A_1009[%add3A_1005, %add3A_994] : memref<32x513xf32, #tpu.memory_space<vmem>>[vector<16xi32>, vector<16xi32>], vector<16xf32>,
          %add3A_1011 = arith.constant 31 : i32
          %add3A_1012 = vector.broadcast %add3A_1011 : i32 to vector<16xi32>
          %add3A_1013 = arith.addi %broadcast_in_dim3A, %add3A_1012 : vector<16xi32>
          %add3A_1014 = arith.constant 0 : i32
          %add3A_1015 = vector.broadcast %add3A_1014 : i32 to vector<16xi32>
          %add3A_1016 = arith.addi %iota3A, %add3A_1015 : vector<16xi32>
          %gather3A_1017 = arith.constant 0 : i32
          %gather3A_1018 = arith.constant 0 : i32
          %gather3A_1019 = tpu.memref_slice %arg5[%scan3A_111, %gather3A_1017, %gather3A_1018] : memref<2x32x513xf32, #tpu.memory_space<vmem>> -> memref<1x32x513xf32, #tpu.memory_space<vmem>>
          %gather3A_1020 = tpu.memref_squeeze %gather3A_1019 : memref<1x32x513xf32, #tpu.memory_space<vmem>> -> memref<32x513xf32, #tpu.memory_space<vmem>>
          %gather3A_1021 = tpu.vector_load_idx %gather3A_1020[%add3A_1016, %add3A_1013] : memref<32x513xf32, #tpu.memory_space<vmem>>[vector<16xi32>, vector<16xi32>], vector<16xf32>,
          %add3A_1022 = arith.constant 16 : i32
          %add3A_1023 = vector.broadcast %add3A_1022 : i32 to vector<16xi32>
          %add3A_1024 = arith.addi %iota3A, %add3A_1023 : vector<16xi32>
          %gather3A_1025 = arith.constant 0 : i32
          %gather3A_1026 = arith.constant 0 : i32
          %gather3A_1027 = tpu.memref_slice %arg5[%scan3A_111, %gather3A_1025, %gather3A_1026] : memref<2x32x513xf32, #tpu.memory_space<vmem>> -> memref<1x32x513xf32, #tpu.memory_space<vmem>>
          %gather3A_1028 = tpu.memref_squeeze %gather3A_1027 : memref<1x32x513xf32, #tpu.memory_space<vmem>> -> memref<32x513xf32, #tpu.memory_space<vmem>>
          %gather3A_1029 = tpu.vector_load_idx %gather3A_1028[%add3A_1024, %add3A_1013] : memref<32x513xf32, #tpu.memory_space<vmem>>[vector<16xi32>, vector<16xi32>], vector<16xf32>,
          %add3A_1030 = arith.constant 768 : i32
          %add3A_1031 = arith.addi %add3A_135, %add3A_1030 : i32
          %add3A_1032 = arith.constant 0 : i32
          %add3A_1033 = arith.addi %add3A_1031, %add3A_1032 : i32
          %swap3A_1034 = arith.index_cast %add3A_1033 : i32 to index
          %swap3A_1035 = tpu.vector_load %arg6[%swap3A_1034] {strides = array<i32>} : memref<32768xf32, #tpu.memory_space<vmem>>, vector<16xf32>,
          tpu.vector_store %arg6[%swap3A_1034], %gather3A_840 {strides = array<i32>} : memref<32768xf32, #tpu.memory_space<vmem>>, vector<16xf32>,
          %add3A_1036 = arith.constant 768 : i32
          %add3A_1037 = arith.addi %add3A_135, %add3A_1036 : i32
          %add3A_1038 = arith.constant 16 : i32
          %add3A_1039 = arith.addi %add3A_1037, %add3A_1038 : i32
          %swap3A_1040 = arith.index_cast %add3A_1039 : i32 to index
          %swap3A_1041 = tpu.vector_load %arg6[%swap3A_1040] {strides = array<i32>} : memref<32768xf32, #tpu.memory_space<vmem>>, vector<16xf32>,
          tpu.vector_store %arg6[%swap3A_1040], %gather3A_848 {strides = array<i32>} : memref<32768xf32, #tpu.memory_space<vmem>>, vector<16xf32>,
          %add3A_1042 = arith.constant 800 : i32
          %add3A_1043 = arith.addi %add3A_135, %add3A_1042 : i32
          %add3A_1044 = arith.constant 0 : i32
          %add3A_1045 = arith.addi %add3A_1043, %add3A_1044 : i32
          %swap3A_1046 = arith.index_cast %add3A_1045 : i32 to index
          %swap3A_1047 = tpu.vector_load %arg6[%swap3A_1046] {strides = array<i32>} : memref<32768xf32, #tpu.memory_space<vmem>>, vector<16xf32>,
          tpu.vector_store %arg6[%swap3A_1046], %gather3A_859 {strides = array<i32>} : memref<32768xf32, #tpu.memory_space<vmem>>, vector<16xf32>,
          %add3A_1048 = arith.constant 800 : i32
          %add3A_1049 = arith.addi %add3A_135, %add3A_1048 : i32
          %add3A_1050 = arith.constant 16 : i32
          %add3A_1051 = arith.addi %add3A_1049, %add3A_1050 : i32
          %swap3A_1052 = arith.index_cast %add3A_1051 : i32 to index
          %swap3A_1053 = tpu.vector_load %arg6[%swap3A_1052] {strides = array<i32>} : memref<32768xf32, #tpu.memory_space<vmem>>, vector<16xf32>,
          tpu.vector_store %arg6[%swap3A_1052], %gather3A_867 {strides = array<i32>} : memref<32768xf32, #tpu.memory_space<vmem>>, vector<16xf32>,
          %add3A_1054 = arith.constant 832 : i32
          %add3A_1055 = arith.addi %add3A_135, %add3A_1054 : i32
          %add3A_1056 = arith.constant 0 : i32
          %add3A_1057 = arith.addi %add3A_1055, %add3A_1056 : i32
          %swap3A_1058 = arith.index_cast %add3A_1057 : i32 to index
          %swap3A_1059 = tpu.vector_load %arg6[%swap3A_1058] {strides = array<i32>} : memref<32768xf32, #tpu.memory_space<vmem>>, vector<16xf32>,
          tpu.vector_store %arg6[%swap3A_1058], %gather3A_878 {strides = array<i32>} : memref<32768xf32, #tpu.memory_space<vmem>>, vector<16xf32>,
          %add3A_1060 = arith.constant 832 : i32
          %add3A_1061 = arith.addi %add3A_135, %add3A_1060 : i32
          %add3A_1062 = arith.constant 16 : i32
          %add3A_1063 = arith.addi %add3A_1061, %add3A_1062 : i32
          %swap3A_1064 = arith.index_cast %add3A_1063 : i32 to index
          %swap3A_1065 = tpu.vector_load %arg6[%swap3A_1064] {strides = array<i32>} : memref<32768xf32, #tpu.memory_space<vmem>>, vector<16xf32>,
          tpu.vector_store %arg6[%swap3A_1064], %gather3A_886 {strides = array<i32>} : memref<32768xf32, #tpu.memory_space<vmem>>, vector<16xf32>,
          %add3A_1066 = arith.constant 864 : i32
          %add3A_1067 = arith.addi %add3A_135, %add3A_1066 : i32
          %add3A_1068 = arith.constant 0 : i32
          %add3A_1069 = arith.addi %add3A_1067, %add3A_1068 : i32
          %swap3A_1070 = arith.index_cast %add3A_1069 : i32 to index
          %swap3A_1071 = tpu.vector_load %arg6[%swap3A_1070] {strides = array<i32>} : memref<32768xf32, #tpu.memory_space<vmem>>, vector<16xf32>,
          tpu.vector_store %arg6[%swap3A_1070], %gather3A_897 {strides = array<i32>} : memref<32768xf32, #tpu.memory_space<vmem>>, vector<16xf32>,
          %add3A_1072 = arith.constant 864 : i32
          %add3A_1073 = arith.addi %add3A_135, %add3A_1072 : i32
          %add3A_1074 = arith.constant 16 : i32
          %add3A_1075 = arith.addi %add3A_1073, %add3A_1074 : i32
          %swap3A_1076 = arith.index_cast %add3A_1075 : i32 to index
          %swap3A_1077 = tpu.vector_load %arg6[%swap3A_1076] {strides = array<i32>} : memref<32768xf32, #tpu.memory_space<vmem>>, vector<16xf32>,
          tpu.vector_store %arg6[%swap3A_1076], %gather3A_905 {strides = array<i32>} : memref<32768xf32, #tpu.memory_space<vmem>>, vector<16xf32>,
          %add3A_1078 = arith.constant 896 : i32
          %add3A_1079 = arith.addi %add3A_135, %add3A_1078 : i32
          %add3A_1080 = arith.constant 0 : i32
          %add3A_1081 = arith.addi %add3A_1079, %add3A_1080 : i32
          %swap3A_1082 = arith.index_cast %add3A_1081 : i32 to index
          %swap3A_1083 = tpu.vector_load %arg6[%swap3A_1082] {strides = array<i32>} : memref<32768xf32, #tpu.memory_space<vmem>>, vector<16xf32>,
          tpu.vector_store %arg6[%swap3A_1082], %gather3A_964 {strides = array<i32>} : memref<32768xf32, #tpu.memory_space<vmem>>, vector<16xf32>,
          %add3A_1084 = arith.constant 896 : i32
          %add3A_1085 = arith.addi %add3A_135, %add3A_1084 : i32
          %add3A_1086 = arith.constant 16 : i32
          %add3A_1087 = arith.addi %add3A_1085, %add3A_1086 : i32
          %swap3A_1088 = arith.index_cast %add3A_1087 : i32 to index
          %swap3A_1089 = tpu.vector_load %arg6[%swap3A_1088] {strides = array<i32>} : memref<32768xf32, #tpu.memory_space<vmem>>, vector<16xf32>,
          tpu.vector_store %arg6[%swap3A_1088], %gather3A_972 {strides = array<i32>} : memref<32768xf32, #tpu.memory_space<vmem>>, vector<16xf32>,
          %add3A_1090 = arith.constant 928 : i32
          %add3A_1091 = arith.addi %add3A_135, %add3A_1090 : i32
          %add3A_1092 = arith.constant 0 : i32
          %add3A_1093 = arith.addi %add3A_1091, %add3A_1092 : i32
          %swap3A_1094 = arith.index_cast %add3A_1093 : i32 to index
          %swap3A_1095 = tpu.vector_load %arg6[%swap3A_1094] {strides = array<i32>} : memref<32768xf32, #tpu.memory_space<vmem>>, vector<16xf32>,
          tpu.vector_store %arg6[%swap3A_1094], %gather3A_983 {strides = array<i32>} : memref<32768xf32, #tpu.memory_space<vmem>>, vector<16xf32>,
          %add3A_1096 = arith.constant 928 : i32
          %add3A_1097 = arith.addi %add3A_135, %add3A_1096 : i32
          %add3A_1098 = arith.constant 16 : i32
          %add3A_1099 = arith.addi %add3A_1097, %add3A_1098 : i32
          %swap3A_1100 = arith.index_cast %add3A_1099 : i32 to index
          %swap3A_1101 = tpu.vector_load %arg6[%swap3A_1100] {strides = array<i32>} : memref<32768xf32, #tpu.memory_space<vmem>>, vector<16xf32>,
          tpu.vector_store %arg6[%swap3A_1100], %gather3A_991 {strides = array<i32>} : memref<32768xf32, #tpu.memory_space<vmem>>, vector<16xf32>,
          %add3A_1102 = arith.constant 960 : i32
          %add3A_1103 = arith.addi %add3A_135, %add3A_1102 : i32
          %add3A_1104 = arith.constant 0 : i32
          %add3A_1105 = arith.addi %add3A_1103, %add3A_1104 : i32
          %swap3A_1106 = arith.index_cast %add3A_1105 : i32 to index
          %swap3A_1107 = tpu.vector_load %arg6[%swap3A_1106] {strides = array<i32>} : memref<32768xf32, #tpu.memory_space<vmem>>, vector<16xf32>,
          tpu.vector_store %arg6[%swap3A_1106], %gather3A_1002 {strides = array<i32>} : memref<32768xf32, #tpu.memory_space<vmem>>, vector<16xf32>,
          %add3A_1108 = arith.constant 960 : i32
          %add3A_1109 = arith.addi %add3A_135, %add3A_1108 : i32
          %add3A_1110 = arith.constant 16 : i32
          %add3A_1111 = arith.addi %add3A_1109, %add3A_1110 : i32
          %swap3A_1112 = arith.index_cast %add3A_1111 : i32 to index
          %swap3A_1113 = tpu.vector_load %arg6[%swap3A_1112] {strides = array<i32>} : memref<32768xf32, #tpu.memory_space<vmem>>, vector<16xf32>,
          tpu.vector_store %arg6[%swap3A_1112], %gather3A_1010 {strides = array<i32>} : memref<32768xf32, #tpu.memory_space<vmem>>, vector<16xf32>,
          %add3A_1114 = arith.constant 992 : i32
          %add3A_1115 = arith.addi %add3A_135, %add3A_1114 : i32
          %add3A_1116 = arith.constant 0 : i32
          %add3A_1117 = arith.addi %add3A_1115, %add3A_1116 : i32
          %swap3A_1118 = arith.index_cast %add3A_1117 : i32 to index
          %swap3A_1119 = tpu.vector_load %arg6[%swap3A_1118] {strides = array<i32>} : memref<32768xf32, #tpu.memory_space<vmem>>, vector<16xf32>,
          tpu.vector_store %arg6[%swap3A_1118], %gather3A_1021 {strides = array<i32>} : memref<32768xf32, #tpu.memory_space<vmem>>, vector<16xf32>,
          %add3A_1120 = arith.constant 992 : i32
          %add3A_1121 = arith.addi %add3A_135, %add3A_1120 : i32
          %add3A_1122 = arith.constant 16 : i32
          %add3A_1123 = arith.addi %add3A_1121, %add3A_1122 : i32
          %swap3A_1124 = arith.index_cast %add3A_1123 : i32 to index
          %swap3A_1125 = tpu.vector_load %arg6[%swap3A_1124] {strides = array<i32>} : memref<32768xf32, #tpu.memory_space<vmem>>, vector<16xf32>,
          tpu.vector_store %arg6[%swap3A_1124], %gather3A_1029 {strides = array<i32>} : memref<32768xf32, #tpu.memory_space<vmem>>, vector<16xf32>,
        }
        %scan3A_116 = arith.constant 16 : i32
        %mul3A_117 = arith.constant 32 : i32
        %mul3A_118 = arith.muli %mul3A_117, %add3A_32 : i32
        %add3A_119 = arith.addi %add3A, %mul3A_118 : i32
        %mul3A_120 = arith.constant 512 : i32
        %mul3A_121 = arith.muli %add3A_119, %mul3A_120 : i32
        %mul3A_122 = arith.constant 32 : i32
        %mul3A_123 = arith.muli %mul3A_121, %mul3A_122 : i32
        %dma_start3A = arith.constant 0 : i32
        %dma_start3A_124 = tpu.memref_slice %arg6[%dma_start3A] : memref<32768xf32, #tpu.memory_space<vmem>> -> memref<16384xf32, #tpu.memory_space<vmem>>
        %dma_start3A_125 = tpu.memref_slice %arg4[%mul3A_123] : memref<32000000xf32, #tpu.memory_space<hbm>> -> memref<16384xf32, #tpu.memory_space<hbm>>
        %dma_start3A_126 = tpu.memref_slice %arg4[%mul3A_123] : memref<32000000xf32, #tpu.memory_space<hbm>> -> memref<16384xf32, #tpu.memory_space<hbm>>
        %dma_start3A_127 = arith.constant 0 : i32
        %dma_start3A_128 = tpu.memref_slice %arg6[%dma_start3A_127] : memref<32768xf32, #tpu.memory_space<vmem>> -> memref<16384xf32, #tpu.memory_space<vmem>>
        tpu.enqueue_dma source(%dma_start3A_128 : memref<16384xf32, #tpu.memory_space<vmem>>) target(%dma_start3A_126 : memref<16384xf32, #tpu.memory_space<hbm>>) target_semaphore(%arg9 : memref<!tpu.dma_semaphore, #tpu.memory_space<semaphore_mem>>)
      } else {
      }
      %mul3A_61 = arith.constant 2 : i32
      %mul3A_62 = arith.muli %mul3A_61, %scan3A_28 : i32
      %add3A_63 = arith.constant 1 : i32
      %add3A_64 = arith.addi %mul3A_62, %add3A_63 : i32
      %add3A_65 = arith.constant 1 : i32
      %add3A_66 = arith.addi %add3A_64, %add3A_65 : i32
      %mul3A_67 = arith.constant 32 : i32
      %mul3A_68 = arith.muli %mul3A_67, %add3A_66 : i32
      %add3A_69 = arith.addi %add3A, %mul3A_68 : i32
      %lt3A_70 = arith.constant 1953 : i32
      %lt3A_71 = arith.cmpi slt, %add3A_69, %lt3A_70 : i32
      %convert_element_type3A_72 = arith.extui %lt3A_71 : i1 to i32
      %cond3A_73 = arith.constant 0 : i32
      %cond3A_74 = arith.cmpi ne, %convert_element_type3A_72, %cond3A_73 : i32
      scf.if %cond3A_74 {
        %add3A_96 = arith.constant 1 : i32
        %add3A_97 = arith.addi %add3A_64, %add3A_96 : i32
        %mul3A_98 = arith.constant 32 : i32
        %mul3A_99 = arith.muli %mul3A_98, %add3A_97 : i32
        %add3A_100 = arith.addi %add3A, %mul3A_99 : i32
        %mul3A_101 = arith.constant 512 : i32
        %mul3A_102 = arith.muli %add3A_100, %mul3A_101 : i32
        %dma_start3A = arith.constant 0 : i32
        %dma_start3A_103 = arith.constant 0 : i32
        %dma_start3A_104 = arith.constant 0 : i32
        %dma_start3A_105 = tpu.memref_slice %arg5[%dma_start3A, %dma_start3A_103, %dma_start3A_104] : memref<2x32x513xf32, #tpu.memory_space<vmem>> -> memref<1x32x512xf32, #tpu.memory_space<vmem>>
        %dma_start3A_106 = tpu.memref_squeeze %dma_start3A_105 : memref<1x32x512xf32, #tpu.memory_space<vmem>> -> memref<32x512xf32, #tpu.memory_space<vmem>>
        %dma_start3A_107 = arith.constant 0 : i32
        %dma_start3A_108 = tpu.memref_slice %arg2[%dma_start3A_107, %mul3A_102] : memref<32x1000000xf32, #tpu.memory_space<hbm>> -> memref<32x512xf32, #tpu.memory_space<hbm>>
        %dma_start3A_109 = arith.constant 0 : i32
        %dma_start3A_110 = arith.constant 0 : i32
        %dma_start3A_111 = tpu.memref_slice %arg5[%dma_start3A, %dma_start3A_109, %dma_start3A_110] : memref<2x32x513xf32, #tpu.memory_space<vmem>> -> memref<1x32x512xf32, #tpu.memory_space<vmem>>
        %dma_start3A_112 = tpu.memref_squeeze %dma_start3A_111 : memref<1x32x512xf32, #tpu.memory_space<vmem>> -> memref<32x512xf32, #tpu.memory_space<vmem>>
        %dma_start3A_113 = arith.constant 0 : i32
        %dma_start3A_114 = tpu.memref_slice %arg2[%dma_start3A_113, %mul3A_102] : memref<32x1000000xf32, #tpu.memory_space<hbm>> -> memref<32x512xf32, #tpu.memory_space<hbm>>
        tpu.enqueue_dma source(%dma_start3A_114 : memref<32x512xf32, #tpu.memory_space<hbm>>) target(%dma_start3A_112 : memref<32x512xf32, #tpu.memory_space<vmem>>) target_semaphore(%arg7 : memref<!tpu.dma_semaphore, #tpu.memory_space<semaphore_mem>>)
      } else {
      }
      %ge3A_75 = arith.constant 1 : i32
      %ge3A_76 = arith.cmpi sge, %scan3A_28, %ge3A_75 : i32
      %sub3A_77 = arith.constant 2 : i32
      %sub3A_78 = arith.subi %add3A_64, %sub3A_77 : i32
      %mul3A_79 = arith.constant 32 : i32
      %mul3A_80 = arith.muli %mul3A_79, %sub3A_78 : i32
      %add3A_81 = arith.addi %add3A, %mul3A_80 : i32
      %lt3A_82 = arith.constant 1953 : i32
      %lt3A_83 = arith.cmpi slt, %add3A_81, %lt3A_82 : i32
      %and3A_84 = arith.andi %ge3A_76, %lt3A_83 : i1
      %convert_element_type3A_85 = arith.extui %and3A_84 : i1 to i32
      %cond3A_86 = arith.constant 0 : i32
      %cond3A_87 = arith.cmpi ne, %convert_element_type3A_85, %cond3A_86 : i32
      scf.if %cond3A_87 {
        %dma_wait3A = arith.constant 16384 : i32
        %dma_wait3A_96 = tpu.memref_slice %arg6[%dma_wait3A] : memref<32768xf32, #tpu.memory_space<vmem>> -> memref<16384xf32, #tpu.memory_space<vmem>>
        %dma_wait3A_97 = arith.constant 0 : i32
        %dma_wait3A_98 = tpu.memref_slice %arg4[%dma_wait3A_97] : memref<32000000xf32, #tpu.memory_space<hbm>> -> memref<16384xf32, #tpu.memory_space<hbm>>
        %dma_wait3A_99 = arith.constant 0 : i32
        %dma_wait3A_100 = tpu.memref_slice %arg4[%dma_wait3A_99] : memref<32000000xf32, #tpu.memory_space<hbm>> -> memref<16384xf32, #tpu.memory_space<hbm>>
        %dma_wait3A_101 = arith.constant 16384 : i32
        %dma_wait3A_102 = tpu.memref_slice %arg6[%dma_wait3A_101] : memref<32768xf32, #tpu.memory_space<vmem>> -> memref<16384xf32, #tpu.memory_space<vmem>>
        tpu.wait_dma2 semaphore(%arg10 : memref<!tpu.dma_semaphore, #tpu.memory_space<semaphore_mem>>) src(%dma_wait3A_102 : memref<16384xf32, #tpu.memory_space<vmem>>) dst(%dma_wait3A_100 : memref<16384xf32, #tpu.memory_space<hbm>>)
      } else {
      }
      %mul3A_88 = arith.constant 32 : i32
      %mul3A_89 = arith.muli %mul3A_88, %add3A_64 : i32
      %add3A_90 = arith.addi %add3A, %mul3A_89 : i32
      %lt3A_91 = arith.constant 1953 : i32
      %lt3A_92 = arith.cmpi slt, %add3A_90, %lt3A_91 : i32
      %convert_element_type3A_93 = arith.extui %lt3A_92 : i1 to i32
      %cond3A_94 = arith.constant 0 : i32
      %cond3A_95 = arith.cmpi ne, %convert_element_type3A_93, %cond3A_94 : i32
      scf.if %cond3A_95 {
        %dma_wait3A = arith.constant 1 : i32
        %dma_wait3A_96 = arith.constant 0 : i32
        %dma_wait3A_97 = arith.constant 0 : i32
        %dma_wait3A_98 = tpu.memref_slice %arg5[%dma_wait3A, %dma_wait3A_96, %dma_wait3A_97] : memref<2x32x513xf32, #tpu.memory_space<vmem>> -> memref<1x32x512xf32, #tpu.memory_space<vmem>>
        %dma_wait3A_99 = tpu.memref_squeeze %dma_wait3A_98 : memref<1x32x512xf32, #tpu.memory_space<vmem>> -> memref<32x512xf32, #tpu.memory_space<vmem>>
        %dma_wait3A_100 = arith.constant 0 : i32
        %dma_wait3A_101 = arith.constant 0 : i32
        %dma_wait3A_102 = tpu.memref_slice %arg2[%dma_wait3A_100, %dma_wait3A_101] : memref<32x1000000xf32, #tpu.memory_space<hbm>> -> memref<32x512xf32, #tpu.memory_space<hbm>>
        %dma_wait3A_103 = arith.constant 0 : i32
        %dma_wait3A_104 = arith.constant 0 : i32
        %dma_wait3A_105 = tpu.memref_slice %arg5[%dma_wait3A, %dma_wait3A_103, %dma_wait3A_104] : memref<2x32x513xf32, #tpu.memory_space<vmem>> -> memref<1x32x512xf32, #tpu.memory_space<vmem>>
        %dma_wait3A_106 = tpu.memref_squeeze %dma_wait3A_105 : memref<1x32x512xf32, #tpu.memory_space<vmem>> -> memref<32x512xf32, #tpu.memory_space<vmem>>
        %dma_wait3A_107 = arith.constant 0 : i32
        %dma_wait3A_108 = arith.constant 0 : i32
        %dma_wait3A_109 = tpu.memref_slice %arg2[%dma_wait3A_107, %dma_wait3A_108] : memref<32x1000000xf32, #tpu.memory_space<hbm>> -> memref<32x512xf32, #tpu.memory_space<hbm>>
        tpu.wait_dma2 semaphore(%arg8 : memref<!tpu.dma_semaphore, #tpu.memory_space<semaphore_mem>>) src(%dma_wait3A_109 : memref<32x512xf32, #tpu.memory_space<hbm>>) dst(%dma_wait3A_106 : memref<32x512xf32, #tpu.memory_space<vmem>>)
        %scan3A_110 = arith.constant 0 : i32
        %scan3A_111 = arith.constant 1 : i32
        %scan3A_112 = arith.constant 0 : i32
        %scan3A_113 = arith.constant 16 : i32
        %scan3A_114 = arith.addi %scan3A_112, %scan3A_113 : i32
        %scan3A_115 = arith.constant 1 : i32
        scf.for %scan3A_129 = %scan3A_112 to %scan3A_114 step %scan3A_115  : i32 {
          %mul3A_130 = arith.constant 32 : i32
          %mul3A_131 = arith.muli %scan3A_129, %mul3A_130 : i32
          %broadcast_in_dim3A = vector.broadcast %mul3A_131 : i32 to vector<16xi32>
          %mul3A_132 = arith.constant 1024 : i32
          %mul3A_133 = arith.muli %scan3A_129, %mul3A_132 : i32
          %add3A_134 = arith.constant 16384 : i32
          %add3A_135 = arith.addi %add3A_134, %mul3A_133 : i32
          %add3A_136 = arith.constant 0 : i32
          %add3A_137 = vector.broadcast %add3A_136 : i32 to vector<16xi32>
          %add3A_138 = arith.addi %broadcast_in_dim3A, %add3A_137 : vector<16xi32>
          %add3A_139 = arith.constant 0 : i32
          %add3A_140 = vector.broadcast %add3A_139 : i32 to vector<16xi32>
          %add3A_141 = arith.addi %iota3A, %add3A_140 : vector<16xi32>
          %gather3A = arith.constant 0 : i32
          %gather3A_142 = arith.constant 0 : i32
          %gather3A_143 = tpu.memref_slice %arg5[%scan3A_111, %gather3A, %gather3A_142] : memref<2x32x513xf32, #tpu.memory_space<vmem>> -> memref<1x32x513xf32, #tpu.memory_space<vmem>>
          %gather3A_144 = tpu.memref_squeeze %gather3A_143 : memref<1x32x513xf32, #tpu.memory_space<vmem>> -> memref<32x513xf32, #tpu.memory_space<vmem>>
          %gather3A_145 = tpu.vector_load_idx %gather3A_144[%add3A_141, %add3A_138] : memref<32x513xf32, #tpu.memory_space<vmem>>[vector<16xi32>, vector<16xi32>], vector<16xf32>,
          %add3A_146 = arith.constant 16 : i32
          %add3A_147 = vector.broadcast %add3A_146 : i32 to vector<16xi32>
          %add3A_148 = arith.addi %iota3A, %add3A_147 : vector<16xi32>
          %gather3A_149 = arith.constant 0 : i32
          %gather3A_150 = arith.constant 0 : i32
          %gather3A_151 = tpu.memref_slice %arg5[%scan3A_111, %gather3A_149, %gather3A_150] : memref<2x32x513xf32, #tpu.memory_space<vmem>> -> memref<1x32x513xf32, #tpu.memory_space<vmem>>
          %gather3A_152 = tpu.memref_squeeze %gather3A_151 : memref<1x32x513xf32, #tpu.memory_space<vmem>> -> memref<32x513xf32, #tpu.memory_space<vmem>>
          %gather3A_153 = tpu.vector_load_idx %gather3A_152[%add3A_148, %add3A_138] : memref<32x513xf32, #tpu.memory_space<vmem>>[vector<16xi32>, vector<16xi32>], vector<16xf32>,
          %add3A_154 = arith.constant 1 : i32
          %add3A_155 = vector.broadcast %add3A_154 : i32 to vector<16xi32>
          %add3A_156 = arith.addi %broadcast_in_dim3A, %add3A_155 : vector<16xi32>
          %add3A_157 = arith.constant 0 : i32
          %add3A_158 = vector.broadcast %add3A_157 : i32 to vector<16xi32>
          %add3A_159 = arith.addi %iota3A, %add3A_158 : vector<16xi32>
          %gather3A_160 = arith.constant 0 : i32
          %gather3A_161 = arith.constant 0 : i32
          %gather3A_162 = tpu.memref_slice %arg5[%scan3A_111, %gather3A_160, %gather3A_161] : memref<2x32x513xf32, #tpu.memory_space<vmem>> -> memref<1x32x513xf32, #tpu.memory_space<vmem>>
          %gather3A_163 = tpu.memref_squeeze %gather3A_162 : memref<1x32x513xf32, #tpu.memory_space<vmem>> -> memref<32x513xf32, #tpu.memory_space<vmem>>
          %gather3A_164 = tpu.vector_load_idx %gather3A_163[%add3A_159, %add3A_156] : memref<32x513xf32, #tpu.memory_space<vmem>>[vector<16xi32>, vector<16xi32>], vector<16xf32>,
          %add3A_165 = arith.constant 16 : i32
          %add3A_166 = vector.broadcast %add3A_165 : i32 to vector<16xi32>
          %add3A_167 = arith.addi %iota3A, %add3A_166 : vector<16xi32>
          %gather3A_168 = arith.constant 0 : i32
          %gather3A_169 = arith.constant 0 : i32
          %gather3A_170 = tpu.memref_slice %arg5[%scan3A_111, %gather3A_168, %gather3A_169] : memref<2x32x513xf32, #tpu.memory_space<vmem>> -> memref<1x32x513xf32, #tpu.memory_space<vmem>>
          %gather3A_171 = tpu.memref_squeeze %gather3A_170 : memref<1x32x513xf32, #tpu.memory_space<vmem>> -> memref<32x513xf32, #tpu.memory_space<vmem>>
          %gather3A_172 = tpu.vector_load_idx %gather3A_171[%add3A_167, %add3A_156] : memref<32x513xf32, #tpu.memory_space<vmem>>[vector<16xi32>, vector<16xi32>], vector<16xf32>,
          %add3A_173 = arith.constant 2 : i32
          %add3A_174 = vector.broadcast %add3A_173 : i32 to vector<16xi32>
          %add3A_175 = arith.addi %broadcast_in_dim3A, %add3A_174 : vector<16xi32>
          %add3A_176 = arith.constant 0 : i32
          %add3A_177 = vector.broadcast %add3A_176 : i32 to vector<16xi32>
          %add3A_178 = arith.addi %iota3A, %add3A_177 : vector<16xi32>
          %gather3A_179 = arith.constant 0 : i32
          %gather3A_180 = arith.constant 0 : i32
          %gather3A_181 = tpu.memref_slice %arg5[%scan3A_111, %gather3A_179, %gather3A_180] : memref<2x32x513xf32, #tpu.memory_space<vmem>> -> memref<1x32x513xf32, #tpu.memory_space<vmem>>
          %gather3A_182 = tpu.memref_squeeze %gather3A_181 : memref<1x32x513xf32, #tpu.memory_space<vmem>> -> memref<32x513xf32, #tpu.memory_space<vmem>>
          %gather3A_183 = tpu.vector_load_idx %gather3A_182[%add3A_178, %add3A_175] : memref<32x513xf32, #tpu.memory_space<vmem>>[vector<16xi32>, vector<16xi32>], vector<16xf32>,
          %add3A_184 = arith.constant 16 : i32
          %add3A_185 = vector.broadcast %add3A_184 : i32 to vector<16xi32>
          %add3A_186 = arith.addi %iota3A, %add3A_185 : vector<16xi32>
          %gather3A_187 = arith.constant 0 : i32
          %gather3A_188 = arith.constant 0 : i32
          %gather3A_189 = tpu.memref_slice %arg5[%scan3A_111, %gather3A_187, %gather3A_188] : memref<2x32x513xf32, #tpu.memory_space<vmem>> -> memref<1x32x513xf32, #tpu.memory_space<vmem>>
          %gather3A_190 = tpu.memref_squeeze %gather3A_189 : memref<1x32x513xf32, #tpu.memory_space<vmem>> -> memref<32x513xf32, #tpu.memory_space<vmem>>
          %gather3A_191 = tpu.vector_load_idx %gather3A_190[%add3A_186, %add3A_175] : memref<32x513xf32, #tpu.memory_space<vmem>>[vector<16xi32>, vector<16xi32>], vector<16xf32>,
          %add3A_192 = arith.constant 3 : i32
          %add3A_193 = vector.broadcast %add3A_192 : i32 to vector<16xi32>
          %add3A_194 = arith.addi %broadcast_in_dim3A, %add3A_193 : vector<16xi32>
          %add3A_195 = arith.constant 0 : i32
          %add3A_196 = vector.broadcast %add3A_195 : i32 to vector<16xi32>
          %add3A_197 = arith.addi %iota3A, %add3A_196 : vector<16xi32>
          %gather3A_198 = arith.constant 0 : i32
          %gather3A_199 = arith.constant 0 : i32
          %gather3A_200 = tpu.memref_slice %arg5[%scan3A_111, %gather3A_198, %gather3A_199] : memref<2x32x513xf32, #tpu.memory_space<vmem>> -> memref<1x32x513xf32, #tpu.memory_space<vmem>>
          %gather3A_201 = tpu.memref_squeeze %gather3A_200 : memref<1x32x513xf32, #tpu.memory_space<vmem>> -> memref<32x513xf32, #tpu.memory_space<vmem>>
          %gather3A_202 = tpu.vector_load_idx %gather3A_201[%add3A_197, %add3A_194] : memref<32x513xf32, #tpu.memory_space<vmem>>[vector<16xi32>, vector<16xi32>], vector<16xf32>,
          %add3A_203 = arith.constant 16 : i32
          %add3A_204 = vector.broadcast %add3A_203 : i32 to vector<16xi32>
          %add3A_205 = arith.addi %iota3A, %add3A_204 : vector<16xi32>
          %gather3A_206 = arith.constant 0 : i32
          %gather3A_207 = arith.constant 0 : i32
          %gather3A_208 = tpu.memref_slice %arg5[%scan3A_111, %gather3A_206, %gather3A_207] : memref<2x32x513xf32, #tpu.memory_space<vmem>> -> memref<1x32x513xf32, #tpu.memory_space<vmem>>
          %gather3A_209 = tpu.memref_squeeze %gather3A_208 : memref<1x32x513xf32, #tpu.memory_space<vmem>> -> memref<32x513xf32, #tpu.memory_space<vmem>>
          %gather3A_210 = tpu.vector_load_idx %gather3A_209[%add3A_205, %add3A_194] : memref<32x513xf32, #tpu.memory_space<vmem>>[vector<16xi32>, vector<16xi32>], vector<16xf32>,
          %add3A_211 = arith.constant 4 : i32
          %add3A_212 = vector.broadcast %add3A_211 : i32 to vector<16xi32>
          %add3A_213 = arith.addi %broadcast_in_dim3A, %add3A_212 : vector<16xi32>
          %add3A_214 = arith.constant 0 : i32
          %add3A_215 = vector.broadcast %add3A_214 : i32 to vector<16xi32>
          %add3A_216 = arith.addi %iota3A, %add3A_215 : vector<16xi32>
          %gather3A_217 = arith.constant 0 : i32
          %gather3A_218 = arith.constant 0 : i32
          %gather3A_219 = tpu.memref_slice %arg5[%scan3A_111, %gather3A_217, %gather3A_218] : memref<2x32x513xf32, #tpu.memory_space<vmem>> -> memref<1x32x513xf32, #tpu.memory_space<vmem>>
          %gather3A_220 = tpu.memref_squeeze %gather3A_219 : memref<1x32x513xf32, #tpu.memory_space<vmem>> -> memref<32x513xf32, #tpu.memory_space<vmem>>
          %gather3A_221 = tpu.vector_load_idx %gather3A_220[%add3A_216, %add3A_213] : memref<32x513xf32, #tpu.memory_space<vmem>>[vector<16xi32>, vector<16xi32>], vector<16xf32>,
          %add3A_222 = arith.constant 16 : i32
          %add3A_223 = vector.broadcast %add3A_222 : i32 to vector<16xi32>
          %add3A_224 = arith.addi %iota3A, %add3A_223 : vector<16xi32>
          %gather3A_225 = arith.constant 0 : i32
          %gather3A_226 = arith.constant 0 : i32
          %gather3A_227 = tpu.memref_slice %arg5[%scan3A_111, %gather3A_225, %gather3A_226] : memref<2x32x513xf32, #tpu.memory_space<vmem>> -> memref<1x32x513xf32, #tpu.memory_space<vmem>>
          %gather3A_228 = tpu.memref_squeeze %gather3A_227 : memref<1x32x513xf32, #tpu.memory_space<vmem>> -> memref<32x513xf32, #tpu.memory_space<vmem>>
          %gather3A_229 = tpu.vector_load_idx %gather3A_228[%add3A_224, %add3A_213] : memref<32x513xf32, #tpu.memory_space<vmem>>[vector<16xi32>, vector<16xi32>], vector<16xf32>,
          %add3A_230 = arith.constant 5 : i32
          %add3A_231 = vector.broadcast %add3A_230 : i32 to vector<16xi32>
          %add3A_232 = arith.addi %broadcast_in_dim3A, %add3A_231 : vector<16xi32>
          %add3A_233 = arith.constant 0 : i32
          %add3A_234 = vector.broadcast %add3A_233 : i32 to vector<16xi32>
          %add3A_235 = arith.addi %iota3A, %add3A_234 : vector<16xi32>
          %gather3A_236 = arith.constant 0 : i32
          %gather3A_237 = arith.constant 0 : i32
          %gather3A_238 = tpu.memref_slice %arg5[%scan3A_111, %gather3A_236, %gather3A_237] : memref<2x32x513xf32, #tpu.memory_space<vmem>> -> memref<1x32x513xf32, #tpu.memory_space<vmem>>
          %gather3A_239 = tpu.memref_squeeze %gather3A_238 : memref<1x32x513xf32, #tpu.memory_space<vmem>> -> memref<32x513xf32, #tpu.memory_space<vmem>>
          %gather3A_240 = tpu.vector_load_idx %gather3A_239[%add3A_235, %add3A_232] : memref<32x513xf32, #tpu.memory_space<vmem>>[vector<16xi32>, vector<16xi32>], vector<16xf32>,
          %add3A_241 = arith.constant 16 : i32
          %add3A_242 = vector.broadcast %add3A_241 : i32 to vector<16xi32>
          %add3A_243 = arith.addi %iota3A, %add3A_242 : vector<16xi32>
          %gather3A_244 = arith.constant 0 : i32
          %gather3A_245 = arith.constant 0 : i32
          %gather3A_246 = tpu.memref_slice %arg5[%scan3A_111, %gather3A_244, %gather3A_245] : memref<2x32x513xf32, #tpu.memory_space<vmem>> -> memref<1x32x513xf32, #tpu.memory_space<vmem>>
          %gather3A_247 = tpu.memref_squeeze %gather3A_246 : memref<1x32x513xf32, #tpu.memory_space<vmem>> -> memref<32x513xf32, #tpu.memory_space<vmem>>
          %gather3A_248 = tpu.vector_load_idx %gather3A_247[%add3A_243, %add3A_232] : memref<32x513xf32, #tpu.memory_space<vmem>>[vector<16xi32>, vector<16xi32>], vector<16xf32>,
          %add3A_249 = arith.constant 6 : i32
          %add3A_250 = vector.broadcast %add3A_249 : i32 to vector<16xi32>
          %add3A_251 = arith.addi %broadcast_in_dim3A, %add3A_250 : vector<16xi32>
          %add3A_252 = arith.constant 0 : i32
          %add3A_253 = vector.broadcast %add3A_252 : i32 to vector<16xi32>
          %add3A_254 = arith.addi %iota3A, %add3A_253 : vector<16xi32>
          %gather3A_255 = arith.constant 0 : i32
          %gather3A_256 = arith.constant 0 : i32
          %gather3A_257 = tpu.memref_slice %arg5[%scan3A_111, %gather3A_255, %gather3A_256] : memref<2x32x513xf32, #tpu.memory_space<vmem>> -> memref<1x32x513xf32, #tpu.memory_space<vmem>>
          %gather3A_258 = tpu.memref_squeeze %gather3A_257 : memref<1x32x513xf32, #tpu.memory_space<vmem>> -> memref<32x513xf32, #tpu.memory_space<vmem>>
          %gather3A_259 = tpu.vector_load_idx %gather3A_258[%add3A_254, %add3A_251] : memref<32x513xf32, #tpu.memory_space<vmem>>[vector<16xi32>, vector<16xi32>], vector<16xf32>,
          %add3A_260 = arith.constant 16 : i32
          %add3A_261 = vector.broadcast %add3A_260 : i32 to vector<16xi32>
          %add3A_262 = arith.addi %iota3A, %add3A_261 : vector<16xi32>
          %gather3A_263 = arith.constant 0 : i32
          %gather3A_264 = arith.constant 0 : i32
          %gather3A_265 = tpu.memref_slice %arg5[%scan3A_111, %gather3A_263, %gather3A_264] : memref<2x32x513xf32, #tpu.memory_space<vmem>> -> memref<1x32x513xf32, #tpu.memory_space<vmem>>
          %gather3A_266 = tpu.memref_squeeze %gather3A_265 : memref<1x32x513xf32, #tpu.memory_space<vmem>> -> memref<32x513xf32, #tpu.memory_space<vmem>>
          %gather3A_267 = tpu.vector_load_idx %gather3A_266[%add3A_262, %add3A_251] : memref<32x513xf32, #tpu.memory_space<vmem>>[vector<16xi32>, vector<16xi32>], vector<16xf32>,
          %add3A_268 = arith.constant 7 : i32
          %add3A_269 = vector.broadcast %add3A_268 : i32 to vector<16xi32>
          %add3A_270 = arith.addi %broadcast_in_dim3A, %add3A_269 : vector<16xi32>
          %add3A_271 = arith.constant 0 : i32
          %add3A_272 = vector.broadcast %add3A_271 : i32 to vector<16xi32>
          %add3A_273 = arith.addi %iota3A, %add3A_272 : vector<16xi32>
          %gather3A_274 = arith.constant 0 : i32
          %gather3A_275 = arith.constant 0 : i32
          %gather3A_276 = tpu.memref_slice %arg5[%scan3A_111, %gather3A_274, %gather3A_275] : memref<2x32x513xf32, #tpu.memory_space<vmem>> -> memref<1x32x513xf32, #tpu.memory_space<vmem>>
          %gather3A_277 = tpu.memref_squeeze %gather3A_276 : memref<1x32x513xf32, #tpu.memory_space<vmem>> -> memref<32x513xf32, #tpu.memory_space<vmem>>
          %gather3A_278 = tpu.vector_load_idx %gather3A_277[%add3A_273, %add3A_270] : memref<32x513xf32, #tpu.memory_space<vmem>>[vector<16xi32>, vector<16xi32>], vector<16xf32>,
          %add3A_279 = arith.constant 16 : i32
          %add3A_280 = vector.broadcast %add3A_279 : i32 to vector<16xi32>
          %add3A_281 = arith.addi %iota3A, %add3A_280 : vector<16xi32>
          %gather3A_282 = arith.constant 0 : i32
          %gather3A_283 = arith.constant 0 : i32
          %gather3A_284 = tpu.memref_slice %arg5[%scan3A_111, %gather3A_282, %gather3A_283] : memref<2x32x513xf32, #tpu.memory_space<vmem>> -> memref<1x32x513xf32, #tpu.memory_space<vmem>>
          %gather3A_285 = tpu.memref_squeeze %gather3A_284 : memref<1x32x513xf32, #tpu.memory_space<vmem>> -> memref<32x513xf32, #tpu.memory_space<vmem>>
          %gather3A_286 = tpu.vector_load_idx %gather3A_285[%add3A_281, %add3A_270] : memref<32x513xf32, #tpu.memory_space<vmem>>[vector<16xi32>, vector<16xi32>], vector<16xf32>,
          %add3A_287 = arith.constant 0 : i32
          %add3A_288 = arith.addi %add3A_135, %add3A_287 : i32
          %add3A_289 = arith.constant 0 : i32
          %add3A_290 = arith.addi %add3A_288, %add3A_289 : i32
          %swap3A = arith.index_cast %add3A_290 : i32 to index
          %swap3A_291 = tpu.vector_load %arg6[%swap3A] {strides = array<i32>} : memref<32768xf32, #tpu.memory_space<vmem>>, vector<16xf32>,
          tpu.vector_store %arg6[%swap3A], %gather3A_145 {strides = array<i32>} : memref<32768xf32, #tpu.memory_space<vmem>>, vector<16xf32>,
          %add3A_292 = arith.constant 0 : i32
          %add3A_293 = arith.addi %add3A_135, %add3A_292 : i32
          %add3A_294 = arith.constant 16 : i32
          %add3A_295 = arith.addi %add3A_293, %add3A_294 : i32
          %swap3A_296 = arith.index_cast %add3A_295 : i32 to index
          %swap3A_297 = tpu.vector_load %arg6[%swap3A_296] {strides = array<i32>} : memref<32768xf32, #tpu.memory_space<vmem>>, vector<16xf32>,
          tpu.vector_store %arg6[%swap3A_296], %gather3A_153 {strides = array<i32>} : memref<32768xf32, #tpu.memory_space<vmem>>, vector<16xf32>,
          %add3A_298 = arith.constant 32 : i32
          %add3A_299 = arith.addi %add3A_135, %add3A_298 : i32
          %add3A_300 = arith.constant 0 : i32
          %add3A_301 = arith.addi %add3A_299, %add3A_300 : i32
          %swap3A_302 = arith.index_cast %add3A_301 : i32 to index
          %swap3A_303 = tpu.vector_load %arg6[%swap3A_302] {strides = array<i32>} : memref<32768xf32, #tpu.memory_space<vmem>>, vector<16xf32>,
          tpu.vector_store %arg6[%swap3A_302], %gather3A_164 {strides = array<i32>} : memref<32768xf32, #tpu.memory_space<vmem>>, vector<16xf32>,
          %add3A_304 = arith.constant 32 : i32
          %add3A_305 = arith.addi %add3A_135, %add3A_304 : i32
          %add3A_306 = arith.constant 16 : i32
          %add3A_307 = arith.addi %add3A_305, %add3A_306 : i32
          %swap3A_308 = arith.index_cast %add3A_307 : i32 to index
          %swap3A_309 = tpu.vector_load %arg6[%swap3A_308] {strides = array<i32>} : memref<32768xf32, #tpu.memory_space<vmem>>, vector<16xf32>,
          tpu.vector_store %arg6[%swap3A_308], %gather3A_172 {strides = array<i32>} : memref<32768xf32, #tpu.memory_space<vmem>>, vector<16xf32>,
          %add3A_310 = arith.constant 64 : i32
          %add3A_311 = arith.addi %add3A_135, %add3A_310 : i32
          %add3A_312 = arith.constant 0 : i32
          %add3A_313 = arith.addi %add3A_311, %add3A_312 : i32
          %swap3A_314 = arith.index_cast %add3A_313 : i32 to index
          %swap3A_315 = tpu.vector_load %arg6[%swap3A_314] {strides = array<i32>} : memref<32768xf32, #tpu.memory_space<vmem>>, vector<16xf32>,
          tpu.vector_store %arg6[%swap3A_314], %gather3A_183 {strides = array<i32>} : memref<32768xf32, #tpu.memory_space<vmem>>, vector<16xf32>,
          %add3A_316 = arith.constant 64 : i32
          %add3A_317 = arith.addi %add3A_135, %add3A_316 : i32
          %add3A_318 = arith.constant 16 : i32
          %add3A_319 = arith.addi %add3A_317, %add3A_318 : i32
          %swap3A_320 = arith.index_cast %add3A_319 : i32 to index
          %swap3A_321 = tpu.vector_load %arg6[%swap3A_320] {strides = array<i32>} : memref<32768xf32, #tpu.memory_space<vmem>>, vector<16xf32>,
          tpu.vector_store %arg6[%swap3A_320], %gather3A_191 {strides = array<i32>} : memref<32768xf32, #tpu.memory_space<vmem>>, vector<16xf32>,
          %add3A_322 = arith.constant 96 : i32
          %add3A_323 = arith.addi %add3A_135, %add3A_322 : i32
          %add3A_324 = arith.constant 0 : i32
          %add3A_325 = arith.addi %add3A_323, %add3A_324 : i32
          %swap3A_326 = arith.index_cast %add3A_325 : i32 to index
          %swap3A_327 = tpu.vector_load %arg6[%swap3A_326] {strides = array<i32>} : memref<32768xf32, #tpu.memory_space<vmem>>, vector<16xf32>,
          tpu.vector_store %arg6[%swap3A_326], %gather3A_202 {strides = array<i32>} : memref<32768xf32, #tpu.memory_space<vmem>>, vector<16xf32>,
          %add3A_328 = arith.constant 96 : i32
          %add3A_329 = arith.addi %add3A_135, %add3A_328 : i32
          %add3A_330 = arith.constant 16 : i32
          %add3A_331 = arith.addi %add3A_329, %add3A_330 : i32
          %swap3A_332 = arith.index_cast %add3A_331 : i32 to index
          %swap3A_333 = tpu.vector_load %arg6[%swap3A_332] {strides = array<i32>} : memref<32768xf32, #tpu.memory_space<vmem>>, vector<16xf32>,
          tpu.vector_store %arg6[%swap3A_332], %gather3A_210 {strides = array<i32>} : memref<32768xf32, #tpu.memory_space<vmem>>, vector<16xf32>,
          %add3A_334 = arith.constant 8 : i32
          %add3A_335 = vector.broadcast %add3A_334 : i32 to vector<16xi32>
          %add3A_336 = arith.addi %broadcast_in_dim3A, %add3A_335 : vector<16xi32>
          %add3A_337 = arith.constant 0 : i32
          %add3A_338 = vector.broadcast %add3A_337 : i32 to vector<16xi32>
          %add3A_339 = arith.addi %iota3A, %add3A_338 : vector<16xi32>
          %gather3A_340 = arith.constant 0 : i32
          %gather3A_341 = arith.constant 0 : i32
          %gather3A_342 = tpu.memref_slice %arg5[%scan3A_111, %gather3A_340, %gather3A_341] : memref<2x32x513xf32, #tpu.memory_space<vmem>> -> memref<1x32x513xf32, #tpu.memory_space<vmem>>
          %gather3A_343 = tpu.memref_squeeze %gather3A_342 : memref<1x32x513xf32, #tpu.memory_space<vmem>> -> memref<32x513xf32, #tpu.memory_space<vmem>>
          %gather3A_344 = tpu.vector_load_idx %gather3A_343[%add3A_339, %add3A_336] : memref<32x513xf32, #tpu.memory_space<vmem>>[vector<16xi32>, vector<16xi32>], vector<16xf32>,
          %add3A_345 = arith.constant 16 : i32
          %add3A_346 = vector.broadcast %add3A_345 : i32 to vector<16xi32>
          %add3A_347 = arith.addi %iota3A, %add3A_346 : vector<16xi32>
          %gather3A_348 = arith.constant 0 : i32
          %gather3A_349 = arith.constant 0 : i32
          %gather3A_350 = tpu.memref_slice %arg5[%scan3A_111, %gather3A_348, %gather3A_349] : memref<2x32x513xf32, #tpu.memory_space<vmem>> -> memref<1x32x513xf32, #tpu.memory_space<vmem>>
          %gather3A_351 = tpu.memref_squeeze %gather3A_350 : memref<1x32x513xf32, #tpu.memory_space<vmem>> -> memref<32x513xf32, #tpu.memory_space<vmem>>
          %gather3A_352 = tpu.vector_load_idx %gather3A_351[%add3A_347, %add3A_336] : memref<32x513xf32, #tpu.memory_space<vmem>>[vector<16xi32>, vector<16xi32>], vector<16xf32>,
          %add3A_353 = arith.constant 9 : i32
          %add3A_354 = vector.broadcast %add3A_353 : i32 to vector<16xi32>
          %add3A_355 = arith.addi %broadcast_in_dim3A, %add3A_354 : vector<16xi32>
          %add3A_356 = arith.constant 0 : i32
          %add3A_357 = vector.broadcast %add3A_356 : i32 to vector<16xi32>
          %add3A_358 = arith.addi %iota3A, %add3A_357 : vector<16xi32>
          %gather3A_359 = arith.constant 0 : i32
          %gather3A_360 = arith.constant 0 : i32
          %gather3A_361 = tpu.memref_slice %arg5[%scan3A_111, %gather3A_359, %gather3A_360] : memref<2x32x513xf32, #tpu.memory_space<vmem>> -> memref<1x32x513xf32, #tpu.memory_space<vmem>>
          %gather3A_362 = tpu.memref_squeeze %gather3A_361 : memref<1x32x513xf32, #tpu.memory_space<vmem>> -> memref<32x513xf32, #tpu.memory_space<vmem>>
          %gather3A_363 = tpu.vector_load_idx %gather3A_362[%add3A_358, %add3A_355] : memref<32x513xf32, #tpu.memory_space<vmem>>[vector<16xi32>, vector<16xi32>], vector<16xf32>,
          %add3A_364 = arith.constant 16 : i32
          %add3A_365 = vector.broadcast %add3A_364 : i32 to vector<16xi32>
          %add3A_366 = arith.addi %iota3A, %add3A_365 : vector<16xi32>
          %gather3A_367 = arith.constant 0 : i32
          %gather3A_368 = arith.constant 0 : i32
          %gather3A_369 = tpu.memref_slice %arg5[%scan3A_111, %gather3A_367, %gather3A_368] : memref<2x32x513xf32, #tpu.memory_space<vmem>> -> memref<1x32x513xf32, #tpu.memory_space<vmem>>
          %gather3A_370 = tpu.memref_squeeze %gather3A_369 : memref<1x32x513xf32, #tpu.memory_space<vmem>> -> memref<32x513xf32, #tpu.memory_space<vmem>>
          %gather3A_371 = tpu.vector_load_idx %gather3A_370[%add3A_366, %add3A_355] : memref<32x513xf32, #tpu.memory_space<vmem>>[vector<16xi32>, vector<16xi32>], vector<16xf32>,
          %add3A_372 = arith.constant 10 : i32
          %add3A_373 = vector.broadcast %add3A_372 : i32 to vector<16xi32>
          %add3A_374 = arith.addi %broadcast_in_dim3A, %add3A_373 : vector<16xi32>
          %add3A_375 = arith.constant 0 : i32
          %add3A_376 = vector.broadcast %add3A_375 : i32 to vector<16xi32>
          %add3A_377 = arith.addi %iota3A, %add3A_376 : vector<16xi32>
          %gather3A_378 = arith.constant 0 : i32
          %gather3A_379 = arith.constant 0 : i32
          %gather3A_380 = tpu.memref_slice %arg5[%scan3A_111, %gather3A_378, %gather3A_379] : memref<2x32x513xf32, #tpu.memory_space<vmem>> -> memref<1x32x513xf32, #tpu.memory_space<vmem>>
          %gather3A_381 = tpu.memref_squeeze %gather3A_380 : memref<1x32x513xf32, #tpu.memory_space<vmem>> -> memref<32x513xf32, #tpu.memory_space<vmem>>
          %gather3A_382 = tpu.vector_load_idx %gather3A_381[%add3A_377, %add3A_374] : memref<32x513xf32, #tpu.memory_space<vmem>>[vector<16xi32>, vector<16xi32>], vector<16xf32>,
          %add3A_383 = arith.constant 16 : i32
          %add3A_384 = vector.broadcast %add3A_383 : i32 to vector<16xi32>
          %add3A_385 = arith.addi %iota3A, %add3A_384 : vector<16xi32>
          %gather3A_386 = arith.constant 0 : i32
          %gather3A_387 = arith.constant 0 : i32
          %gather3A_388 = tpu.memref_slice %arg5[%scan3A_111, %gather3A_386, %gather3A_387] : memref<2x32x513xf32, #tpu.memory_space<vmem>> -> memref<1x32x513xf32, #tpu.memory_space<vmem>>
          %gather3A_389 = tpu.memref_squeeze %gather3A_388 : memref<1x32x513xf32, #tpu.memory_space<vmem>> -> memref<32x513xf32, #tpu.memory_space<vmem>>
          %gather3A_390 = tpu.vector_load_idx %gather3A_389[%add3A_385, %add3A_374] : memref<32x513xf32, #tpu.memory_space<vmem>>[vector<16xi32>, vector<16xi32>], vector<16xf32>,
          %add3A_391 = arith.constant 11 : i32
          %add3A_392 = vector.broadcast %add3A_391 : i32 to vector<16xi32>
          %add3A_393 = arith.addi %broadcast_in_dim3A, %add3A_392 : vector<16xi32>
          %add3A_394 = arith.constant 0 : i32
          %add3A_395 = vector.broadcast %add3A_394 : i32 to vector<16xi32>
          %add3A_396 = arith.addi %iota3A, %add3A_395 : vector<16xi32>
          %gather3A_397 = arith.constant 0 : i32
          %gather3A_398 = arith.constant 0 : i32
          %gather3A_399 = tpu.memref_slice %arg5[%scan3A_111, %gather3A_397, %gather3A_398] : memref<2x32x513xf32, #tpu.memory_space<vmem>> -> memref<1x32x513xf32, #tpu.memory_space<vmem>>
          %gather3A_400 = tpu.memref_squeeze %gather3A_399 : memref<1x32x513xf32, #tpu.memory_space<vmem>> -> memref<32x513xf32, #tpu.memory_space<vmem>>
          %gather3A_401 = tpu.vector_load_idx %gather3A_400[%add3A_396, %add3A_393] : memref<32x513xf32, #tpu.memory_space<vmem>>[vector<16xi32>, vector<16xi32>], vector<16xf32>,
          %add3A_402 = arith.constant 16 : i32
          %add3A_403 = vector.broadcast %add3A_402 : i32 to vector<16xi32>
          %add3A_404 = arith.addi %iota3A, %add3A_403 : vector<16xi32>
          %gather3A_405 = arith.constant 0 : i32
          %gather3A_406 = arith.constant 0 : i32
          %gather3A_407 = tpu.memref_slice %arg5[%scan3A_111, %gather3A_405, %gather3A_406] : memref<2x32x513xf32, #tpu.memory_space<vmem>> -> memref<1x32x513xf32, #tpu.memory_space<vmem>>
          %gather3A_408 = tpu.memref_squeeze %gather3A_407 : memref<1x32x513xf32, #tpu.memory_space<vmem>> -> memref<32x513xf32, #tpu.memory_space<vmem>>
          %gather3A_409 = tpu.vector_load_idx %gather3A_408[%add3A_404, %add3A_393] : memref<32x513xf32, #tpu.memory_space<vmem>>[vector<16xi32>, vector<16xi32>], vector<16xf32>,
          %add3A_410 = arith.constant 128 : i32
          %add3A_411 = arith.addi %add3A_135, %add3A_410 : i32
          %add3A_412 = arith.constant 0 : i32
          %add3A_413 = arith.addi %add3A_411, %add3A_412 : i32
          %swap3A_414 = arith.index_cast %add3A_413 : i32 to index
          %swap3A_415 = tpu.vector_load %arg6[%swap3A_414] {strides = array<i32>} : memref<32768xf32, #tpu.memory_space<vmem>>, vector<16xf32>,
          tpu.vector_store %arg6[%swap3A_414], %gather3A_221 {strides = array<i32>} : memref<32768xf32, #tpu.memory_space<vmem>>, vector<16xf32>,
          %add3A_416 = arith.constant 128 : i32
          %add3A_417 = arith.addi %add3A_135, %add3A_416 : i32
          %add3A_418 = arith.constant 16 : i32
          %add3A_419 = arith.addi %add3A_417, %add3A_418 : i32
          %swap3A_420 = arith.index_cast %add3A_419 : i32 to index
          %swap3A_421 = tpu.vector_load %arg6[%swap3A_420] {strides = array<i32>} : memref<32768xf32, #tpu.memory_space<vmem>>, vector<16xf32>,
          tpu.vector_store %arg6[%swap3A_420], %gather3A_229 {strides = array<i32>} : memref<32768xf32, #tpu.memory_space<vmem>>, vector<16xf32>,
          %add3A_422 = arith.constant 160 : i32
          %add3A_423 = arith.addi %add3A_135, %add3A_422 : i32
          %add3A_424 = arith.constant 0 : i32
          %add3A_425 = arith.addi %add3A_423, %add3A_424 : i32
          %swap3A_426 = arith.index_cast %add3A_425 : i32 to index
          %swap3A_427 = tpu.vector_load %arg6[%swap3A_426] {strides = array<i32>} : memref<32768xf32, #tpu.memory_space<vmem>>, vector<16xf32>,
          tpu.vector_store %arg6[%swap3A_426], %gather3A_240 {strides = array<i32>} : memref<32768xf32, #tpu.memory_space<vmem>>, vector<16xf32>,
          %add3A_428 = arith.constant 160 : i32
          %add3A_429 = arith.addi %add3A_135, %add3A_428 : i32
          %add3A_430 = arith.constant 16 : i32
          %add3A_431 = arith.addi %add3A_429, %add3A_430 : i32
          %swap3A_432 = arith.index_cast %add3A_431 : i32 to index
          %swap3A_433 = tpu.vector_load %arg6[%swap3A_432] {strides = array<i32>} : memref<32768xf32, #tpu.memory_space<vmem>>, vector<16xf32>,
          tpu.vector_store %arg6[%swap3A_432], %gather3A_248 {strides = array<i32>} : memref<32768xf32, #tpu.memory_space<vmem>>, vector<16xf32>,
          %add3A_434 = arith.constant 192 : i32
          %add3A_435 = arith.addi %add3A_135, %add3A_434 : i32
          %add3A_436 = arith.constant 0 : i32
          %add3A_437 = arith.addi %add3A_435, %add3A_436 : i32
          %swap3A_438 = arith.index_cast %add3A_437 : i32 to index
          %swap3A_439 = tpu.vector_load %arg6[%swap3A_438] {strides = array<i32>} : memref<32768xf32, #tpu.memory_space<vmem>>, vector<16xf32>,
          tpu.vector_store %arg6[%swap3A_438], %gather3A_259 {strides = array<i32>} : memref<32768xf32, #tpu.memory_space<vmem>>, vector<16xf32>,
          %add3A_440 = arith.constant 192 : i32
          %add3A_441 = arith.addi %add3A_135, %add3A_440 : i32
          %add3A_442 = arith.constant 16 : i32
          %add3A_443 = arith.addi %add3A_441, %add3A_442 : i32
          %swap3A_444 = arith.index_cast %add3A_443 : i32 to index
          %swap3A_445 = tpu.vector_load %arg6[%swap3A_444] {strides = array<i32>} : memref<32768xf32, #tpu.memory_space<vmem>>, vector<16xf32>,
          tpu.vector_store %arg6[%swap3A_444], %gather3A_267 {strides = array<i32>} : memref<32768xf32, #tpu.memory_space<vmem>>, vector<16xf32>,
          %add3A_446 = arith.constant 224 : i32
          %add3A_447 = arith.addi %add3A_135, %add3A_446 : i32
          %add3A_448 = arith.constant 0 : i32
          %add3A_449 = arith.addi %add3A_447, %add3A_448 : i32
          %swap3A_450 = arith.index_cast %add3A_449 : i32 to index
          %swap3A_451 = tpu.vector_load %arg6[%swap3A_450] {strides = array<i32>} : memref<32768xf32, #tpu.memory_space<vmem>>, vector<16xf32>,
          tpu.vector_store %arg6[%swap3A_450], %gather3A_278 {strides = array<i32>} : memref<32768xf32, #tpu.memory_space<vmem>>, vector<16xf32>,
          %add3A_452 = arith.constant 224 : i32
          %add3A_453 = arith.addi %add3A_135, %add3A_452 : i32
          %add3A_454 = arith.constant 16 : i32
          %add3A_455 = arith.addi %add3A_453, %add3A_454 : i32
          %swap3A_456 = arith.index_cast %add3A_455 : i32 to index
          %swap3A_457 = tpu.vector_load %arg6[%swap3A_456] {strides = array<i32>} : memref<32768xf32, #tpu.memory_space<vmem>>, vector<16xf32>,
          tpu.vector_store %arg6[%swap3A_456], %gather3A_286 {strides = array<i32>} : memref<32768xf32, #tpu.memory_space<vmem>>, vector<16xf32>,
          %add3A_458 = arith.constant 12 : i32
          %add3A_459 = vector.broadcast %add3A_458 : i32 to vector<16xi32>
          %add3A_460 = arith.addi %broadcast_in_dim3A, %add3A_459 : vector<16xi32>
          %add3A_461 = arith.constant 0 : i32
          %add3A_462 = vector.broadcast %add3A_461 : i32 to vector<16xi32>
          %add3A_463 = arith.addi %iota3A, %add3A_462 : vector<16xi32>
          %gather3A_464 = arith.constant 0 : i32
          %gather3A_465 = arith.constant 0 : i32
          %gather3A_466 = tpu.memref_slice %arg5[%scan3A_111, %gather3A_464, %gather3A_465] : memref<2x32x513xf32, #tpu.memory_space<vmem>> -> memref<1x32x513xf32, #tpu.memory_space<vmem>>
          %gather3A_467 = tpu.memref_squeeze %gather3A_466 : memref<1x32x513xf32, #tpu.memory_space<vmem>> -> memref<32x513xf32, #tpu.memory_space<vmem>>
          %gather3A_468 = tpu.vector_load_idx %gather3A_467[%add3A_463, %add3A_460] : memref<32x513xf32, #tpu.memory_space<vmem>>[vector<16xi32>, vector<16xi32>], vector<16xf32>,
          %add3A_469 = arith.constant 16 : i32
          %add3A_470 = vector.broadcast %add3A_469 : i32 to vector<16xi32>
          %add3A_471 = arith.addi %iota3A, %add3A_470 : vector<16xi32>
          %gather3A_472 = arith.constant 0 : i32
          %gather3A_473 = arith.constant 0 : i32
          %gather3A_474 = tpu.memref_slice %arg5[%scan3A_111, %gather3A_472, %gather3A_473] : memref<2x32x513xf32, #tpu.memory_space<vmem>> -> memref<1x32x513xf32, #tpu.memory_space<vmem>>
          %gather3A_475 = tpu.memref_squeeze %gather3A_474 : memref<1x32x513xf32, #tpu.memory_space<vmem>> -> memref<32x513xf32, #tpu.memory_space<vmem>>
          %gather3A_476 = tpu.vector_load_idx %gather3A_475[%add3A_471, %add3A_460] : memref<32x513xf32, #tpu.memory_space<vmem>>[vector<16xi32>, vector<16xi32>], vector<16xf32>,
          %add3A_477 = arith.constant 13 : i32
          %add3A_478 = vector.broadcast %add3A_477 : i32 to vector<16xi32>
          %add3A_479 = arith.addi %broadcast_in_dim3A, %add3A_478 : vector<16xi32>
          %add3A_480 = arith.constant 0 : i32
          %add3A_481 = vector.broadcast %add3A_480 : i32 to vector<16xi32>
          %add3A_482 = arith.addi %iota3A, %add3A_481 : vector<16xi32>
          %gather3A_483 = arith.constant 0 : i32
          %gather3A_484 = arith.constant 0 : i32
          %gather3A_485 = tpu.memref_slice %arg5[%scan3A_111, %gather3A_483, %gather3A_484] : memref<2x32x513xf32, #tpu.memory_space<vmem>> -> memref<1x32x513xf32, #tpu.memory_space<vmem>>
          %gather3A_486 = tpu.memref_squeeze %gather3A_485 : memref<1x32x513xf32, #tpu.memory_space<vmem>> -> memref<32x513xf32, #tpu.memory_space<vmem>>
          %gather3A_487 = tpu.vector_load_idx %gather3A_486[%add3A_482, %add3A_479] : memref<32x513xf32, #tpu.memory_space<vmem>>[vector<16xi32>, vector<16xi32>], vector<16xf32>,
          %add3A_488 = arith.constant 16 : i32
          %add3A_489 = vector.broadcast %add3A_488 : i32 to vector<16xi32>
          %add3A_490 = arith.addi %iota3A, %add3A_489 : vector<16xi32>
          %gather3A_491 = arith.constant 0 : i32
          %gather3A_492 = arith.constant 0 : i32
          %gather3A_493 = tpu.memref_slice %arg5[%scan3A_111, %gather3A_491, %gather3A_492] : memref<2x32x513xf32, #tpu.memory_space<vmem>> -> memref<1x32x513xf32, #tpu.memory_space<vmem>>
          %gather3A_494 = tpu.memref_squeeze %gather3A_493 : memref<1x32x513xf32, #tpu.memory_space<vmem>> -> memref<32x513xf32, #tpu.memory_space<vmem>>
          %gather3A_495 = tpu.vector_load_idx %gather3A_494[%add3A_490, %add3A_479] : memref<32x513xf32, #tpu.memory_space<vmem>>[vector<16xi32>, vector<16xi32>], vector<16xf32>,
          %add3A_496 = arith.constant 14 : i32
          %add3A_497 = vector.broadcast %add3A_496 : i32 to vector<16xi32>
          %add3A_498 = arith.addi %broadcast_in_dim3A, %add3A_497 : vector<16xi32>
          %add3A_499 = arith.constant 0 : i32
          %add3A_500 = vector.broadcast %add3A_499 : i32 to vector<16xi32>
          %add3A_501 = arith.addi %iota3A, %add3A_500 : vector<16xi32>
          %gather3A_502 = arith.constant 0 : i32
          %gather3A_503 = arith.constant 0 : i32
          %gather3A_504 = tpu.memref_slice %arg5[%scan3A_111, %gather3A_502, %gather3A_503] : memref<2x32x513xf32, #tpu.memory_space<vmem>> -> memref<1x32x513xf32, #tpu.memory_space<vmem>>
          %gather3A_505 = tpu.memref_squeeze %gather3A_504 : memref<1x32x513xf32, #tpu.memory_space<vmem>> -> memref<32x513xf32, #tpu.memory_space<vmem>>
          %gather3A_506 = tpu.vector_load_idx %gather3A_505[%add3A_501, %add3A_498] : memref<32x513xf32, #tpu.memory_space<vmem>>[vector<16xi32>, vector<16xi32>], vector<16xf32>,
          %add3A_507 = arith.constant 16 : i32
          %add3A_508 = vector.broadcast %add3A_507 : i32 to vector<16xi32>
          %add3A_509 = arith.addi %iota3A, %add3A_508 : vector<16xi32>
          %gather3A_510 = arith.constant 0 : i32
          %gather3A_511 = arith.constant 0 : i32
          %gather3A_512 = tpu.memref_slice %arg5[%scan3A_111, %gather3A_510, %gather3A_511] : memref<2x32x513xf32, #tpu.memory_space<vmem>> -> memref<1x32x513xf32, #tpu.memory_space<vmem>>
          %gather3A_513 = tpu.memref_squeeze %gather3A_512 : memref<1x32x513xf32, #tpu.memory_space<vmem>> -> memref<32x513xf32, #tpu.memory_space<vmem>>
          %gather3A_514 = tpu.vector_load_idx %gather3A_513[%add3A_509, %add3A_498] : memref<32x513xf32, #tpu.memory_space<vmem>>[vector<16xi32>, vector<16xi32>], vector<16xf32>,
          %add3A_515 = arith.constant 15 : i32
          %add3A_516 = vector.broadcast %add3A_515 : i32 to vector<16xi32>
          %add3A_517 = arith.addi %broadcast_in_dim3A, %add3A_516 : vector<16xi32>
          %add3A_518 = arith.constant 0 : i32
          %add3A_519 = vector.broadcast %add3A_518 : i32 to vector<16xi32>
          %add3A_520 = arith.addi %iota3A, %add3A_519 : vector<16xi32>
          %gather3A_521 = arith.constant 0 : i32
          %gather3A_522 = arith.constant 0 : i32
          %gather3A_523 = tpu.memref_slice %arg5[%scan3A_111, %gather3A_521, %gather3A_522] : memref<2x32x513xf32, #tpu.memory_space<vmem>> -> memref<1x32x513xf32, #tpu.memory_space<vmem>>
          %gather3A_524 = tpu.memref_squeeze %gather3A_523 : memref<1x32x513xf32, #tpu.memory_space<vmem>> -> memref<32x513xf32, #tpu.memory_space<vmem>>
          %gather3A_525 = tpu.vector_load_idx %gather3A_524[%add3A_520, %add3A_517] : memref<32x513xf32, #tpu.memory_space<vmem>>[vector<16xi32>, vector<16xi32>], vector<16xf32>,
          %add3A_526 = arith.constant 16 : i32
          %add3A_527 = vector.broadcast %add3A_526 : i32 to vector<16xi32>
          %add3A_528 = arith.addi %iota3A, %add3A_527 : vector<16xi32>
          %gather3A_529 = arith.constant 0 : i32
          %gather3A_530 = arith.constant 0 : i32
          %gather3A_531 = tpu.memref_slice %arg5[%scan3A_111, %gather3A_529, %gather3A_530] : memref<2x32x513xf32, #tpu.memory_space<vmem>> -> memref<1x32x513xf32, #tpu.memory_space<vmem>>
          %gather3A_532 = tpu.memref_squeeze %gather3A_531 : memref<1x32x513xf32, #tpu.memory_space<vmem>> -> memref<32x513xf32, #tpu.memory_space<vmem>>
          %gather3A_533 = tpu.vector_load_idx %gather3A_532[%add3A_528, %add3A_517] : memref<32x513xf32, #tpu.memory_space<vmem>>[vector<16xi32>, vector<16xi32>], vector<16xf32>,
          %add3A_534 = arith.constant 256 : i32
          %add3A_535 = arith.addi %add3A_135, %add3A_534 : i32
          %add3A_536 = arith.constant 0 : i32
          %add3A_537 = arith.addi %add3A_535, %add3A_536 : i32
          %swap3A_538 = arith.index_cast %add3A_537 : i32 to index
          %swap3A_539 = tpu.vector_load %arg6[%swap3A_538] {strides = array<i32>} : memref<32768xf32, #tpu.memory_space<vmem>>, vector<16xf32>,
          tpu.vector_store %arg6[%swap3A_538], %gather3A_344 {strides = array<i32>} : memref<32768xf32, #tpu.memory_space<vmem>>, vector<16xf32>,
          %add3A_540 = arith.constant 256 : i32
          %add3A_541 = arith.addi %add3A_135, %add3A_540 : i32
          %add3A_542 = arith.constant 16 : i32
          %add3A_543 = arith.addi %add3A_541, %add3A_542 : i32
          %swap3A_544 = arith.index_cast %add3A_543 : i32 to index
          %swap3A_545 = tpu.vector_load %arg6[%swap3A_544] {strides = array<i32>} : memref<32768xf32, #tpu.memory_space<vmem>>, vector<16xf32>,
          tpu.vector_store %arg6[%swap3A_544], %gather3A_352 {strides = array<i32>} : memref<32768xf32, #tpu.memory_space<vmem>>, vector<16xf32>,
          %add3A_546 = arith.constant 288 : i32
          %add3A_547 = arith.addi %add3A_135, %add3A_546 : i32
          %add3A_548 = arith.constant 0 : i32
          %add3A_549 = arith.addi %add3A_547, %add3A_548 : i32
          %swap3A_550 = arith.index_cast %add3A_549 : i32 to index
          %swap3A_551 = tpu.vector_load %arg6[%swap3A_550] {strides = array<i32>} : memref<32768xf32, #tpu.memory_space<vmem>>, vector<16xf32>,
          tpu.vector_store %arg6[%swap3A_550], %gather3A_363 {strides = array<i32>} : memref<32768xf32, #tpu.memory_space<vmem>>, vector<16xf32>,
          %add3A_552 = arith.constant 288 : i32
          %add3A_553 = arith.addi %add3A_135, %add3A_552 : i32
          %add3A_554 = arith.constant 16 : i32
          %add3A_555 = arith.addi %add3A_553, %add3A_554 : i32
          %swap3A_556 = arith.index_cast %add3A_555 : i32 to index
          %swap3A_557 = tpu.vector_load %arg6[%swap3A_556] {strides = array<i32>} : memref<32768xf32, #tpu.memory_space<vmem>>, vector<16xf32>,
          tpu.vector_store %arg6[%swap3A_556], %gather3A_371 {strides = array<i32>} : memref<32768xf32, #tpu.memory_space<vmem>>, vector<16xf32>,
          %add3A_558 = arith.constant 320 : i32
          %add3A_559 = arith.addi %add3A_135, %add3A_558 : i32
          %add3A_560 = arith.constant 0 : i32
          %add3A_561 = arith.addi %add3A_559, %add3A_560 : i32
          %swap3A_562 = arith.index_cast %add3A_561 : i32 to index
          %swap3A_563 = tpu.vector_load %arg6[%swap3A_562] {strides = array<i32>} : memref<32768xf32, #tpu.memory_space<vmem>>, vector<16xf32>,
          tpu.vector_store %arg6[%swap3A_562], %gather3A_382 {strides = array<i32>} : memref<32768xf32, #tpu.memory_space<vmem>>, vector<16xf32>,
          %add3A_564 = arith.constant 320 : i32
          %add3A_565 = arith.addi %add3A_135, %add3A_564 : i32
          %add3A_566 = arith.constant 16 : i32
          %add3A_567 = arith.addi %add3A_565, %add3A_566 : i32
          %swap3A_568 = arith.index_cast %add3A_567 : i32 to index
          %swap3A_569 = tpu.vector_load %arg6[%swap3A_568] {strides = array<i32>} : memref<32768xf32, #tpu.memory_space<vmem>>, vector<16xf32>,
          tpu.vector_store %arg6[%swap3A_568], %gather3A_390 {strides = array<i32>} : memref<32768xf32, #tpu.memory_space<vmem>>, vector<16xf32>,
          %add3A_570 = arith.constant 352 : i32
          %add3A_571 = arith.addi %add3A_135, %add3A_570 : i32
          %add3A_572 = arith.constant 0 : i32
          %add3A_573 = arith.addi %add3A_571, %add3A_572 : i32
          %swap3A_574 = arith.index_cast %add3A_573 : i32 to index
          %swap3A_575 = tpu.vector_load %arg6[%swap3A_574] {strides = array<i32>} : memref<32768xf32, #tpu.memory_space<vmem>>, vector<16xf32>,
          tpu.vector_store %arg6[%swap3A_574], %gather3A_401 {strides = array<i32>} : memref<32768xf32, #tpu.memory_space<vmem>>, vector<16xf32>,
          %add3A_576 = arith.constant 352 : i32
          %add3A_577 = arith.addi %add3A_135, %add3A_576 : i32
          %add3A_578 = arith.constant 16 : i32
          %add3A_579 = arith.addi %add3A_577, %add3A_578 : i32
          %swap3A_580 = arith.index_cast %add3A_579 : i32 to index
          %swap3A_581 = tpu.vector_load %arg6[%swap3A_580] {strides = array<i32>} : memref<32768xf32, #tpu.memory_space<vmem>>, vector<16xf32>,
          tpu.vector_store %arg6[%swap3A_580], %gather3A_409 {strides = array<i32>} : memref<32768xf32, #tpu.memory_space<vmem>>, vector<16xf32>,
          %add3A_582 = arith.constant 16 : i32
          %add3A_583 = vector.broadcast %add3A_582 : i32 to vector<16xi32>
          %add3A_584 = arith.addi %broadcast_in_dim3A, %add3A_583 : vector<16xi32>
          %add3A_585 = arith.constant 0 : i32
          %add3A_586 = vector.broadcast %add3A_585 : i32 to vector<16xi32>
          %add3A_587 = arith.addi %iota3A, %add3A_586 : vector<16xi32>
          %gather3A_588 = arith.constant 0 : i32
          %gather3A_589 = arith.constant 0 : i32
          %gather3A_590 = tpu.memref_slice %arg5[%scan3A_111, %gather3A_588, %gather3A_589] : memref<2x32x513xf32, #tpu.memory_space<vmem>> -> memref<1x32x513xf32, #tpu.memory_space<vmem>>
          %gather3A_591 = tpu.memref_squeeze %gather3A_590 : memref<1x32x513xf32, #tpu.memory_space<vmem>> -> memref<32x513xf32, #tpu.memory_space<vmem>>
          %gather3A_592 = tpu.vector_load_idx %gather3A_591[%add3A_587, %add3A_584] : memref<32x513xf32, #tpu.memory_space<vmem>>[vector<16xi32>, vector<16xi32>], vector<16xf32>,
          %add3A_593 = arith.constant 16 : i32
          %add3A_594 = vector.broadcast %add3A_593 : i32 to vector<16xi32>
          %add3A_595 = arith.addi %iota3A, %add3A_594 : vector<16xi32>
          %gather3A_596 = arith.constant 0 : i32
          %gather3A_597 = arith.constant 0 : i32
          %gather3A_598 = tpu.memref_slice %arg5[%scan3A_111, %gather3A_596, %gather3A_597] : memref<2x32x513xf32, #tpu.memory_space<vmem>> -> memref<1x32x513xf32, #tpu.memory_space<vmem>>
          %gather3A_599 = tpu.memref_squeeze %gather3A_598 : memref<1x32x513xf32, #tpu.memory_space<vmem>> -> memref<32x513xf32, #tpu.memory_space<vmem>>
          %gather3A_600 = tpu.vector_load_idx %gather3A_599[%add3A_595, %add3A_584] : memref<32x513xf32, #tpu.memory_space<vmem>>[vector<16xi32>, vector<16xi32>], vector<16xf32>,
          %add3A_601 = arith.constant 17 : i32
          %add3A_602 = vector.broadcast %add3A_601 : i32 to vector<16xi32>
          %add3A_603 = arith.addi %broadcast_in_dim3A, %add3A_602 : vector<16xi32>
          %add3A_604 = arith.constant 0 : i32
          %add3A_605 = vector.broadcast %add3A_604 : i32 to vector<16xi32>
          %add3A_606 = arith.addi %iota3A, %add3A_605 : vector<16xi32>
          %gather3A_607 = arith.constant 0 : i32
          %gather3A_608 = arith.constant 0 : i32
          %gather3A_609 = tpu.memref_slice %arg5[%scan3A_111, %gather3A_607, %gather3A_608] : memref<2x32x513xf32, #tpu.memory_space<vmem>> -> memref<1x32x513xf32, #tpu.memory_space<vmem>>
          %gather3A_610 = tpu.memref_squeeze %gather3A_609 : memref<1x32x513xf32, #tpu.memory_space<vmem>> -> memref<32x513xf32, #tpu.memory_space<vmem>>
          %gather3A_611 = tpu.vector_load_idx %gather3A_610[%add3A_606, %add3A_603] : memref<32x513xf32, #tpu.memory_space<vmem>>[vector<16xi32>, vector<16xi32>], vector<16xf32>,
          %add3A_612 = arith.constant 16 : i32
          %add3A_613 = vector.broadcast %add3A_612 : i32 to vector<16xi32>
          %add3A_614 = arith.addi %iota3A, %add3A_613 : vector<16xi32>
          %gather3A_615 = arith.constant 0 : i32
          %gather3A_616 = arith.constant 0 : i32
          %gather3A_617 = tpu.memref_slice %arg5[%scan3A_111, %gather3A_615, %gather3A_616] : memref<2x32x513xf32, #tpu.memory_space<vmem>> -> memref<1x32x513xf32, #tpu.memory_space<vmem>>
          %gather3A_618 = tpu.memref_squeeze %gather3A_617 : memref<1x32x513xf32, #tpu.memory_space<vmem>> -> memref<32x513xf32, #tpu.memory_space<vmem>>
          %gather3A_619 = tpu.vector_load_idx %gather3A_618[%add3A_614, %add3A_603] : memref<32x513xf32, #tpu.memory_space<vmem>>[vector<16xi32>, vector<16xi32>], vector<16xf32>,
          %add3A_620 = arith.constant 18 : i32
          %add3A_621 = vector.broadcast %add3A_620 : i32 to vector<16xi32>
          %add3A_622 = arith.addi %broadcast_in_dim3A, %add3A_621 : vector<16xi32>
          %add3A_623 = arith.constant 0 : i32
          %add3A_624 = vector.broadcast %add3A_623 : i32 to vector<16xi32>
          %add3A_625 = arith.addi %iota3A, %add3A_624 : vector<16xi32>
          %gather3A_626 = arith.constant 0 : i32
          %gather3A_627 = arith.constant 0 : i32
          %gather3A_628 = tpu.memref_slice %arg5[%scan3A_111, %gather3A_626, %gather3A_627] : memref<2x32x513xf32, #tpu.memory_space<vmem>> -> memref<1x32x513xf32, #tpu.memory_space<vmem>>
          %gather3A_629 = tpu.memref_squeeze %gather3A_628 : memref<1x32x513xf32, #tpu.memory_space<vmem>> -> memref<32x513xf32, #tpu.memory_space<vmem>>
          %gather3A_630 = tpu.vector_load_idx %gather3A_629[%add3A_625, %add3A_622] : memref<32x513xf32, #tpu.memory_space<vmem>>[vector<16xi32>, vector<16xi32>], vector<16xf32>,
          %add3A_631 = arith.constant 16 : i32
          %add3A_632 = vector.broadcast %add3A_631 : i32 to vector<16xi32>
          %add3A_633 = arith.addi %iota3A, %add3A_632 : vector<16xi32>
          %gather3A_634 = arith.constant 0 : i32
          %gather3A_635 = arith.constant 0 : i32
          %gather3A_636 = tpu.memref_slice %arg5[%scan3A_111, %gather3A_634, %gather3A_635] : memref<2x32x513xf32, #tpu.memory_space<vmem>> -> memref<1x32x513xf32, #tpu.memory_space<vmem>>
          %gather3A_637 = tpu.memref_squeeze %gather3A_636 : memref<1x32x513xf32, #tpu.memory_space<vmem>> -> memref<32x513xf32, #tpu.memory_space<vmem>>
          %gather3A_638 = tpu.vector_load_idx %gather3A_637[%add3A_633, %add3A_622] : memref<32x513xf32, #tpu.memory_space<vmem>>[vector<16xi32>, vector<16xi32>], vector<16xf32>,
          %add3A_639 = arith.constant 19 : i32
          %add3A_640 = vector.broadcast %add3A_639 : i32 to vector<16xi32>
          %add3A_641 = arith.addi %broadcast_in_dim3A, %add3A_640 : vector<16xi32>
          %add3A_642 = arith.constant 0 : i32
          %add3A_643 = vector.broadcast %add3A_642 : i32 to vector<16xi32>
          %add3A_644 = arith.addi %iota3A, %add3A_643 : vector<16xi32>
          %gather3A_645 = arith.constant 0 : i32
          %gather3A_646 = arith.constant 0 : i32
          %gather3A_647 = tpu.memref_slice %arg5[%scan3A_111, %gather3A_645, %gather3A_646] : memref<2x32x513xf32, #tpu.memory_space<vmem>> -> memref<1x32x513xf32, #tpu.memory_space<vmem>>
          %gather3A_648 = tpu.memref_squeeze %gather3A_647 : memref<1x32x513xf32, #tpu.memory_space<vmem>> -> memref<32x513xf32, #tpu.memory_space<vmem>>
          %gather3A_649 = tpu.vector_load_idx %gather3A_648[%add3A_644, %add3A_641] : memref<32x513xf32, #tpu.memory_space<vmem>>[vector<16xi32>, vector<16xi32>], vector<16xf32>,
          %add3A_650 = arith.constant 16 : i32
          %add3A_651 = vector.broadcast %add3A_650 : i32 to vector<16xi32>
          %add3A_652 = arith.addi %iota3A, %add3A_651 : vector<16xi32>
          %gather3A_653 = arith.constant 0 : i32
          %gather3A_654 = arith.constant 0 : i32
          %gather3A_655 = tpu.memref_slice %arg5[%scan3A_111, %gather3A_653, %gather3A_654] : memref<2x32x513xf32, #tpu.memory_space<vmem>> -> memref<1x32x513xf32, #tpu.memory_space<vmem>>
          %gather3A_656 = tpu.memref_squeeze %gather3A_655 : memref<1x32x513xf32, #tpu.memory_space<vmem>> -> memref<32x513xf32, #tpu.memory_space<vmem>>
          %gather3A_657 = tpu.vector_load_idx %gather3A_656[%add3A_652, %add3A_641] : memref<32x513xf32, #tpu.memory_space<vmem>>[vector<16xi32>, vector<16xi32>], vector<16xf32>,
          %add3A_658 = arith.constant 384 : i32
          %add3A_659 = arith.addi %add3A_135, %add3A_658 : i32
          %add3A_660 = arith.constant 0 : i32
          %add3A_661 = arith.addi %add3A_659, %add3A_660 : i32
          %swap3A_662 = arith.index_cast %add3A_661 : i32 to index
          %swap3A_663 = tpu.vector_load %arg6[%swap3A_662] {strides = array<i32>} : memref<32768xf32, #tpu.memory_space<vmem>>, vector<16xf32>,
          tpu.vector_store %arg6[%swap3A_662], %gather3A_468 {strides = array<i32>} : memref<32768xf32, #tpu.memory_space<vmem>>, vector<16xf32>,
          %add3A_664 = arith.constant 384 : i32
          %add3A_665 = arith.addi %add3A_135, %add3A_664 : i32
          %add3A_666 = arith.constant 16 : i32
          %add3A_667 = arith.addi %add3A_665, %add3A_666 : i32
          %swap3A_668 = arith.index_cast %add3A_667 : i32 to index
          %swap3A_669 = tpu.vector_load %arg6[%swap3A_668] {strides = array<i32>} : memref<32768xf32, #tpu.memory_space<vmem>>, vector<16xf32>,
          tpu.vector_store %arg6[%swap3A_668], %gather3A_476 {strides = array<i32>} : memref<32768xf32, #tpu.memory_space<vmem>>, vector<16xf32>,
          %add3A_670 = arith.constant 416 : i32
          %add3A_671 = arith.addi %add3A_135, %add3A_670 : i32
          %add3A_672 = arith.constant 0 : i32
          %add3A_673 = arith.addi %add3A_671, %add3A_672 : i32
          %swap3A_674 = arith.index_cast %add3A_673 : i32 to index
          %swap3A_675 = tpu.vector_load %arg6[%swap3A_674] {strides = array<i32>} : memref<32768xf32, #tpu.memory_space<vmem>>, vector<16xf32>,
          tpu.vector_store %arg6[%swap3A_674], %gather3A_487 {strides = array<i32>} : memref<32768xf32, #tpu.memory_space<vmem>>, vector<16xf32>,
          %add3A_676 = arith.constant 416 : i32
          %add3A_677 = arith.addi %add3A_135, %add3A_676 : i32
          %add3A_678 = arith.constant 16 : i32
          %add3A_679 = arith.addi %add3A_677, %add3A_678 : i32
          %swap3A_680 = arith.index_cast %add3A_679 : i32 to index
          %swap3A_681 = tpu.vector_load %arg6[%swap3A_680] {strides = array<i32>} : memref<32768xf32, #tpu.memory_space<vmem>>, vector<16xf32>,
          tpu.vector_store %arg6[%swap3A_680], %gather3A_495 {strides = array<i32>} : memref<32768xf32, #tpu.memory_space<vmem>>, vector<16xf32>,
          %add3A_682 = arith.constant 448 : i32
          %add3A_683 = arith.addi %add3A_135, %add3A_682 : i32
          %add3A_684 = arith.constant 0 : i32
          %add3A_685 = arith.addi %add3A_683, %add3A_684 : i32
          %swap3A_686 = arith.index_cast %add3A_685 : i32 to index
          %swap3A_687 = tpu.vector_load %arg6[%swap3A_686] {strides = array<i32>} : memref<32768xf32, #tpu.memory_space<vmem>>, vector<16xf32>,
          tpu.vector_store %arg6[%swap3A_686], %gather3A_506 {strides = array<i32>} : memref<32768xf32, #tpu.memory_space<vmem>>, vector<16xf32>,
          %add3A_688 = arith.constant 448 : i32
          %add3A_689 = arith.addi %add3A_135, %add3A_688 : i32
          %add3A_690 = arith.constant 16 : i32
          %add3A_691 = arith.addi %add3A_689, %add3A_690 : i32
          %swap3A_692 = arith.index_cast %add3A_691 : i32 to index
          %swap3A_693 = tpu.vector_load %arg6[%swap3A_692] {strides = array<i32>} : memref<32768xf32, #tpu.memory_space<vmem>>, vector<16xf32>,
          tpu.vector_store %arg6[%swap3A_692], %gather3A_514 {strides = array<i32>} : memref<32768xf32, #tpu.memory_space<vmem>>, vector<16xf32>,
          %add3A_694 = arith.constant 480 : i32
          %add3A_695 = arith.addi %add3A_135, %add3A_694 : i32
          %add3A_696 = arith.constant 0 : i32
          %add3A_697 = arith.addi %add3A_695, %add3A_696 : i32
          %swap3A_698 = arith.index_cast %add3A_697 : i32 to index
          %swap3A_699 = tpu.vector_load %arg6[%swap3A_698] {strides = array<i32>} : memref<32768xf32, #tpu.memory_space<vmem>>, vector<16xf32>,
          tpu.vector_store %arg6[%swap3A_698], %gather3A_525 {strides = array<i32>} : memref<32768xf32, #tpu.memory_space<vmem>>, vector<16xf32>,
          %add3A_700 = arith.constant 480 : i32
          %add3A_701 = arith.addi %add3A_135, %add3A_700 : i32
          %add3A_702 = arith.constant 16 : i32
          %add3A_703 = arith.addi %add3A_701, %add3A_702 : i32
          %swap3A_704 = arith.index_cast %add3A_703 : i32 to index
          %swap3A_705 = tpu.vector_load %arg6[%swap3A_704] {strides = array<i32>} : memref<32768xf32, #tpu.memory_space<vmem>>, vector<16xf32>,
          tpu.vector_store %arg6[%swap3A_704], %gather3A_533 {strides = array<i32>} : memref<32768xf32, #tpu.memory_space<vmem>>, vector<16xf32>,
          %add3A_706 = arith.constant 20 : i32
          %add3A_707 = vector.broadcast %add3A_706 : i32 to vector<16xi32>
          %add3A_708 = arith.addi %broadcast_in_dim3A, %add3A_707 : vector<16xi32>
          %add3A_709 = arith.constant 0 : i32
          %add3A_710 = vector.broadcast %add3A_709 : i32 to vector<16xi32>
          %add3A_711 = arith.addi %iota3A, %add3A_710 : vector<16xi32>
          %gather3A_712 = arith.constant 0 : i32
          %gather3A_713 = arith.constant 0 : i32
          %gather3A_714 = tpu.memref_slice %arg5[%scan3A_111, %gather3A_712, %gather3A_713] : memref<2x32x513xf32, #tpu.memory_space<vmem>> -> memref<1x32x513xf32, #tpu.memory_space<vmem>>
          %gather3A_715 = tpu.memref_squeeze %gather3A_714 : memref<1x32x513xf32, #tpu.memory_space<vmem>> -> memref<32x513xf32, #tpu.memory_space<vmem>>
          %gather3A_716 = tpu.vector_load_idx %gather3A_715[%add3A_711, %add3A_708] : memref<32x513xf32, #tpu.memory_space<vmem>>[vector<16xi32>, vector<16xi32>], vector<16xf32>,
          %add3A_717 = arith.constant 16 : i32
          %add3A_718 = vector.broadcast %add3A_717 : i32 to vector<16xi32>
          %add3A_719 = arith.addi %iota3A, %add3A_718 : vector<16xi32>
          %gather3A_720 = arith.constant 0 : i32
          %gather3A_721 = arith.constant 0 : i32
          %gather3A_722 = tpu.memref_slice %arg5[%scan3A_111, %gather3A_720, %gather3A_721] : memref<2x32x513xf32, #tpu.memory_space<vmem>> -> memref<1x32x513xf32, #tpu.memory_space<vmem>>
          %gather3A_723 = tpu.memref_squeeze %gather3A_722 : memref<1x32x513xf32, #tpu.memory_space<vmem>> -> memref<32x513xf32, #tpu.memory_space<vmem>>
          %gather3A_724 = tpu.vector_load_idx %gather3A_723[%add3A_719, %add3A_708] : memref<32x513xf32, #tpu.memory_space<vmem>>[vector<16xi32>, vector<16xi32>], vector<16xf32>,
          %add3A_725 = arith.constant 21 : i32
          %add3A_726 = vector.broadcast %add3A_725 : i32 to vector<16xi32>
          %add3A_727 = arith.addi %broadcast_in_dim3A, %add3A_726 : vector<16xi32>
          %add3A_728 = arith.constant 0 : i32
          %add3A_729 = vector.broadcast %add3A_728 : i32 to vector<16xi32>
          %add3A_730 = arith.addi %iota3A, %add3A_729 : vector<16xi32>
          %gather3A_731 = arith.constant 0 : i32
          %gather3A_732 = arith.constant 0 : i32
          %gather3A_733 = tpu.memref_slice %arg5[%scan3A_111, %gather3A_731, %gather3A_732] : memref<2x32x513xf32, #tpu.memory_space<vmem>> -> memref<1x32x513xf32, #tpu.memory_space<vmem>>
          %gather3A_734 = tpu.memref_squeeze %gather3A_733 : memref<1x32x513xf32, #tpu.memory_space<vmem>> -> memref<32x513xf32, #tpu.memory_space<vmem>>
          %gather3A_735 = tpu.vector_load_idx %gather3A_734[%add3A_730, %add3A_727] : memref<32x513xf32, #tpu.memory_space<vmem>>[vector<16xi32>, vector<16xi32>], vector<16xf32>,
          %add3A_736 = arith.constant 16 : i32
          %add3A_737 = vector.broadcast %add3A_736 : i32 to vector<16xi32>
          %add3A_738 = arith.addi %iota3A, %add3A_737 : vector<16xi32>
          %gather3A_739 = arith.constant 0 : i32
          %gather3A_740 = arith.constant 0 : i32
          %gather3A_741 = tpu.memref_slice %arg5[%scan3A_111, %gather3A_739, %gather3A_740] : memref<2x32x513xf32, #tpu.memory_space<vmem>> -> memref<1x32x513xf32, #tpu.memory_space<vmem>>
          %gather3A_742 = tpu.memref_squeeze %gather3A_741 : memref<1x32x513xf32, #tpu.memory_space<vmem>> -> memref<32x513xf32, #tpu.memory_space<vmem>>
          %gather3A_743 = tpu.vector_load_idx %gather3A_742[%add3A_738, %add3A_727] : memref<32x513xf32, #tpu.memory_space<vmem>>[vector<16xi32>, vector<16xi32>], vector<16xf32>,
          %add3A_744 = arith.constant 22 : i32
          %add3A_745 = vector.broadcast %add3A_744 : i32 to vector<16xi32>
          %add3A_746 = arith.addi %broadcast_in_dim3A, %add3A_745 : vector<16xi32>
          %add3A_747 = arith.constant 0 : i32
          %add3A_748 = vector.broadcast %add3A_747 : i32 to vector<16xi32>
          %add3A_749 = arith.addi %iota3A, %add3A_748 : vector<16xi32>
          %gather3A_750 = arith.constant 0 : i32
          %gather3A_751 = arith.constant 0 : i32
          %gather3A_752 = tpu.memref_slice %arg5[%scan3A_111, %gather3A_750, %gather3A_751] : memref<2x32x513xf32, #tpu.memory_space<vmem>> -> memref<1x32x513xf32, #tpu.memory_space<vmem>>
          %gather3A_753 = tpu.memref_squeeze %gather3A_752 : memref<1x32x513xf32, #tpu.memory_space<vmem>> -> memref<32x513xf32, #tpu.memory_space<vmem>>
          %gather3A_754 = tpu.vector_load_idx %gather3A_753[%add3A_749, %add3A_746] : memref<32x513xf32, #tpu.memory_space<vmem>>[vector<16xi32>, vector<16xi32>], vector<16xf32>,
          %add3A_755 = arith.constant 16 : i32
          %add3A_756 = vector.broadcast %add3A_755 : i32 to vector<16xi32>
          %add3A_757 = arith.addi %iota3A, %add3A_756 : vector<16xi32>
          %gather3A_758 = arith.constant 0 : i32
          %gather3A_759 = arith.constant 0 : i32
          %gather3A_760 = tpu.memref_slice %arg5[%scan3A_111, %gather3A_758, %gather3A_759] : memref<2x32x513xf32, #tpu.memory_space<vmem>> -> memref<1x32x513xf32, #tpu.memory_space<vmem>>
          %gather3A_761 = tpu.memref_squeeze %gather3A_760 : memref<1x32x513xf32, #tpu.memory_space<vmem>> -> memref<32x513xf32, #tpu.memory_space<vmem>>
          %gather3A_762 = tpu.vector_load_idx %gather3A_761[%add3A_757, %add3A_746] : memref<32x513xf32, #tpu.memory_space<vmem>>[vector<16xi32>, vector<16xi32>], vector<16xf32>,
          %add3A_763 = arith.constant 23 : i32
          %add3A_764 = vector.broadcast %add3A_763 : i32 to vector<16xi32>
          %add3A_765 = arith.addi %broadcast_in_dim3A, %add3A_764 : vector<16xi32>
          %add3A_766 = arith.constant 0 : i32
          %add3A_767 = vector.broadcast %add3A_766 : i32 to vector<16xi32>
          %add3A_768 = arith.addi %iota3A, %add3A_767 : vector<16xi32>
          %gather3A_769 = arith.constant 0 : i32
          %gather3A_770 = arith.constant 0 : i32
          %gather3A_771 = tpu.memref_slice %arg5[%scan3A_111, %gather3A_769, %gather3A_770] : memref<2x32x513xf32, #tpu.memory_space<vmem>> -> memref<1x32x513xf32, #tpu.memory_space<vmem>>
          %gather3A_772 = tpu.memref_squeeze %gather3A_771 : memref<1x32x513xf32, #tpu.memory_space<vmem>> -> memref<32x513xf32, #tpu.memory_space<vmem>>
          %gather3A_773 = tpu.vector_load_idx %gather3A_772[%add3A_768, %add3A_765] : memref<32x513xf32, #tpu.memory_space<vmem>>[vector<16xi32>, vector<16xi32>], vector<16xf32>,
          %add3A_774 = arith.constant 16 : i32
          %add3A_775 = vector.broadcast %add3A_774 : i32 to vector<16xi32>
          %add3A_776 = arith.addi %iota3A, %add3A_775 : vector<16xi32>
          %gather3A_777 = arith.constant 0 : i32
          %gather3A_778 = arith.constant 0 : i32
          %gather3A_779 = tpu.memref_slice %arg5[%scan3A_111, %gather3A_777, %gather3A_778] : memref<2x32x513xf32, #tpu.memory_space<vmem>> -> memref<1x32x513xf32, #tpu.memory_space<vmem>>
          %gather3A_780 = tpu.memref_squeeze %gather3A_779 : memref<1x32x513xf32, #tpu.memory_space<vmem>> -> memref<32x513xf32, #tpu.memory_space<vmem>>
          %gather3A_781 = tpu.vector_load_idx %gather3A_780[%add3A_776, %add3A_765] : memref<32x513xf32, #tpu.memory_space<vmem>>[vector<16xi32>, vector<16xi32>], vector<16xf32>,
          %add3A_782 = arith.constant 512 : i32
          %add3A_783 = arith.addi %add3A_135, %add3A_782 : i32
          %add3A_784 = arith.constant 0 : i32
          %add3A_785 = arith.addi %add3A_783, %add3A_784 : i32
          %swap3A_786 = arith.index_cast %add3A_785 : i32 to index
          %swap3A_787 = tpu.vector_load %arg6[%swap3A_786] {strides = array<i32>} : memref<32768xf32, #tpu.memory_space<vmem>>, vector<16xf32>,
          tpu.vector_store %arg6[%swap3A_786], %gather3A_592 {strides = array<i32>} : memref<32768xf32, #tpu.memory_space<vmem>>, vector<16xf32>,
          %add3A_788 = arith.constant 512 : i32
          %add3A_789 = arith.addi %add3A_135, %add3A_788 : i32
          %add3A_790 = arith.constant 16 : i32
          %add3A_791 = arith.addi %add3A_789, %add3A_790 : i32
          %swap3A_792 = arith.index_cast %add3A_791 : i32 to index
          %swap3A_793 = tpu.vector_load %arg6[%swap3A_792] {strides = array<i32>} : memref<32768xf32, #tpu.memory_space<vmem>>, vector<16xf32>,
          tpu.vector_store %arg6[%swap3A_792], %gather3A_600 {strides = array<i32>} : memref<32768xf32, #tpu.memory_space<vmem>>, vector<16xf32>,
          %add3A_794 = arith.constant 544 : i32
          %add3A_795 = arith.addi %add3A_135, %add3A_794 : i32
          %add3A_796 = arith.constant 0 : i32
          %add3A_797 = arith.addi %add3A_795, %add3A_796 : i32
          %swap3A_798 = arith.index_cast %add3A_797 : i32 to index
          %swap3A_799 = tpu.vector_load %arg6[%swap3A_798] {strides = array<i32>} : memref<32768xf32, #tpu.memory_space<vmem>>, vector<16xf32>,
          tpu.vector_store %arg6[%swap3A_798], %gather3A_611 {strides = array<i32>} : memref<32768xf32, #tpu.memory_space<vmem>>, vector<16xf32>,
          %add3A_800 = arith.constant 544 : i32
          %add3A_801 = arith.addi %add3A_135, %add3A_800 : i32
          %add3A_802 = arith.constant 16 : i32
          %add3A_803 = arith.addi %add3A_801, %add3A_802 : i32
          %swap3A_804 = arith.index_cast %add3A_803 : i32 to index
          %swap3A_805 = tpu.vector_load %arg6[%swap3A_804] {strides = array<i32>} : memref<32768xf32, #tpu.memory_space<vmem>>, vector<16xf32>,
          tpu.vector_store %arg6[%swap3A_804], %gather3A_619 {strides = array<i32>} : memref<32768xf32, #tpu.memory_space<vmem>>, vector<16xf32>,
          %add3A_806 = arith.constant 576 : i32
          %add3A_807 = arith.addi %add3A_135, %add3A_806 : i32
          %add3A_808 = arith.constant 0 : i32
          %add3A_809 = arith.addi %add3A_807, %add3A_808 : i32
          %swap3A_810 = arith.index_cast %add3A_809 : i32 to index
          %swap3A_811 = tpu.vector_load %arg6[%swap3A_810] {strides = array<i32>} : memref<32768xf32, #tpu.memory_space<vmem>>, vector<16xf32>,
          tpu.vector_store %arg6[%swap3A_810], %gather3A_630 {strides = array<i32>} : memref<32768xf32, #tpu.memory_space<vmem>>, vector<16xf32>,
          %add3A_812 = arith.constant 576 : i32
          %add3A_813 = arith.addi %add3A_135, %add3A_812 : i32
          %add3A_814 = arith.constant 16 : i32
          %add3A_815 = arith.addi %add3A_813, %add3A_814 : i32
          %swap3A_816 = arith.index_cast %add3A_815 : i32 to index
          %swap3A_817 = tpu.vector_load %arg6[%swap3A_816] {strides = array<i32>} : memref<32768xf32, #tpu.memory_space<vmem>>, vector<16xf32>,
          tpu.vector_store %arg6[%swap3A_816], %gather3A_638 {strides = array<i32>} : memref<32768xf32, #tpu.memory_space<vmem>>, vector<16xf32>,
          %add3A_818 = arith.constant 608 : i32
          %add3A_819 = arith.addi %add3A_135, %add3A_818 : i32
          %add3A_820 = arith.constant 0 : i32
          %add3A_821 = arith.addi %add3A_819, %add3A_820 : i32
          %swap3A_822 = arith.index_cast %add3A_821 : i32 to index
          %swap3A_823 = tpu.vector_load %arg6[%swap3A_822] {strides = array<i32>} : memref<32768xf32, #tpu.memory_space<vmem>>, vector<16xf32>,
          tpu.vector_store %arg6[%swap3A_822], %gather3A_649 {strides = array<i32>} : memref<32768xf32, #tpu.memory_space<vmem>>, vector<16xf32>,
          %add3A_824 = arith.constant 608 : i32
          %add3A_825 = arith.addi %add3A_135, %add3A_824 : i32
          %add3A_826 = arith.constant 16 : i32
          %add3A_827 = arith.addi %add3A_825, %add3A_826 : i32
          %swap3A_828 = arith.index_cast %add3A_827 : i32 to index
          %swap3A_829 = tpu.vector_load %arg6[%swap3A_828] {strides = array<i32>} : memref<32768xf32, #tpu.memory_space<vmem>>, vector<16xf32>,
          tpu.vector_store %arg6[%swap3A_828], %gather3A_657 {strides = array<i32>} : memref<32768xf32, #tpu.memory_space<vmem>>, vector<16xf32>,
          %add3A_830 = arith.constant 24 : i32
          %add3A_831 = vector.broadcast %add3A_830 : i32 to vector<16xi32>
          %add3A_832 = arith.addi %broadcast_in_dim3A, %add3A_831 : vector<16xi32>
          %add3A_833 = arith.constant 0 : i32
          %add3A_834 = vector.broadcast %add3A_833 : i32 to vector<16xi32>
          %add3A_835 = arith.addi %iota3A, %add3A_834 : vector<16xi32>
          %gather3A_836 = arith.constant 0 : i32
          %gather3A_837 = arith.constant 0 : i32
          %gather3A_838 = tpu.memref_slice %arg5[%scan3A_111, %gather3A_836, %gather3A_837] : memref<2x32x513xf32, #tpu.memory_space<vmem>> -> memref<1x32x513xf32, #tpu.memory_space<vmem>>
          %gather3A_839 = tpu.memref_squeeze %gather3A_838 : memref<1x32x513xf32, #tpu.memory_space<vmem>> -> memref<32x513xf32, #tpu.memory_space<vmem>>
          %gather3A_840 = tpu.vector_load_idx %gather3A_839[%add3A_835, %add3A_832] : memref<32x513xf32, #tpu.memory_space<vmem>>[vector<16xi32>, vector<16xi32>], vector<16xf32>,
          %add3A_841 = arith.constant 16 : i32
          %add3A_842 = vector.broadcast %add3A_841 : i32 to vector<16xi32>
          %add3A_843 = arith.addi %iota3A, %add3A_842 : vector<16xi32>
          %gather3A_844 = arith.constant 0 : i32
          %gather3A_845 = arith.constant 0 : i32
          %gather3A_846 = tpu.memref_slice %arg5[%scan3A_111, %gather3A_844, %gather3A_845] : memref<2x32x513xf32, #tpu.memory_space<vmem>> -> memref<1x32x513xf32, #tpu.memory_space<vmem>>
          %gather3A_847 = tpu.memref_squeeze %gather3A_846 : memref<1x32x513xf32, #tpu.memory_space<vmem>> -> memref<32x513xf32, #tpu.memory_space<vmem>>
          %gather3A_848 = tpu.vector_load_idx %gather3A_847[%add3A_843, %add3A_832] : memref<32x513xf32, #tpu.memory_space<vmem>>[vector<16xi32>, vector<16xi32>], vector<16xf32>,
          %add3A_849 = arith.constant 25 : i32
          %add3A_850 = vector.broadcast %add3A_849 : i32 to vector<16xi32>
          %add3A_851 = arith.addi %broadcast_in_dim3A, %add3A_850 : vector<16xi32>
          %add3A_852 = arith.constant 0 : i32
          %add3A_853 = vector.broadcast %add3A_852 : i32 to vector<16xi32>
          %add3A_854 = arith.addi %iota3A, %add3A_853 : vector<16xi32>
          %gather3A_855 = arith.constant 0 : i32
          %gather3A_856 = arith.constant 0 : i32
          %gather3A_857 = tpu.memref_slice %arg5[%scan3A_111, %gather3A_855, %gather3A_856] : memref<2x32x513xf32, #tpu.memory_space<vmem>> -> memref<1x32x513xf32, #tpu.memory_space<vmem>>
          %gather3A_858 = tpu.memref_squeeze %gather3A_857 : memref<1x32x513xf32, #tpu.memory_space<vmem>> -> memref<32x513xf32, #tpu.memory_space<vmem>>
          %gather3A_859 = tpu.vector_load_idx %gather3A_858[%add3A_854, %add3A_851] : memref<32x513xf32, #tpu.memory_space<vmem>>[vector<16xi32>, vector<16xi32>], vector<16xf32>,
          %add3A_860 = arith.constant 16 : i32
          %add3A_861 = vector.broadcast %add3A_860 : i32 to vector<16xi32>
          %add3A_862 = arith.addi %iota3A, %add3A_861 : vector<16xi32>
          %gather3A_863 = arith.constant 0 : i32
          %gather3A_864 = arith.constant 0 : i32
          %gather3A_865 = tpu.memref_slice %arg5[%scan3A_111, %gather3A_863, %gather3A_864] : memref<2x32x513xf32, #tpu.memory_space<vmem>> -> memref<1x32x513xf32, #tpu.memory_space<vmem>>
          %gather3A_866 = tpu.memref_squeeze %gather3A_865 : memref<1x32x513xf32, #tpu.memory_space<vmem>> -> memref<32x513xf32, #tpu.memory_space<vmem>>
          %gather3A_867 = tpu.vector_load_idx %gather3A_866[%add3A_862, %add3A_851] : memref<32x513xf32, #tpu.memory_space<vmem>>[vector<16xi32>, vector<16xi32>], vector<16xf32>,
          %add3A_868 = arith.constant 26 : i32
          %add3A_869 = vector.broadcast %add3A_868 : i32 to vector<16xi32>
          %add3A_870 = arith.addi %broadcast_in_dim3A, %add3A_869 : vector<16xi32>
          %add3A_871 = arith.constant 0 : i32
          %add3A_872 = vector.broadcast %add3A_871 : i32 to vector<16xi32>
          %add3A_873 = arith.addi %iota3A, %add3A_872 : vector<16xi32>
          %gather3A_874 = arith.constant 0 : i32
          %gather3A_875 = arith.constant 0 : i32
          %gather3A_876 = tpu.memref_slice %arg5[%scan3A_111, %gather3A_874, %gather3A_875] : memref<2x32x513xf32, #tpu.memory_space<vmem>> -> memref<1x32x513xf32, #tpu.memory_space<vmem>>
          %gather3A_877 = tpu.memref_squeeze %gather3A_876 : memref<1x32x513xf32, #tpu.memory_space<vmem>> -> memref<32x513xf32, #tpu.memory_space<vmem>>
          %gather3A_878 = tpu.vector_load_idx %gather3A_877[%add3A_873, %add3A_870] : memref<32x513xf32, #tpu.memory_space<vmem>>[vector<16xi32>, vector<16xi32>], vector<16xf32>,
          %add3A_879 = arith.constant 16 : i32
          %add3A_880 = vector.broadcast %add3A_879 : i32 to vector<16xi32>
          %add3A_881 = arith.addi %iota3A, %add3A_880 : vector<16xi32>
          %gather3A_882 = arith.constant 0 : i32
          %gather3A_883 = arith.constant 0 : i32
          %gather3A_884 = tpu.memref_slice %arg5[%scan3A_111, %gather3A_882, %gather3A_883] : memref<2x32x513xf32, #tpu.memory_space<vmem>> -> memref<1x32x513xf32, #tpu.memory_space<vmem>>
          %gather3A_885 = tpu.memref_squeeze %gather3A_884 : memref<1x32x513xf32, #tpu.memory_space<vmem>> -> memref<32x513xf32, #tpu.memory_space<vmem>>
          %gather3A_886 = tpu.vector_load_idx %gather3A_885[%add3A_881, %add3A_870] : memref<32x513xf32, #tpu.memory_space<vmem>>[vector<16xi32>, vector<16xi32>], vector<16xf32>,
          %add3A_887 = arith.constant 27 : i32
          %add3A_888 = vector.broadcast %add3A_887 : i32 to vector<16xi32>
          %add3A_889 = arith.addi %broadcast_in_dim3A, %add3A_888 : vector<16xi32>
          %add3A_890 = arith.constant 0 : i32
          %add3A_891 = vector.broadcast %add3A_890 : i32 to vector<16xi32>
          %add3A_892 = arith.addi %iota3A, %add3A_891 : vector<16xi32>
          %gather3A_893 = arith.constant 0 : i32
          %gather3A_894 = arith.constant 0 : i32
          %gather3A_895 = tpu.memref_slice %arg5[%scan3A_111, %gather3A_893, %gather3A_894] : memref<2x32x513xf32, #tpu.memory_space<vmem>> -> memref<1x32x513xf32, #tpu.memory_space<vmem>>
          %gather3A_896 = tpu.memref_squeeze %gather3A_895 : memref<1x32x513xf32, #tpu.memory_space<vmem>> -> memref<32x513xf32, #tpu.memory_space<vmem>>
          %gather3A_897 = tpu.vector_load_idx %gather3A_896[%add3A_892, %add3A_889] : memref<32x513xf32, #tpu.memory_space<vmem>>[vector<16xi32>, vector<16xi32>], vector<16xf32>,
          %add3A_898 = arith.constant 16 : i32
          %add3A_899 = vector.broadcast %add3A_898 : i32 to vector<16xi32>
          %add3A_900 = arith.addi %iota3A, %add3A_899 : vector<16xi32>
          %gather3A_901 = arith.constant 0 : i32
          %gather3A_902 = arith.constant 0 : i32
          %gather3A_903 = tpu.memref_slice %arg5[%scan3A_111, %gather3A_901, %gather3A_902] : memref<2x32x513xf32, #tpu.memory_space<vmem>> -> memref<1x32x513xf32, #tpu.memory_space<vmem>>
          %gather3A_904 = tpu.memref_squeeze %gather3A_903 : memref<1x32x513xf32, #tpu.memory_space<vmem>> -> memref<32x513xf32, #tpu.memory_space<vmem>>
          %gather3A_905 = tpu.vector_load_idx %gather3A_904[%add3A_900, %add3A_889] : memref<32x513xf32, #tpu.memory_space<vmem>>[vector<16xi32>, vector<16xi32>], vector<16xf32>,
          %add3A_906 = arith.constant 640 : i32
          %add3A_907 = arith.addi %add3A_135, %add3A_906 : i32
          %add3A_908 = arith.constant 0 : i32
          %add3A_909 = arith.addi %add3A_907, %add3A_908 : i32
          %swap3A_910 = arith.index_cast %add3A_909 : i32 to index
          %swap3A_911 = tpu.vector_load %arg6[%swap3A_910] {strides = array<i32>} : memref<32768xf32, #tpu.memory_space<vmem>>, vector<16xf32>,
          tpu.vector_store %arg6[%swap3A_910], %gather3A_716 {strides = array<i32>} : memref<32768xf32, #tpu.memory_space<vmem>>, vector<16xf32>,
          %add3A_912 = arith.constant 640 : i32
          %add3A_913 = arith.addi %add3A_135, %add3A_912 : i32
          %add3A_914 = arith.constant 16 : i32
          %add3A_915 = arith.addi %add3A_913, %add3A_914 : i32
          %swap3A_916 = arith.index_cast %add3A_915 : i32 to index
          %swap3A_917 = tpu.vector_load %arg6[%swap3A_916] {strides = array<i32>} : memref<32768xf32, #tpu.memory_space<vmem>>, vector<16xf32>,
          tpu.vector_store %arg6[%swap3A_916], %gather3A_724 {strides = array<i32>} : memref<32768xf32, #tpu.memory_space<vmem>>, vector<16xf32>,
          %add3A_918 = arith.constant 672 : i32
          %add3A_919 = arith.addi %add3A_135, %add3A_918 : i32
          %add3A_920 = arith.constant 0 : i32
          %add3A_921 = arith.addi %add3A_919, %add3A_920 : i32
          %swap3A_922 = arith.index_cast %add3A_921 : i32 to index
          %swap3A_923 = tpu.vector_load %arg6[%swap3A_922] {strides = array<i32>} : memref<32768xf32, #tpu.memory_space<vmem>>, vector<16xf32>,
          tpu.vector_store %arg6[%swap3A_922], %gather3A_735 {strides = array<i32>} : memref<32768xf32, #tpu.memory_space<vmem>>, vector<16xf32>,
          %add3A_924 = arith.constant 672 : i32
          %add3A_925 = arith.addi %add3A_135, %add3A_924 : i32
          %add3A_926 = arith.constant 16 : i32
          %add3A_927 = arith.addi %add3A_925, %add3A_926 : i32
          %swap3A_928 = arith.index_cast %add3A_927 : i32 to index
          %swap3A_929 = tpu.vector_load %arg6[%swap3A_928] {strides = array<i32>} : memref<32768xf32, #tpu.memory_space<vmem>>, vector<16xf32>,
          tpu.vector_store %arg6[%swap3A_928], %gather3A_743 {strides = array<i32>} : memref<32768xf32, #tpu.memory_space<vmem>>, vector<16xf32>,
          %add3A_930 = arith.constant 704 : i32
          %add3A_931 = arith.addi %add3A_135, %add3A_930 : i32
          %add3A_932 = arith.constant 0 : i32
          %add3A_933 = arith.addi %add3A_931, %add3A_932 : i32
          %swap3A_934 = arith.index_cast %add3A_933 : i32 to index
          %swap3A_935 = tpu.vector_load %arg6[%swap3A_934] {strides = array<i32>} : memref<32768xf32, #tpu.memory_space<vmem>>, vector<16xf32>,
          tpu.vector_store %arg6[%swap3A_934], %gather3A_754 {strides = array<i32>} : memref<32768xf32, #tpu.memory_space<vmem>>, vector<16xf32>,
          %add3A_936 = arith.constant 704 : i32
          %add3A_937 = arith.addi %add3A_135, %add3A_936 : i32
          %add3A_938 = arith.constant 16 : i32
          %add3A_939 = arith.addi %add3A_937, %add3A_938 : i32
          %swap3A_940 = arith.index_cast %add3A_939 : i32 to index
          %swap3A_941 = tpu.vector_load %arg6[%swap3A_940] {strides = array<i32>} : memref<32768xf32, #tpu.memory_space<vmem>>, vector<16xf32>,
          tpu.vector_store %arg6[%swap3A_940], %gather3A_762 {strides = array<i32>} : memref<32768xf32, #tpu.memory_space<vmem>>, vector<16xf32>,
          %add3A_942 = arith.constant 736 : i32
          %add3A_943 = arith.addi %add3A_135, %add3A_942 : i32
          %add3A_944 = arith.constant 0 : i32
          %add3A_945 = arith.addi %add3A_943, %add3A_944 : i32
          %swap3A_946 = arith.index_cast %add3A_945 : i32 to index
          %swap3A_947 = tpu.vector_load %arg6[%swap3A_946] {strides = array<i32>} : memref<32768xf32, #tpu.memory_space<vmem>>, vector<16xf32>,
          tpu.vector_store %arg6[%swap3A_946], %gather3A_773 {strides = array<i32>} : memref<32768xf32, #tpu.memory_space<vmem>>, vector<16xf32>,
          %add3A_948 = arith.constant 736 : i32
          %add3A_949 = arith.addi %add3A_135, %add3A_948 : i32
          %add3A_950 = arith.constant 16 : i32
          %add3A_951 = arith.addi %add3A_949, %add3A_950 : i32
          %swap3A_952 = arith.index_cast %add3A_951 : i32 to index
          %swap3A_953 = tpu.vector_load %arg6[%swap3A_952] {strides = array<i32>} : memref<32768xf32, #tpu.memory_space<vmem>>, vector<16xf32>,
          tpu.vector_store %arg6[%swap3A_952], %gather3A_781 {strides = array<i32>} : memref<32768xf32, #tpu.memory_space<vmem>>, vector<16xf32>,
          %add3A_954 = arith.constant 28 : i32
          %add3A_955 = vector.broadcast %add3A_954 : i32 to vector<16xi32>
          %add3A_956 = arith.addi %broadcast_in_dim3A, %add3A_955 : vector<16xi32>
          %add3A_957 = arith.constant 0 : i32
          %add3A_958 = vector.broadcast %add3A_957 : i32 to vector<16xi32>
          %add3A_959 = arith.addi %iota3A, %add3A_958 : vector<16xi32>
          %gather3A_960 = arith.constant 0 : i32
          %gather3A_961 = arith.constant 0 : i32
          %gather3A_962 = tpu.memref_slice %arg5[%scan3A_111, %gather3A_960, %gather3A_961] : memref<2x32x513xf32, #tpu.memory_space<vmem>> -> memref<1x32x513xf32, #tpu.memory_space<vmem>>
          %gather3A_963 = tpu.memref_squeeze %gather3A_962 : memref<1x32x513xf32, #tpu.memory_space<vmem>> -> memref<32x513xf32, #tpu.memory_space<vmem>>
          %gather3A_964 = tpu.vector_load_idx %gather3A_963[%add3A_959, %add3A_956] : memref<32x513xf32, #tpu.memory_space<vmem>>[vector<16xi32>, vector<16xi32>], vector<16xf32>,
          %add3A_965 = arith.constant 16 : i32
          %add3A_966 = vector.broadcast %add3A_965 : i32 to vector<16xi32>
          %add3A_967 = arith.addi %iota3A, %add3A_966 : vector<16xi32>
          %gather3A_968 = arith.constant 0 : i32
          %gather3A_969 = arith.constant 0 : i32
          %gather3A_970 = tpu.memref_slice %arg5[%scan3A_111, %gather3A_968, %gather3A_969] : memref<2x32x513xf32, #tpu.memory_space<vmem>> -> memref<1x32x513xf32, #tpu.memory_space<vmem>>
          %gather3A_971 = tpu.memref_squeeze %gather3A_970 : memref<1x32x513xf32, #tpu.memory_space<vmem>> -> memref<32x513xf32, #tpu.memory_space<vmem>>
          %gather3A_972 = tpu.vector_load_idx %gather3A_971[%add3A_967, %add3A_956] : memref<32x513xf32, #tpu.memory_space<vmem>>[vector<16xi32>, vector<16xi32>], vector<16xf32>,
          %add3A_973 = arith.constant 29 : i32
          %add3A_974 = vector.broadcast %add3A_973 : i32 to vector<16xi32>
          %add3A_975 = arith.addi %broadcast_in_dim3A, %add3A_974 : vector<16xi32>
          %add3A_976 = arith.constant 0 : i32
          %add3A_977 = vector.broadcast %add3A_976 : i32 to vector<16xi32>
          %add3A_978 = arith.addi %iota3A, %add3A_977 : vector<16xi32>
          %gather3A_979 = arith.constant 0 : i32
          %gather3A_980 = arith.constant 0 : i32
          %gather3A_981 = tpu.memref_slice %arg5[%scan3A_111, %gather3A_979, %gather3A_980] : memref<2x32x513xf32, #tpu.memory_space<vmem>> -> memref<1x32x513xf32, #tpu.memory_space<vmem>>
          %gather3A_982 = tpu.memref_squeeze %gather3A_981 : memref<1x32x513xf32, #tpu.memory_space<vmem>> -> memref<32x513xf32, #tpu.memory_space<vmem>>
          %gather3A_983 = tpu.vector_load_idx %gather3A_982[%add3A_978, %add3A_975] : memref<32x513xf32, #tpu.memory_space<vmem>>[vector<16xi32>, vector<16xi32>], vector<16xf32>,
          %add3A_984 = arith.constant 16 : i32
          %add3A_985 = vector.broadcast %add3A_984 : i32 to vector<16xi32>
          %add3A_986 = arith.addi %iota3A, %add3A_985 : vector<16xi32>
          %gather3A_987 = arith.constant 0 : i32
          %gather3A_988 = arith.constant 0 : i32
          %gather3A_989 = tpu.memref_slice %arg5[%scan3A_111, %gather3A_987, %gather3A_988] : memref<2x32x513xf32, #tpu.memory_space<vmem>> -> memref<1x32x513xf32, #tpu.memory_space<vmem>>
          %gather3A_990 = tpu.memref_squeeze %gather3A_989 : memref<1x32x513xf32, #tpu.memory_space<vmem>> -> memref<32x513xf32, #tpu.memory_space<vmem>>
          %gather3A_991 = tpu.vector_load_idx %gather3A_990[%add3A_986, %add3A_975] : memref<32x513xf32, #tpu.memory_space<vmem>>[vector<16xi32>, vector<16xi32>], vector<16xf32>,
          %add3A_992 = arith.constant 30 : i32
          %add3A_993 = vector.broadcast %add3A_992 : i32 to vector<16xi32>
          %add3A_994 = arith.addi %broadcast_in_dim3A, %add3A_993 : vector<16xi32>
          %add3A_995 = arith.constant 0 : i32
          %add3A_996 = vector.broadcast %add3A_995 : i32 to vector<16xi32>
          %add3A_997 = arith.addi %iota3A, %add3A_996 : vector<16xi32>
          %gather3A_998 = arith.constant 0 : i32
          %gather3A_999 = arith.constant 0 : i32
          %gather3A_1000 = tpu.memref_slice %arg5[%scan3A_111, %gather3A_998, %gather3A_999] : memref<2x32x513xf32, #tpu.memory_space<vmem>> -> memref<1x32x513xf32, #tpu.memory_space<vmem>>
          %gather3A_1001 = tpu.memref_squeeze %gather3A_1000 : memref<1x32x513xf32, #tpu.memory_space<vmem>> -> memref<32x513xf32, #tpu.memory_space<vmem>>
          %gather3A_1002 = tpu.vector_load_idx %gather3A_1001[%add3A_997, %add3A_994] : memref<32x513xf32, #tpu.memory_space<vmem>>[vector<16xi32>, vector<16xi32>], vector<16xf32>,
          %add3A_1003 = arith.constant 16 : i32
          %add3A_1004 = vector.broadcast %add3A_1003 : i32 to vector<16xi32>
          %add3A_1005 = arith.addi %iota3A, %add3A_1004 : vector<16xi32>
          %gather3A_1006 = arith.constant 0 : i32
          %gather3A_1007 = arith.constant 0 : i32
          %gather3A_1008 = tpu.memref_slice %arg5[%scan3A_111, %gather3A_1006, %gather3A_1007] : memref<2x32x513xf32, #tpu.memory_space<vmem>> -> memref<1x32x513xf32, #tpu.memory_space<vmem>>
          %gather3A_1009 = tpu.memref_squeeze %gather3A_1008 : memref<1x32x513xf32, #tpu.memory_space<vmem>> -> memref<32x513xf32, #tpu.memory_space<vmem>>
          %gather3A_1010 = tpu.vector_load_idx %gather3A_1009[%add3A_1005, %add3A_994] : memref<32x513xf32, #tpu.memory_space<vmem>>[vector<16xi32>, vector<16xi32>], vector<16xf32>,
          %add3A_1011 = arith.constant 31 : i32
          %add3A_1012 = vector.broadcast %add3A_1011 : i32 to vector<16xi32>
          %add3A_1013 = arith.addi %broadcast_in_dim3A, %add3A_1012 : vector<16xi32>
          %add3A_1014 = arith.constant 0 : i32
          %add3A_1015 = vector.broadcast %add3A_1014 : i32 to vector<16xi32>
          %add3A_1016 = arith.addi %iota3A, %add3A_1015 : vector<16xi32>
          %gather3A_1017 = arith.constant 0 : i32
          %gather3A_1018 = arith.constant 0 : i32
          %gather3A_1019 = tpu.memref_slice %arg5[%scan3A_111, %gather3A_1017, %gather3A_1018] : memref<2x32x513xf32, #tpu.memory_space<vmem>> -> memref<1x32x513xf32, #tpu.memory_space<vmem>>
          %gather3A_1020 = tpu.memref_squeeze %gather3A_1019 : memref<1x32x513xf32, #tpu.memory_space<vmem>> -> memref<32x513xf32, #tpu.memory_space<vmem>>
          %gather3A_1021 = tpu.vector_load_idx %gather3A_1020[%add3A_1016, %add3A_1013] : memref<32x513xf32, #tpu.memory_space<vmem>>[vector<16xi32>, vector<16xi32>], vector<16xf32>,
          %add3A_1022 = arith.constant 16 : i32
          %add3A_1023 = vector.broadcast %add3A_1022 : i32 to vector<16xi32>
          %add3A_1024 = arith.addi %iota3A, %add3A_1023 : vector<16xi32>
          %gather3A_1025 = arith.constant 0 : i32
          %gather3A_1026 = arith.constant 0 : i32
          %gather3A_1027 = tpu.memref_slice %arg5[%scan3A_111, %gather3A_1025, %gather3A_1026] : memref<2x32x513xf32, #tpu.memory_space<vmem>> -> memref<1x32x513xf32, #tpu.memory_space<vmem>>
          %gather3A_1028 = tpu.memref_squeeze %gather3A_1027 : memref<1x32x513xf32, #tpu.memory_space<vmem>> -> memref<32x513xf32, #tpu.memory_space<vmem>>
          %gather3A_1029 = tpu.vector_load_idx %gather3A_1028[%add3A_1024, %add3A_1013] : memref<32x513xf32, #tpu.memory_space<vmem>>[vector<16xi32>, vector<16xi32>], vector<16xf32>,
          %add3A_1030 = arith.constant 768 : i32
          %add3A_1031 = arith.addi %add3A_135, %add3A_1030 : i32
          %add3A_1032 = arith.constant 0 : i32
          %add3A_1033 = arith.addi %add3A_1031, %add3A_1032 : i32
          %swap3A_1034 = arith.index_cast %add3A_1033 : i32 to index
          %swap3A_1035 = tpu.vector_load %arg6[%swap3A_1034] {strides = array<i32>} : memref<32768xf32, #tpu.memory_space<vmem>>, vector<16xf32>,
          tpu.vector_store %arg6[%swap3A_1034], %gather3A_840 {strides = array<i32>} : memref<32768xf32, #tpu.memory_space<vmem>>, vector<16xf32>,
          %add3A_1036 = arith.constant 768 : i32
          %add3A_1037 = arith.addi %add3A_135, %add3A_1036 : i32
          %add3A_1038 = arith.constant 16 : i32
          %add3A_1039 = arith.addi %add3A_1037, %add3A_1038 : i32
          %swap3A_1040 = arith.index_cast %add3A_1039 : i32 to index
          %swap3A_1041 = tpu.vector_load %arg6[%swap3A_1040] {strides = array<i32>} : memref<32768xf32, #tpu.memory_space<vmem>>, vector<16xf32>,
          tpu.vector_store %arg6[%swap3A_1040], %gather3A_848 {strides = array<i32>} : memref<32768xf32, #tpu.memory_space<vmem>>, vector<16xf32>,
          %add3A_1042 = arith.constant 800 : i32
          %add3A_1043 = arith.addi %add3A_135, %add3A_1042 : i32
          %add3A_1044 = arith.constant 0 : i32
          %add3A_1045 = arith.addi %add3A_1043, %add3A_1044 : i32
          %swap3A_1046 = arith.index_cast %add3A_1045 : i32 to index
          %swap3A_1047 = tpu.vector_load %arg6[%swap3A_1046] {strides = array<i32>} : memref<32768xf32, #tpu.memory_space<vmem>>, vector<16xf32>,
          tpu.vector_store %arg6[%swap3A_1046], %gather3A_859 {strides = array<i32>} : memref<32768xf32, #tpu.memory_space<vmem>>, vector<16xf32>,
          %add3A_1048 = arith.constant 800 : i32
          %add3A_1049 = arith.addi %add3A_135, %add3A_1048 : i32
          %add3A_1050 = arith.constant 16 : i32
          %add3A_1051 = arith.addi %add3A_1049, %add3A_1050 : i32
          %swap3A_1052 = arith.index_cast %add3A_1051 : i32 to index
          %swap3A_1053 = tpu.vector_load %arg6[%swap3A_1052] {strides = array<i32>} : memref<32768xf32, #tpu.memory_space<vmem>>, vector<16xf32>,
          tpu.vector_store %arg6[%swap3A_1052], %gather3A_867 {strides = array<i32>} : memref<32768xf32, #tpu.memory_space<vmem>>, vector<16xf32>,
          %add3A_1054 = arith.constant 832 : i32
          %add3A_1055 = arith.addi %add3A_135, %add3A_1054 : i32
          %add3A_1056 = arith.constant 0 : i32
          %add3A_1057 = arith.addi %add3A_1055, %add3A_1056 : i32
          %swap3A_1058 = arith.index_cast %add3A_1057 : i32 to index
          %swap3A_1059 = tpu.vector_load %arg6[%swap3A_1058] {strides = array<i32>} : memref<32768xf32, #tpu.memory_space<vmem>>, vector<16xf32>,
          tpu.vector_store %arg6[%swap3A_1058], %gather3A_878 {strides = array<i32>} : memref<32768xf32, #tpu.memory_space<vmem>>, vector<16xf32>,
          %add3A_1060 = arith.constant 832 : i32
          %add3A_1061 = arith.addi %add3A_135, %add3A_1060 : i32
          %add3A_1062 = arith.constant 16 : i32
          %add3A_1063 = arith.addi %add3A_1061, %add3A_1062 : i32
          %swap3A_1064 = arith.index_cast %add3A_1063 : i32 to index
          %swap3A_1065 = tpu.vector_load %arg6[%swap3A_1064] {strides = array<i32>} : memref<32768xf32, #tpu.memory_space<vmem>>, vector<16xf32>,
          tpu.vector_store %arg6[%swap3A_1064], %gather3A_886 {strides = array<i32>} : memref<32768xf32, #tpu.memory_space<vmem>>, vector<16xf32>,
          %add3A_1066 = arith.constant 864 : i32
          %add3A_1067 = arith.addi %add3A_135, %add3A_1066 : i32
          %add3A_1068 = arith.constant 0 : i32
          %add3A_1069 = arith.addi %add3A_1067, %add3A_1068 : i32
          %swap3A_1070 = arith.index_cast %add3A_1069 : i32 to index
          %swap3A_1071 = tpu.vector_load %arg6[%swap3A_1070] {strides = array<i32>} : memref<32768xf32, #tpu.memory_space<vmem>>, vector<16xf32>,
          tpu.vector_store %arg6[%swap3A_1070], %gather3A_897 {strides = array<i32>} : memref<32768xf32, #tpu.memory_space<vmem>>, vector<16xf32>,
          %add3A_1072 = arith.constant 864 : i32
          %add3A_1073 = arith.addi %add3A_135, %add3A_1072 : i32
          %add3A_1074 = arith.constant 16 : i32
          %add3A_1075 = arith.addi %add3A_1073, %add3A_1074 : i32
          %swap3A_1076 = arith.index_cast %add3A_1075 : i32 to index
          %swap3A_1077 = tpu.vector_load %arg6[%swap3A_1076] {strides = array<i32>} : memref<32768xf32, #tpu.memory_space<vmem>>, vector<16xf32>,
          tpu.vector_store %arg6[%swap3A_1076], %gather3A_905 {strides = array<i32>} : memref<32768xf32, #tpu.memory_space<vmem>>, vector<16xf32>,
          %add3A_1078 = arith.constant 896 : i32
          %add3A_1079 = arith.addi %add3A_135, %add3A_1078 : i32
          %add3A_1080 = arith.constant 0 : i32
          %add3A_1081 = arith.addi %add3A_1079, %add3A_1080 : i32
          %swap3A_1082 = arith.index_cast %add3A_1081 : i32 to index
          %swap3A_1083 = tpu.vector_load %arg6[%swap3A_1082] {strides = array<i32>} : memref<32768xf32, #tpu.memory_space<vmem>>, vector<16xf32>,
          tpu.vector_store %arg6[%swap3A_1082], %gather3A_964 {strides = array<i32>} : memref<32768xf32, #tpu.memory_space<vmem>>, vector<16xf32>,
          %add3A_1084 = arith.constant 896 : i32
          %add3A_1085 = arith.addi %add3A_135, %add3A_1084 : i32
          %add3A_1086 = arith.constant 16 : i32
          %add3A_1087 = arith.addi %add3A_1085, %add3A_1086 : i32
          %swap3A_1088 = arith.index_cast %add3A_1087 : i32 to index
          %swap3A_1089 = tpu.vector_load %arg6[%swap3A_1088] {strides = array<i32>} : memref<32768xf32, #tpu.memory_space<vmem>>, vector<16xf32>,
          tpu.vector_store %arg6[%swap3A_1088], %gather3A_972 {strides = array<i32>} : memref<32768xf32, #tpu.memory_space<vmem>>, vector<16xf32>,
          %add3A_1090 = arith.constant 928 : i32
          %add3A_1091 = arith.addi %add3A_135, %add3A_1090 : i32
          %add3A_1092 = arith.constant 0 : i32
          %add3A_1093 = arith.addi %add3A_1091, %add3A_1092 : i32
          %swap3A_1094 = arith.index_cast %add3A_1093 : i32 to index
          %swap3A_1095 = tpu.vector_load %arg6[%swap3A_1094] {strides = array<i32>} : memref<32768xf32, #tpu.memory_space<vmem>>, vector<16xf32>,
          tpu.vector_store %arg6[%swap3A_1094], %gather3A_983 {strides = array<i32>} : memref<32768xf32, #tpu.memory_space<vmem>>, vector<16xf32>,
          %add3A_1096 = arith.constant 928 : i32
          %add3A_1097 = arith.addi %add3A_135, %add3A_1096 : i32
          %add3A_1098 = arith.constant 16 : i32
          %add3A_1099 = arith.addi %add3A_1097, %add3A_1098 : i32
          %swap3A_1100 = arith.index_cast %add3A_1099 : i32 to index
          %swap3A_1101 = tpu.vector_load %arg6[%swap3A_1100] {strides = array<i32>} : memref<32768xf32, #tpu.memory_space<vmem>>, vector<16xf32>,
          tpu.vector_store %arg6[%swap3A_1100], %gather3A_991 {strides = array<i32>} : memref<32768xf32, #tpu.memory_space<vmem>>, vector<16xf32>,
          %add3A_1102 = arith.constant 960 : i32
          %add3A_1103 = arith.addi %add3A_135, %add3A_1102 : i32
          %add3A_1104 = arith.constant 0 : i32
          %add3A_1105 = arith.addi %add3A_1103, %add3A_1104 : i32
          %swap3A_1106 = arith.index_cast %add3A_1105 : i32 to index
          %swap3A_1107 = tpu.vector_load %arg6[%swap3A_1106] {strides = array<i32>} : memref<32768xf32, #tpu.memory_space<vmem>>, vector<16xf32>,
          tpu.vector_store %arg6[%swap3A_1106], %gather3A_1002 {strides = array<i32>} : memref<32768xf32, #tpu.memory_space<vmem>>, vector<16xf32>,
          %add3A_1108 = arith.constant 960 : i32
          %add3A_1109 = arith.addi %add3A_135, %add3A_1108 : i32
          %add3A_1110 = arith.constant 16 : i32
          %add3A_1111 = arith.addi %add3A_1109, %add3A_1110 : i32
          %swap3A_1112 = arith.index_cast %add3A_1111 : i32 to index
          %swap3A_1113 = tpu.vector_load %arg6[%swap3A_1112] {strides = array<i32>} : memref<32768xf32, #tpu.memory_space<vmem>>, vector<16xf32>,
          tpu.vector_store %arg6[%swap3A_1112], %gather3A_1010 {strides = array<i32>} : memref<32768xf32, #tpu.memory_space<vmem>>, vector<16xf32>,
          %add3A_1114 = arith.constant 992 : i32
          %add3A_1115 = arith.addi %add3A_135, %add3A_1114 : i32
          %add3A_1116 = arith.constant 0 : i32
          %add3A_1117 = arith.addi %add3A_1115, %add3A_1116 : i32
          %swap3A_1118 = arith.index_cast %add3A_1117 : i32 to index
          %swap3A_1119 = tpu.vector_load %arg6[%swap3A_1118] {strides = array<i32>} : memref<32768xf32, #tpu.memory_space<vmem>>, vector<16xf32>,
          tpu.vector_store %arg6[%swap3A_1118], %gather3A_1021 {strides = array<i32>} : memref<32768xf32, #tpu.memory_space<vmem>>, vector<16xf32>,
          %add3A_1120 = arith.constant 992 : i32
          %add3A_1121 = arith.addi %add3A_135, %add3A_1120 : i32
          %add3A_1122 = arith.constant 16 : i32
          %add3A_1123 = arith.addi %add3A_1121, %add3A_1122 : i32
          %swap3A_1124 = arith.index_cast %add3A_1123 : i32 to index
          %swap3A_1125 = tpu.vector_load %arg6[%swap3A_1124] {strides = array<i32>} : memref<32768xf32, #tpu.memory_space<vmem>>, vector<16xf32>,
          tpu.vector_store %arg6[%swap3A_1124], %gather3A_1029 {strides = array<i32>} : memref<32768xf32, #tpu.memory_space<vmem>>, vector<16xf32>,
        }
        %scan3A_116 = arith.constant 16 : i32
        %mul3A_117 = arith.constant 32 : i32
        %mul3A_118 = arith.muli %mul3A_117, %add3A_64 : i32
        %add3A_119 = arith.addi %add3A, %mul3A_118 : i32
        %mul3A_120 = arith.constant 512 : i32
        %mul3A_121 = arith.muli %add3A_119, %mul3A_120 : i32
        %mul3A_122 = arith.constant 32 : i32
        %mul3A_123 = arith.muli %mul3A_121, %mul3A_122 : i32
        %dma_start3A = arith.constant 16384 : i32
        %dma_start3A_124 = tpu.memref_slice %arg6[%dma_start3A] : memref<32768xf32, #tpu.memory_space<vmem>> -> memref<16384xf32, #tpu.memory_space<vmem>>
        %dma_start3A_125 = tpu.memref_slice %arg4[%mul3A_123] : memref<32000000xf32, #tpu.memory_space<hbm>> -> memref<16384xf32, #tpu.memory_space<hbm>>
        %dma_start3A_126 = tpu.memref_slice %arg4[%mul3A_123] : memref<32000000xf32, #tpu.memory_space<hbm>> -> memref<16384xf32, #tpu.memory_space<hbm>>
        %dma_start3A_127 = arith.constant 16384 : i32
        %dma_start3A_128 = tpu.memref_slice %arg6[%dma_start3A_127] : memref<32768xf32, #tpu.memory_space<vmem>> -> memref<16384xf32, #tpu.memory_space<vmem>>
        tpu.enqueue_dma source(%dma_start3A_128 : memref<16384xf32, #tpu.memory_space<vmem>>) target(%dma_start3A_126 : memref<16384xf32, #tpu.memory_space<hbm>>) target_semaphore(%arg10 : memref<!tpu.dma_semaphore, #tpu.memory_space<semaphore_mem>>)
      } else {
      }
    }
    %scan3A_9 = arith.constant 31 : i32
    %add3A_10 = arith.constant 1920 : i32
    %add3A_11 = arith.addi %add3A, %add3A_10 : i32
    %lt3A_12 = arith.constant 1953 : i32
    %lt3A_13 = arith.cmpi slt, %add3A_11, %lt3A_12 : i32
    %convert_element_type3A_14 = arith.extui %lt3A_13 : i1 to i32
    %cond3A_15 = arith.constant 0 : i32
    %cond3A_16 = arith.cmpi ne, %convert_element_type3A_14, %cond3A_15 : i32
    scf.if %cond3A_16 {
      %dma_wait3A = arith.constant 0 : i32
      %dma_wait3A_28 = tpu.memref_slice %arg6[%dma_wait3A] : memref<32768xf32, #tpu.memory_space<vmem>> -> memref<16384xf32, #tpu.memory_space<vmem>>
      %dma_wait3A_29 = arith.constant 0 : i32
      %dma_wait3A_30 = tpu.memref_slice %arg4[%dma_wait3A_29] : memref<32000000xf32, #tpu.memory_space<hbm>> -> memref<16384xf32, #tpu.memory_space<hbm>>
      %dma_wait3A_31 = arith.constant 0 : i32
      %dma_wait3A_32 = tpu.memref_slice %arg4[%dma_wait3A_31] : memref<32000000xf32, #tpu.memory_space<hbm>> -> memref<16384xf32, #tpu.memory_space<hbm>>
      %dma_wait3A_33 = arith.constant 0 : i32
      %dma_wait3A_34 = tpu.memref_slice %arg6[%dma_wait3A_33] : memref<32768xf32, #tpu.memory_space<vmem>> -> memref<16384xf32, #tpu.memory_space<vmem>>
      tpu.wait_dma2 semaphore(%arg9 : memref<!tpu.dma_semaphore, #tpu.memory_space<semaphore_mem>>) src(%dma_wait3A_34 : memref<16384xf32, #tpu.memory_space<vmem>>) dst(%dma_wait3A_32 : memref<16384xf32, #tpu.memory_space<hbm>>)
    } else {
    }
    %add3A_17 = arith.constant 1952 : i32
    %add3A_18 = arith.addi %add3A, %add3A_17 : i32
    %lt3A_19 = arith.constant 1953 : i32
    %lt3A_20 = arith.cmpi slt, %add3A_18, %lt3A_19 : i32
    %convert_element_type3A_21 = arith.extui %lt3A_20 : i1 to i32
    %cond3A_22 = arith.constant 0 : i32
    %cond3A_23 = arith.cmpi ne, %convert_element_type3A_21, %cond3A_22 : i32
    scf.if %cond3A_23 {
      %dma_wait3A = arith.constant 16384 : i32
      %dma_wait3A_28 = tpu.memref_slice %arg6[%dma_wait3A] : memref<32768xf32, #tpu.memory_space<vmem>> -> memref<16384xf32, #tpu.memory_space<vmem>>
      %dma_wait3A_29 = arith.constant 0 : i32
      %dma_wait3A_30 = tpu.memref_slice %arg4[%dma_wait3A_29] : memref<32000000xf32, #tpu.memory_space<hbm>> -> memref<16384xf32, #tpu.memory_space<hbm>>
      %dma_wait3A_31 = arith.constant 0 : i32
      %dma_wait3A_32 = tpu.memref_slice %arg4[%dma_wait3A_31] : memref<32000000xf32, #tpu.memory_space<hbm>> -> memref<16384xf32, #tpu.memory_space<hbm>>
      %dma_wait3A_33 = arith.constant 16384 : i32
      %dma_wait3A_34 = tpu.memref_slice %arg6[%dma_wait3A_33] : memref<32768xf32, #tpu.memory_space<vmem>> -> memref<16384xf32, #tpu.memory_space<vmem>>
      tpu.wait_dma2 semaphore(%arg10 : memref<!tpu.dma_semaphore, #tpu.memory_space<semaphore_mem>>) src(%dma_wait3A_34 : memref<16384xf32, #tpu.memory_space<vmem>>) dst(%dma_wait3A_32 : memref<16384xf32, #tpu.memory_space<hbm>>)
    } else {
    }
    %eq3A = arith.constant 0 : i32
    %eq3A_24 = arith.cmpi eq, %add3A, %eq3A : i32
    %convert_element_type3A_25 = arith.extui %eq3A_24 : i1 to i32
    %cond3A_26 = arith.constant 0 : i32
    %cond3A_27 = arith.cmpi ne, %convert_element_type3A_25, %cond3A_26 : i32
    scf.if %cond3A_27 {
      "tpu.region"() ({
        %run_scoped3A = tpu.sem_alloc : memref<!tpu.dma_semaphore, #tpu.memory_space<semaphore_mem>>
        %dma_start3A = arith.constant 0 : i32
        %dma_start3A_28 = tpu.memref_slice %arg6[%dma_start3A] : memref<32768xf32, #tpu.memory_space<vmem>> -> memref<2048xf32, #tpu.memory_space<vmem>>
        %dma_start3A_29 = arith.constant 0 : i32
        %dma_start3A_30 = tpu.memref_slice %arg6[%dma_start3A_29] : memref<32768xf32, #tpu.memory_space<vmem>> -> memref<2048xf32, #tpu.memory_space<vmem>>
        tpu.enqueue_dma source(%arg3 : memref<2048xf32, #tpu.memory_space<hbm>>) target(%dma_start3A_30 : memref<2048xf32, #tpu.memory_space<vmem>>) target_semaphore(%run_scoped3A : memref<!tpu.dma_semaphore, #tpu.memory_space<semaphore_mem>>)
        %dma_wait3A = arith.constant 0 : i32
        %dma_wait3A_31 = tpu.memref_slice %arg6[%dma_wait3A] : memref<32768xf32, #tpu.memory_space<vmem>> -> memref<2048xf32, #tpu.memory_space<vmem>>
        %dma_wait3A_32 = arith.constant 0 : i32
        %dma_wait3A_33 = tpu.memref_slice %arg6[%dma_wait3A_32] : memref<32768xf32, #tpu.memory_space<vmem>> -> memref<2048xf32, #tpu.memory_space<vmem>>
        tpu.wait_dma2 semaphore(%run_scoped3A : memref<!tpu.dma_semaphore, #tpu.memory_space<semaphore_mem>>) src(%arg3 : memref<2048xf32, #tpu.memory_space<hbm>>) dst(%dma_wait3A_33 : memref<2048xf32, #tpu.memory_space<vmem>>)
        tpu.yield
      }) : () -> ()
      "tpu.region"() ({
        %run_scoped3A = tpu.sem_alloc : memref<!tpu.dma_semaphore, #tpu.memory_space<semaphore_mem>>
        %dma_start3A = arith.constant 0 : i32
        %dma_start3A_28 = tpu.memref_slice %arg6[%dma_start3A] : memref<32768xf32, #tpu.memory_space<vmem>> -> memref<2048xf32, #tpu.memory_space<vmem>>
        %dma_start3A_29 = arith.constant 31997952 : i32
        %dma_start3A_30 = tpu.memref_slice %arg4[%dma_start3A_29] : memref<32000000xf32, #tpu.memory_space<hbm>> -> memref<2048xf32, #tpu.memory_space<hbm>>
        %dma_start3A_31 = arith.constant 31997952 : i32
        %dma_start3A_32 = tpu.memref_slice %arg4[%dma_start3A_31] : memref<32000000xf32, #tpu.memory_space<hbm>> -> memref<2048xf32, #tpu.memory_space<hbm>>
        %dma_start3A_33 = arith.constant 0 : i32
        %dma_start3A_34 = tpu.memref_slice %arg6[%dma_start3A_33] : memref<32768xf32, #tpu.memory_space<vmem>> -> memref<2048xf32, #tpu.memory_space<vmem>>
        tpu.enqueue_dma source(%dma_start3A_34 : memref<2048xf32, #tpu.memory_space<vmem>>) target(%dma_start3A_32 : memref<2048xf32, #tpu.memory_space<hbm>>) target_semaphore(%run_scoped3A : memref<!tpu.dma_semaphore, #tpu.memory_space<semaphore_mem>>)
        %dma_wait3A = arith.constant 0 : i32
        %dma_wait3A_35 = tpu.memref_slice %arg6[%dma_wait3A] : memref<32768xf32, #tpu.memory_space<vmem>> -> memref<2048xf32, #tpu.memory_space<vmem>>
        %dma_wait3A_36 = arith.constant 31997952 : i32
        %dma_wait3A_37 = tpu.memref_slice %arg4[%dma_wait3A_36] : memref<32000000xf32, #tpu.memory_space<hbm>> -> memref<2048xf32, #tpu.memory_space<hbm>>
        %dma_wait3A_38 = arith.constant 31997952 : i32
        %dma_wait3A_39 = tpu.memref_slice %arg4[%dma_wait3A_38] : memref<32000000xf32, #tpu.memory_space<hbm>> -> memref<2048xf32, #tpu.memory_space<hbm>>
        %dma_wait3A_40 = arith.constant 0 : i32
        %dma_wait3A_41 = tpu.memref_slice %arg6[%dma_wait3A_40] : memref<32768xf32, #tpu.memory_space<vmem>> -> memref<2048xf32, #tpu.memory_space<vmem>>
        tpu.wait_dma2 semaphore(%run_scoped3A : memref<!tpu.dma_semaphore, #tpu.memory_space<semaphore_mem>>) src(%dma_wait3A_41 : memref<2048xf32, #tpu.memory_space<vmem>>) dst(%dma_wait3A_39 : memref<2048xf32, #tpu.memory_space<hbm>>)
        tpu.yield
      }) : () -> ()
    } else {
    }
    return
  }
}

#map = affine_map<(d0, d1) -> (0, 0, 0)>
#map1 = affine_map<(d0, d1) -> (0, 0)>
module attributes {stable_mosaic.version = 14 : i64} {
  func.func @gather_kernel(%arg0: i32, %arg1: i32, %arg2: memref<32x8x1664xi32, #tpu.memory_space<hbm>>, %arg3: memref<1000000x32xf32, #tpu.memory_space<hbm>>, %arg4: memref<425984x32xf32, #tpu.memory_space<hbm>>, %arg5: memref<8x1664xi32, #tpu.memory_space<vmem>>, %arg6: memref<2x1664x32xf32, #tpu.memory_space<vmem>>, %arg7: memref<!tpu.dma_semaphore, #tpu.memory_space<semaphore_mem>>, %arg8: memref<!tpu.dma_semaphore, #tpu.memory_space<semaphore_mem>>, %arg9: memref<!tpu.dma_semaphore, #tpu.memory_space<semaphore_mem>>, %arg10: memref<!tpu.dma_semaphore, #tpu.memory_space<semaphore_mem>>) attributes {dimension_semantics = [#tpu.dimension_semantics<core_parallel>, #tpu.dimension_semantics<subcore_parallel>], iteration_bounds = array<i64: 2, 16>, scalar_prefetch = 0 : i64, scratch_operands = 6 : i64, tpu.core_type = #tpu.core_type<sc_vector_subcore>, window_params = [{transform_indices = #map}, {transform_indices = #map1}, {transform_indices = #map1}]} {
    %mul3A = arith.constant 2 : i32
    %mul3A_0 = arith.muli %arg1, %mul3A : i32
    %add3A = arith.addi %mul3A_0, %arg0 : i32
    %mul3A_1 = arith.constant 13312 : i32
    %mul3A_2 = arith.muli %add3A, %mul3A_1 : i32
    "tpu.region"() ({
      %run_scoped3A = tpu.sem_alloc : memref<!tpu.dma_semaphore, #tpu.memory_space<semaphore_mem>>
      %dma_start3A_417 = arith.constant 0 : i32
      %dma_start3A_418 = arith.constant 0 : i32
      %dma_start3A_419 = tpu.memref_slice %arg2[%add3A, %dma_start3A_417, %dma_start3A_418] : memref<32x8x1664xi32, #tpu.memory_space<hbm>> -> memref<1x8x1664xi32, #tpu.memory_space<hbm>>
      %dma_start3A_420 = tpu.memref_squeeze %dma_start3A_419 : memref<1x8x1664xi32, #tpu.memory_space<hbm>> -> memref<8x1664xi32, #tpu.memory_space<hbm>>
      %dma_start3A_421 = arith.constant 0 : i32
      %dma_start3A_422 = arith.constant 0 : i32
      %dma_start3A_423 = tpu.memref_slice %arg2[%add3A, %dma_start3A_421, %dma_start3A_422] : memref<32x8x1664xi32, #tpu.memory_space<hbm>> -> memref<1x8x1664xi32, #tpu.memory_space<hbm>>
      %dma_start3A_424 = tpu.memref_squeeze %dma_start3A_423 : memref<1x8x1664xi32, #tpu.memory_space<hbm>> -> memref<8x1664xi32, #tpu.memory_space<hbm>>
      tpu.enqueue_dma source(%dma_start3A_424 : memref<8x1664xi32, #tpu.memory_space<hbm>>) target(%arg5 : memref<8x1664xi32, #tpu.memory_space<vmem>>) target_semaphore(%run_scoped3A : memref<!tpu.dma_semaphore, #tpu.memory_space<semaphore_mem>>)
      %dma_wait3A_425 = arith.constant 0 : i32
      %dma_wait3A_426 = arith.constant 0 : i32
      %dma_wait3A_427 = tpu.memref_slice %arg2[%add3A, %dma_wait3A_425, %dma_wait3A_426] : memref<32x8x1664xi32, #tpu.memory_space<hbm>> -> memref<1x8x1664xi32, #tpu.memory_space<hbm>>
      %dma_wait3A_428 = tpu.memref_squeeze %dma_wait3A_427 : memref<1x8x1664xi32, #tpu.memory_space<hbm>> -> memref<8x1664xi32, #tpu.memory_space<hbm>>
      %dma_wait3A_429 = arith.constant 0 : i32
      %dma_wait3A_430 = arith.constant 0 : i32
      %dma_wait3A_431 = tpu.memref_slice %arg2[%add3A, %dma_wait3A_429, %dma_wait3A_430] : memref<32x8x1664xi32, #tpu.memory_space<hbm>> -> memref<1x8x1664xi32, #tpu.memory_space<hbm>>
      %dma_wait3A_432 = tpu.memref_squeeze %dma_wait3A_431 : memref<1x8x1664xi32, #tpu.memory_space<hbm>> -> memref<8x1664xi32, #tpu.memory_space<hbm>>
      tpu.wait_dma2 semaphore(%run_scoped3A : memref<!tpu.dma_semaphore, #tpu.memory_space<semaphore_mem>>) src(%dma_wait3A_432 : memref<8x1664xi32, #tpu.memory_space<hbm>>) dst(%arg5 : memref<8x1664xi32, #tpu.memory_space<vmem>>)
      tpu.yield
    }) : () -> ()
    %dma_start3A = arith.constant 0 : i32
    %dma_start3A_3 = arith.constant 0 : i32
    %dma_start3A_4 = arith.constant 0 : i32
    %dma_start3A_5 = arith.constant 0 : i32
    %dma_start3A_6 = tpu.memref_slice %arg6[%dma_start3A_3, %dma_start3A_4, %dma_start3A_5] : memref<2x1664x32xf32, #tpu.memory_space<vmem>> -> memref<1x1664x32xf32, #tpu.memory_space<vmem>>
    %dma_start3A_7 = tpu.memref_squeeze %dma_start3A_6 : memref<1x1664x32xf32, #tpu.memory_space<vmem>> -> memref<1664x32xf32, #tpu.memory_space<vmem>>
    %dma_start3A_8 = arith.constant 0 : i32
    %dma_start3A_9 = tpu.memref_slice %arg5[%dma_start3A, %dma_start3A_8] : memref<8x1664xi32, #tpu.memory_space<vmem>> -> memref<1x1664xi32, #tpu.memory_space<vmem>>
    %dma_start3A_10 = tpu.memref_squeeze %dma_start3A_9 : memref<1x1664xi32, #tpu.memory_space<vmem>> -> memref<1664xi32, #tpu.memory_space<vmem>>
    %dma_start3A_11 = arith.constant 0 : i32
    %dma_start3A_12 = arith.constant 0 : i32
    %dma_start3A_13 = tpu.memref_slice %arg3[%dma_start3A_11, %dma_start3A_12] : memref<1000000x32xf32, #tpu.memory_space<hbm>> -> memref<1000000x32xf32, #tpu.memory_space<hbm>>
    tpu.enqueue_indirect_dma source(%dma_start3A_13 : memref<1000000x32xf32, #tpu.memory_space<hbm>>) target(%dma_start3A_7 : memref<1664x32xf32, #tpu.memory_space<vmem>>) offsets(%dma_start3A_10 : memref<1664xi32, #tpu.memory_space<vmem>>) semaphore(%arg7 : memref<!tpu.dma_semaphore, #tpu.memory_space<semaphore_mem>>)
    %dma_start3A_14 = arith.constant 1 : i32
    %dma_start3A_15 = arith.constant 1 : i32
    %dma_start3A_16 = arith.constant 0 : i32
    %dma_start3A_17 = arith.constant 0 : i32
    %dma_start3A_18 = tpu.memref_slice %arg6[%dma_start3A_15, %dma_start3A_16, %dma_start3A_17] : memref<2x1664x32xf32, #tpu.memory_space<vmem>> -> memref<1x1664x32xf32, #tpu.memory_space<vmem>>
    %dma_start3A_19 = tpu.memref_squeeze %dma_start3A_18 : memref<1x1664x32xf32, #tpu.memory_space<vmem>> -> memref<1664x32xf32, #tpu.memory_space<vmem>>
    %dma_start3A_20 = arith.constant 0 : i32
    %dma_start3A_21 = tpu.memref_slice %arg5[%dma_start3A_14, %dma_start3A_20] : memref<8x1664xi32, #tpu.memory_space<vmem>> -> memref<1x1664xi32, #tpu.memory_space<vmem>>
    %dma_start3A_22 = tpu.memref_squeeze %dma_start3A_21 : memref<1x1664xi32, #tpu.memory_space<vmem>> -> memref<1664xi32, #tpu.memory_space<vmem>>
    %dma_start3A_23 = arith.constant 0 : i32
    %dma_start3A_24 = arith.constant 0 : i32
    %dma_start3A_25 = tpu.memref_slice %arg3[%dma_start3A_23, %dma_start3A_24] : memref<1000000x32xf32, #tpu.memory_space<hbm>> -> memref<1000000x32xf32, #tpu.memory_space<hbm>>
    tpu.enqueue_indirect_dma source(%dma_start3A_25 : memref<1000000x32xf32, #tpu.memory_space<hbm>>) target(%dma_start3A_19 : memref<1664x32xf32, #tpu.memory_space<vmem>>) offsets(%dma_start3A_22 : memref<1664xi32, #tpu.memory_space<vmem>>) semaphore(%arg8 : memref<!tpu.dma_semaphore, #tpu.memory_space<semaphore_mem>>)
    %dma_wait3A = arith.constant 0 : i32
    %dma_wait3A_26 = arith.constant 0 : i32
    %dma_wait3A_27 = arith.constant 0 : i32
    %dma_wait3A_28 = arith.constant 0 : i32
    %dma_wait3A_29 = tpu.memref_slice %arg6[%dma_wait3A_26, %dma_wait3A_27, %dma_wait3A_28] : memref<2x1664x32xf32, #tpu.memory_space<vmem>> -> memref<1x1664x32xf32, #tpu.memory_space<vmem>>
    %dma_wait3A_30 = tpu.memref_squeeze %dma_wait3A_29 : memref<1x1664x32xf32, #tpu.memory_space<vmem>> -> memref<1664x32xf32, #tpu.memory_space<vmem>>
    %dma_wait3A_31 = arith.constant 0 : i32
    %dma_wait3A_32 = tpu.memref_slice %arg5[%dma_wait3A, %dma_wait3A_31] : memref<8x1664xi32, #tpu.memory_space<vmem>> -> memref<1x1664xi32, #tpu.memory_space<vmem>>
    %dma_wait3A_33 = tpu.memref_squeeze %dma_wait3A_32 : memref<1x1664xi32, #tpu.memory_space<vmem>> -> memref<1664xi32, #tpu.memory_space<vmem>>
    %dma_wait3A_34 = arith.constant 0 : i32
    %dma_wait3A_35 = arith.constant 0 : i32
    %dma_wait3A_36 = tpu.memref_slice %arg3[%dma_wait3A_34, %dma_wait3A_35] : memref<1000000x32xf32, #tpu.memory_space<hbm>> -> memref<1000000x32xf32, #tpu.memory_space<hbm>>
    tpu.wait_indirect_dma semaphore(%arg7 : memref<!tpu.dma_semaphore, #tpu.memory_space<semaphore_mem>>) src(%dma_wait3A_36 : memref<1000000x32xf32, #tpu.memory_space<hbm>>) dst(%dma_wait3A_30 : memref<1664x32xf32, #tpu.memory_space<vmem>>)
    %add3A_37 = arith.constant 0 : i32
    %add3A_38 = arith.addi %mul3A_2, %add3A_37 : i32
    %dma_start3A_39 = arith.constant 0 : i32
    %dma_start3A_40 = arith.constant 0 : i32
    %dma_start3A_41 = arith.constant 0 : i32
    %dma_start3A_42 = tpu.memref_slice %arg6[%dma_start3A_39, %dma_start3A_40, %dma_start3A_41] : memref<2x1664x32xf32, #tpu.memory_space<vmem>> -> memref<1x1664x32xf32, #tpu.memory_space<vmem>>
    %dma_start3A_43 = tpu.memref_squeeze %dma_start3A_42 : memref<1x1664x32xf32, #tpu.memory_space<vmem>> -> memref<1664x32xf32, #tpu.memory_space<vmem>>
    %dma_start3A_44 = arith.constant 0 : i32
    %dma_start3A_45 = tpu.memref_slice %arg4[%add3A_38, %dma_start3A_44] : memref<425984x32xf32, #tpu.memory_space<hbm>> -> memref<1664x32xf32, #tpu.memory_space<hbm>>
    %dma_start3A_46 = arith.constant 0 : i32
    %dma_start3A_47 = tpu.memref_slice %arg4[%add3A_38, %dma_start3A_46] : memref<425984x32xf32, #tpu.memory_space<hbm>> -> memref<1664x32xf32, #tpu.memory_space<hbm>>
    %dma_start3A_48 = arith.constant 0 : i32
    %dma_start3A_49 = arith.constant 0 : i32
    %dma_start3A_50 = tpu.memref_slice %arg6[%dma_start3A_39, %dma_start3A_48, %dma_start3A_49] : memref<2x1664x32xf32, #tpu.memory_space<vmem>> -> memref<1x1664x32xf32, #tpu.memory_space<vmem>>
    %dma_start3A_51 = tpu.memref_squeeze %dma_start3A_50 : memref<1x1664x32xf32, #tpu.memory_space<vmem>> -> memref<1664x32xf32, #tpu.memory_space<vmem>>
    tpu.enqueue_dma source(%dma_start3A_51 : memref<1664x32xf32, #tpu.memory_space<vmem>>) target(%dma_start3A_47 : memref<1664x32xf32, #tpu.memory_space<hbm>>) target_semaphore(%arg9 : memref<!tpu.dma_semaphore, #tpu.memory_space<semaphore_mem>>)
    %dma_wait3A_52 = arith.constant 0 : i32
    %dma_wait3A_53 = arith.constant 0 : i32
    %dma_wait3A_54 = arith.constant 0 : i32
    %dma_wait3A_55 = tpu.memref_slice %arg6[%dma_wait3A_52, %dma_wait3A_53, %dma_wait3A_54] : memref<2x1664x32xf32, #tpu.memory_space<vmem>> -> memref<1x1664x32xf32, #tpu.memory_space<vmem>>
    %dma_wait3A_56 = tpu.memref_squeeze %dma_wait3A_55 : memref<1x1664x32xf32, #tpu.memory_space<vmem>> -> memref<1664x32xf32, #tpu.memory_space<vmem>>
    %dma_wait3A_57 = arith.constant 0 : i32
    %dma_wait3A_58 = tpu.memref_slice %arg4[%add3A_38, %dma_wait3A_57] : memref<425984x32xf32, #tpu.memory_space<hbm>> -> memref<1664x32xf32, #tpu.memory_space<hbm>>
    %dma_wait3A_59 = arith.constant 0 : i32
    %dma_wait3A_60 = tpu.memref_slice %arg4[%add3A_38, %dma_wait3A_59] : memref<425984x32xf32, #tpu.memory_space<hbm>> -> memref<1664x32xf32, #tpu.memory_space<hbm>>
    %dma_wait3A_61 = arith.constant 0 : i32
    %dma_wait3A_62 = arith.constant 0 : i32
    %dma_wait3A_63 = tpu.memref_slice %arg6[%dma_wait3A_52, %dma_wait3A_61, %dma_wait3A_62] : memref<2x1664x32xf32, #tpu.memory_space<vmem>> -> memref<1x1664x32xf32, #tpu.memory_space<vmem>>
    %dma_wait3A_64 = tpu.memref_squeeze %dma_wait3A_63 : memref<1x1664x32xf32, #tpu.memory_space<vmem>> -> memref<1664x32xf32, #tpu.memory_space<vmem>>
    tpu.wait_dma2 semaphore(%arg9 : memref<!tpu.dma_semaphore, #tpu.memory_space<semaphore_mem>>) src(%dma_wait3A_64 : memref<1664x32xf32, #tpu.memory_space<vmem>>) dst(%dma_wait3A_60 : memref<1664x32xf32, #tpu.memory_space<hbm>>)
    %dma_start3A_65 = arith.constant 2 : i32
    %dma_start3A_66 = arith.constant 0 : i32
    %dma_start3A_67 = arith.constant 0 : i32
    %dma_start3A_68 = arith.constant 0 : i32
    %dma_start3A_69 = tpu.memref_slice %arg6[%dma_start3A_66, %dma_start3A_67, %dma_start3A_68] : memref<2x1664x32xf32, #tpu.memory_space<vmem>> -> memref<1x1664x32xf32, #tpu.memory_space<vmem>>
    %dma_start3A_70 = tpu.memref_squeeze %dma_start3A_69 : memref<1x1664x32xf32, #tpu.memory_space<vmem>> -> memref<1664x32xf32, #tpu.memory_space<vmem>>
    %dma_start3A_71 = arith.constant 0 : i32
    %dma_start3A_72 = tpu.memref_slice %arg5[%dma_start3A_65, %dma_start3A_71] : memref<8x1664xi32, #tpu.memory_space<vmem>> -> memref<1x1664xi32, #tpu.memory_space<vmem>>
    %dma_start3A_73 = tpu.memref_squeeze %dma_start3A_72 : memref<1x1664xi32, #tpu.memory_space<vmem>> -> memref<1664xi32, #tpu.memory_space<vmem>>
    %dma_start3A_74 = arith.constant 0 : i32
    %dma_start3A_75 = arith.constant 0 : i32
    %dma_start3A_76 = tpu.memref_slice %arg3[%dma_start3A_74, %dma_start3A_75] : memref<1000000x32xf32, #tpu.memory_space<hbm>> -> memref<1000000x32xf32, #tpu.memory_space<hbm>>
    tpu.enqueue_indirect_dma source(%dma_start3A_76 : memref<1000000x32xf32, #tpu.memory_space<hbm>>) target(%dma_start3A_70 : memref<1664x32xf32, #tpu.memory_space<vmem>>) offsets(%dma_start3A_73 : memref<1664xi32, #tpu.memory_space<vmem>>) semaphore(%arg7 : memref<!tpu.dma_semaphore, #tpu.memory_space<semaphore_mem>>)
    %dma_wait3A_77 = arith.constant 1 : i32
    %dma_wait3A_78 = arith.constant 1 : i32
    %dma_wait3A_79 = arith.constant 0 : i32
    %dma_wait3A_80 = arith.constant 0 : i32
    %dma_wait3A_81 = tpu.memref_slice %arg6[%dma_wait3A_78, %dma_wait3A_79, %dma_wait3A_80] : memref<2x1664x32xf32, #tpu.memory_space<vmem>> -> memref<1x1664x32xf32, #tpu.memory_space<vmem>>
    %dma_wait3A_82 = tpu.memref_squeeze %dma_wait3A_81 : memref<1x1664x32xf32, #tpu.memory_space<vmem>> -> memref<1664x32xf32, #tpu.memory_space<vmem>>
    %dma_wait3A_83 = arith.constant 0 : i32
    %dma_wait3A_84 = tpu.memref_slice %arg5[%dma_wait3A_77, %dma_wait3A_83] : memref<8x1664xi32, #tpu.memory_space<vmem>> -> memref<1x1664xi32, #tpu.memory_space<vmem>>
    %dma_wait3A_85 = tpu.memref_squeeze %dma_wait3A_84 : memref<1x1664xi32, #tpu.memory_space<vmem>> -> memref<1664xi32, #tpu.memory_space<vmem>>
    %dma_wait3A_86 = arith.constant 0 : i32
    %dma_wait3A_87 = arith.constant 0 : i32
    %dma_wait3A_88 = tpu.memref_slice %arg3[%dma_wait3A_86, %dma_wait3A_87] : memref<1000000x32xf32, #tpu.memory_space<hbm>> -> memref<1000000x32xf32, #tpu.memory_space<hbm>>
    tpu.wait_indirect_dma semaphore(%arg8 : memref<!tpu.dma_semaphore, #tpu.memory_space<semaphore_mem>>) src(%dma_wait3A_88 : memref<1000000x32xf32, #tpu.memory_space<hbm>>) dst(%dma_wait3A_82 : memref<1664x32xf32, #tpu.memory_space<vmem>>)
    %add3A_89 = arith.constant 1664 : i32
    %add3A_90 = arith.addi %mul3A_2, %add3A_89 : i32
    %dma_start3A_91 = arith.constant 1 : i32
    %dma_start3A_92 = arith.constant 0 : i32
    %dma_start3A_93 = arith.constant 0 : i32
    %dma_start3A_94 = tpu.memref_slice %arg6[%dma_start3A_91, %dma_start3A_92, %dma_start3A_93] : memref<2x1664x32xf32, #tpu.memory_space<vmem>> -> memref<1x1664x32xf32, #tpu.memory_space<vmem>>
    %dma_start3A_95 = tpu.memref_squeeze %dma_start3A_94 : memref<1x1664x32xf32, #tpu.memory_space<vmem>> -> memref<1664x32xf32, #tpu.memory_space<vmem>>
    %dma_start3A_96 = arith.constant 0 : i32
    %dma_start3A_97 = tpu.memref_slice %arg4[%add3A_90, %dma_start3A_96] : memref<425984x32xf32, #tpu.memory_space<hbm>> -> memref<1664x32xf32, #tpu.memory_space<hbm>>
    %dma_start3A_98 = arith.constant 0 : i32
    %dma_start3A_99 = tpu.memref_slice %arg4[%add3A_90, %dma_start3A_98] : memref<425984x32xf32, #tpu.memory_space<hbm>> -> memref<1664x32xf32, #tpu.memory_space<hbm>>
    %dma_start3A_100 = arith.constant 0 : i32
    %dma_start3A_101 = arith.constant 0 : i32
    %dma_start3A_102 = tpu.memref_slice %arg6[%dma_start3A_91, %dma_start3A_100, %dma_start3A_101] : memref<2x1664x32xf32, #tpu.memory_space<vmem>> -> memref<1x1664x32xf32, #tpu.memory_space<vmem>>
    %dma_start3A_103 = tpu.memref_squeeze %dma_start3A_102 : memref<1x1664x32xf32, #tpu.memory_space<vmem>> -> memref<1664x32xf32, #tpu.memory_space<vmem>>
    tpu.enqueue_dma source(%dma_start3A_103 : memref<1664x32xf32, #tpu.memory_space<vmem>>) target(%dma_start3A_99 : memref<1664x32xf32, #tpu.memory_space<hbm>>) target_semaphore(%arg10 : memref<!tpu.dma_semaphore, #tpu.memory_space<semaphore_mem>>)
    %dma_wait3A_104 = arith.constant 1 : i32
    %dma_wait3A_105 = arith.constant 0 : i32
    %dma_wait3A_106 = arith.constant 0 : i32
    %dma_wait3A_107 = tpu.memref_slice %arg6[%dma_wait3A_104, %dma_wait3A_105, %dma_wait3A_106] : memref<2x1664x32xf32, #tpu.memory_space<vmem>> -> memref<1x1664x32xf32, #tpu.memory_space<vmem>>
    %dma_wait3A_108 = tpu.memref_squeeze %dma_wait3A_107 : memref<1x1664x32xf32, #tpu.memory_space<vmem>> -> memref<1664x32xf32, #tpu.memory_space<vmem>>
    %dma_wait3A_109 = arith.constant 0 : i32
    %dma_wait3A_110 = tpu.memref_slice %arg4[%add3A_90, %dma_wait3A_109] : memref<425984x32xf32, #tpu.memory_space<hbm>> -> memref<1664x32xf32, #tpu.memory_space<hbm>>
    %dma_wait3A_111 = arith.constant 0 : i32
    %dma_wait3A_112 = tpu.memref_slice %arg4[%add3A_90, %dma_wait3A_111] : memref<425984x32xf32, #tpu.memory_space<hbm>> -> memref<1664x32xf32, #tpu.memory_space<hbm>>
    %dma_wait3A_113 = arith.constant 0 : i32
    %dma_wait3A_114 = arith.constant 0 : i32
    %dma_wait3A_115 = tpu.memref_slice %arg6[%dma_wait3A_104, %dma_wait3A_113, %dma_wait3A_114] : memref<2x1664x32xf32, #tpu.memory_space<vmem>> -> memref<1x1664x32xf32, #tpu.memory_space<vmem>>
    %dma_wait3A_116 = tpu.memref_squeeze %dma_wait3A_115 : memref<1x1664x32xf32, #tpu.memory_space<vmem>> -> memref<1664x32xf32, #tpu.memory_space<vmem>>
    tpu.wait_dma2 semaphore(%arg10 : memref<!tpu.dma_semaphore, #tpu.memory_space<semaphore_mem>>) src(%dma_wait3A_116 : memref<1664x32xf32, #tpu.memory_space<vmem>>) dst(%dma_wait3A_112 : memref<1664x32xf32, #tpu.memory_space<hbm>>)
    %dma_start3A_117 = arith.constant 3 : i32
    %dma_start3A_118 = arith.constant 1 : i32
    %dma_start3A_119 = arith.constant 0 : i32
    %dma_start3A_120 = arith.constant 0 : i32
    %dma_start3A_121 = tpu.memref_slice %arg6[%dma_start3A_118, %dma_start3A_119, %dma_start3A_120] : memref<2x1664x32xf32, #tpu.memory_space<vmem>> -> memref<1x1664x32xf32, #tpu.memory_space<vmem>>
    %dma_start3A_122 = tpu.memref_squeeze %dma_start3A_121 : memref<1x1664x32xf32, #tpu.memory_space<vmem>> -> memref<1664x32xf32, #tpu.memory_space<vmem>>
    %dma_start3A_123 = arith.constant 0 : i32
    %dma_start3A_124 = tpu.memref_slice %arg5[%dma_start3A_117, %dma_start3A_123] : memref<8x1664xi32, #tpu.memory_space<vmem>> -> memref<1x1664xi32, #tpu.memory_space<vmem>>
    %dma_start3A_125 = tpu.memref_squeeze %dma_start3A_124 : memref<1x1664xi32, #tpu.memory_space<vmem>> -> memref<1664xi32, #tpu.memory_space<vmem>>
    %dma_start3A_126 = arith.constant 0 : i32
    %dma_start3A_127 = arith.constant 0 : i32
    %dma_start3A_128 = tpu.memref_slice %arg3[%dma_start3A_126, %dma_start3A_127] : memref<1000000x32xf32, #tpu.memory_space<hbm>> -> memref<1000000x32xf32, #tpu.memory_space<hbm>>
    tpu.enqueue_indirect_dma source(%dma_start3A_128 : memref<1000000x32xf32, #tpu.memory_space<hbm>>) target(%dma_start3A_122 : memref<1664x32xf32, #tpu.memory_space<vmem>>) offsets(%dma_start3A_125 : memref<1664xi32, #tpu.memory_space<vmem>>) semaphore(%arg8 : memref<!tpu.dma_semaphore, #tpu.memory_space<semaphore_mem>>)
    %dma_wait3A_129 = arith.constant 2 : i32
    %dma_wait3A_130 = arith.constant 0 : i32
    %dma_wait3A_131 = arith.constant 0 : i32
    %dma_wait3A_132 = arith.constant 0 : i32
    %dma_wait3A_133 = tpu.memref_slice %arg6[%dma_wait3A_130, %dma_wait3A_131, %dma_wait3A_132] : memref<2x1664x32xf32, #tpu.memory_space<vmem>> -> memref<1x1664x32xf32, #tpu.memory_space<vmem>>
    %dma_wait3A_134 = tpu.memref_squeeze %dma_wait3A_133 : memref<1x1664x32xf32, #tpu.memory_space<vmem>> -> memref<1664x32xf32, #tpu.memory_space<vmem>>
    %dma_wait3A_135 = arith.constant 0 : i32
    %dma_wait3A_136 = tpu.memref_slice %arg5[%dma_wait3A_129, %dma_wait3A_135] : memref<8x1664xi32, #tpu.memory_space<vmem>> -> memref<1x1664xi32, #tpu.memory_space<vmem>>
    %dma_wait3A_137 = tpu.memref_squeeze %dma_wait3A_136 : memref<1x1664xi32, #tpu.memory_space<vmem>> -> memref<1664xi32, #tpu.memory_space<vmem>>
    %dma_wait3A_138 = arith.constant 0 : i32
    %dma_wait3A_139 = arith.constant 0 : i32
    %dma_wait3A_140 = tpu.memref_slice %arg3[%dma_wait3A_138, %dma_wait3A_139] : memref<1000000x32xf32, #tpu.memory_space<hbm>> -> memref<1000000x32xf32, #tpu.memory_space<hbm>>
    tpu.wait_indirect_dma semaphore(%arg7 : memref<!tpu.dma_semaphore, #tpu.memory_space<semaphore_mem>>) src(%dma_wait3A_140 : memref<1000000x32xf32, #tpu.memory_space<hbm>>) dst(%dma_wait3A_134 : memref<1664x32xf32, #tpu.memory_space<vmem>>)
    %add3A_141 = arith.constant 3328 : i32
    %add3A_142 = arith.addi %mul3A_2, %add3A_141 : i32
    %dma_start3A_143 = arith.constant 0 : i32
    %dma_start3A_144 = arith.constant 0 : i32
    %dma_start3A_145 = arith.constant 0 : i32
    %dma_start3A_146 = tpu.memref_slice %arg6[%dma_start3A_143, %dma_start3A_144, %dma_start3A_145] : memref<2x1664x32xf32, #tpu.memory_space<vmem>> -> memref<1x1664x32xf32, #tpu.memory_space<vmem>>
    %dma_start3A_147 = tpu.memref_squeeze %dma_start3A_146 : memref<1x1664x32xf32, #tpu.memory_space<vmem>> -> memref<1664x32xf32, #tpu.memory_space<vmem>>
    %dma_start3A_148 = arith.constant 0 : i32
    %dma_start3A_149 = tpu.memref_slice %arg4[%add3A_142, %dma_start3A_148] : memref<425984x32xf32, #tpu.memory_space<hbm>> -> memref<1664x32xf32, #tpu.memory_space<hbm>>
    %dma_start3A_150 = arith.constant 0 : i32
    %dma_start3A_151 = tpu.memref_slice %arg4[%add3A_142, %dma_start3A_150] : memref<425984x32xf32, #tpu.memory_space<hbm>> -> memref<1664x32xf32, #tpu.memory_space<hbm>>
    %dma_start3A_152 = arith.constant 0 : i32
    %dma_start3A_153 = arith.constant 0 : i32
    %dma_start3A_154 = tpu.memref_slice %arg6[%dma_start3A_143, %dma_start3A_152, %dma_start3A_153] : memref<2x1664x32xf32, #tpu.memory_space<vmem>> -> memref<1x1664x32xf32, #tpu.memory_space<vmem>>
    %dma_start3A_155 = tpu.memref_squeeze %dma_start3A_154 : memref<1x1664x32xf32, #tpu.memory_space<vmem>> -> memref<1664x32xf32, #tpu.memory_space<vmem>>
    tpu.enqueue_dma source(%dma_start3A_155 : memref<1664x32xf32, #tpu.memory_space<vmem>>) target(%dma_start3A_151 : memref<1664x32xf32, #tpu.memory_space<hbm>>) target_semaphore(%arg9 : memref<!tpu.dma_semaphore, #tpu.memory_space<semaphore_mem>>)
    %dma_wait3A_156 = arith.constant 0 : i32
    %dma_wait3A_157 = arith.constant 0 : i32
    %dma_wait3A_158 = arith.constant 0 : i32
    %dma_wait3A_159 = tpu.memref_slice %arg6[%dma_wait3A_156, %dma_wait3A_157, %dma_wait3A_158] : memref<2x1664x32xf32, #tpu.memory_space<vmem>> -> memref<1x1664x32xf32, #tpu.memory_space<vmem>>
    %dma_wait3A_160 = tpu.memref_squeeze %dma_wait3A_159 : memref<1x1664x32xf32, #tpu.memory_space<vmem>> -> memref<1664x32xf32, #tpu.memory_space<vmem>>
    %dma_wait3A_161 = arith.constant 0 : i32
    %dma_wait3A_162 = tpu.memref_slice %arg4[%add3A_142, %dma_wait3A_161] : memref<425984x32xf32, #tpu.memory_space<hbm>> -> memref<1664x32xf32, #tpu.memory_space<hbm>>
    %dma_wait3A_163 = arith.constant 0 : i32
    %dma_wait3A_164 = tpu.memref_slice %arg4[%add3A_142, %dma_wait3A_163] : memref<425984x32xf32, #tpu.memory_space<hbm>> -> memref<1664x32xf32, #tpu.memory_space<hbm>>
    %dma_wait3A_165 = arith.constant 0 : i32
    %dma_wait3A_166 = arith.constant 0 : i32
    %dma_wait3A_167 = tpu.memref_slice %arg6[%dma_wait3A_156, %dma_wait3A_165, %dma_wait3A_166] : memref<2x1664x32xf32, #tpu.memory_space<vmem>> -> memref<1x1664x32xf32, #tpu.memory_space<vmem>>
    %dma_wait3A_168 = tpu.memref_squeeze %dma_wait3A_167 : memref<1x1664x32xf32, #tpu.memory_space<vmem>> -> memref<1664x32xf32, #tpu.memory_space<vmem>>
    tpu.wait_dma2 semaphore(%arg9 : memref<!tpu.dma_semaphore, #tpu.memory_space<semaphore_mem>>) src(%dma_wait3A_168 : memref<1664x32xf32, #tpu.memory_space<vmem>>) dst(%dma_wait3A_164 : memref<1664x32xf32, #tpu.memory_space<hbm>>)
    %dma_start3A_169 = arith.constant 4 : i32
    %dma_start3A_170 = arith.constant 0 : i32
    %dma_start3A_171 = arith.constant 0 : i32
    %dma_start3A_172 = arith.constant 0 : i32
    %dma_start3A_173 = tpu.memref_slice %arg6[%dma_start3A_170, %dma_start3A_171, %dma_start3A_172] : memref<2x1664x32xf32, #tpu.memory_space<vmem>> -> memref<1x1664x32xf32, #tpu.memory_space<vmem>>
    %dma_start3A_174 = tpu.memref_squeeze %dma_start3A_173 : memref<1x1664x32xf32, #tpu.memory_space<vmem>> -> memref<1664x32xf32, #tpu.memory_space<vmem>>
    %dma_start3A_175 = arith.constant 0 : i32
    %dma_start3A_176 = tpu.memref_slice %arg5[%dma_start3A_169, %dma_start3A_175] : memref<8x1664xi32, #tpu.memory_space<vmem>> -> memref<1x1664xi32, #tpu.memory_space<vmem>>
    %dma_start3A_177 = tpu.memref_squeeze %dma_start3A_176 : memref<1x1664xi32, #tpu.memory_space<vmem>> -> memref<1664xi32, #tpu.memory_space<vmem>>
    %dma_start3A_178 = arith.constant 0 : i32
    %dma_start3A_179 = arith.constant 0 : i32
    %dma_start3A_180 = tpu.memref_slice %arg3[%dma_start3A_178, %dma_start3A_179] : memref<1000000x32xf32, #tpu.memory_space<hbm>> -> memref<1000000x32xf32, #tpu.memory_space<hbm>>
    tpu.enqueue_indirect_dma source(%dma_start3A_180 : memref<1000000x32xf32, #tpu.memory_space<hbm>>) target(%dma_start3A_174 : memref<1664x32xf32, #tpu.memory_space<vmem>>) offsets(%dma_start3A_177 : memref<1664xi32, #tpu.memory_space<vmem>>) semaphore(%arg7 : memref<!tpu.dma_semaphore, #tpu.memory_space<semaphore_mem>>)
    %dma_wait3A_181 = arith.constant 3 : i32
    %dma_wait3A_182 = arith.constant 1 : i32
    %dma_wait3A_183 = arith.constant 0 : i32
    %dma_wait3A_184 = arith.constant 0 : i32
    %dma_wait3A_185 = tpu.memref_slice %arg6[%dma_wait3A_182, %dma_wait3A_183, %dma_wait3A_184] : memref<2x1664x32xf32, #tpu.memory_space<vmem>> -> memref<1x1664x32xf32, #tpu.memory_space<vmem>>
    %dma_wait3A_186 = tpu.memref_squeeze %dma_wait3A_185 : memref<1x1664x32xf32, #tpu.memory_space<vmem>> -> memref<1664x32xf32, #tpu.memory_space<vmem>>
    %dma_wait3A_187 = arith.constant 0 : i32
    %dma_wait3A_188 = tpu.memref_slice %arg5[%dma_wait3A_181, %dma_wait3A_187] : memref<8x1664xi32, #tpu.memory_space<vmem>> -> memref<1x1664xi32, #tpu.memory_space<vmem>>
    %dma_wait3A_189 = tpu.memref_squeeze %dma_wait3A_188 : memref<1x1664xi32, #tpu.memory_space<vmem>> -> memref<1664xi32, #tpu.memory_space<vmem>>
    %dma_wait3A_190 = arith.constant 0 : i32
    %dma_wait3A_191 = arith.constant 0 : i32
    %dma_wait3A_192 = tpu.memref_slice %arg3[%dma_wait3A_190, %dma_wait3A_191] : memref<1000000x32xf32, #tpu.memory_space<hbm>> -> memref<1000000x32xf32, #tpu.memory_space<hbm>>
    tpu.wait_indirect_dma semaphore(%arg8 : memref<!tpu.dma_semaphore, #tpu.memory_space<semaphore_mem>>) src(%dma_wait3A_192 : memref<1000000x32xf32, #tpu.memory_space<hbm>>) dst(%dma_wait3A_186 : memref<1664x32xf32, #tpu.memory_space<vmem>>)
    %add3A_193 = arith.constant 4992 : i32
    %add3A_194 = arith.addi %mul3A_2, %add3A_193 : i32
    %dma_start3A_195 = arith.constant 1 : i32
    %dma_start3A_196 = arith.constant 0 : i32
    %dma_start3A_197 = arith.constant 0 : i32
    %dma_start3A_198 = tpu.memref_slice %arg6[%dma_start3A_195, %dma_start3A_196, %dma_start3A_197] : memref<2x1664x32xf32, #tpu.memory_space<vmem>> -> memref<1x1664x32xf32, #tpu.memory_space<vmem>>
    %dma_start3A_199 = tpu.memref_squeeze %dma_start3A_198 : memref<1x1664x32xf32, #tpu.memory_space<vmem>> -> memref<1664x32xf32, #tpu.memory_space<vmem>>
    %dma_start3A_200 = arith.constant 0 : i32
    %dma_start3A_201 = tpu.memref_slice %arg4[%add3A_194, %dma_start3A_200] : memref<425984x32xf32, #tpu.memory_space<hbm>> -> memref<1664x32xf32, #tpu.memory_space<hbm>>
    %dma_start3A_202 = arith.constant 0 : i32
    %dma_start3A_203 = tpu.memref_slice %arg4[%add3A_194, %dma_start3A_202] : memref<425984x32xf32, #tpu.memory_space<hbm>> -> memref<1664x32xf32, #tpu.memory_space<hbm>>
    %dma_start3A_204 = arith.constant 0 : i32
    %dma_start3A_205 = arith.constant 0 : i32
    %dma_start3A_206 = tpu.memref_slice %arg6[%dma_start3A_195, %dma_start3A_204, %dma_start3A_205] : memref<2x1664x32xf32, #tpu.memory_space<vmem>> -> memref<1x1664x32xf32, #tpu.memory_space<vmem>>
    %dma_start3A_207 = tpu.memref_squeeze %dma_start3A_206 : memref<1x1664x32xf32, #tpu.memory_space<vmem>> -> memref<1664x32xf32, #tpu.memory_space<vmem>>
    tpu.enqueue_dma source(%dma_start3A_207 : memref<1664x32xf32, #tpu.memory_space<vmem>>) target(%dma_start3A_203 : memref<1664x32xf32, #tpu.memory_space<hbm>>) target_semaphore(%arg10 : memref<!tpu.dma_semaphore, #tpu.memory_space<semaphore_mem>>)
    %dma_wait3A_208 = arith.constant 1 : i32
    %dma_wait3A_209 = arith.constant 0 : i32
    %dma_wait3A_210 = arith.constant 0 : i32
    %dma_wait3A_211 = tpu.memref_slice %arg6[%dma_wait3A_208, %dma_wait3A_209, %dma_wait3A_210] : memref<2x1664x32xf32, #tpu.memory_space<vmem>> -> memref<1x1664x32xf32, #tpu.memory_space<vmem>>
    %dma_wait3A_212 = tpu.memref_squeeze %dma_wait3A_211 : memref<1x1664x32xf32, #tpu.memory_space<vmem>> -> memref<1664x32xf32, #tpu.memory_space<vmem>>
    %dma_wait3A_213 = arith.constant 0 : i32
    %dma_wait3A_214 = tpu.memref_slice %arg4[%add3A_194, %dma_wait3A_213] : memref<425984x32xf32, #tpu.memory_space<hbm>> -> memref<1664x32xf32, #tpu.memory_space<hbm>>
    %dma_wait3A_215 = arith.constant 0 : i32
    %dma_wait3A_216 = tpu.memref_slice %arg4[%add3A_194, %dma_wait3A_215] : memref<425984x32xf32, #tpu.memory_space<hbm>> -> memref<1664x32xf32, #tpu.memory_space<hbm>>
    %dma_wait3A_217 = arith.constant 0 : i32
    %dma_wait3A_218 = arith.constant 0 : i32
    %dma_wait3A_219 = tpu.memref_slice %arg6[%dma_wait3A_208, %dma_wait3A_217, %dma_wait3A_218] : memref<2x1664x32xf32, #tpu.memory_space<vmem>> -> memref<1x1664x32xf32, #tpu.memory_space<vmem>>
    %dma_wait3A_220 = tpu.memref_squeeze %dma_wait3A_219 : memref<1x1664x32xf32, #tpu.memory_space<vmem>> -> memref<1664x32xf32, #tpu.memory_space<vmem>>
    tpu.wait_dma2 semaphore(%arg10 : memref<!tpu.dma_semaphore, #tpu.memory_space<semaphore_mem>>) src(%dma_wait3A_220 : memref<1664x32xf32, #tpu.memory_space<vmem>>) dst(%dma_wait3A_216 : memref<1664x32xf32, #tpu.memory_space<hbm>>)
    %dma_start3A_221 = arith.constant 5 : i32
    %dma_start3A_222 = arith.constant 1 : i32
    %dma_start3A_223 = arith.constant 0 : i32
    %dma_start3A_224 = arith.constant 0 : i32
    %dma_start3A_225 = tpu.memref_slice %arg6[%dma_start3A_222, %dma_start3A_223, %dma_start3A_224] : memref<2x1664x32xf32, #tpu.memory_space<vmem>> -> memref<1x1664x32xf32, #tpu.memory_space<vmem>>
    %dma_start3A_226 = tpu.memref_squeeze %dma_start3A_225 : memref<1x1664x32xf32, #tpu.memory_space<vmem>> -> memref<1664x32xf32, #tpu.memory_space<vmem>>
    %dma_start3A_227 = arith.constant 0 : i32
    %dma_start3A_228 = tpu.memref_slice %arg5[%dma_start3A_221, %dma_start3A_227] : memref<8x1664xi32, #tpu.memory_space<vmem>> -> memref<1x1664xi32, #tpu.memory_space<vmem>>
    %dma_start3A_229 = tpu.memref_squeeze %dma_start3A_228 : memref<1x1664xi32, #tpu.memory_space<vmem>> -> memref<1664xi32, #tpu.memory_space<vmem>>
    %dma_start3A_230 = arith.constant 0 : i32
    %dma_start3A_231 = arith.constant 0 : i32
    %dma_start3A_232 = tpu.memref_slice %arg3[%dma_start3A_230, %dma_start3A_231] : memref<1000000x32xf32, #tpu.memory_space<hbm>> -> memref<1000000x32xf32, #tpu.memory_space<hbm>>
    tpu.enqueue_indirect_dma source(%dma_start3A_232 : memref<1000000x32xf32, #tpu.memory_space<hbm>>) target(%dma_start3A_226 : memref<1664x32xf32, #tpu.memory_space<vmem>>) offsets(%dma_start3A_229 : memref<1664xi32, #tpu.memory_space<vmem>>) semaphore(%arg8 : memref<!tpu.dma_semaphore, #tpu.memory_space<semaphore_mem>>)
    %dma_wait3A_233 = arith.constant 4 : i32
    %dma_wait3A_234 = arith.constant 0 : i32
    %dma_wait3A_235 = arith.constant 0 : i32
    %dma_wait3A_236 = arith.constant 0 : i32
    %dma_wait3A_237 = tpu.memref_slice %arg6[%dma_wait3A_234, %dma_wait3A_235, %dma_wait3A_236] : memref<2x1664x32xf32, #tpu.memory_space<vmem>> -> memref<1x1664x32xf32, #tpu.memory_space<vmem>>
    %dma_wait3A_238 = tpu.memref_squeeze %dma_wait3A_237 : memref<1x1664x32xf32, #tpu.memory_space<vmem>> -> memref<1664x32xf32, #tpu.memory_space<vmem>>
    %dma_wait3A_239 = arith.constant 0 : i32
    %dma_wait3A_240 = tpu.memref_slice %arg5[%dma_wait3A_233, %dma_wait3A_239] : memref<8x1664xi32, #tpu.memory_space<vmem>> -> memref<1x1664xi32, #tpu.memory_space<vmem>>
    %dma_wait3A_241 = tpu.memref_squeeze %dma_wait3A_240 : memref<1x1664xi32, #tpu.memory_space<vmem>> -> memref<1664xi32, #tpu.memory_space<vmem>>
    %dma_wait3A_242 = arith.constant 0 : i32
    %dma_wait3A_243 = arith.constant 0 : i32
    %dma_wait3A_244 = tpu.memref_slice %arg3[%dma_wait3A_242, %dma_wait3A_243] : memref<1000000x32xf32, #tpu.memory_space<hbm>> -> memref<1000000x32xf32, #tpu.memory_space<hbm>>
    tpu.wait_indirect_dma semaphore(%arg7 : memref<!tpu.dma_semaphore, #tpu.memory_space<semaphore_mem>>) src(%dma_wait3A_244 : memref<1000000x32xf32, #tpu.memory_space<hbm>>) dst(%dma_wait3A_238 : memref<1664x32xf32, #tpu.memory_space<vmem>>)
    %add3A_245 = arith.constant 6656 : i32
    %add3A_246 = arith.addi %mul3A_2, %add3A_245 : i32
    %dma_start3A_247 = arith.constant 0 : i32
    %dma_start3A_248 = arith.constant 0 : i32
    %dma_start3A_249 = arith.constant 0 : i32
    %dma_start3A_250 = tpu.memref_slice %arg6[%dma_start3A_247, %dma_start3A_248, %dma_start3A_249] : memref<2x1664x32xf32, #tpu.memory_space<vmem>> -> memref<1x1664x32xf32, #tpu.memory_space<vmem>>
    %dma_start3A_251 = tpu.memref_squeeze %dma_start3A_250 : memref<1x1664x32xf32, #tpu.memory_space<vmem>> -> memref<1664x32xf32, #tpu.memory_space<vmem>>
    %dma_start3A_252 = arith.constant 0 : i32
    %dma_start3A_253 = tpu.memref_slice %arg4[%add3A_246, %dma_start3A_252] : memref<425984x32xf32, #tpu.memory_space<hbm>> -> memref<1664x32xf32, #tpu.memory_space<hbm>>
    %dma_start3A_254 = arith.constant 0 : i32
    %dma_start3A_255 = tpu.memref_slice %arg4[%add3A_246, %dma_start3A_254] : memref<425984x32xf32, #tpu.memory_space<hbm>> -> memref<1664x32xf32, #tpu.memory_space<hbm>>
    %dma_start3A_256 = arith.constant 0 : i32
    %dma_start3A_257 = arith.constant 0 : i32
    %dma_start3A_258 = tpu.memref_slice %arg6[%dma_start3A_247, %dma_start3A_256, %dma_start3A_257] : memref<2x1664x32xf32, #tpu.memory_space<vmem>> -> memref<1x1664x32xf32, #tpu.memory_space<vmem>>
    %dma_start3A_259 = tpu.memref_squeeze %dma_start3A_258 : memref<1x1664x32xf32, #tpu.memory_space<vmem>> -> memref<1664x32xf32, #tpu.memory_space<vmem>>
    tpu.enqueue_dma source(%dma_start3A_259 : memref<1664x32xf32, #tpu.memory_space<vmem>>) target(%dma_start3A_255 : memref<1664x32xf32, #tpu.memory_space<hbm>>) target_semaphore(%arg9 : memref<!tpu.dma_semaphore, #tpu.memory_space<semaphore_mem>>)
    %dma_wait3A_260 = arith.constant 0 : i32
    %dma_wait3A_261 = arith.constant 0 : i32
    %dma_wait3A_262 = arith.constant 0 : i32
    %dma_wait3A_263 = tpu.memref_slice %arg6[%dma_wait3A_260, %dma_wait3A_261, %dma_wait3A_262] : memref<2x1664x32xf32, #tpu.memory_space<vmem>> -> memref<1x1664x32xf32, #tpu.memory_space<vmem>>
    %dma_wait3A_264 = tpu.memref_squeeze %dma_wait3A_263 : memref<1x1664x32xf32, #tpu.memory_space<vmem>> -> memref<1664x32xf32, #tpu.memory_space<vmem>>
    %dma_wait3A_265 = arith.constant 0 : i32
    %dma_wait3A_266 = tpu.memref_slice %arg4[%add3A_246, %dma_wait3A_265] : memref<425984x32xf32, #tpu.memory_space<hbm>> -> memref<1664x32xf32, #tpu.memory_space<hbm>>
    %dma_wait3A_267 = arith.constant 0 : i32
    %dma_wait3A_268 = tpu.memref_slice %arg4[%add3A_246, %dma_wait3A_267] : memref<425984x32xf32, #tpu.memory_space<hbm>> -> memref<1664x32xf32, #tpu.memory_space<hbm>>
    %dma_wait3A_269 = arith.constant 0 : i32
    %dma_wait3A_270 = arith.constant 0 : i32
    %dma_wait3A_271 = tpu.memref_slice %arg6[%dma_wait3A_260, %dma_wait3A_269, %dma_wait3A_270] : memref<2x1664x32xf32, #tpu.memory_space<vmem>> -> memref<1x1664x32xf32, #tpu.memory_space<vmem>>
    %dma_wait3A_272 = tpu.memref_squeeze %dma_wait3A_271 : memref<1x1664x32xf32, #tpu.memory_space<vmem>> -> memref<1664x32xf32, #tpu.memory_space<vmem>>
    tpu.wait_dma2 semaphore(%arg9 : memref<!tpu.dma_semaphore, #tpu.memory_space<semaphore_mem>>) src(%dma_wait3A_272 : memref<1664x32xf32, #tpu.memory_space<vmem>>) dst(%dma_wait3A_268 : memref<1664x32xf32, #tpu.memory_space<hbm>>)
    %dma_start3A_273 = arith.constant 6 : i32
    %dma_start3A_274 = arith.constant 0 : i32
    %dma_start3A_275 = arith.constant 0 : i32
    %dma_start3A_276 = arith.constant 0 : i32
    %dma_start3A_277 = tpu.memref_slice %arg6[%dma_start3A_274, %dma_start3A_275, %dma_start3A_276] : memref<2x1664x32xf32, #tpu.memory_space<vmem>> -> memref<1x1664x32xf32, #tpu.memory_space<vmem>>
    %dma_start3A_278 = tpu.memref_squeeze %dma_start3A_277 : memref<1x1664x32xf32, #tpu.memory_space<vmem>> -> memref<1664x32xf32, #tpu.memory_space<vmem>>
    %dma_start3A_279 = arith.constant 0 : i32
    %dma_start3A_280 = tpu.memref_slice %arg5[%dma_start3A_273, %dma_start3A_279] : memref<8x1664xi32, #tpu.memory_space<vmem>> -> memref<1x1664xi32, #tpu.memory_space<vmem>>
    %dma_start3A_281 = tpu.memref_squeeze %dma_start3A_280 : memref<1x1664xi32, #tpu.memory_space<vmem>> -> memref<1664xi32, #tpu.memory_space<vmem>>
    %dma_start3A_282 = arith.constant 0 : i32
    %dma_start3A_283 = arith.constant 0 : i32
    %dma_start3A_284 = tpu.memref_slice %arg3[%dma_start3A_282, %dma_start3A_283] : memref<1000000x32xf32, #tpu.memory_space<hbm>> -> memref<1000000x32xf32, #tpu.memory_space<hbm>>
    tpu.enqueue_indirect_dma source(%dma_start3A_284 : memref<1000000x32xf32, #tpu.memory_space<hbm>>) target(%dma_start3A_278 : memref<1664x32xf32, #tpu.memory_space<vmem>>) offsets(%dma_start3A_281 : memref<1664xi32, #tpu.memory_space<vmem>>) semaphore(%arg7 : memref<!tpu.dma_semaphore, #tpu.memory_space<semaphore_mem>>)
    %dma_wait3A_285 = arith.constant 5 : i32
    %dma_wait3A_286 = arith.constant 1 : i32
    %dma_wait3A_287 = arith.constant 0 : i32
    %dma_wait3A_288 = arith.constant 0 : i32
    %dma_wait3A_289 = tpu.memref_slice %arg6[%dma_wait3A_286, %dma_wait3A_287, %dma_wait3A_288] : memref<2x1664x32xf32, #tpu.memory_space<vmem>> -> memref<1x1664x32xf32, #tpu.memory_space<vmem>>
    %dma_wait3A_290 = tpu.memref_squeeze %dma_wait3A_289 : memref<1x1664x32xf32, #tpu.memory_space<vmem>> -> memref<1664x32xf32, #tpu.memory_space<vmem>>
    %dma_wait3A_291 = arith.constant 0 : i32
    %dma_wait3A_292 = tpu.memref_slice %arg5[%dma_wait3A_285, %dma_wait3A_291] : memref<8x1664xi32, #tpu.memory_space<vmem>> -> memref<1x1664xi32, #tpu.memory_space<vmem>>
    %dma_wait3A_293 = tpu.memref_squeeze %dma_wait3A_292 : memref<1x1664xi32, #tpu.memory_space<vmem>> -> memref<1664xi32, #tpu.memory_space<vmem>>
    %dma_wait3A_294 = arith.constant 0 : i32
    %dma_wait3A_295 = arith.constant 0 : i32
    %dma_wait3A_296 = tpu.memref_slice %arg3[%dma_wait3A_294, %dma_wait3A_295] : memref<1000000x32xf32, #tpu.memory_space<hbm>> -> memref<1000000x32xf32, #tpu.memory_space<hbm>>
    tpu.wait_indirect_dma semaphore(%arg8 : memref<!tpu.dma_semaphore, #tpu.memory_space<semaphore_mem>>) src(%dma_wait3A_296 : memref<1000000x32xf32, #tpu.memory_space<hbm>>) dst(%dma_wait3A_290 : memref<1664x32xf32, #tpu.memory_space<vmem>>)
    %add3A_297 = arith.constant 8320 : i32
    %add3A_298 = arith.addi %mul3A_2, %add3A_297 : i32
    %dma_start3A_299 = arith.constant 1 : i32
    %dma_start3A_300 = arith.constant 0 : i32
    %dma_start3A_301 = arith.constant 0 : i32
    %dma_start3A_302 = tpu.memref_slice %arg6[%dma_start3A_299, %dma_start3A_300, %dma_start3A_301] : memref<2x1664x32xf32, #tpu.memory_space<vmem>> -> memref<1x1664x32xf32, #tpu.memory_space<vmem>>
    %dma_start3A_303 = tpu.memref_squeeze %dma_start3A_302 : memref<1x1664x32xf32, #tpu.memory_space<vmem>> -> memref<1664x32xf32, #tpu.memory_space<vmem>>
    %dma_start3A_304 = arith.constant 0 : i32
    %dma_start3A_305 = tpu.memref_slice %arg4[%add3A_298, %dma_start3A_304] : memref<425984x32xf32, #tpu.memory_space<hbm>> -> memref<1664x32xf32, #tpu.memory_space<hbm>>
    %dma_start3A_306 = arith.constant 0 : i32
    %dma_start3A_307 = tpu.memref_slice %arg4[%add3A_298, %dma_start3A_306] : memref<425984x32xf32, #tpu.memory_space<hbm>> -> memref<1664x32xf32, #tpu.memory_space<hbm>>
    %dma_start3A_308 = arith.constant 0 : i32
    %dma_start3A_309 = arith.constant 0 : i32
    %dma_start3A_310 = tpu.memref_slice %arg6[%dma_start3A_299, %dma_start3A_308, %dma_start3A_309] : memref<2x1664x32xf32, #tpu.memory_space<vmem>> -> memref<1x1664x32xf32, #tpu.memory_space<vmem>>
    %dma_start3A_311 = tpu.memref_squeeze %dma_start3A_310 : memref<1x1664x32xf32, #tpu.memory_space<vmem>> -> memref<1664x32xf32, #tpu.memory_space<vmem>>
    tpu.enqueue_dma source(%dma_start3A_311 : memref<1664x32xf32, #tpu.memory_space<vmem>>) target(%dma_start3A_307 : memref<1664x32xf32, #tpu.memory_space<hbm>>) target_semaphore(%arg10 : memref<!tpu.dma_semaphore, #tpu.memory_space<semaphore_mem>>)
    %dma_wait3A_312 = arith.constant 1 : i32
    %dma_wait3A_313 = arith.constant 0 : i32
    %dma_wait3A_314 = arith.constant 0 : i32
    %dma_wait3A_315 = tpu.memref_slice %arg6[%dma_wait3A_312, %dma_wait3A_313, %dma_wait3A_314] : memref<2x1664x32xf32, #tpu.memory_space<vmem>> -> memref<1x1664x32xf32, #tpu.memory_space<vmem>>
    %dma_wait3A_316 = tpu.memref_squeeze %dma_wait3A_315 : memref<1x1664x32xf32, #tpu.memory_space<vmem>> -> memref<1664x32xf32, #tpu.memory_space<vmem>>
    %dma_wait3A_317 = arith.constant 0 : i32
    %dma_wait3A_318 = tpu.memref_slice %arg4[%add3A_298, %dma_wait3A_317] : memref<425984x32xf32, #tpu.memory_space<hbm>> -> memref<1664x32xf32, #tpu.memory_space<hbm>>
    %dma_wait3A_319 = arith.constant 0 : i32
    %dma_wait3A_320 = tpu.memref_slice %arg4[%add3A_298, %dma_wait3A_319] : memref<425984x32xf32, #tpu.memory_space<hbm>> -> memref<1664x32xf32, #tpu.memory_space<hbm>>
    %dma_wait3A_321 = arith.constant 0 : i32
    %dma_wait3A_322 = arith.constant 0 : i32
    %dma_wait3A_323 = tpu.memref_slice %arg6[%dma_wait3A_312, %dma_wait3A_321, %dma_wait3A_322] : memref<2x1664x32xf32, #tpu.memory_space<vmem>> -> memref<1x1664x32xf32, #tpu.memory_space<vmem>>
    %dma_wait3A_324 = tpu.memref_squeeze %dma_wait3A_323 : memref<1x1664x32xf32, #tpu.memory_space<vmem>> -> memref<1664x32xf32, #tpu.memory_space<vmem>>
    tpu.wait_dma2 semaphore(%arg10 : memref<!tpu.dma_semaphore, #tpu.memory_space<semaphore_mem>>) src(%dma_wait3A_324 : memref<1664x32xf32, #tpu.memory_space<vmem>>) dst(%dma_wait3A_320 : memref<1664x32xf32, #tpu.memory_space<hbm>>)
    %dma_start3A_325 = arith.constant 7 : i32
    %dma_start3A_326 = arith.constant 1 : i32
    %dma_start3A_327 = arith.constant 0 : i32
    %dma_start3A_328 = arith.constant 0 : i32
    %dma_start3A_329 = tpu.memref_slice %arg6[%dma_start3A_326, %dma_start3A_327, %dma_start3A_328] : memref<2x1664x32xf32, #tpu.memory_space<vmem>> -> memref<1x1664x32xf32, #tpu.memory_space<vmem>>
    %dma_start3A_330 = tpu.memref_squeeze %dma_start3A_329 : memref<1x1664x32xf32, #tpu.memory_space<vmem>> -> memref<1664x32xf32, #tpu.memory_space<vmem>>
    %dma_start3A_331 = arith.constant 0 : i32
    %dma_start3A_332 = tpu.memref_slice %arg5[%dma_start3A_325, %dma_start3A_331] : memref<8x1664xi32, #tpu.memory_space<vmem>> -> memref<1x1664xi32, #tpu.memory_space<vmem>>
    %dma_start3A_333 = tpu.memref_squeeze %dma_start3A_332 : memref<1x1664xi32, #tpu.memory_space<vmem>> -> memref<1664xi32, #tpu.memory_space<vmem>>
    %dma_start3A_334 = arith.constant 0 : i32
    %dma_start3A_335 = arith.constant 0 : i32
    %dma_start3A_336 = tpu.memref_slice %arg3[%dma_start3A_334, %dma_start3A_335] : memref<1000000x32xf32, #tpu.memory_space<hbm>> -> memref<1000000x32xf32, #tpu.memory_space<hbm>>
    tpu.enqueue_indirect_dma source(%dma_start3A_336 : memref<1000000x32xf32, #tpu.memory_space<hbm>>) target(%dma_start3A_330 : memref<1664x32xf32, #tpu.memory_space<vmem>>) offsets(%dma_start3A_333 : memref<1664xi32, #tpu.memory_space<vmem>>) semaphore(%arg8 : memref<!tpu.dma_semaphore, #tpu.memory_space<semaphore_mem>>)
    %dma_wait3A_337 = arith.constant 6 : i32
    %dma_wait3A_338 = arith.constant 0 : i32
    %dma_wait3A_339 = arith.constant 0 : i32
    %dma_wait3A_340 = arith.constant 0 : i32
    %dma_wait3A_341 = tpu.memref_slice %arg6[%dma_wait3A_338, %dma_wait3A_339, %dma_wait3A_340] : memref<2x1664x32xf32, #tpu.memory_space<vmem>> -> memref<1x1664x32xf32, #tpu.memory_space<vmem>>
    %dma_wait3A_342 = tpu.memref_squeeze %dma_wait3A_341 : memref<1x1664x32xf32, #tpu.memory_space<vmem>> -> memref<1664x32xf32, #tpu.memory_space<vmem>>
    %dma_wait3A_343 = arith.constant 0 : i32
    %dma_wait3A_344 = tpu.memref_slice %arg5[%dma_wait3A_337, %dma_wait3A_343] : memref<8x1664xi32, #tpu.memory_space<vmem>> -> memref<1x1664xi32, #tpu.memory_space<vmem>>
    %dma_wait3A_345 = tpu.memref_squeeze %dma_wait3A_344 : memref<1x1664xi32, #tpu.memory_space<vmem>> -> memref<1664xi32, #tpu.memory_space<vmem>>
    %dma_wait3A_346 = arith.constant 0 : i32
    %dma_wait3A_347 = arith.constant 0 : i32
    %dma_wait3A_348 = tpu.memref_slice %arg3[%dma_wait3A_346, %dma_wait3A_347] : memref<1000000x32xf32, #tpu.memory_space<hbm>> -> memref<1000000x32xf32, #tpu.memory_space<hbm>>
    tpu.wait_indirect_dma semaphore(%arg7 : memref<!tpu.dma_semaphore, #tpu.memory_space<semaphore_mem>>) src(%dma_wait3A_348 : memref<1000000x32xf32, #tpu.memory_space<hbm>>) dst(%dma_wait3A_342 : memref<1664x32xf32, #tpu.memory_space<vmem>>)
    %add3A_349 = arith.constant 9984 : i32
    %add3A_350 = arith.addi %mul3A_2, %add3A_349 : i32
    %dma_start3A_351 = arith.constant 0 : i32
    %dma_start3A_352 = arith.constant 0 : i32
    %dma_start3A_353 = arith.constant 0 : i32
    %dma_start3A_354 = tpu.memref_slice %arg6[%dma_start3A_351, %dma_start3A_352, %dma_start3A_353] : memref<2x1664x32xf32, #tpu.memory_space<vmem>> -> memref<1x1664x32xf32, #tpu.memory_space<vmem>>
    %dma_start3A_355 = tpu.memref_squeeze %dma_start3A_354 : memref<1x1664x32xf32, #tpu.memory_space<vmem>> -> memref<1664x32xf32, #tpu.memory_space<vmem>>
    %dma_start3A_356 = arith.constant 0 : i32
    %dma_start3A_357 = tpu.memref_slice %arg4[%add3A_350, %dma_start3A_356] : memref<425984x32xf32, #tpu.memory_space<hbm>> -> memref<1664x32xf32, #tpu.memory_space<hbm>>
    %dma_start3A_358 = arith.constant 0 : i32
    %dma_start3A_359 = tpu.memref_slice %arg4[%add3A_350, %dma_start3A_358] : memref<425984x32xf32, #tpu.memory_space<hbm>> -> memref<1664x32xf32, #tpu.memory_space<hbm>>
    %dma_start3A_360 = arith.constant 0 : i32
    %dma_start3A_361 = arith.constant 0 : i32
    %dma_start3A_362 = tpu.memref_slice %arg6[%dma_start3A_351, %dma_start3A_360, %dma_start3A_361] : memref<2x1664x32xf32, #tpu.memory_space<vmem>> -> memref<1x1664x32xf32, #tpu.memory_space<vmem>>
    %dma_start3A_363 = tpu.memref_squeeze %dma_start3A_362 : memref<1x1664x32xf32, #tpu.memory_space<vmem>> -> memref<1664x32xf32, #tpu.memory_space<vmem>>
    tpu.enqueue_dma source(%dma_start3A_363 : memref<1664x32xf32, #tpu.memory_space<vmem>>) target(%dma_start3A_359 : memref<1664x32xf32, #tpu.memory_space<hbm>>) target_semaphore(%arg9 : memref<!tpu.dma_semaphore, #tpu.memory_space<semaphore_mem>>)
    %dma_wait3A_364 = arith.constant 7 : i32
    %dma_wait3A_365 = arith.constant 1 : i32
    %dma_wait3A_366 = arith.constant 0 : i32
    %dma_wait3A_367 = arith.constant 0 : i32
    %dma_wait3A_368 = tpu.memref_slice %arg6[%dma_wait3A_365, %dma_wait3A_366, %dma_wait3A_367] : memref<2x1664x32xf32, #tpu.memory_space<vmem>> -> memref<1x1664x32xf32, #tpu.memory_space<vmem>>
    %dma_wait3A_369 = tpu.memref_squeeze %dma_wait3A_368 : memref<1x1664x32xf32, #tpu.memory_space<vmem>> -> memref<1664x32xf32, #tpu.memory_space<vmem>>
    %dma_wait3A_370 = arith.constant 0 : i32
    %dma_wait3A_371 = tpu.memref_slice %arg5[%dma_wait3A_364, %dma_wait3A_370] : memref<8x1664xi32, #tpu.memory_space<vmem>> -> memref<1x1664xi32, #tpu.memory_space<vmem>>
    %dma_wait3A_372 = tpu.memref_squeeze %dma_wait3A_371 : memref<1x1664xi32, #tpu.memory_space<vmem>> -> memref<1664xi32, #tpu.memory_space<vmem>>
    %dma_wait3A_373 = arith.constant 0 : i32
    %dma_wait3A_374 = arith.constant 0 : i32
    %dma_wait3A_375 = tpu.memref_slice %arg3[%dma_wait3A_373, %dma_wait3A_374] : memref<1000000x32xf32, #tpu.memory_space<hbm>> -> memref<1000000x32xf32, #tpu.memory_space<hbm>>
    tpu.wait_indirect_dma semaphore(%arg8 : memref<!tpu.dma_semaphore, #tpu.memory_space<semaphore_mem>>) src(%dma_wait3A_375 : memref<1000000x32xf32, #tpu.memory_space<hbm>>) dst(%dma_wait3A_369 : memref<1664x32xf32, #tpu.memory_space<vmem>>)
    %add3A_376 = arith.constant 11648 : i32
    %add3A_377 = arith.addi %mul3A_2, %add3A_376 : i32
    %dma_start3A_378 = arith.constant 1 : i32
    %dma_start3A_379 = arith.constant 0 : i32
    %dma_start3A_380 = arith.constant 0 : i32
    %dma_start3A_381 = tpu.memref_slice %arg6[%dma_start3A_378, %dma_start3A_379, %dma_start3A_380] : memref<2x1664x32xf32, #tpu.memory_space<vmem>> -> memref<1x1664x32xf32, #tpu.memory_space<vmem>>
    %dma_start3A_382 = tpu.memref_squeeze %dma_start3A_381 : memref<1x1664x32xf32, #tpu.memory_space<vmem>> -> memref<1664x32xf32, #tpu.memory_space<vmem>>
    %dma_start3A_383 = arith.constant 0 : i32
    %dma_start3A_384 = tpu.memref_slice %arg4[%add3A_377, %dma_start3A_383] : memref<425984x32xf32, #tpu.memory_space<hbm>> -> memref<1664x32xf32, #tpu.memory_space<hbm>>
    %dma_start3A_385 = arith.constant 0 : i32
    %dma_start3A_386 = tpu.memref_slice %arg4[%add3A_377, %dma_start3A_385] : memref<425984x32xf32, #tpu.memory_space<hbm>> -> memref<1664x32xf32, #tpu.memory_space<hbm>>
    %dma_start3A_387 = arith.constant 0 : i32
    %dma_start3A_388 = arith.constant 0 : i32
    %dma_start3A_389 = tpu.memref_slice %arg6[%dma_start3A_378, %dma_start3A_387, %dma_start3A_388] : memref<2x1664x32xf32, #tpu.memory_space<vmem>> -> memref<1x1664x32xf32, #tpu.memory_space<vmem>>
    %dma_start3A_390 = tpu.memref_squeeze %dma_start3A_389 : memref<1x1664x32xf32, #tpu.memory_space<vmem>> -> memref<1664x32xf32, #tpu.memory_space<vmem>>
    tpu.enqueue_dma source(%dma_start3A_390 : memref<1664x32xf32, #tpu.memory_space<vmem>>) target(%dma_start3A_386 : memref<1664x32xf32, #tpu.memory_space<hbm>>) target_semaphore(%arg10 : memref<!tpu.dma_semaphore, #tpu.memory_space<semaphore_mem>>)
    %dma_wait3A_391 = arith.constant 0 : i32
    %dma_wait3A_392 = arith.constant 0 : i32
    %dma_wait3A_393 = arith.constant 0 : i32
    %dma_wait3A_394 = tpu.memref_slice %arg6[%dma_wait3A_391, %dma_wait3A_392, %dma_wait3A_393] : memref<2x1664x32xf32, #tpu.memory_space<vmem>> -> memref<1x1664x32xf32, #tpu.memory_space<vmem>>
    %dma_wait3A_395 = tpu.memref_squeeze %dma_wait3A_394 : memref<1x1664x32xf32, #tpu.memory_space<vmem>> -> memref<1664x32xf32, #tpu.memory_space<vmem>>
    %dma_wait3A_396 = arith.constant 0 : i32
    %dma_wait3A_397 = tpu.memref_slice %arg4[%add3A_350, %dma_wait3A_396] : memref<425984x32xf32, #tpu.memory_space<hbm>> -> memref<1664x32xf32, #tpu.memory_space<hbm>>
    %dma_wait3A_398 = arith.constant 0 : i32
    %dma_wait3A_399 = tpu.memref_slice %arg4[%add3A_350, %dma_wait3A_398] : memref<425984x32xf32, #tpu.memory_space<hbm>> -> memref<1664x32xf32, #tpu.memory_space<hbm>>
    %dma_wait3A_400 = arith.constant 0 : i32
    %dma_wait3A_401 = arith.constant 0 : i32
    %dma_wait3A_402 = tpu.memref_slice %arg6[%dma_wait3A_391, %dma_wait3A_400, %dma_wait3A_401] : memref<2x1664x32xf32, #tpu.memory_space<vmem>> -> memref<1x1664x32xf32, #tpu.memory_space<vmem>>
    %dma_wait3A_403 = tpu.memref_squeeze %dma_wait3A_402 : memref<1x1664x32xf32, #tpu.memory_space<vmem>> -> memref<1664x32xf32, #tpu.memory_space<vmem>>
    tpu.wait_dma2 semaphore(%arg9 : memref<!tpu.dma_semaphore, #tpu.memory_space<semaphore_mem>>) src(%dma_wait3A_403 : memref<1664x32xf32, #tpu.memory_space<vmem>>) dst(%dma_wait3A_399 : memref<1664x32xf32, #tpu.memory_space<hbm>>)
    %dma_wait3A_404 = arith.constant 1 : i32
    %dma_wait3A_405 = arith.constant 0 : i32
    %dma_wait3A_406 = arith.constant 0 : i32
    %dma_wait3A_407 = tpu.memref_slice %arg6[%dma_wait3A_404, %dma_wait3A_405, %dma_wait3A_406] : memref<2x1664x32xf32, #tpu.memory_space<vmem>> -> memref<1x1664x32xf32, #tpu.memory_space<vmem>>
    %dma_wait3A_408 = tpu.memref_squeeze %dma_wait3A_407 : memref<1x1664x32xf32, #tpu.memory_space<vmem>> -> memref<1664x32xf32, #tpu.memory_space<vmem>>
    %dma_wait3A_409 = arith.constant 0 : i32
    %dma_wait3A_410 = tpu.memref_slice %arg4[%add3A_377, %dma_wait3A_409] : memref<425984x32xf32, #tpu.memory_space<hbm>> -> memref<1664x32xf32, #tpu.memory_space<hbm>>
    %dma_wait3A_411 = arith.constant 0 : i32
    %dma_wait3A_412 = tpu.memref_slice %arg4[%add3A_377, %dma_wait3A_411] : memref<425984x32xf32, #tpu.memory_space<hbm>> -> memref<1664x32xf32, #tpu.memory_space<hbm>>
    %dma_wait3A_413 = arith.constant 0 : i32
    %dma_wait3A_414 = arith.constant 0 : i32
    %dma_wait3A_415 = tpu.memref_slice %arg6[%dma_wait3A_404, %dma_wait3A_413, %dma_wait3A_414] : memref<2x1664x32xf32, #tpu.memory_space<vmem>> -> memref<1x1664x32xf32, #tpu.memory_space<vmem>>
    %dma_wait3A_416 = tpu.memref_squeeze %dma_wait3A_415 : memref<1x1664x32xf32, #tpu.memory_space<vmem>> -> memref<1664x32xf32, #tpu.memory_space<vmem>>
    tpu.wait_dma2 semaphore(%arg10 : memref<!tpu.dma_semaphore, #tpu.memory_space<semaphore_mem>>) src(%dma_wait3A_416 : memref<1664x32xf32, #tpu.memory_space<vmem>>) dst(%dma_wait3A_412 : memref<1664x32xf32, #tpu.memory_space<hbm>>)
    return
  }
}

</mosaic_0001>

<sc_bundles>
// kernel: kernel.4.cloned.1.call-start
scs
__scs_entry_jumppad:
0x0: {  	(pc) =	sbr.rel $0x88, $3  }
0x1: {  	(tag) =	ssettag $0x0;
	lr =	simm.s32 $0x1  }
0x2: {  	[smem:$0x3F9F] =	sst lr;
	_ =	strace $0xD0000000  }
0x3: {  	_ = 	snop  }
0x4: {  	_ = 	snop  }
0x5: {  	_ = 	snop  }
0x6: {  	_ = 	snop  }
0x7: {  	_ = 	snop  }
__scs_overlays_trampoline_lowered:
0x8: {  	[smem:$0x3FAE] =	sst s0  }
0x9: {  	[smem:$0x3FAF] =	sst s1  }
0xa: {  	[smem:$0x3FB0] =	sst s2  }
0xb: {  	[smem:$0x3FB1] =	sst s3  }
0xc: {  	[smem:$0x3FB2] =	sst s4  }
0xd: {  	[smem:$0x3FB3] =	sst s5  }
0xe: {  	[smem:$0x3FB4] =	sst s6  }
0xf: {  	[smem:$0x3FB5] =	sst s7  }
0x10: {  	[smem:$0x3FB6] =	sst s8  }
0x11: {  	[smem:$0x3FB7] =	sst s9;
	s0 =	simm.s32 @!p0 $0x0  }
0x12: {  	s1 =	sld [smem:$0x3F9D];
	s0 =	simm.s32 @p0 $0x1  }
0x13: {  	[smem:$0x3FB8] =	sst s0;
	s0 =	simm.s32 @!p1 $0x0  }
0x14: {  	s2 =	sld [smem:$0x3F9C];
	s0 =	simm.s32 @p1 $0x1  }
0x15: {  	[smem:$0x3FB9] =	sst s0;
	s0 =	simm.s32 @!p2 $0x0  }
0x16: {  	s3 =	sld [smem:$0x3FDB];
	s0 =	simm.s32 @p2 $0x1  }
0x17: {  	s4 =	simm.s32 $0x1BF5;
	[smem:$0x3FBB] =	sst s0  }
0x18: {  	s0 =	sld [smem:$0x3F9E];
	_ =	swait.ge [sflag:s4], $0x0  }
0x19: {  	s7 =	sld [smem:$0x3F9F]  }
0x1a: {  	s8 =	sadd.s32 $0xFFFFE003, lr  }
0x1b: {  	s9 =	sadd.s32 $0xFFFFFEF7, lr;
	s5 =	simm.s32 $0xFFFFFFFF;
	p2 =	slt.u32 s8, $0xFFFFF086  }
0x1c: {  	p1 =	slt.u32 s9, $0xF7A;
	s5 =	simm.s32 @!p2 $0x0  }
0x1d: {  	s5 =	simm.s32 @p1 $0x1;
	p0 =	seq.s32 s7, s2  }
0x1e: {  	s7 =	smul.u32 @!p0 $0xF7A, s2;
	p2 =	seq.s32 @!p0 s5, $0x0  }
0x1f: {  	s9 =	smul.u32 $0xF7A, s1;
	s8 =	simm.s32 @!p0 $0x1BF5;
	p2 =	por !p2, p0  }
0x20: {  	[sflag:s8] =	ssyncset.s32 @!p0 $0xFFFFF086;
	s6 =	sadd.s32 @!p0 s3, s7;
	s7 =	simm.s32 @!p0 $0x108  }
0x21: {  	s3 =	sadd.s32 s3, s9;
	s6 =	sadd.s32 @!p0 $0x88, s6;
	s7 =	simm.s32 @p2 $0x1082  }
0x22: {  	[simem:s7], [sflag:s8] =	dma.local @!p0 [hbm:s6], $0xF7A  }
0x23: {  	s9 =	sor.u32 $0xD0000000, s2;
	s6 =	simm.s32 $0x108;
	_ =	swait.ge @!p0 [sflag:s8], $0x0  }
0x24: {  	s3 =	sadd.s32 $0x88, s3;
	s6 =	simm.s32 @!p1 $0x1082;
	[sflag:s4] =	ssyncset.s32 $0xFFFFF086  }
0x25: {  	[simem:s6], [sflag:s4] =	dma.local [hbm:s3], $0xF7A  }
0x26: {  	[smem:$0x3F9F] =	sst s1;
	(tag) =	ssettag s2;
	_ =	strace s9  }
0x27: {  	s1 =	sld [smem:$0x3FAF]  }
0x28: {  	s2 =	sld [smem:$0x3FB0]  }
0x29: {  	s4 =	sld [smem:$0x3FB2]  }
0x2a: {  	p0 =	seq.s32 s5, $0x0;
	s5 =	sld [smem:$0x3FB3]  }
0x2b: {  	s6 =	sld [smem:$0x3FB4]  }
0x2c: {  	s7 =	sld [smem:$0x3FB5]  }
0x2d: {  	s3 =	simm.s32 $0x108;
	s8 =	sld [smem:$0x3FB6]  }
0x2e: {  	s3 =	simm.s32 @!p0 $0x1082;
	s9 =	sld [smem:$0x3FB7]  }
0x2f: {  	lr =	sadd.s32 s0, s3;
	s0 =	sld [smem:$0x3FAE]  }
0x30: {  	s3 =	sld [smem:$0x3FB1]  }
0x31: {  	[smem:$0x3FBA] =	sst s10  }
0x32: {  	s10 =	sld [smem:$0x3FB8];
	_ =	sdelay $0x3  }
0x33: {  	p0 =	seq.s32 s10, $0x1;
	s10 =	sld [smem:$0x3FBA];
	_ =	sdelay $0x3  }
0x34: {  	[smem:$0x3FBA] =	sst s10  }
0x35: {  	s10 =	sld [smem:$0x3FB9];
	_ =	sdelay $0x3  }
0x36: {  	p1 =	seq.s32 s10, $0x1;
	s10 =	sld [smem:$0x3FBA];
	_ =	sdelay $0x3  }
0x37: {  	[smem:$0x3FBA] =	sst s10  }
0x38: {  	s10 =	sld [smem:$0x3FBB]  }
0x39: {  	_ = 	snop;
	(pc) =	sbr.ind lr, $3  }
0x3a: {  	_ = 	snop  }
0x3b: {  	_ = 	snop  }
0x3c: {  	p2 =	seq.s32 s10, $0x1;
	s10 =	sld [smem:$0x3FBA]  }
0x3d: {  	_ =	shalt  }
0x3e: {  	_ =	shalt  }
0x3f: {  	_ =	shalt  }
0x40: {  	_ =	shalt  }
0x41: {  	_ =	shalt  }
0x42: {  	_ =	shalt  }
0x43: {  	_ =	shalt  }
0x44: {  	_ =	shalt  }
0x45: {  	_ =	shalt  }
0x46: {  	_ =	shalt  }
0x47: {  	_ =	shalt  }
0x48: {  	_ =	shalt  }
0x49: {  	_ =	shalt  }
0x4a: {  	_ =	shalt  }
0x4b: {  	_ =	shalt  }
0x4c: {  	_ =	shalt  }
0x4d: {  	_ =	shalt  }
0x4e: {  	_ =	shalt  }
0x4f: {  	_ =	shalt  }
0x50: {  	_ =	shalt  }
0x51: {  	_ =	shalt  }
0x52: {  	_ =	shalt  }
0x53: {  	_ =	shalt  }
0x54: {  	_ =	shalt  }
0x55: {  	_ =	shalt  }
0x56: {  	_ =	shalt  }
0x57: {  	_ =	shalt  }
0x58: {  	_ =	shalt  }
0x59: {  	_ =	shalt  }
0x5a: {  	_ =	shalt  }
0x5b: {  	_ =	shalt  }
0x5c: {  	_ =	shalt  }
0x5d: {  	_ =	shalt  }
0x5e: {  	_ =	shalt  }
0x5f: {  	_ =	shalt  }
0x60: {  	_ =	shalt  }
0x61: {  	_ =	shalt  }
0x62: {  	_ =	shalt  }
0x63: {  	_ =	shalt  }
0x64: {  	_ =	shalt  }
0x65: {  	_ =	shalt  }
0x66: {  	_ =	shalt  }
0x67: {  	_ =	shalt  }
0x68: {  	_ =	shalt  }
0x69: {  	_ =	shalt  }
0x6a: {  	_ =	shalt  }
0x6b: {  	_ =	shalt  }
0x6c: {  	_ =	shalt  }
0x6d: {  	_ =	shalt  }
0x6e: {  	_ =	shalt  }
0x6f: {  	_ =	shalt  }
0x70: {  	_ =	shalt  }
0x71: {  	_ =	shalt  }
0x72: {  	_ =	shalt  }
0x73: {  	_ =	shalt  }
0x74: {  	_ =	shalt  }
0x75: {  	_ =	shalt  }
0x76: {  	_ =	shalt  }
0x77: {  	_ =	shalt  }
0x78: {  	_ =	shalt  }
0x79: {  	_ =	shalt  }
0x7a: {  	_ =	shalt  }
0x7b: {  	_ =	shalt  }
0x7c: {  	_ =	shalt  }
0x7d: {  	_ =	shalt  }
0x7e: {  	_ =	shalt  }
0x7f: {  	_ =	shalt  }
0x80: {  	_ =	shalt  }
0x81: {  	_ =	shalt  }
0x82: {  	_ =	shalt  }
0x83: {  	_ =	shalt  }
0x84: {  	_ =	shalt  }
0x85: {  	_ =	shalt  }
0x86: {  	_ =	shalt  }
0x87: {  	_ =	shalt  }
.Lfunc_end0:
.L_simem_size_0:
called_computation.1_lowered:
.L_overlay_start_0:
0x88: {  	s2 =	sld [smem:$0x3FD9]  }
0x89: {  	s3 =	sld [smem:$0x3FFE];
	_ =	sdelay $0x1  }
0x8a: {  	s1 =	srdreg.scid  }
0x8b: {  	s0 =	sand.u32 $0x1, s1  }
0x8c: {  	s17 =	sshll.u32 s0, $0xA;
	s2 =	sadd.s32 s3, s2  }
0x8d: {  	s2 =	sadd.s32 s2, s17  }
0x8e: {  	[smem:$0x3FC6] =	sst s2  }
0x8f: {  	_ = 	snop  }
0x90: {  	s2 =	sld [smem:$0x3FC8]  }
0x91: {  	s18 =	sld [smem:$0x3FD0];
	(tm) =	ssettm $0x1  }
0x92: {  	s4 =	sld [smem:$0x3FFB];
	_ =	sdelay $0x3  }
0x93: {  	_ =	strace s4  }
0x94: {  	s4 =	sld [smem:$0x3FFC];
	_ =	sdelay $0x3  }
0x95: {  	_ =	strace s4  }
0x96: {  	s4 =	sld [smem:$0x3FFD];
	_ =	sdelay $0x3  }
0x97: {  	_ =	strace s4  }
0x98: {  	_ =	strace $0x8FFFFFFF  }
0x99: {  	s19 =	sld [smem:$0x3FDB];
	_ =	sdelay $0x1  }
0x9a: {  	s5 =	simm.s32 $_scs_section_size  }
0x9b: {  	s6 =	simm.s32 $_size__tile_overlayer_lowered;
	s7 =	simm.s32 $_tile_overlayer_lowered  }
0x9c: {  	s22 =	simm.s32 $0x1BFF;
	s21 =	sshll.u32 s7, $0x1;
	s4 =	sadd.s32 s5, s19  }
0x9d: {  	s8 =	simm.s32 $0x0;
	s20 =	sshll.u32 s6, $0x1;
	s6 =	sadd.s32 s21, s4  }
0x9e: {  	[timem:s8], [sflag:s22] =	dma.local [hbm:s6], s20  }
0x9f: {  	_ =	swait.ge [sflag:s22], s20  }
0xa0: {  	s5 =	ssub.s32 $0x0, s20;
	[sflag:s22] =	ssyncset.done $0x0  }
0xa1: {  	[sflag:s22] =	ssyncadd.s32 s5;
	_ =	sdelay $0x1  }
0xa2: {  	s23 =	simm.s32 $0x1B8B  }
0xa3: {  	_ =	swait.ge [sflag:s23], $0x1  }
0xa4: {  	[sflag:s23] =	ssyncset.done $0x0  }
0xa5: {  	s25 =	simm.s32 $0x1B8E;
	s24 =	sld [smem:$0x3FFE];
	[sflag:s23] =	ssyncadd.s32 $0xFFFFFFFF  }
0xa6: {  	s26 =	simm.s32 $execute0_lowered;
	[smem:$0x3FD2] =	sst s25  }
0xa7: {  	s6 =	sshll.u32 s26, $0x1;
	_ =	strace $0x80000046;
	[dreg:$0x1] =	wrdreg $0xFFFFFFFF  }
0xa8: {  	s28 =	simm.s32 $_size_execute0_lowered;
	s4 =	sadd.s32 s4, s6;
	[dreg:$0x0] =	wrdreg $0x0  }
0xa9: {  	s6 =	sshll.u32 s28, $0x1;
	[dreg:$0x2] =	wrdreg s4  }
0xaa: {  	[dreg:$0x3] =	wrdreg s6  }
0xab: {  	[dreg:$0x4] =	wrdreg $0xC0  }
0xac: {  	_ =	task [dreg:s8], $0x5FFFF  }
0xad: {  	[dreg:$0x1] =	wrdreg $0xFFFFFFFF  }
0xae: {  	[dreg:$0x0] =	wrdreg $0x60  }
0xaf: {  	[dreg:$0x2] =	wrdreg s2  }
0xb0: {  	[dreg:$0x3] =	wrdreg s18  }
0xb1: {  	[dreg:$0x4] =	wrdreg s24  }
0xb2: {  	[dreg:$0x5] =	wrdreg $0x9  }
0xb3: {  	_ =	task.clear_ibuf [dreg:s8], $0x6FFFF;
	_ =	strace $0x90000046  }
0xb4: {  	s29 =	simm.s32 $0x9;
	_ =	strace $0x80000048  }
0xb5: {  	_ =	swait.ge [sflag:s29], $0x1  }
0xb6: {  	[sflag:s29] =	ssyncadd.s32 $0xFFFFFFFF  }
0xb7: {  	_ =	strace $0x90000048  }
0xb8: {  	_ =	sfence  }
0xb9: {  	s30 =	sld [smem:$0x0];
	_ =	sdelay $0x2  }
0xba: {  	s31 =	sshll.u32 s1, $0xD;
	s1 =	sshrl.u32 s1, $0x2  }
0xbb: {  	s3 =	sand.u32 $0x4000, s31;
	s1 =	sadd.s32 s1, s30  }
0xbc: {  	s0 =	sor.u32 s3, s0;
	s1 =	sshll.u32 s1, $0x11  }
0xbd: {  	s0 =	sor.u32 s1, s0  }
0xbe: {  	s0 =	sadd.s32 $0x8F2B, s0  }
0xbf: {  	[sflag:s0] =	ssyncadd.remote.s32 $0x1  }
0xc0: {  	_ =	sfence.sel $0xFFFF  }
0xc1: {  	[dreg:$0x0] =	wrdreg $0xFFFFFFFF;
	(pc) =	sbr.abs _section_cstart, $3  }
0xc2: {  	[dreg:$0x1] =	wrdreg $0xFFFFFFFF  }
0xc3: {  	_ =	task.clear_ibuf [dreg:s8], $0x2FFFF;
	_ =	strace $0x9FFFFFFF  }
0xc4: {  	(tm) =	ssettm $0x7FFFFFFF  }
0xc5: {  	_ =	shalt  }
tec
execute0_lowered:
.L_overlay_start_1:
0x0: {  	(tag) =	ssettag $0x1  }
0x1: {  	v0 =	vimm.s32 $0x1780;
	vm0 =	vcmask $0x300;
	v1 =	vimm.s32 $0x3F80  }
0x2: {  	vm1 =	vcmask $0x704;
	v0 =	vsel vm0, $0x0, v0;
	v1 =	vsel vm0, $0x2800, v1  }
0x3: {  	s0 =	rddreg [dreg:$0x0];
	vm15 =	vcmask $0xB08;
	v0 =	vsel vm1, $0x80, v0;
	v1 =	vsel vm1, $0x2880, v1  }
0x4: {  	s1 =	rddreg [dreg:$0x1];
	vm4 =	vcmask $0xF0C;
	v0 =	vsel vm15, $0x100, v0;
	v1 =	vsel vm15, $0x2900, v1  }
0x5: {  	s8 =	rddreg [dreg:$0x2];
	vm5 =	vcmask $0x1310;
	v0 =	vsel vm4, $0x180, v0;
	v1 =	vsel vm4, $0x2980, v1  }
0x6: {  	s5 =	srdreg.scid;
	s3 =	stileid.u32;
	vm6 =	vcmask $0x1714;
	v0 =	vsel vm5, $0x200, v0;
	v1 =	vsel vm5, $0x2A00, v1  }
0x7: {  	s4 =	simm.s32 $0x0;
	vm7 =	vcmask $0x1B18;
	s14 =	simm.s32 $0x1400;
	s15 =	simm.s32 $0x2800;
	v0 =	vsel vm6, $0x280, v0;
	v1 =	vsel vm6, $0x2A80, v1  }
0x8: {  	vm8 =	vcmask $0x1F1C;
	s16 =	simm.s32 $0x3C00;
	s17 =	simm.s32 $0x1;
	s18 =	simm.s32 $0xA000;
	v0 =	vsel vm7, $0x300, v0;
	v1 =	vsel vm7, $0x2B00, v1  }
0x9: {  	vm9 =	vcmask $0x2320;
	s19 =	simm.s32 $0x2;
	s20 =	simm.s32 $0x5000;
	s21 =	simm.s32 $0xE000;
	v0 =	vsel vm8, $0x380, v0;
	v1 =	vsel vm8, $0x2B80, v1  }
0xa: {  	vm10 =	vcmask $0x2724;
	s22 =	simm.s32 $0x3;
	s23 =	simm.s32 $0x0;
	s6 =	sand.u32 $0x1, s5;
	v0 =	vsel vm9, $0x1400, v0;
	v1 =	vsel vm9, $0x3C00, v1  }
0xb: {  	vm11 =	vcmask $0x2B28;
	s30 =	sshll.u32 s3, $0x1;
	[smem:$0x7FF] =	sst s4;
	s7 =	sadd.s32 $0x3D1600, s8;
	v0 =	vsel vm10, $0x1480, v0;
	v1 =	vsel vm10, $0x3C80, v1  }
.Ltmp0:
0xc: {  	vm12 =	vcmask $0x2F2C;
	s8 =	sadd.s32 $0xE00, s8;
	s5 =	sor.u32 s6, s30;
	v0 =	vsel vm11, $0x1500, v0;
	v1 =	vsel vm11, $0x3D00, v1;
	(pc) =	sbr.rel .LBB2_1-.Ltmp0, $4  }
0xd: {  	vm13 =	vcmask $0x3330;
	_ =	strace $0x80000047;
	s9 =	ssub.s32 $0x2, s6;
	s31 =	sshll.u32 s5, $0x9;
	v0 =	vsel vm12, $0x1580, v0;
	v1 =	vsel vm12, $0x3D80, v1  }
0xe: {  	vm14 =	vcmask $0x3734;
	s10 =	sshrl.u32 s9, $0x1;
	p0 =	sne.s32 s5, $0x0;
	s6 =	sadd.s32 s0, s31;
	v0 =	vsel vm13, $0x1600, v0;
	v1 =	vsel vm13, $0x3E00, v1  }
0xf: {  	vm15 =	vcmask $0x3B38;
	s11 =	ssub.s32 s9, s10;
	s10 =	sor.u32 $0x40, s5;
	s9 =	sadd.s32 $0x1E8500, s6;
	v0 =	vsel vm14, $0x1680, v0;
	v1 =	vsel vm14, $0x3E80, v1  }
0x10: {  	s11 =	smax.u32 s11, $0x1;
	s12 =	sadd.s32 $0x2DC780, s6;
	s13 =	sadd.s32 $0xF4280, s6;
	v0 =	vsel vm15, $0x1700, v0;
	v1 =	vsel vm15, $0x3F00, v1  }
.LBB2_9:
0x11: {  	_ =	swait.ge [sflag:s22], $0x4000  }
0x12: {  	[sflag:s22] =	ssyncset.done $0x0  }
0x13: {  	s2 =	simm.s32 @!p0 $0x4;
	[sflag:s22] =	ssyncadd.s32 $0xFFFFC000  }
0x14: {  	_ =	swait.ge @!p0 [sflag:s2], $0x4000  }
0x15: {  	s24 =	simm.s32 @!p0 $0xA000;
	[sflag:s2] =	ssyncset.done @!p0 $0x0  }
0x16: {  	s25 =	simm.s32 @!p0 $0x5;
	[sflag:s2] =	ssyncadd.s32 @!p0 $0xFFFFC000;
	s2 =	simm.s32 @!p0 $0x0  }
0x17: {  	[tilespmem:s24], [sflag:$0x5] =	stream.linear.gather @!p0 [hbm4b:s1+s2], $0x800, $0x38;
	[tilespmem:$0x12000] =	vst v63  }
0x18: {  	s23 =	sadd.s32 $0x1, s23;
	_ =	swait.ge @!p0 [sflag:s25], $0x800  }
0x19: {  	p1 =	sne.s32 s23, s11;
	[sflag:s25] =	ssyncset.done @!p0 $0x0  }
.Ltmp1:
0x1a: {  	[sflag:s25] =	ssyncadd.s32 @!p0 $0xFFFFF800;
	(pc) =	sbr.rel @!p1 .LBB2_10-.Ltmp1, $4  }
0x1b: {  	[hbm4b:s7+s2] =	stream.linear.scatter @!p0 [tilespmem:s24], [sflag:$0x5], $0x800, $0x38;
	[tilespmem:$0x12000] =	vst v63  }
0x1c: {  	_ =	swait.ge @!p0 [sflag:s25], $0x800  }
0x1d: {  	[sflag:s25] =	ssyncset.done @!p0 $0x0  }
0x1e: {  	[sflag:s25] =	ssyncadd.s32 @!p0 $0xFFFFF800  }
.LBB2_1:
0x1f: {  	[tilespmem:s4], [sflag:$0x1] =	stream.linear.gather [hbm4b:s6+s4], $0x1000, $0x38;
	[tilespmem:$0x12000] =	vst v63  }
0x20: {  	_ = 	snop  }
0x21: {  	[tilespmem:s14], [sflag:$0x1] =	stream.linear.gather [hbm4b:s13+s4], $0x1000, $0x38;
	[tilespmem:$0x12000] =	vst v63  }
.Ltmp2:
0x22: {  	_ = 	snop;
	(pc) =	sbr.rel .LBB2_2-.Ltmp2, $4  }
0x23: {  	_ = 	snop  }
0x24: {  	[tilespmem:s15], [sflag:$0x1] =	stream.linear.gather [hbm4b:s9+s4], $0x1000, $0x38;
	[tilespmem:$0x12000] =	vst v63  }
0x25: {  	s24 =	simm.s32 $0x0  }
0x26: {  	[tilespmem:s16], [sflag:$0x1] =	stream.linear.gather [hbm4b:s12+s4], $0x1000, $0x38;
	[tilespmem:$0x12000] =	vst v63  }
.LBB2_8:
0x27: {  	s24 =	sadd.s32 $0x1, s24  }
0x28: {  	p1 =	sne.s32 s24, $0x1F  }
.Ltmp3:
0x29: {  	_ = 	snop;
	(pc) =	sbr.rel @!p1 .LBB2_9-.Ltmp3, $1  }
0x2a: {  	_ =	sdelay $0x3  }
.LBB2_2:
0x2b: {  	s26 =	sshll.u32 s24, $0x6  }
0x2c: {  	s28 =	sor.u32 s26, s5  }
0x2d: {  	s25 =	sor.u32 $0x20, s28  }
0x2e: {  	p1 =	sgt.u32 s25, $0x7A0  }
0x2f: {  	s29 =	sshll.u32 @!p1 s25, $0x9  }
0x30: {  	s30 =	simm.s32 @!p1 $0x0;
	s31 =	simm.s32 @!p1 $0x5000;
	s29 =	sadd.s32 @!p1 s0, s29  }
0x31: {  	[tilespmem:s31], [sflag:$0x2] =	stream.linear.gather @!p1 [hbm4b:s29+s30], $0x1000, $0x38;
	[tilespmem:$0x12000] =	vst v63  }
0x32: {  	s2 =	simm.s32 @!p1 $0x6400;
	s31 =	sadd.s32 @!p1 $0xF4280, s29  }
0x33: {  	[tilespmem:s2], [sflag:$0x2] =	stream.linear.gather @!p1 [hbm4b:s31+s30], $0x1000, $0x38;
	[tilespmem:$0x12000] =	vst v63  }
0x34: {  	s2 =	sadd.s32 @!p1 $0x1E8500, s29;
	s31 =	simm.s32 @!p1 $0x7800  }
0x35: {  	[tilespmem:s31], [sflag:$0x2] =	stream.linear.gather @!p1 [hbm4b:s2+s30], $0x1000, $0x38;
	[tilespmem:$0x12000] =	vst v63  }
0x36: {  	p2 =	seq.s32 s24, $0x0;
	s2 =	sadd.s32 @!p1 $0x2DC780, s29;
	s29 =	simm.s32 @!p1 $0x8C00  }
0x37: {  	[tilespmem:s29], [sflag:$0x2] =	stream.linear.gather @!p1 [hbm4b:s2+s30], $0x1000, $0x38;
	[tilespmem:$0x12000] =	vst v63  }
0x38: {  	s2 =	simm.s32 @!p2 $0x3  }
0x39: {  	_ =	swait.ge @!p2 [sflag:s2], $0x4000  }
0x3a: {  	[sflag:s2] =	ssyncset.done @!p2 $0x0  }
0x3b: {  	[sflag:s2] =	ssyncadd.s32 @!p2 $0xFFFFC000  }
0x3c: {  	_ =	swait.ge [sflag:s17], $0x4000  }
0x3d: {  	[sflag:s17] =	ssyncset.done $0x0  }
0x3e: {  	s29 =	simm.s32 $0x0;
	s30 =	simm.s32 $0xA200;
	[sflag:s17] =	ssyncadd.s32 $0xFFFFC000  }
.LBB2_3:
0x3f: {  	v2 =	vmov s29  }
0x40: {  	v3 =	vshll.u32 v2, $0x3  }
0x41: {  	v3 =	vand.u32 $0xC00, v3  }
0x42: {  	v4 =	vand.u32 $0x60, v2;
	v2 =	vadd.s32 v0, v3  }
0x43: {  	v3 =	vadd.s32 v1, v3;
	v5 =	vor.u32 v4, v2  }
0x44: {  	v7 =	vor.u32 $0x1, v4;
	v6 =	vor.u32 v4, v3  }
0x45: {  	v8 =	vor.u32 v7, v2  }
0x46: {  	v9 =	vor.u32 $0x2, v4;
	v7 =	vor.u32 v7, v3  }
0x47: {  	v10 =	vor.u32 v9, v2  }
0x48: {  	v11 =	vor.u32 $0x3, v4;
	v9 =	vor.u32 v9, v3;
	v5 =	vld.idx.msk [tilespmem:v5+s4+$0x0], $0xffff  }
0x49: {  	v12 =	vor.u32 v11, v2;
	v6 =	vld.idx.msk [tilespmem:v6+s4+$0x0], $0xffff  }
0x4a: {  	v13 =	vor.u32 $0x4, v4;
	v11 =	vor.u32 v11, v3;
	v8 =	vld.idx.msk [tilespmem:v8+s4+$0x0], $0xffff  }
0x4b: {  	v14 =	vor.u32 v13, v2;
	v7 =	vld.idx.msk [tilespmem:v7+s4+$0x0], $0xffff  }
0x4c: {  	v15 =	vor.u32 $0x5, v4;
	v13 =	vor.u32 v13, v3;
	v10 =	vld.idx.msk [tilespmem:v10+s4+$0x0], $0xffff  }
0x4d: {  	v16 =	vor.u32 v15, v2;
	v9 =	vld.idx.msk [tilespmem:v9+s4+$0x0], $0xffff  }
0x4e: {  	v17 =	vor.u32 $0x6, v4;
	v15 =	vor.u32 v15, v3;
	v12 =	vld.idx.msk [tilespmem:v12+s4+$0x0], $0xffff  }
0x4f: {  	v18 =	vor.u32 v17, v2;
	v11 =	vld.idx.msk [tilespmem:v11+s4+$0x0], $0xffff  }
0x50: {  	v19 =	vor.u32 $0x7, v4;
	v17 =	vor.u32 v17, v3;
	v14 =	vld.idx.msk [tilespmem:v14+s4+$0x0], $0xffff  }
0x51: {  	v20 =	vor.u32 v19, v2;
	v13 =	vld.idx.msk [tilespmem:v13+s4+$0x0], $0xffff  }
0x52: {  	v19 =	vor.u32 v19, v3;
	v16 =	vld.idx.msk [tilespmem:v16+s4+$0x0], $0xffff  }
0x53: {  	v15 =	vld.idx.msk [tilespmem:v15+s4+$0x0], $0xffff  }
0x54: {  	v18 =	vld.idx.msk [tilespmem:v18+s4+$0x0], $0xffff  }
0x55: {  	v17 =	vld.idx.msk [tilespmem:v17+s4+$0x0], $0xffff  }
0x56: {  	v20 =	vld.idx.msk [tilespmem:v20+s4+$0x0], $0xffff  }
0x57: {  	v19 =	vld.idx.msk [tilespmem:v19+s4+$0x0], $0xffff;
	[tilespmem:s30+$0xFFFFFE00] =	vst v5  }
0x58: {  	[tilespmem:s30+$0xFFFFFE10] =	vst v6  }
0x59: {  	v60 =	vor.u32 $0x8, v4;
	[tilespmem:s30+$0xFFFFFE20] =	vst v8  }
0x5a: {  	v62 =	vor.u32 $0x9, v4;
	v61 =	vor.u32 v60, v2;
	[tilespmem:s30+$0xFFFFFE30] =	vst v7  }
0x5b: {  	v22 =	vor.u32 $0xB, v4;
	v63 =	vor.u32 v62, v2;
	[tilespmem:s30+$0xFFFFFE40] =	vst v10  }
0x5c: {  	v23 =	vor.u32 v22, v2;
	[tilespmem:s30+$0xFFFFFE50] =	vst v9  }
0x5d: {  	v5 =	vor.u32 v60, v3;
	[tilespmem:s30+$0xFFFFFE60] =	vst v12  }
0x5e: {  	v7 =	vor.u32 v62, v3;
	[tilespmem:s30+$0xFFFFFE70] =	vst v11  }
0x5f: {  	v12 =	vor.u32 $0xA, v4;
	v11 =	vor.u32 v22, v3;
	v6 =	vld.idx.msk [tilespmem:v61+s4+$0x0], $0xffff  }
0x60: {  	v21 =	vor.u32 v12, v2;
	v8 =	vld.idx.msk [tilespmem:v63+s4+$0x0], $0xffff  }
0x61: {  	v9 =	vor.u32 v12, v3;
	v12 =	vld.idx.msk [tilespmem:v23+s4+$0x0], $0xffff  }
0x62: {  	v5 =	vld.idx.msk [tilespmem:v5+s4+$0x0], $0xffff  }
0x63: {  	v7 =	vld.idx.msk [tilespmem:v7+s4+$0x0], $0xffff  }
0x64: {  	v11 =	vld.idx.msk [tilespmem:v11+s4+$0x0], $0xffff  }
0x65: {  	v10 =	vld.idx.msk [tilespmem:v21+s4+$0x0], $0xffff  }
0x66: {  	v9 =	vld.idx.msk [tilespmem:v9+s4+$0x0], $0xffff;
	[tilespmem:s30+$0xFFFFFE80] =	vst v14  }
0x67: {  	[tilespmem:s30+$0xFFFFFE90] =	vst v13  }
0x68: {  	v24 =	vor.u32 $0xC, v4;
	[tilespmem:s30+$0xFFFFFEA0] =	vst v16  }
0x69: {  	v26 =	vor.u32 $0xD, v4;
	v25 =	vor.u32 v24, v2;
	[tilespmem:s30+$0xFFFFFEB0] =	vst v15  }
0x6a: {  	v28 =	vor.u32 $0xE, v4;
	v27 =	vor.u32 v26, v2;
	[tilespmem:s30+$0xFFFFFEC0] =	vst v18  }
0x6b: {  	v30 =	vor.u32 $0xF, v4;
	v29 =	vor.u32 v28, v2;
	[tilespmem:s30+$0xFFFFFED0] =	vst v17  }
0x6c: {  	v31 =	vor.u32 v30, v2;
	[tilespmem:s30+$0xFFFFFEE0] =	vst v20  }
0x6d: {  	v13 =	vor.u32 v24, v3;
	[tilespmem:s30+$0xFFFFFEF0] =	vst v19  }
0x6e: {  	v15 =	vor.u32 v26, v3;
	v14 =	vld.idx.msk [tilespmem:v25+s4+$0x0], $0xffff  }
0x6f: {  	v17 =	vor.u32 v28, v3;
	v16 =	vld.idx.msk [tilespmem:v27+s4+$0x0], $0xffff  }
0x70: {  	v19 =	vor.u32 v30, v3;
	v18 =	vld.idx.msk [tilespmem:v29+s4+$0x0], $0xffff  }
0x71: {  	v20 =	vld.idx.msk [tilespmem:v31+s4+$0x0], $0xffff  }
0x72: {  	v13 =	vld.idx.msk [tilespmem:v13+s4+$0x0], $0xffff  }
0x73: {  	v15 =	vld.idx.msk [tilespmem:v15+s4+$0x0], $0xffff  }
0x74: {  	v17 =	vld.idx.msk [tilespmem:v17+s4+$0x0], $0xffff  }
0x75: {  	v19 =	vld.idx.msk [tilespmem:v19+s4+$0x0], $0xffff;
	[tilespmem:s30+$0xFFFFFF00] =	vst v6  }
0x76: {  	[tilespmem:s30+$0xFFFFFF10] =	vst v5  }
0x77: {  	v32 =	vor.u32 $0x10, v4;
	[tilespmem:s30+$0xFFFFFF20] =	vst v8  }
0x78: {  	v34 =	vor.u32 $0x11, v4;
	v33 =	vor.u32 v32, v2;
	[tilespmem:s30+$0xFFFFFF30] =	vst v7  }
0x79: {  	v36 =	vor.u32 $0x12, v4;
	v35 =	vor.u32 v34, v2;
	[tilespmem:s30+$0xFFFFFF40] =	vst v10  }
0x7a: {  	v38 =	vor.u32 $0x13, v4;
	v37 =	vor.u32 v36, v2;
	[tilespmem:s30+$0xFFFFFF50] =	vst v9  }
0x7b: {  	v39 =	vor.u32 v38, v2;
	[tilespmem:s30+$0xFFFFFF60] =	vst v12  }
0x7c: {  	v5 =	vor.u32 v32, v3;
	[tilespmem:s30+$0xFFFFFF70] =	vst v11  }
0x7d: {  	v7 =	vor.u32 v34, v3;
	v6 =	vld.idx.msk [tilespmem:v33+s4+$0x0], $0xffff  }
0x7e: {  	v9 =	vor.u32 v36, v3;
	v8 =	vld.idx.msk [tilespmem:v35+s4+$0x0], $0xffff  }
0x7f: {  	v11 =	vor.u32 v38, v3;
	v10 =	vld.idx.msk [tilespmem:v37+s4+$0x0], $0xffff  }
0x80: {  	v12 =	vld.idx.msk [tilespmem:v39+s4+$0x0], $0xffff  }
0x81: {  	v5 =	vld.idx.msk [tilespmem:v5+s4+$0x0], $0xffff  }
0x82: {  	v7 =	vld.idx.msk [tilespmem:v7+s4+$0x0], $0xffff  }
0x83: {  	v9 =	vld.idx.msk [tilespmem:v9+s4+$0x0], $0xffff  }
0x84: {  	v11 =	vld.idx.msk [tilespmem:v11+s4+$0x0], $0xffff;
	[tilespmem:s30+$0xFFFFFF80] =	vst v14  }
0x85: {  	[tilespmem:s30+$0xFFFFFF90] =	vst v13  }
0x86: {  	v40 =	vor.u32 $0x14, v4;
	[tilespmem:s30+$0xFFFFFFA0] =	vst v16  }
0x87: {  	v42 =	vor.u32 $0x15, v4;
	v41 =	vor.u32 v40, v2;
	[tilespmem:s30+$0xFFFFFFB0] =	vst v15  }
0x88: {  	v44 =	vor.u32 $0x16, v4;
	v43 =	vor.u32 v42, v2;
	[tilespmem:s30+$0xFFFFFFC0] =	vst v18  }
0x89: {  	v46 =	vor.u32 $0x17, v4;
	v45 =	vor.u32 v44, v2;
	[tilespmem:s30+$0xFFFFFFD0] =	vst v17  }
0x8a: {  	v47 =	vor.u32 v46, v2;
	[tilespmem:s30+$0xFFFFFFE0] =	vst v20  }
0x8b: {  	v13 =	vor.u32 v40, v3;
	[tilespmem:s30+$0xFFFFFFF0] =	vst v19  }
0x8c: {  	v15 =	vor.u32 v42, v3;
	v14 =	vld.idx.msk [tilespmem:v41+s4+$0x0], $0xffff  }
0x8d: {  	v17 =	vor.u32 v44, v3;
	v16 =	vld.idx.msk [tilespmem:v43+s4+$0x0], $0xffff  }
0x8e: {  	v19 =	vor.u32 v46, v3;
	v18 =	vld.idx.msk [tilespmem:v45+s4+$0x0], $0xffff  }
0x8f: {  	v20 =	vld.idx.msk [tilespmem:v47+s4+$0x0], $0xffff  }
0x90: {  	v13 =	vld.idx.msk [tilespmem:v13+s4+$0x0], $0xffff  }
0x91: {  	v15 =	vld.idx.msk [tilespmem:v15+s4+$0x0], $0xffff  }
0x92: {  	v17 =	vld.idx.msk [tilespmem:v17+s4+$0x0], $0xffff  }
0x93: {  	v19 =	vld.idx.msk [tilespmem:v19+s4+$0x0], $0xffff;
	[tilespmem:s30+$0x0] =	vst v6  }
0x94: {  	[tilespmem:s30+$0x10] =	vst v5  }
0x95: {  	v48 =	vor.u32 $0x18, v4;
	[tilespmem:s30+$0x20] =	vst v8  }
0x96: {  	v50 =	vor.u32 $0x19, v4;
	v49 =	vor.u32 v48, v2;
	[tilespmem:s30+$0x30] =	vst v7  }
0x97: {  	v52 =	vor.u32 $0x1A, v4;
	v51 =	vor.u32 v50, v2;
	[tilespmem:s30+$0x40] =	vst v10  }
0x98: {  	v54 =	vor.u32 $0x1B, v4;
	v53 =	vor.u32 v52, v2;
	[tilespmem:s30+$0x50] =	vst v9  }
0x99: {  	v55 =	vor.u32 v54, v2;
	[tilespmem:s30+$0x60] =	vst v12  }
0x9a: {  	v5 =	vor.u32 v48, v3;
	[tilespmem:s30+$0x70] =	vst v11  }
0x9b: {  	v7 =	vor.u32 v50, v3;
	v6 =	vld.idx.msk [tilespmem:v49+s4+$0x0], $0xffff  }
0x9c: {  	v9 =	vor.u32 v52, v3;
	v8 =	vld.idx.msk [tilespmem:v51+s4+$0x0], $0xffff  }
0x9d: {  	v11 =	vor.u32 v54, v3;
	v10 =	vld.idx.msk [tilespmem:v53+s4+$0x0], $0xffff  }
0x9e: {  	v12 =	vld.idx.msk [tilespmem:v55+s4+$0x0], $0xffff  }
0x9f: {  	v5 =	vld.idx.msk [tilespmem:v5+s4+$0x0], $0xffff  }
0xa0: {  	v7 =	vld.idx.msk [tilespmem:v7+s4+$0x0], $0xffff  }
0xa1: {  	v9 =	vld.idx.msk [tilespmem:v9+s4+$0x0], $0xffff  }
0xa2: {  	v11 =	vld.idx.msk [tilespmem:v11+s4+$0x0], $0xffff;
	[tilespmem:s30+$0x80] =	vst v14  }
0xa3: {  	[tilespmem:s30+$0x90] =	vst v13  }
0xa4: {  	v56 =	vor.u32 $0x1C, v4;
	[tilespmem:s30+$0xA0] =	vst v16  }
0xa5: {  	v58 =	vor.u32 $0x1D, v4;
	v57 =	vor.u32 v56, v2;
	[tilespmem:s30+$0xB0] =	vst v15  }
0xa6: {  	v59 =	vor.u32 v58, v2;
	v60 =	vor.u32 $0x1E, v4;
	[tilespmem:s30+$0xC0] =	vst v18  }
0xa7: {  	v4 =	vor.u32 $0x1F, v4;
	v61 =	vor.u32 v60, v2;
	[tilespmem:s30+$0xD0] =	vst v17  }
0xa8: {  	v2 =	vor.u32 v4, v2;
	[tilespmem:s30+$0xE0] =	vst v20  }
0xa9: {  	v13 =	vor.u32 v56, v3;
	[tilespmem:s30+$0xF0] =	vst v19  }
0xaa: {  	v15 =	vor.u32 v58, v3;
	v14 =	vld.idx.msk [tilespmem:v57+s4+$0x0], $0xffff  }
0xab: {  	v17 =	vor.u32 v60, v3;
	v16 =	vld.idx.msk [tilespmem:v59+s4+$0x0], $0xffff  }
0xac: {  	v3 =	vor.u32 v4, v3;
	v63 =	vld.idx.msk [tilespmem:v61+s4+$0x0], $0xffff  }
0xad: {  	v2 =	vld.idx.msk [tilespmem:v2+s4+$0x0], $0xffff  }
0xae: {  	v13 =	vld.idx.msk [tilespmem:v13+s4+$0x0], $0xffff  }
0xaf: {  	v62 =	vld.idx.msk [tilespmem:v15+s4+$0x0], $0xffff  }
0xb0: {  	v17 =	vld.idx.msk [tilespmem:v17+s4+$0x0], $0xffff  }
0xb1: {  	v3 =	vld.idx.msk [tilespmem:v3+s4+$0x0], $0xffff;
	[tilespmem:s30+$0x100] =	vst v6  }
0xb2: {  	[tilespmem:s30+$0x110] =	vst v5  }
0xb3: {  	[tilespmem:s30+$0x120] =	vst v8  }
0xb4: {  	[tilespmem:s30+$0x130] =	vst v7  }
0xb5: {  	[tilespmem:s30+$0x140] =	vst v10  }
0xb6: {  	[tilespmem:s30+$0x150] =	vst v9  }
0xb7: {  	[tilespmem:s30+$0x160] =	vst v12  }
0xb8: {  	[tilespmem:s30+$0x170] =	vst v11  }
0xb9: {  	[tilespmem:s30+$0x180] =	vst v14  }
0xba: {  	[tilespmem:s30+$0x1A0] =	vst v16  }
0xbb: {  	p3 =	sne.s32 s29, $0x1E0;
	[tilespmem:s30+$0x1C0] =	vst v63  }
.Ltmp4:
0xbc: {  	[tilespmem:s30+$0x1E0] =	vst v2;
	(pc) =	sbr.rel @p3 .LBB2_3-.Ltmp4, $4  }
0xbd: {  	[tilespmem:s30+$0x190] =	vst v13  }
0xbe: {  	[tilespmem:s30+$0x1B0] =	vst v62  }
0xbf: {  	[tilespmem:s30+$0x1D0] =	vst v17  }
0xc0: {  	s29 =	sadd.s32 $0x20, s29;
	[tilespmem:s30+$0x1F0] =	vst v3;
	s30 =	sadd.s32 $0x400, s30  }
0xc1: {  	s2 =	sshll.u32 s28, $0xB  }
0xc2: {  	s2 =	sadd.s32 s8, s2  }
0xc3: {  	[hbm4b:s2+s4] =	stream.linear.scatter [tilespmem:s18], [sflag:$0x3], $0x4000, $0x38;
	[tilespmem:$0x12000] =	vst v63  }
0xc4: {  	s2 =	sadd.s32 s10, s26  }
0xc5: {  	p3 =	sgt.u32 s2, $0x7A0  }
0xc6: {  	s2 =	sshll.u32 @!p3 s2, $0x9  }
0xc7: {  	s26 =	simm.s32 @!p3 $0x0;
	s2 =	sadd.s32 @!p3 s0, s2  }
0xc8: {  	[tilespmem:s26], [sflag:$0x1] =	stream.linear.gather @!p3 [hbm4b:s2+s26], $0x1000, $0x38;
	[tilespmem:$0x12000] =	vst v63  }
0xc9: {  	s29 =	simm.s32 @!p3 $0x1400;
	s28 =	sadd.s32 @!p3 $0xF4280, s2  }
0xca: {  	[tilespmem:s29], [sflag:$0x1] =	stream.linear.gather @!p3 [hbm4b:s28+s26], $0x1000, $0x38;
	[tilespmem:$0x12000] =	vst v63  }
0xcb: {  	s28 =	sadd.s32 @!p3 $0x1E8500, s2;
	s29 =	simm.s32 @!p3 $0x2800  }
0xcc: {  	[tilespmem:s29], [sflag:$0x1] =	stream.linear.gather @!p3 [hbm4b:s28+s26], $0x1000, $0x38;
	[tilespmem:$0x12000] =	vst v63  }
0xcd: {  	s2 =	sadd.s32 @!p3 $0x2DC780, s2;
	s28 =	simm.s32 @!p3 $0x3C00  }
0xce: {  	[tilespmem:s28], [sflag:$0x1] =	stream.linear.gather @!p3 [hbm4b:s2+s26], $0x1000, $0x38;
	[tilespmem:$0x12000] =	vst v63  }
.Ltmp5:
0xcf: {  	_ = 	snop;
	(pc) =	sbr.rel @p1 .LBB2_8-.Ltmp5, $4  }
0xd0: {  	s2 =	simm.s32 @!p2 $0x4  }
0xd1: {  	_ =	swait.ge @!p2 [sflag:s2], $0x4000  }
0xd2: {  	[sflag:s2] =	ssyncset.done @!p2 $0x0  }
0xd3: {  	[sflag:s2] =	ssyncadd.s32 @!p2 $0xFFFFC000  }
0xd4: {  	_ =	swait.ge [sflag:s19], $0x4000  }
0xd5: {  	[sflag:s19] =	ssyncset.done $0x0  }
0xd6: {  	s26 =	simm.s32 $0x0;
	s28 =	simm.s32 $0x0;
	[sflag:s19] =	ssyncadd.s32 $0xFFFFC000  }
.LBB2_6:
0xd7: {  	v2 =	vmov s26  }
0xd8: {  	v3 =	vshll.u32 v2, $0x3  }
0xd9: {  	v3 =	vand.u32 $0xC00, v3  }
0xda: {  	v4 =	vand.u32 $0x60, v2;
	v2 =	vadd.s32 v0, v3  }
0xdb: {  	v3 =	vadd.s32 v1, v3;
	v5 =	vor.u32 v4, v2  }
0xdc: {  	v7 =	vor.u32 $0x1, v4;
	v6 =	vor.u32 v4, v3  }
0xdd: {  	v8 =	vor.u32 v7, v2  }
0xde: {  	v9 =	vor.u32 $0x2, v4;
	v7 =	vor.u32 v7, v3  }
0xdf: {  	v10 =	vor.u32 v9, v2  }
0xe0: {  	v11 =	vor.u32 $0x3, v4;
	v9 =	vor.u32 v9, v3;
	v5 =	vld.idx.msk [tilespmem:v5+s20+$0x0], $0xffff  }
0xe1: {  	v12 =	vor.u32 v11, v2;
	v6 =	vld.idx.msk [tilespmem:v6+s20+$0x0], $0xffff  }
0xe2: {  	v13 =	vor.u32 $0x4, v4;
	v11 =	vor.u32 v11, v3;
	v8 =	vld.idx.msk [tilespmem:v8+s20+$0x0], $0xffff  }
0xe3: {  	v14 =	vor.u32 v13, v2;
	v7 =	vld.idx.msk [tilespmem:v7+s20+$0x0], $0xffff  }
0xe4: {  	v15 =	vor.u32 $0x5, v4;
	v13 =	vor.u32 v13, v3;
	v10 =	vld.idx.msk [tilespmem:v10+s20+$0x0], $0xffff  }
0xe5: {  	v16 =	vor.u32 v15, v2;
	v9 =	vld.idx.msk [tilespmem:v9+s20+$0x0], $0xffff  }
0xe6: {  	v17 =	vor.u32 $0x6, v4;
	v15 =	vor.u32 v15, v3;
	v12 =	vld.idx.msk [tilespmem:v12+s20+$0x0], $0xffff  }
0xe7: {  	v18 =	vor.u32 v17, v2;
	v11 =	vld.idx.msk [tilespmem:v11+s20+$0x0], $0xffff  }
0xe8: {  	v19 =	vor.u32 $0x7, v4;
	v17 =	vor.u32 v17, v3;
	v14 =	vld.idx.msk [tilespmem:v14+s20+$0x0], $0xffff  }
0xe9: {  	v20 =	vor.u32 v19, v2;
	v13 =	vld.idx.msk [tilespmem:v13+s20+$0x0], $0xffff  }
0xea: {  	v19 =	vor.u32 v19, v3;
	v16 =	vld.idx.msk [tilespmem:v16+s20+$0x0], $0xffff  }
0xeb: {  	v15 =	vld.idx.msk [tilespmem:v15+s20+$0x0], $0xffff  }
0xec: {  	v18 =	vld.idx.msk [tilespmem:v18+s20+$0x0], $0xffff  }
0xed: {  	v17 =	vld.idx.msk [tilespmem:v17+s20+$0x0], $0xffff  }
0xee: {  	s29 =	sshra.s32 s28, $0x2;
	v20 =	vld.idx.msk [tilespmem:v20+s20+$0x0], $0xffff  }
0xef: {  	v19 =	vld.idx.msk [tilespmem:v19+s20+$0x0], $0xffff;
	[tilespmem:s29+$0xE000] =	vst v5  }
0xf0: {  	[tilespmem:s29+$0xE010] =	vst v6  }
0xf1: {  	v60 =	vor.u32 $0x8, v4;
	[tilespmem:s29+$0xE020] =	vst v8  }
0xf2: {  	v62 =	vor.u32 $0x9, v4;
	v61 =	vor.u32 v60, v2;
	[tilespmem:s29+$0xE030] =	vst v7  }
0xf3: {  	v22 =	vor.u32 $0xB, v4;
	v63 =	vor.u32 v62, v2;
	[tilespmem:s29+$0xE040] =	vst v10  }
0xf4: {  	v23 =	vor.u32 v22, v2;
	[tilespmem:s29+$0xE050] =	vst v9  }
0xf5: {  	v5 =	vor.u32 v60, v3;
	[tilespmem:s29+$0xE060] =	vst v12  }
0xf6: {  	v7 =	vor.u32 v62, v3;
	[tilespmem:s29+$0xE070] =	vst v11  }
0xf7: {  	v12 =	vor.u32 $0xA, v4;
	v11 =	vor.u32 v22, v3;
	v6 =	vld.idx.msk [tilespmem:v61+s20+$0x0], $0xffff  }
0xf8: {  	v21 =	vor.u32 v12, v2;
	v8 =	vld.idx.msk [tilespmem:v63+s20+$0x0], $0xffff  }
0xf9: {  	v9 =	vor.u32 v12, v3;
	v12 =	vld.idx.msk [tilespmem:v23+s20+$0x0], $0xffff  }
0xfa: {  	v5 =	vld.idx.msk [tilespmem:v5+s20+$0x0], $0xffff  }
0xfb: {  	v7 =	vld.idx.msk [tilespmem:v7+s20+$0x0], $0xffff  }
0xfc: {  	v11 =	vld.idx.msk [tilespmem:v11+s20+$0x0], $0xffff  }
0xfd: {  	v10 =	vld.idx.msk [tilespmem:v21+s20+$0x0], $0xffff  }
0xfe: {  	v9 =	vld.idx.msk [tilespmem:v9+s20+$0x0], $0xffff;
	[tilespmem:s29+$0xE080] =	vst v14  }
0xff: {  	[tilespmem:s29+$0xE090] =	vst v13  }
0x100: {  	v24 =	vor.u32 $0xC, v4;
	[tilespmem:s29+$0xE0A0] =	vst v16  }
0x101: {  	v26 =	vor.u32 $0xD, v4;
	v25 =	vor.u32 v24, v2;
	[tilespmem:s29+$0xE0B0] =	vst v15  }
0x102: {  	v28 =	vor.u32 $0xE, v4;
	v27 =	vor.u32 v26, v2;
	[tilespmem:s29+$0xE0C0] =	vst v18  }
0x103: {  	v30 =	vor.u32 $0xF, v4;
	v29 =	vor.u32 v28, v2;
	[tilespmem:s29+$0xE0D0] =	vst v17  }
0x104: {  	v31 =	vor.u32 v30, v2;
	[tilespmem:s29+$0xE0E0] =	vst v20  }
0x105: {  	v13 =	vor.u32 v24, v3;
	[tilespmem:s29+$0xE0F0] =	vst v19  }
0x106: {  	v15 =	vor.u32 v26, v3;
	v14 =	vld.idx.msk [tilespmem:v25+s20+$0x0], $0xffff  }
0x107: {  	v17 =	vor.u32 v28, v3;
	v16 =	vld.idx.msk [tilespmem:v27+s20+$0x0], $0xffff  }
0x108: {  	v19 =	vor.u32 v30, v3;
	v18 =	vld.idx.msk [tilespmem:v29+s20+$0x0], $0xffff  }
0x109: {  	v20 =	vld.idx.msk [tilespmem:v31+s20+$0x0], $0xffff  }
0x10a: {  	v13 =	vld.idx.msk [tilespmem:v13+s20+$0x0], $0xffff  }
0x10b: {  	v15 =	vld.idx.msk [tilespmem:v15+s20+$0x0], $0xffff  }
0x10c: {  	v17 =	vld.idx.msk [tilespmem:v17+s20+$0x0], $0xffff  }
0x10d: {  	v19 =	vld.idx.msk [tilespmem:v19+s20+$0x0], $0xffff;
	[tilespmem:s29+$0xE100] =	vst v6  }
0x10e: {  	[tilespmem:s29+$0xE110] =	vst v5  }
0x10f: {  	v32 =	vor.u32 $0x10, v4;
	[tilespmem:s29+$0xE120] =	vst v8  }
0x110: {  	v34 =	vor.u32 $0x11, v4;
	v33 =	vor.u32 v32, v2;
	[tilespmem:s29+$0xE130] =	vst v7  }
0x111: {  	v36 =	vor.u32 $0x12, v4;
	v35 =	vor.u32 v34, v2;
	[tilespmem:s29+$0xE140] =	vst v10  }
0x112: {  	v38 =	vor.u32 $0x13, v4;
	v37 =	vor.u32 v36, v2;
	[tilespmem:s29+$0xE150] =	vst v9  }
0x113: {  	v39 =	vor.u32 v38, v2;
	[tilespmem:s29+$0xE160] =	vst v12  }
0x114: {  	v5 =	vor.u32 v32, v3;
	[tilespmem:s29+$0xE170] =	vst v11  }
0x115: {  	v7 =	vor.u32 v34, v3;
	v6 =	vld.idx.msk [tilespmem:v33+s20+$0x0], $0xffff  }
0x116: {  	v9 =	vor.u32 v36, v3;
	v8 =	vld.idx.msk [tilespmem:v35+s20+$0x0], $0xffff  }
0x117: {  	v11 =	vor.u32 v38, v3;
	v10 =	vld.idx.msk [tilespmem:v37+s20+$0x0], $0xffff  }
0x118: {  	v12 =	vld.idx.msk [tilespmem:v39+s20+$0x0], $0xffff  }
0x119: {  	v5 =	vld.idx.msk [tilespmem:v5+s20+$0x0], $0xffff  }
0x11a: {  	v7 =	vld.idx.msk [tilespmem:v7+s20+$0x0], $0xffff  }
0x11b: {  	v9 =	vld.idx.msk [tilespmem:v9+s20+$0x0], $0xffff  }
0x11c: {  	v11 =	vld.idx.msk [tilespmem:v11+s20+$0x0], $0xffff;
	[tilespmem:s29+$0xE180] =	vst v14  }
0x11d: {  	[tilespmem:s29+$0xE190] =	vst v13  }
0x11e: {  	v40 =	vor.u32 $0x14, v4;
	[tilespmem:s29+$0xE1A0] =	vst v16  }
0x11f: {  	v42 =	vor.u32 $0x15, v4;
	v41 =	vor.u32 v40, v2;
	[tilespmem:s29+$0xE1B0] =	vst v15  }
0x120: {  	v44 =	vor.u32 $0x16, v4;
	v43 =	vor.u32 v42, v2;
	[tilespmem:s29+$0xE1C0] =	vst v18  }
0x121: {  	v46 =	vor.u32 $0x17, v4;
	v45 =	vor.u32 v44, v2;
	[tilespmem:s29+$0xE1D0] =	vst v17  }
0x122: {  	v47 =	vor.u32 v46, v2;
	[tilespmem:s29+$0xE1E0] =	vst v20  }
0x123: {  	v13 =	vor.u32 v40, v3;
	[tilespmem:s29+$0xE1F0] =	vst v19  }
0x124: {  	v15 =	vor.u32 v42, v3;
	v14 =	vld.idx.msk [tilespmem:v41+s20+$0x0], $0xffff  }
0x125: {  	v17 =	vor.u32 v44, v3;
	v16 =	vld.idx.msk [tilespmem:v43+s20+$0x0], $0xffff  }
0x126: {  	v19 =	vor.u32 v46, v3;
	v18 =	vld.idx.msk [tilespmem:v45+s20+$0x0], $0xffff  }
0x127: {  	v20 =	vld.idx.msk [tilespmem:v47+s20+$0x0], $0xffff  }
0x128: {  	v13 =	vld.idx.msk [tilespmem:v13+s20+$0x0], $0xffff  }
0x129: {  	v15 =	vld.idx.msk [tilespmem:v15+s20+$0x0], $0xffff  }
0x12a: {  	v17 =	vld.idx.msk [tilespmem:v17+s20+$0x0], $0xffff  }
0x12b: {  	v19 =	vld.idx.msk [tilespmem:v19+s20+$0x0], $0xffff;
	[tilespmem:s29+$0xE200] =	vst v6  }
0x12c: {  	[tilespmem:s29+$0xE210] =	vst v5  }
0x12d: {  	v48 =	vor.u32 $0x18, v4;
	[tilespmem:s29+$0xE220] =	vst v8  }
0x12e: {  	v50 =	vor.u32 $0x19, v4;
	v49 =	vor.u32 v48, v2;
	[tilespmem:s29+$0xE230] =	vst v7  }
0x12f: {  	v52 =	vor.u32 $0x1A, v4;
	v51 =	vor.u32 v50, v2;
	[tilespmem:s29+$0xE240] =	vst v10  }
0x130: {  	v54 =	vor.u32 $0x1B, v4;
	v53 =	vor.u32 v52, v2;
	[tilespmem:s29+$0xE250] =	vst v9  }
0x131: {  	v55 =	vor.u32 v54, v2;
	[tilespmem:s29+$0xE260] =	vst v12  }
0x132: {  	v5 =	vor.u32 v48, v3;
	[tilespmem:s29+$0xE270] =	vst v11  }
0x133: {  	v7 =	vor.u32 v50, v3;
	v6 =	vld.idx.msk [tilespmem:v49+s20+$0x0], $0xffff  }
0x134: {  	v9 =	vor.u32 v52, v3;
	v8 =	vld.idx.msk [tilespmem:v51+s20+$0x0], $0xffff  }
0x135: {  	v11 =	vor.u32 v54, v3;
	v10 =	vld.idx.msk [tilespmem:v53+s20+$0x0], $0xffff  }
0x136: {  	v12 =	vld.idx.msk [tilespmem:v55+s20+$0x0], $0xffff  }
0x137: {  	v5 =	vld.idx.msk [tilespmem:v5+s20+$0x0], $0xffff  }
0x138: {  	v7 =	vld.idx.msk [tilespmem:v7+s20+$0x0], $0xffff  }
0x139: {  	v9 =	vld.idx.msk [tilespmem:v9+s20+$0x0], $0xffff  }
0x13a: {  	v11 =	vld.idx.msk [tilespmem:v11+s20+$0x0], $0xffff;
	[tilespmem:s29+$0xE280] =	vst v14  }
0x13b: {  	[tilespmem:s29+$0xE290] =	vst v13  }
0x13c: {  	v56 =	vor.u32 $0x1C, v4;
	[tilespmem:s29+$0xE2A0] =	vst v16  }
0x13d: {  	v58 =	vor.u32 $0x1D, v4;
	v57 =	vor.u32 v56, v2;
	[tilespmem:s29+$0xE2B0] =	vst v15  }
0x13e: {  	v59 =	vor.u32 v58, v2;
	v60 =	vor.u32 $0x1E, v4;
	[tilespmem:s29+$0xE2C0] =	vst v18  }
0x13f: {  	v4 =	vor.u32 $0x1F, v4;
	v61 =	vor.u32 v60, v2;
	[tilespmem:s29+$0xE2D0] =	vst v17  }
0x140: {  	v2 =	vor.u32 v4, v2;
	[tilespmem:s29+$0xE2E0] =	vst v20  }
0x141: {  	v13 =	vor.u32 v56, v3;
	[tilespmem:s29+$0xE2F0] =	vst v19  }
0x142: {  	v15 =	vor.u32 v58, v3;
	v14 =	vld.idx.msk [tilespmem:v57+s20+$0x0], $0xffff  }
0x143: {  	v17 =	vor.u32 v60, v3;
	v16 =	vld.idx.msk [tilespmem:v59+s20+$0x0], $0xffff  }
0x144: {  	v3 =	vor.u32 v4, v3;
	v63 =	vld.idx.msk [tilespmem:v61+s20+$0x0], $0xffff  }
0x145: {  	v2 =	vld.idx.msk [tilespmem:v2+s20+$0x0], $0xffff  }
0x146: {  	v13 =	vld.idx.msk [tilespmem:v13+s20+$0x0], $0xffff  }
0x147: {  	v62 =	vld.idx.msk [tilespmem:v15+s20+$0x0], $0xffff  }
0x148: {  	v17 =	vld.idx.msk [tilespmem:v17+s20+$0x0], $0xffff  }
0x149: {  	v3 =	vld.idx.msk [tilespmem:v3+s20+$0x0], $0xffff;
	[tilespmem:s29+$0xE300] =	vst v6  }
0x14a: {  	[tilespmem:s29+$0xE310] =	vst v5  }
0x14b: {  	[tilespmem:s29+$0xE320] =	vst v8  }
0x14c: {  	[tilespmem:s29+$0xE330] =	vst v7  }
0x14d: {  	[tilespmem:s29+$0xE340] =	vst v10  }
0x14e: {  	[tilespmem:s29+$0xE350] =	vst v9  }
0x14f: {  	[tilespmem:s29+$0xE360] =	vst v12  }
0x150: {  	[tilespmem:s29+$0xE370] =	vst v11  }
0x151: {  	[tilespmem:s29+$0xE380] =	vst v14  }
0x152: {  	[tilespmem:s29+$0xE3A0] =	vst v16  }
0x153: {  	p1 =	sne.s32 s28, $0xF000;
	[tilespmem:s29+$0xE3C0] =	vst v63  }
.Ltmp6:
0x154: {  	[tilespmem:s29+$0xE3E0] =	vst v2;
	(pc) =	sbr.rel @p1 .LBB2_6-.Ltmp6, $4  }
0x155: {  	[tilespmem:s29+$0xE390] =	vst v13  }
0x156: {  	[tilespmem:s29+$0xE3B0] =	vst v62  }
0x157: {  	[tilespmem:s29+$0xE3D0] =	vst v17  }
0x158: {  	s26 =	sadd.s32 $0x20, s26;
	s28 =	sadd.s32 $0x1000, s28;
	[tilespmem:s29+$0xE3F0] =	vst v3  }
.Ltmp7:
0x159: {  	(pc) =	sbr.rel .LBB2_8-.Ltmp7, $4  }
0x15a: {  	_ = 	snop  }
0x15b: {  	s2 =	sshll.u32 s25, $0xB  }
0x15c: {  	s2 =	sadd.s32 s8, s2  }
0x15d: {  	[hbm4b:s2+s4] =	stream.linear.scatter [tilespmem:s21], [sflag:$0x4], $0x4000, $0x38;
	[tilespmem:$0x12000] =	vst v63  }
.LBB2_10:
0x15e: {  	_ =	sfence.sel $0x180000  }
0x15f: {  	[bflag:$0x0] =	sbarrier.arrive $0xFFFF  }
0x160: {  	_ =	strace $0x90000047  }
0x161: {  	[bflag:$0x2] =	sbarrier.arrive $0xFFFF  }
0x162: {  	p0 =	sne.s32 s3, $0x0;
	s0 =	rddreg [dreg:$0x3]  }
0x163: {  	s0 =	sadd.s32 @!p0 $0x100000, s0  }
0x164: {  	[sflag:s0] =	ssyncadd.tile.s32 @!p0 $0x1;
	_ =	shalt  }
.Lfunc_end2:
_tile_overlayer_lowered:
.L_overlay_start_2:
0x165: {  	(tag) =	ssettag $0x2  }
0x166: {  	s0 =	rddreg [dreg:$0x0];
	s2 =	stileid.u32  }
0x167: {  	s1 =	rddreg [dreg:$0x1];
	p0 =	sne.s32 s2, $0x0  }
0x168: {  	s3 =	rddreg [dreg:$0x2];
	[bflag:$0x3] =	sbarrier.arrive $0xFFFF;
	s2 =	simm.s32 @!p0 $0x1C05  }
0x169: {  	[timem:s3], [sflag:s2] =	dma.local @!p0 [hbm:s0], s1  }
0x16a: {  	s0 =	simm.s32 @!p0 $0x5  }
0x16b: {  	_ =	swait.ge @!p0 [sflag:s0], s1  }
0x16c: {  	s1 =	ssub.s32 @!p0 $0x0, s1;
	[sflag:s0] =	ssyncset.done @!p0 $0x0  }
0x16d: {  	[sflag:s0] =	ssyncadd.s32 @!p0 s1  }
0x16e: {  	[bflag:$0x3] =	sbarrier.arrive $0xFFFF  }
0x16f: {  	_ =	shalt  }

// kernel: kernel.7.cloned.1.call-start
scs
__scs_entry_jumppad:
0x0: {  	(pc) =	sbr.rel $0x88, $3  }
0x1: {  	(tag) =	ssettag $0x0;
	lr =	simm.s32 $0x1  }
0x2: {  	[smem:$0x3F9F] =	sst lr;
	_ =	strace $0xD0000000  }
0x3: {  	_ = 	snop  }
0x4: {  	_ = 	snop  }
0x5: {  	_ = 	snop  }
0x6: {  	_ = 	snop  }
0x7: {  	_ = 	snop  }
__scs_overlays_trampoline_lowered:
0x8: {  	[smem:$0x3FAE] =	sst s0  }
0x9: {  	[smem:$0x3FAF] =	sst s1  }
0xa: {  	[smem:$0x3FB0] =	sst s2  }
0xb: {  	[smem:$0x3FB1] =	sst s3  }
0xc: {  	[smem:$0x3FB2] =	sst s4  }
0xd: {  	[smem:$0x3FB3] =	sst s5  }
0xe: {  	[smem:$0x3FB4] =	sst s6  }
0xf: {  	[smem:$0x3FB5] =	sst s7  }
0x10: {  	[smem:$0x3FB6] =	sst s8  }
0x11: {  	[smem:$0x3FB7] =	sst s9;
	s0 =	simm.s32 @!p0 $0x0  }
0x12: {  	s1 =	sld [smem:$0x3F9D];
	s0 =	simm.s32 @p0 $0x1  }
0x13: {  	[smem:$0x3FB8] =	sst s0;
	s0 =	simm.s32 @!p1 $0x0  }
0x14: {  	s2 =	sld [smem:$0x3F9C];
	s0 =	simm.s32 @p1 $0x1  }
0x15: {  	[smem:$0x3FB9] =	sst s0;
	s0 =	simm.s32 @!p2 $0x0  }
0x16: {  	s3 =	sld [smem:$0x3FDB];
	s0 =	simm.s32 @p2 $0x1  }
0x17: {  	s4 =	simm.s32 $0x1BF5;
	[smem:$0x3FBB] =	sst s0  }
0x18: {  	s0 =	sld [smem:$0x3F9E];
	_ =	swait.ge [sflag:s4], $0x0  }
0x19: {  	s7 =	sld [smem:$0x3F9F]  }
0x1a: {  	s8 =	sadd.s32 $0xFFFFE003, lr  }
0x1b: {  	s9 =	sadd.s32 $0xFFFFFEF7, lr;
	s5 =	simm.s32 $0xFFFFFFFF;
	p2 =	slt.u32 s8, $0xFFFFF086  }
0x1c: {  	p1 =	slt.u32 s9, $0xF7A;
	s5 =	simm.s32 @!p2 $0x0  }
0x1d: {  	s5 =	simm.s32 @p1 $0x1;
	p0 =	seq.s32 s7, s2  }
0x1e: {  	s7 =	smul.u32 @!p0 $0xF7A, s2;
	p2 =	seq.s32 @!p0 s5, $0x0  }
0x1f: {  	s9 =	smul.u32 $0xF7A, s1;
	s8 =	simm.s32 @!p0 $0x1BF5;
	p2 =	por !p2, p0  }
0x20: {  	[sflag:s8] =	ssyncset.s32 @!p0 $0xFFFFF086;
	s6 =	sadd.s32 @!p0 s3, s7;
	s7 =	simm.s32 @!p0 $0x108  }
0x21: {  	s3 =	sadd.s32 s3, s9;
	s6 =	sadd.s32 @!p0 $0x88, s6;
	s7 =	simm.s32 @p2 $0x1082  }
0x22: {  	[simem:s7], [sflag:s8] =	dma.local @!p0 [hbm:s6], $0xF7A  }
0x23: {  	s9 =	sor.u32 $0xD0000000, s2;
	s6 =	simm.s32 $0x108;
	_ =	swait.ge @!p0 [sflag:s8], $0x0  }
0x24: {  	s3 =	sadd.s32 $0x88, s3;
	s6 =	simm.s32 @!p1 $0x1082;
	[sflag:s4] =	ssyncset.s32 $0xFFFFF086  }
0x25: {  	[simem:s6], [sflag:s4] =	dma.local [hbm:s3], $0xF7A  }
0x26: {  	[smem:$0x3F9F] =	sst s1;
	(tag) =	ssettag s2;
	_ =	strace s9  }
0x27: {  	s1 =	sld [smem:$0x3FAF]  }
0x28: {  	s2 =	sld [smem:$0x3FB0]  }
0x29: {  	s4 =	sld [smem:$0x3FB2]  }
0x2a: {  	p0 =	seq.s32 s5, $0x0;
	s5 =	sld [smem:$0x3FB3]  }
0x2b: {  	s6 =	sld [smem:$0x3FB4]  }
0x2c: {  	s7 =	sld [smem:$0x3FB5]  }
0x2d: {  	s3 =	simm.s32 $0x108;
	s8 =	sld [smem:$0x3FB6]  }
0x2e: {  	s3 =	simm.s32 @!p0 $0x1082;
	s9 =	sld [smem:$0x3FB7]  }
0x2f: {  	lr =	sadd.s32 s0, s3;
	s0 =	sld [smem:$0x3FAE]  }
0x30: {  	s3 =	sld [smem:$0x3FB1]  }
0x31: {  	[smem:$0x3FBA] =	sst s10  }
0x32: {  	s10 =	sld [smem:$0x3FB8];
	_ =	sdelay $0x3  }
0x33: {  	p0 =	seq.s32 s10, $0x1;
	s10 =	sld [smem:$0x3FBA];
	_ =	sdelay $0x3  }
0x34: {  	[smem:$0x3FBA] =	sst s10  }
0x35: {  	s10 =	sld [smem:$0x3FB9];
	_ =	sdelay $0x3  }
0x36: {  	p1 =	seq.s32 s10, $0x1;
	s10 =	sld [smem:$0x3FBA];
	_ =	sdelay $0x3  }
0x37: {  	[smem:$0x3FBA] =	sst s10  }
0x38: {  	s10 =	sld [smem:$0x3FBB]  }
0x39: {  	_ = 	snop;
	(pc) =	sbr.ind lr, $3  }
0x3a: {  	_ = 	snop  }
0x3b: {  	_ = 	snop  }
0x3c: {  	p2 =	seq.s32 s10, $0x1;
	s10 =	sld [smem:$0x3FBA]  }
0x3d: {  	_ =	shalt  }
0x3e: {  	_ =	shalt  }
0x3f: {  	_ =	shalt  }
0x40: {  	_ =	shalt  }
0x41: {  	_ =	shalt  }
0x42: {  	_ =	shalt  }
0x43: {  	_ =	shalt  }
0x44: {  	_ =	shalt  }
0x45: {  	_ =	shalt  }
0x46: {  	_ =	shalt  }
0x47: {  	_ =	shalt  }
0x48: {  	_ =	shalt  }
0x49: {  	_ =	shalt  }
0x4a: {  	_ =	shalt  }
0x4b: {  	_ =	shalt  }
0x4c: {  	_ =	shalt  }
0x4d: {  	_ =	shalt  }
0x4e: {  	_ =	shalt  }
0x4f: {  	_ =	shalt  }
0x50: {  	_ =	shalt  }
0x51: {  	_ =	shalt  }
0x52: {  	_ =	shalt  }
0x53: {  	_ =	shalt  }
0x54: {  	_ =	shalt  }
0x55: {  	_ =	shalt  }
0x56: {  	_ =	shalt  }
0x57: {  	_ =	shalt  }
0x58: {  	_ =	shalt  }
0x59: {  	_ =	shalt  }
0x5a: {  	_ =	shalt  }
0x5b: {  	_ =	shalt  }
0x5c: {  	_ =	shalt  }
0x5d: {  	_ =	shalt  }
0x5e: {  	_ =	shalt  }
0x5f: {  	_ =	shalt  }
0x60: {  	_ =	shalt  }
0x61: {  	_ =	shalt  }
0x62: {  	_ =	shalt  }
0x63: {  	_ =	shalt  }
0x64: {  	_ =	shalt  }
0x65: {  	_ =	shalt  }
0x66: {  	_ =	shalt  }
0x67: {  	_ =	shalt  }
0x68: {  	_ =	shalt  }
0x69: {  	_ =	shalt  }
0x6a: {  	_ =	shalt  }
0x6b: {  	_ =	shalt  }
0x6c: {  	_ =	shalt  }
0x6d: {  	_ =	shalt  }
0x6e: {  	_ =	shalt  }
0x6f: {  	_ =	shalt  }
0x70: {  	_ =	shalt  }
0x71: {  	_ =	shalt  }
0x72: {  	_ =	shalt  }
0x73: {  	_ =	shalt  }
0x74: {  	_ =	shalt  }
0x75: {  	_ =	shalt  }
0x76: {  	_ =	shalt  }
0x77: {  	_ =	shalt  }
0x78: {  	_ =	shalt  }
0x79: {  	_ =	shalt  }
0x7a: {  	_ =	shalt  }
0x7b: {  	_ =	shalt  }
0x7c: {  	_ =	shalt  }
0x7d: {  	_ =	shalt  }
0x7e: {  	_ =	shalt  }
0x7f: {  	_ =	shalt  }
0x80: {  	_ =	shalt  }
0x81: {  	_ =	shalt  }
0x82: {  	_ =	shalt  }
0x83: {  	_ =	shalt  }
0x84: {  	_ =	shalt  }
0x85: {  	_ =	shalt  }
0x86: {  	_ =	shalt  }
0x87: {  	_ =	shalt  }
.Lfunc_end0:
.L_simem_size_0:
called_computation.2_lowered:
.L_overlay_start_0:
0x88: {  	s2 =	sld [smem:$0x3FD9]  }
0x89: {  	s3 =	sld [smem:$0x3FFE];
	_ =	sdelay $0x1  }
0x8a: {  	s1 =	srdreg.scid  }
0x8b: {  	s0 =	sand.u32 $0x1, s1  }
0x8c: {  	s17 =	sshll.u32 s0, $0xA;
	s2 =	sadd.s32 s3, s2  }
0x8d: {  	s2 =	sadd.s32 s2, s17  }
0x8e: {  	[smem:$0x3FC6] =	sst s2  }
0x8f: {  	_ = 	snop  }
0x90: {  	s2 =	sld [smem:$0x3FD0];
	(tm) =	ssettm $0x1  }
0x91: {  	s18 =	sld [smem:$0x3FFB];
	_ =	sdelay $0x3  }
0x92: {  	_ =	strace s18  }
0x93: {  	s3 =	sld [smem:$0x3FFC];
	_ =	sdelay $0x3  }
0x94: {  	_ =	strace s3  }
0x95: {  	s3 =	sld [smem:$0x3FFD];
	_ =	sdelay $0x3  }
0x96: {  	_ =	strace s3  }
0x97: {  	_ =	strace $0x8FFFFFFF  }
0x98: {  	s19 =	sld [smem:$0x3FDB];
	_ =	sdelay $0x1  }
0x99: {  	s4 =	simm.s32 $_scs_section_size  }
0x9a: {  	s5 =	simm.s32 $_size__tile_overlayer_lowered;
	s6 =	simm.s32 $_tile_overlayer_lowered  }
0x9b: {  	s22 =	simm.s32 $0x1BFF;
	s21 =	sshll.u32 s6, $0x1;
	s3 =	sadd.s32 s4, s19  }
0x9c: {  	s7 =	simm.s32 $0x0;
	s20 =	sshll.u32 s5, $0x1;
	s5 =	sadd.s32 s21, s3  }
0x9d: {  	[timem:s7], [sflag:s22] =	dma.local [hbm:s5], s20  }
0x9e: {  	_ =	swait.ge [sflag:s22], s20  }
0x9f: {  	s4 =	ssub.s32 $0x0, s20;
	[sflag:s22] =	ssyncset.done $0x0  }
0xa0: {  	[sflag:s22] =	ssyncadd.s32 s4;
	_ =	sdelay $0x1  }
0xa1: {  	s23 =	simm.s32 $0x1B8B  }
0xa2: {  	_ =	swait.ge [sflag:s23], $0x1  }
0xa3: {  	[sflag:s23] =	ssyncset.done $0x0  }
0xa4: {  	s25 =	simm.s32 $0x1B8E;
	s24 =	sld [smem:$0x3FFE];
	[sflag:s23] =	ssyncadd.s32 $0xFFFFFFFF  }
0xa5: {  	s26 =	simm.s32 $execute0_lowered;
	[smem:$0x3FD2] =	sst s25  }
0xa6: {  	s5 =	sshll.u32 s26, $0x1;
	_ =	strace $0x80000049;
	[dreg:$0x1] =	wrdreg $0xFFFFFFFF  }
0xa7: {  	s28 =	simm.s32 $_size_execute0_lowered;
	s3 =	sadd.s32 s3, s5;
	[dreg:$0x0] =	wrdreg $0x0  }
0xa8: {  	s5 =	sshll.u32 s28, $0x1;
	[dreg:$0x2] =	wrdreg s3  }
0xa9: {  	[dreg:$0x3] =	wrdreg s5  }
0xaa: {  	[dreg:$0x4] =	wrdreg $0xC0  }
0xab: {  	_ =	task [dreg:s7], $0x5FFFF  }
0xac: {  	[dreg:$0x1] =	wrdreg $0xFFFFFFFF  }
0xad: {  	[dreg:$0x0] =	wrdreg $0x60  }
0xae: {  	[dreg:$0x2] =	wrdreg s24  }
0xaf: {  	[dreg:$0x3] =	wrdreg s2  }
0xb0: {  	[dreg:$0x4] =	wrdreg $0x9  }
0xb1: {  	_ =	task.clear_ibuf [dreg:s7], $0x5FFFF;
	_ =	strace $0x90000049  }
0xb2: {  	s29 =	simm.s32 $0x9;
	_ =	strace $0x8000004B  }
0xb3: {  	_ =	swait.ge [sflag:s29], $0x1  }
0xb4: {  	[sflag:s29] =	ssyncadd.s32 $0xFFFFFFFF  }
0xb5: {  	_ =	strace $0x9000004B  }
0xb6: {  	_ =	sfence  }
0xb7: {  	s30 =	sld [smem:$0x0];
	_ =	sdelay $0x2  }
0xb8: {  	s31 =	sshll.u32 s1, $0xD;
	s1 =	sshrl.u32 s1, $0x2  }
0xb9: {  	s3 =	sand.u32 $0x4000, s31;
	s1 =	sadd.s32 s1, s30  }
0xba: {  	s0 =	sor.u32 s3, s0;
	s1 =	sshll.u32 s1, $0x11  }
0xbb: {  	s0 =	sor.u32 s1, s0  }
0xbc: {  	s0 =	sadd.s32 $0x8F2B, s0  }
0xbd: {  	[sflag:s0] =	ssyncadd.remote.s32 $0x1  }
0xbe: {  	_ =	sfence.sel $0xFFFF  }
0xbf: {  	[dreg:$0x0] =	wrdreg $0xFFFFFFFF;
	(pc) =	sbr.abs _section_cstart, $3  }
0xc0: {  	[dreg:$0x1] =	wrdreg $0xFFFFFFFF  }
0xc1: {  	_ =	task.clear_ibuf [dreg:s7], $0x2FFFF;
	_ =	strace $0x9FFFFFFF  }
0xc2: {  	(tm) =	ssettm $0x7FFFFFFF  }
0xc3: {  	_ =	shalt  }
tec
execute0_lowered:
.L_overlay_start_1:
0x0: {  	(tag) =	ssettag $0x1  }
0x1: {  	s1 =	srdreg.scid;
	s0 =	stileid.u32  }
0x2: {  	s26 =	sand.u32 $0x1, s1;
	s31 =	sshll.u32 s0, $0x1  }
0x3: {  	s12 =	sor.u32 s26, s31  }
0x4: {  	s5 =	rddreg [dreg:$0x0];
	s3 =	smul.u32 $0x680, s12  }
0x5: {  	s14 =	rddreg [dreg:$0x1];
	s2 =	simm.s32 $0x0  }
0x6: {  	s4 =	simm.s32 $0x5;
	[smem:$0x7FF] =	sst s2;
	s3 =	sadd.s32 s3, s5  }
0x7: {  	s1 =	rddreg [dreg:$0x2];
	_ =	strace $0x8000004A;
	s3 =	sadd.s32 $0x3D1800, s3  }
0x8: {  	[tilespmem:s2], [sflag:$0x5] =	stream.linear.gather [hbm4b:s3+s2], $0x3400, $0x38;
	[tilespmem:$0x1D400] =	vst v63  }
0x9: {  	_ =	swait.ge [sflag:s4], $0x3400  }
0xa: {  	s6 =	simm.s32 $0x680;
	[sflag:s4] =	ssyncset.done $0x0  }
0xb: {  	s7 =	simm.s32 $0x3400;
	s5 =	sadd.s32 $0xE00, s5;
	[sflag:s4] =	ssyncadd.s32 $0xFFFFCC00  }
0xc: {  	[tilespmem:s7], [sflag:$0x1] =	stream.indirect.gather [hbm4b:s5+s6], $0x20, s2, s6, $0xb8;
	[tilespmem:$0x1D400] =	vst v63  }
0xd: {  	s8 =	simm.s32 $0x10400;
	s9 =	simm.s32 $0x1  }
0xe: {  	[tilespmem:s8], [sflag:$0x2] =	stream.indirect.gather [hbm4b:s5+s6], $0x20, s6, s6, $0xb8;
	[tilespmem:$0x1D400] =	vst v63  }
0xf: {  	s10 =	smul.u32 $0xD000, s12;
	_ =	swait.ge [sflag:s9], $0xD000  }
0x10: {  	[sflag:s9] =	ssyncset.done $0x0  }
0x11: {  	s11 =	simm.s32 $0x3;
	s10 =	sadd.s32 s14, s10;
	[sflag:s9] =	ssyncadd.s32 $0xFFFF3000  }
0x12: {  	[hbm4b:s10+s2] =	stream.linear.scatter [tilespmem:s7], [sflag:$0x3], $0xD000, $0x38;
	[tilespmem:$0x1D400] =	vst v63  }
0x13: {  	_ =	swait.ge [sflag:s11], $0xD000  }
0x14: {  	s13 =	simm.s32 $0x2;
	[sflag:s11] =	ssyncset.done $0x0  }
0x15: {  	s15 =	smul.u32 $0x68000, s12;
	s12 =	simm.s32 $0xD00;
	[sflag:s11] =	ssyncadd.s32 $0xFFFF3000  }
0x16: {  	[tilespmem:s7], [sflag:$0x1] =	stream.indirect.gather [hbm4b:s5+s6], $0x20, s12, s6, $0xb8;
	[tilespmem:$0x1D400] =	vst v63  }
0x17: {  	s15 =	sshrl.u32 s15, $0x3;
	_ =	swait.ge [sflag:s13], $0xD000  }
0x18: {  	s28 =	sadd.s32 s14, s15;
	[sflag:s13] =	ssyncset.done $0x0  }
0x19: {  	s14 =	simm.s32 $0x4;
	s15 =	sadd.s32 $0x1A00, s28;
	[sflag:s13] =	ssyncadd.s32 $0xFFFF3000  }
0x1a: {  	[hbm4b:s15+s2] =	stream.linear.scatter [tilespmem:s8], [sflag:$0x4], $0xD000, $0x38;
	[tilespmem:$0x1D400] =	vst v63  }
0x1b: {  	_ =	swait.ge [sflag:s14], $0xD000  }
0x1c: {  	[sflag:s14] =	ssyncset.done $0x0  }
0x1d: {  	s16 =	simm.s32 $0x1380;
	[sflag:s14] =	ssyncadd.s32 $0xFFFF3000  }
0x1e: {  	[tilespmem:s8], [sflag:$0x2] =	stream.indirect.gather [hbm4b:s5+s6], $0x20, s16, s6, $0xb8;
	[tilespmem:$0x1D400] =	vst v63  }
0x1f: {  	_ =	swait.ge [sflag:s9], $0xD000  }
0x20: {  	[sflag:s9] =	ssyncset.done $0x0  }
0x21: {  	s17 =	sadd.s32 $0x3400, s28;
	[sflag:s9] =	ssyncadd.s32 $0xFFFF3000  }
0x22: {  	[hbm4b:s17+s2] =	stream.linear.scatter [tilespmem:s7], [sflag:$0x3], $0xD000, $0x38;
	[tilespmem:$0x1D400] =	vst v63  }
0x23: {  	_ =	swait.ge [sflag:s11], $0xD000  }
0x24: {  	[sflag:s11] =	ssyncset.done $0x0  }
0x25: {  	s18 =	simm.s32 $0x1A00;
	[sflag:s11] =	ssyncadd.s32 $0xFFFF3000  }
0x26: {  	[tilespmem:s7], [sflag:$0x1] =	stream.indirect.gather [hbm4b:s5+s6], $0x20, s18, s6, $0xb8;
	[tilespmem:$0x1D400] =	vst v63  }
0x27: {  	_ =	swait.ge [sflag:s13], $0xD000  }
0x28: {  	[sflag:s13] =	ssyncset.done $0x0  }
0x29: {  	s19 =	sadd.s32 $0x4E00, s28;
	[sflag:s13] =	ssyncadd.s32 $0xFFFF3000  }
0x2a: {  	[hbm4b:s19+s2] =	stream.linear.scatter [tilespmem:s8], [sflag:$0x4], $0xD000, $0x38;
	[tilespmem:$0x1D400] =	vst v63  }
0x2b: {  	_ =	swait.ge [sflag:s14], $0xD000  }
0x2c: {  	[sflag:s14] =	ssyncset.done $0x0  }
0x2d: {  	s20 =	simm.s32 $0x2080;
	[sflag:s14] =	ssyncadd.s32 $0xFFFF3000  }
0x2e: {  	[tilespmem:s8], [sflag:$0x2] =	stream.indirect.gather [hbm4b:s5+s6], $0x20, s20, s6, $0xb8;
	[tilespmem:$0x1D400] =	vst v63  }
0x2f: {  	_ =	swait.ge [sflag:s9], $0xD000  }
0x30: {  	[sflag:s9] =	ssyncset.done $0x0  }
0x31: {  	s21 =	sadd.s32 $0x6800, s28;
	[sflag:s9] =	ssyncadd.s32 $0xFFFF3000  }
0x32: {  	[hbm4b:s21+s2] =	stream.linear.scatter [tilespmem:s7], [sflag:$0x3], $0xD000, $0x38;
	[tilespmem:$0x1D400] =	vst v63  }
0x33: {  	_ =	swait.ge [sflag:s11], $0xD000  }
0x34: {  	[sflag:s11] =	ssyncset.done $0x0  }
0x35: {  	s22 =	simm.s32 $0x2700;
	[sflag:s11] =	ssyncadd.s32 $0xFFFF3000  }
0x36: {  	[tilespmem:s7], [sflag:$0x1] =	stream.indirect.gather [hbm4b:s5+s6], $0x20, s22, s6, $0xb8;
	[tilespmem:$0x1D400] =	vst v63  }
0x37: {  	_ =	swait.ge [sflag:s13], $0xD000  }
0x38: {  	[sflag:s13] =	ssyncset.done $0x0  }
0x39: {  	s23 =	sadd.s32 $0x8200, s28;
	[sflag:s13] =	ssyncadd.s32 $0xFFFF3000  }
0x3a: {  	[hbm4b:s23+s2] =	stream.linear.scatter [tilespmem:s8], [sflag:$0x4], $0xD000, $0x38;
	[tilespmem:$0x1D400] =	vst v63  }
0x3b: {  	_ =	swait.ge [sflag:s14], $0xD000  }
0x3c: {  	[sflag:s14] =	ssyncset.done $0x0  }
0x3d: {  	s24 =	simm.s32 $0x2D80;
	[sflag:s14] =	ssyncadd.s32 $0xFFFF3000  }
0x3e: {  	[tilespmem:s8], [sflag:$0x2] =	stream.indirect.gather [hbm4b:s5+s6], $0x20, s24, s6, $0xb8;
	[tilespmem:$0x1D400] =	vst v63  }
0x3f: {  	_ =	swait.ge [sflag:s9], $0xD000  }
0x40: {  	s29 =	ssub.s32 $0x2, s26;
	s25 =	sadd.s32 $0x9C00, s28;
	[sflag:s9] =	ssyncset.done $0x0  }
0x41: {  	s26 =	sadd.s32 $0xB600, s28;
	s28 =	sshrl.u32 s29, $0x1;
	[sflag:s9] =	ssyncadd.s32 $0xFFFF3000  }
0x42: {  	[hbm4b:s25+s2] =	stream.linear.scatter [tilespmem:s7], [sflag:$0x3], $0xD000, $0x38;
	[tilespmem:$0x1D400] =	vst v63  }
0x43: {  	s28 =	ssub.s32 s29, s28;
	_ =	swait.ge [sflag:s13], $0xD000  }
0x44: {  	s28 =	smax.u32 s28, $0x1;
	[sflag:s13] =	ssyncset.done $0x0  }
0x45: {  	p0 =	sne.s32 s28, $0x1;
	[sflag:s13] =	ssyncadd.s32 $0xFFFF3000  }
0x46: {  	[hbm4b:s26+s2] =	stream.linear.scatter [tilespmem:s8], [sflag:$0x4], $0xD000, $0x38;
	[tilespmem:$0x1D400] =	vst v63  }
.Ltmp0:
0x47: {  	_ =	swait.ge [sflag:s11], $0xD000;
	(pc) =	sbr.rel @!p0 .LBB2_2-.Ltmp0, $4  }
0x48: {  	[sflag:s11] =	ssyncset.done $0x0  }
0x49: {  	[sflag:s11] =	ssyncadd.s32 $0xFFFF3000  }
0x4a: {  	_ =	swait.ge [sflag:s14], $0xD000  }
0x4b: {  	s28 =	sadd.s32 $0xFFFFFFFF, s28;
	[sflag:s14] =	ssyncset.done $0x0  }
.LBB2_1:
0x4c: {  	p0 =	sne.s32 s28, $0x1;
	s28 =	sadd.s32 $0xFFFFFFFF, s28;
	[sflag:s14] =	ssyncadd.s32 $0xFFFF3000  }
0x4d: {  	[tilespmem:s2], [sflag:$0x5] =	stream.linear.gather [hbm4b:s3+s2], $0x3400, $0x38;
	[tilespmem:$0x1D400] =	vst v63  }
0x4e: {  	_ =	swait.ge [sflag:s4], $0x3400  }
0x4f: {  	[sflag:s4] =	ssyncset.done $0x0  }
0x50: {  	[sflag:s4] =	ssyncadd.s32 $0xFFFFCC00  }
0x51: {  	[tilespmem:s7], [sflag:$0x1] =	stream.indirect.gather [hbm4b:s5+s6], $0x20, s2, s6, $0xb8;
	[tilespmem:$0x1D400] =	vst v63  }
0x52: {  	_ = 	snop  }
0x53: {  	[tilespmem:s8], [sflag:$0x2] =	stream.indirect.gather [hbm4b:s5+s6], $0x20, s6, s6, $0xb8;
	[tilespmem:$0x1D400] =	vst v63  }
0x54: {  	_ =	swait.ge [sflag:s9], $0xD000  }
0x55: {  	[sflag:s9] =	ssyncset.done $0x0  }
0x56: {  	[sflag:s9] =	ssyncadd.s32 $0xFFFF3000  }
0x57: {  	[hbm4b:s10+s2] =	stream.linear.scatter [tilespmem:s7], [sflag:$0x3], $0xD000, $0x38;
	[tilespmem:$0x1D400] =	vst v63  }
0x58: {  	_ =	swait.ge [sflag:s11], $0xD000  }
0x59: {  	[sflag:s11] =	ssyncset.done $0x0  }
0x5a: {  	[sflag:s11] =	ssyncadd.s32 $0xFFFF3000  }
0x5b: {  	[tilespmem:s7], [sflag:$0x1] =	stream.indirect.gather [hbm4b:s5+s6], $0x20, s12, s6, $0xb8;
	[tilespmem:$0x1D400] =	vst v63  }
0x5c: {  	_ =	swait.ge [sflag:s13], $0xD000  }
0x5d: {  	[sflag:s13] =	ssyncset.done $0x0  }
0x5e: {  	[sflag:s13] =	ssyncadd.s32 $0xFFFF3000  }
0x5f: {  	[hbm4b:s15+s2] =	stream.linear.scatter [tilespmem:s8], [sflag:$0x4], $0xD000, $0x38;
	[tilespmem:$0x1D400] =	vst v63  }
0x60: {  	_ =	swait.ge [sflag:s14], $0xD000  }
0x61: {  	[sflag:s14] =	ssyncset.done $0x0  }
0x62: {  	[sflag:s14] =	ssyncadd.s32 $0xFFFF3000  }
0x63: {  	[tilespmem:s8], [sflag:$0x2] =	stream.indirect.gather [hbm4b:s5+s6], $0x20, s16, s6, $0xb8;
	[tilespmem:$0x1D400] =	vst v63  }
0x64: {  	_ =	swait.ge [sflag:s9], $0xD000  }
0x65: {  	[sflag:s9] =	ssyncset.done $0x0  }
0x66: {  	[sflag:s9] =	ssyncadd.s32 $0xFFFF3000  }
0x67: {  	[hbm4b:s17+s2] =	stream.linear.scatter [tilespmem:s7], [sflag:$0x3], $0xD000, $0x38;
	[tilespmem:$0x1D400] =	vst v63  }
0x68: {  	_ =	swait.ge [sflag:s11], $0xD000  }
0x69: {  	[sflag:s11] =	ssyncset.done $0x0  }
0x6a: {  	[sflag:s11] =	ssyncadd.s32 $0xFFFF3000  }
0x6b: {  	[tilespmem:s7], [sflag:$0x1] =	stream.indirect.gather [hbm4b:s5+s6], $0x20, s18, s6, $0xb8;
	[tilespmem:$0x1D400] =	vst v63  }
0x6c: {  	_ =	swait.ge [sflag:s13], $0xD000  }
0x6d: {  	[sflag:s13] =	ssyncset.done $0x0  }
0x6e: {  	[sflag:s13] =	ssyncadd.s32 $0xFFFF3000  }
0x6f: {  	[hbm4b:s19+s2] =	stream.linear.scatter [tilespmem:s8], [sflag:$0x4], $0xD000, $0x38;
	[tilespmem:$0x1D400] =	vst v63  }
0x70: {  	_ =	swait.ge [sflag:s14], $0xD000  }
0x71: {  	[sflag:s14] =	ssyncset.done $0x0  }
0x72: {  	[sflag:s14] =	ssyncadd.s32 $0xFFFF3000  }
0x73: {  	[tilespmem:s8], [sflag:$0x2] =	stream.indirect.gather [hbm4b:s5+s6], $0x20, s20, s6, $0xb8;
	[tilespmem:$0x1D400] =	vst v63  }
0x74: {  	_ =	swait.ge [sflag:s9], $0xD000  }
0x75: {  	[sflag:s9] =	ssyncset.done $0x0  }
0x76: {  	[sflag:s9] =	ssyncadd.s32 $0xFFFF3000  }
0x77: {  	[hbm4b:s21+s2] =	stream.linear.scatter [tilespmem:s7], [sflag:$0x3], $0xD000, $0x38;
	[tilespmem:$0x1D400] =	vst v63  }
0x78: {  	_ =	swait.ge [sflag:s11], $0xD000  }
0x79: {  	[sflag:s11] =	ssyncset.done $0x0  }
0x7a: {  	[sflag:s11] =	ssyncadd.s32 $0xFFFF3000  }
0x7b: {  	[tilespmem:s7], [sflag:$0x1] =	stream.indirect.gather [hbm4b:s5+s6], $0x20, s22, s6, $0xb8;
	[tilespmem:$0x1D400] =	vst v63  }
0x7c: {  	_ =	swait.ge [sflag:s13], $0xD000  }
0x7d: {  	[sflag:s13] =	ssyncset.done $0x0  }
0x7e: {  	[sflag:s13] =	ssyncadd.s32 $0xFFFF3000  }
0x7f: {  	[hbm4b:s23+s2] =	stream.linear.scatter [tilespmem:s8], [sflag:$0x4], $0xD000, $0x38;
	[tilespmem:$0x1D400] =	vst v63  }
0x80: {  	_ =	swait.ge [sflag:s14], $0xD000  }
0x81: {  	[sflag:s14] =	ssyncset.done $0x0  }
0x82: {  	[sflag:s14] =	ssyncadd.s32 $0xFFFF3000  }
0x83: {  	[tilespmem:s8], [sflag:$0x2] =	stream.indirect.gather [hbm4b:s5+s6], $0x20, s24, s6, $0xb8;
	[tilespmem:$0x1D400] =	vst v63  }
0x84: {  	_ =	swait.ge [sflag:s9], $0xD000  }
0x85: {  	[sflag:s9] =	ssyncset.done $0x0  }
0x86: {  	[sflag:s9] =	ssyncadd.s32 $0xFFFF3000  }
0x87: {  	[hbm4b:s25+s2] =	stream.linear.scatter [tilespmem:s7], [sflag:$0x3], $0xD000, $0x38;
	[tilespmem:$0x1D400] =	vst v63  }
0x88: {  	_ =	swait.ge [sflag:s13], $0xD000  }
0x89: {  	[sflag:s13] =	ssyncset.done $0x0  }
0x8a: {  	[sflag:s13] =	ssyncadd.s32 $0xFFFF3000  }
0x8b: {  	[hbm4b:s26+s2] =	stream.linear.scatter [tilespmem:s8], [sflag:$0x4], $0xD000, $0x38;
	[tilespmem:$0x1D400] =	vst v63  }
.Ltmp1:
0x8c: {  	_ =	swait.ge [sflag:s11], $0xD000;
	(pc) =	sbr.rel @p0 .LBB2_1-.Ltmp1, $4  }
0x8d: {  	[sflag:s11] =	ssyncset.done $0x0  }
0x8e: {  	[sflag:s11] =	ssyncadd.s32 $0xFFFF3000  }
0x8f: {  	_ =	swait.ge [sflag:s14], $0xD000  }
0x90: {  	[sflag:s14] =	ssyncset.done $0x0  }
.LBB2_2:
0x91: {  	[sflag:s14] =	ssyncadd.s32 $0xFFFF3000  }
0x92: {  	_ =	sfence.sel $0x180000  }
0x93: {  	[bflag:$0x0] =	sbarrier.arrive $0xFFFF  }
0x94: {  	p0 =	sne.s32 s0, $0x0;
	_ =	strace $0x9000004A  }
0x95: {  	s0 =	sadd.s32 @!p0 $0x100000, s1;
	[bflag:$0x2] =	sbarrier.arrive $0xFFFF  }
0x96: {  	[sflag:s0] =	ssyncadd.tile.s32 @!p0 $0x1;
	_ =	shalt  }
.Lfunc_end2:
_tile_overlayer_lowered:
.L_overlay_start_2:
0x97: {  	(tag) =	ssettag $0x2  }
0x98: {  	s0 =	rddreg [dreg:$0x0];
	s2 =	stileid.u32  }
0x99: {  	s1 =	rddreg [dreg:$0x1];
	p0 =	sne.s32 s2, $0x0  }
0x9a: {  	s3 =	rddreg [dreg:$0x2];
	[bflag:$0x3] =	sbarrier.arrive $0xFFFF;
	s2 =	simm.s32 @!p0 $0x1C05  }
0x9b: {  	[timem:s3], [sflag:s2] =	dma.local @!p0 [hbm:s0], s1  }
0x9c: {  	s0 =	simm.s32 @!p0 $0x5  }
0x9d: {  	_ =	swait.ge @!p0 [sflag:s0], s1  }
0x9e: {  	s1 =	ssub.s32 @!p0 $0x0, s1;
	[sflag:s0] =	ssyncset.done @!p0 $0x0  }
0x9f: {  	[sflag:s0] =	ssyncadd.s32 @!p0 s1  }
0xa0: {  	[bflag:$0x3] =	sbarrier.arrive $0xFFFF  }
0xa1: {  	_ =	shalt  }

// kernel: sparse-core-data-format-call.cloned.1.call-start
scs
called_computation_lowered:
.L_overlay_start_0:
0x0: {  	s2 =	sld [smem:$0x3FD9]  }
0x1: {  	s3 =	sld [smem:$0x3FFE];
	_ =	sdelay $0x1  }
0x2: {  	s1 =	srdreg.scid  }
0x3: {  	s0 =	sand.u32 $0x1, s1  }
0x4: {  	s18 =	sshll.u32 s0, $0xA;
	s2 =	sadd.s32 s3, s2  }
0x5: {  	s2 =	sadd.s32 s2, s18  }
0x6: {  	[smem:$0x3FC6] =	sst s2  }
0x7: {  	_ = 	snop  }
0x8: {  	s2 =	sld [smem:$0x3FD0];
	(tm) =	ssettm $0x1  }
0x9: {  	s19 =	sld [smem:$0x3FFB];
	_ =	sdelay $0x3  }
0xa: {  	_ =	strace s19  }
0xb: {  	s3 =	sld [smem:$0x3FFC];
	_ =	sdelay $0x3  }
0xc: {  	_ =	strace s3  }
0xd: {  	s3 =	sld [smem:$0x3FFD];
	_ =	sdelay $0x3  }
0xe: {  	_ =	strace s3  }
0xf: {  	_ =	strace $0x8FFFFFFF  }
0x10: {  	s20 =	sld [smem:$0x3FDB];
	_ =	sdelay $0x1  }
0x11: {  	s4 =	simm.s32 $_scs_section_size  }
0x12: {  	s5 =	simm.s32 $_size__tile_overlayer_lowered;
	s6 =	simm.s32 $_tile_overlayer_lowered  }
0x13: {  	s23 =	simm.s32 $0x1BFF;
	s22 =	sshll.u32 s6, $0x1;
	s3 =	sadd.s32 s4, s20  }
0x14: {  	s7 =	simm.s32 $0x0;
	s21 =	sshll.u32 s5, $0x1;
	s5 =	sadd.s32 s22, s3  }
0x15: {  	[timem:s7], [sflag:s23] =	dma.local [hbm:s5], s21  }
0x16: {  	_ =	swait.ge [sflag:s23], s21  }
0x17: {  	s4 =	ssub.s32 $0x0, s21;
	[sflag:s23] =	ssyncset.done $0x0  }
0x18: {  	[sflag:s23] =	ssyncadd.s32 s4;
	_ =	sdelay $0x1  }
0x19: {  	s24 =	simm.s32 $0x1B8B  }
0x1a: {  	_ =	swait.ge [sflag:s24], $0x1  }
0x1b: {  	[sflag:s24] =	ssyncset.done $0x0  }
0x1c: {  	s26 =	simm.s32 $0x1B8E;
	s25 =	sld [smem:$0x3FFE];
	[sflag:s24] =	ssyncadd.s32 $0xFFFFFFFF  }
0x1d: {  	s27 =	simm.s32 $execute0_lowered;
	[smem:$0x3FD2] =	sst s26  }
0x1e: {  	s5 =	sshll.u32 s27, $0x1;
	_ =	strace $0x8000004C;
	[dreg:$0x1] =	wrdreg $0xFFFFFFFF  }
0x1f: {  	s28 =	simm.s32 $_size_execute0_lowered;
	s3 =	sadd.s32 s3, s5;
	[dreg:$0x0] =	wrdreg $0x0  }
0x20: {  	s5 =	sshll.u32 s28, $0x1;
	[dreg:$0x2] =	wrdreg s3  }
0x21: {  	[dreg:$0x3] =	wrdreg s5  }
0x22: {  	[dreg:$0x4] =	wrdreg $0xC0  }
0x23: {  	_ =	task [dreg:s7], $0x5FFFF  }
0x24: {  	[dreg:$0x1] =	wrdreg $0xFFFFFFFF  }
0x25: {  	[dreg:$0x0] =	wrdreg $0x60  }
0x26: {  	[dreg:$0x2] =	wrdreg s25  }
0x27: {  	[dreg:$0x3] =	wrdreg s2  }
0x28: {  	[dreg:$0x4] =	wrdreg $0x9  }
0x29: {  	_ =	task.clear_ibuf [dreg:s7], $0x5FFFF;
	_ =	strace $0x9000004C  }
0x2a: {  	s29 =	simm.s32 $0x9;
	_ =	strace $0x8000004E  }
0x2b: {  	_ =	swait.ge [sflag:s29], $0x1  }
0x2c: {  	[sflag:s29] =	ssyncadd.s32 $0xFFFFFFFF  }
0x2d: {  	_ =	strace $0x9000004E  }
0x2e: {  	_ =	sfence  }
0x2f: {  	s30 =	sld [smem:$0x0];
	_ =	sdelay $0x2  }
0x30: {  	s31 =	sshll.u32 s1, $0xD;
	s1 =	sshrl.u32 s1, $0x2  }
0x31: {  	s3 =	sand.u32 $0x4000, s31;
	s1 =	sadd.s32 s1, s30  }
0x32: {  	s0 =	sor.u32 s3, s0;
	s1 =	sshll.u32 s1, $0x11  }
0x33: {  	s0 =	sor.u32 s1, s0  }
0x34: {  	s0 =	sadd.s32 $0x8F2B, s0  }
0x35: {  	[sflag:s0] =	ssyncadd.remote.s32 $0x1  }
0x36: {  	_ =	sfence.sel $0xFFFF  }
0x37: {  	[dreg:$0x0] =	wrdreg $0xFFFFFFFF;
	(pc) =	sbr.abs _section_cstart, $3  }
0x38: {  	[dreg:$0x1] =	wrdreg $0xFFFFFFFF  }
0x39: {  	_ =	task.clear_ibuf [dreg:s7], $0x2FFFF;
	_ =	strace $0x9FFFFFFF  }
0x3a: {  	(tm) =	ssettm $0x7FFFFFFF  }
0x3b: {  	_ =	shalt  }
tec
execute0_lowered:
.L_overlay_start_1:
0x0: {  	(tag) =	ssettag $0x1  }
0x1: {  	s0 =	srdreg.scid  }
0x2: {  	s1 =	sshll.u32 s0, $0x4  }
0x3: {  	s0 =	stileid.u32;
	s1 =	sand.u32 $0x10, s1  }
0x4: {  	s1 =	sor.u32 s0, s1  }
0x5: {  	s6 =	rddreg [dreg:$0x0];
	s4 =	simm.s32 $0x1;
	s2 =	sshll.u32 s1, $0x7  }
0x6: {  	s7 =	simm.s32 $0x2;
	s12 =	simm.s32 $0x0;
	s1 =	ssub.s32 $0x4000, s2  }
0x7: {  	s8 =	simm.s32 $0x20000;
	s13 =	simm.s32 $0x0;
	s3 =	sand.u32 $0xF80, s1  }
0x8: {  	s9 =	simm.s32 $0x0;
	s5 =	sshrl.u32 s1, $0xC;
	p0 =	sne.s32 s3, $0x0  }
.Ltmp0:
0x9: {  	s1 =	rddreg [dreg:$0x2];
	s4 =	simm.s32 @!p0 $0x0;
	(pc) =	sbr.rel .LBB1_1-.Ltmp0, $4  }
0xa: {  	s11 =	simm.s32 $0x0;
	s3 =	rddreg [dreg:$0x1];
	s5 =	sadd.s32 s4, s5  }
0xb: {  	_ =	strace $0x8000004D;
	s4 =	simm.s32 $0x1;
	s5 =	smul.u32 $0x1A, s5  }
0xc: {  	s6 =	sadd.s32 $0xE00, s6;
	s10 =	smov.u32 s2;
	[sflag:s4] =	ssyncpa.u1 $0x0  }
0xd: {  	p0 =	por $0x0, $0x0;
	[sflag:s7] =	ssyncpa.u1 $0x0;
	s7 =	sor.u32 $0x1, s5  }
.LBB1_4:
0xe: {  	s16 =	sshll.u32 s13, $0x3;
	s17 =	sand.u32 $0x78, s13  }
0xf: {  	s30 =	sand.u32 $0xF800, s13;
	s12 =	sshll.u32 s12, $0x10;
	s16 =	sand.u32 $0x3C00, s16  }
0x10: {  	s31 =	sand.u32 $0x7, s13;
	s16 =	sor.u32 s17, s16;
	s17 =	sadd.s32 s3, s30  }
0x11: {  	s13 =	sshll.u32 s31, $0x12;
	s16 =	sshrl.u32 s16, $0x3;
	s12 =	sadd.s32 s12, s17  }
0x12: {  	[tilespmem:s15+$0x0 ss:$0x81] =	vst.msk $0xffff, v0;
	s13 =	sor.u32 $0x400, s13;
	s12 =	sadd.s32 s16, s12  }
0x13: {  	[hbm4b:s12+s13] =	stream.strided.scatter [tilespmem:s14], [sflag:$0x2], $0x1000, s8, s13, $0x20;
	[tilespmem:$0x4040] =	vst v63  }
.LBB1_5:
0x14: {  	s14 =	sadd.s32 $0x1, s9  }
0x15: {  	s12 =	sadd.s32 $0x1000, s10;
	s16 =	smov.u32 s10;
	p2 =	sgt.s32 s14, $0x19  }
0x16: {  	s16 =	smov.u32 @p2 s12  }
0x17: {  	s14 =	simm.s32 @p2 $0x0;
	p2 =	sgt.s32 s16, $0x3FFF  }
0x18: {  	s16 =	smov.u32 @p2 s2;
	p2 =	sne.s32 s11, s7  }
.Ltmp1:
0x19: {  	p1 =	slt.u32 s11, $0x2;
	(pc) =	sbr.rel @!p2 .LBB1_6-.Ltmp1, $4  }
0x1a: {  	s15 =	simm.s32 @!p1 $0x2  }
0x1b: {  	s13 =	smov.u32 s10;
	p0 =	por !p0, !p0;
	_ =	swait.ge @!p1 [sflag:s15], $0x1000  }
0x1c: {  	s12 =	smov.u32 s9;
	[sflag:s15] =	ssyncset.done @!p1 $0x0;
	s9 =	smov.u32 s14  }
0x1d: {  	s11 =	sadd.s32 $0x1, s11;
	[sflag:s15] =	ssyncadd.s32 @!p1 $0xFFFFF000;
	s10 =	smov.u32 s16  }
.LBB1_1:
0x1e: {  	p1 =	sge.u32 s11, s5  }
0x1f: {  	s31 =	sadd.s32 $0xFFFFFFFF, s11;
	s14 =	sxor.u32 @!p1 $0xFFFFFFFF, s11  }
0x20: {  	s15 =	sshll.u32 @!p1 s10, $0x9;
	s16 =	sshll.u32 @!p1 s9, $0x4;
	s17 =	simm.s32 @!p1 $0x1000  }
0x21: {  	s14 =	sshll.u32 @!p1 s14, $0xC;
	s16 =	sand.u32 @!p1 $0x1F0, s16;
	s15 =	sadd.s32 @!p1 s6, s15  }
0x22: {  	s14 =	sand.u32 @!p1 $0x1000, s14;
	s15 =	sadd.s32 @!p1 s16, s15;
	s16 =	simm.s32 @!p1 $0x20  }
0x23: {  	[tilespmem:s14], [sflag:$0x1] =	stream.strided.gather @!p1 [hbm4b:s15+s16], $0x1000, s17, s16, $0x38;
	[tilespmem:$0x4040] =	vst v63  }
0x24: {  	p1 =	sge.u32 s31, s5  }
.Ltmp2:
0x25: {  	_ = 	snop;
	(pc) =	sbr.rel @p1 .LBB1_5-.Ltmp2, $1  }
0x26: {  	_ =	sdelay $0x3  }
0x27: {  	s14 =	simm.s32 $0x1  }
0x28: {  	_ =	swait.ge [sflag:s4], $0x1000;
	s14 =	simm.s32 @!p0 $0x0  }
0x29: {  	[sflag:s4] =	ssyncset.done $0x0;
	s15 =	sshll.u32 s14, $0xC  }
0x2a: {  	[sflag:s4] =	ssyncadd.s32 $0xFFFFF000;
	s18 =	sor.u32 $0x10, s15  }
0x2b: {  	s14 =	smul.u32 $0x4080, s14;
	v1 =	vld [tilespmem:s18+$0x0]  }
0x2c: {  	s30 =	sand.u32 $0x1, s11;
	v0 =	vld [tilespmem:s18+$0xFFFFFFF0]  }
0x2d: {  	s15 =	smul.u32 $0x4080, s30;
	s14 =	sshrl.u32 s14, $0x2  }
0x2e: {  	s16 =	sor.u32 $0x2000, s14  }
0x2f: {  	s31 =	sshrl.u32 s15, $0x2;
	s15 =	sadd.s32 $0x0, s16  }
0x30: {  	s17 =	simm.s32 $0x4;
	s18 =	sadd.s32 $0x20, s18;
	s14 =	sor.u32 $0x2000, s31;
	[tilespmem:s15+$0x810 ss:$0x81] =	vst.msk $0xffff, v1  }
.LBB1_3:
0x31: {  	v1 =	vld [tilespmem:s18+$0x0];
	p1 =	sne.s32 s17, $0x1FC;
	[tilespmem:s15+$0x0 ss:$0x81] =	vst.msk $0xffff, v0;
	s15 =	smov.u32 s17;
	s17 =	sadd.s32 $0x4, s17  }
.Ltmp3:
0x32: {  	v0 =	vld [tilespmem:s18+$0xFFFFFFF0];
	(pc) =	sbr.rel @p1 .LBB1_3-.Ltmp3, $4  }
0x33: {  	_ = 	snop  }
0x34: {  	s15 =	sshra.s32 s15, $0x2  }
0x35: {  	s15 =	sadd.s32 s15, s16  }
0x36: {  	s18 =	sadd.s32 $0x20, s18;
	[tilespmem:s15+$0x810 ss:$0x81] =	vst.msk $0xffff, v1  }
.Ltmp4:
0x37: {  	_ = 	snop;
	(pc) =	sbr.rel .LBB1_4-.Ltmp4, $1  }
0x38: {  	_ =	sdelay $0x3  }
.LBB1_6:
0x39: {  	_ =	sfence.sel $0x180000  }
0x3a: {  	s2 =	simm.s32 $0x1;
	[bflag:$0x0] =	sbarrier.arrive $0xFFFF  }
0x3b: {  	s31 =	simm.s32 $0x2;
	[sflag:s2] =	ssyncpa.u1 $0x1  }
0x3c: {  	[sflag:s31] =	ssyncpa.u1 $0x1  }
0x3d: {  	p0 =	sne.s32 s0, $0x0;
	_ =	strace $0x9000004D  }
0x3e: {  	s0 =	sadd.s32 @!p0 $0x100000, s1;
	[bflag:$0x2] =	sbarrier.arrive $0xFFFF  }
0x3f: {  	[sflag:s0] =	ssyncadd.tile.s32 @!p0 $0x1;
	_ =	shalt  }
.Lfunc_end1:
_tile_overlayer_lowered:
.L_overlay_start_2:
0x40: {  	(tag) =	ssettag $0x2  }
0x41: {  	s0 =	rddreg [dreg:$0x0];
	s2 =	stileid.u32  }
0x42: {  	s1 =	rddreg [dreg:$0x1];
	p0 =	sne.s32 s2, $0x0  }
0x43: {  	s3 =	rddreg [dreg:$0x2];
	[bflag:$0x3] =	sbarrier.arrive $0xFFFF;
	s2 =	simm.s32 @!p0 $0x1C01  }
0x44: {  	[timem:s3], [sflag:s2] =	dma.local @!p0 [hbm:s0], s1  }
0x45: {  	s0 =	simm.s32 @!p0 $0x1  }
0x46: {  	_ =	swait.ge @!p0 [sflag:s0], s1  }
0x47: {  	s1 =	ssub.s32 @!p0 $0x0, s1;
	[sflag:s0] =	ssyncset.done @!p0 $0x0  }
0x48: {  	[sflag:s0] =	ssyncadd.s32 @!p0 s1  }
0x49: {  	[bflag:$0x3] =	sbarrier.arrive $0xFFFF  }
0x4a: {  	_ =	shalt  }

</sc_bundles>
